<compile_context>
chip_gen: v7x
topology: tpu7x:2x2x1
jax: 0.10.2.dev20260603
libtpu: 0.0.44.dev20260713+nightly
codegen_flags: <defaults>
</compile_context>

<pallas_src>
import functools

import jax
import jax.numpy as jnp
from jax import lax
from jax.experimental import pallas as pl
from jax.experimental.pallas import tpu as pltpu
from jax.experimental.pallas import tpu_sc as plsc

NC, NS = 2, 16
NW = NC * NS
N = 10000
E = 320000
G = 16
EPS = 1e-5

CH = 1024
EP = 327680
EPT = EP // NS
CPT = EPT // CH
CHD = 128
EPT_D = EP // NW
CPT_D = EPT_D // CHD
N_ACC = 10240
DUMMY = N
ZPT = N_ACC // NS
RPT = 640
RPT_LAST = N - RPT * (NS - 1)
HW = 32

_MESH = plsc.VectorSubcoreMesh(core_axis_name="c", subcore_axis_name="s",
                               num_cores=NC, num_subcores=NS)


def _make_edge_pass():

    @functools.partial(
        pl.kernel,
        out_type=jax.ShapeDtypeStruct((NC, N, HW), jnp.float32),
        mesh=_MESH,
        scratch_types=[
            pltpu.VMEM((CPT, CH), jnp.int32),
            pltpu.VMEM((CPT, CH), jnp.int32),
            pltpu.VMEM((CH, HW), jnp.float32),
            pltpu.VMEM((CH, HW), jnp.float32),
            pltpu.VMEM_SHARED((N_ACC, HW), jnp.float32),
            pltpu.SemaphoreType.DMA,
            pltpu.SemaphoreType.DMA,
        ],
        compiler_params=pltpu.CompilerParams(use_tc_tiling_on_sc=False),
    )
    def k(featA, featB, srcr, dstr, out, sidx, didx, rows0, rows1, acc,
          gsem, ssem):
        cid = lax.axis_index("c")
        sid = lax.axis_index("s")
        pltpu.sync_copy(srcr.at[sid], sidx)
        pltpu.sync_copy(dstr.at[sid], didx)

        def zrow(i, _):
            for j in range(HW // 16):
                rows0[i, pl.ds(j * 16, 16)] = jnp.zeros((16,), jnp.float32)
            return 0
        lax.fori_loop(0, ZPT, zrow, 0)
        zbase = sid * ZPT
        pltpu.sync_copy(rows0.at[pl.ds(0, ZPT)], acc.at[pl.ds(zbase, ZPT)])
        plsc.subcore_barrier()

        def run(feat):
            def gstart(j, buf):
                pltpu.async_copy(feat.at[sidx.at[j]], buf, gsem)

            def gwait():
                pltpu.make_async_copy(feat.at[sidx.at[0]], rows0, gsem).wait()

            def sstart(j, buf):
                pltpu.async_copy(buf, acc.at[didx.at[j]], ssem, add=True)

            def swait():
                pltpu.make_async_copy(feat.at[pl.ds(0, CH)], rows0,
                                      ssem).wait()

            gstart(0, rows0)

            def group(g, cur, oth):
                gwait()
                @pl.when(g + 1 < CPT)
                def _():
                    gstart(g + 1, oth)
                pltpu.sync_copy(cur, acc.at[didx.at[g]], add=True)

            def body(gg, _):
                group(2 * gg, rows0, rows1)
                group(2 * gg + 1, rows1, rows0)
                return 0
            lax.fori_loop(0, CPT // 2, body, 0)

        @pl.when(cid == 0)
        def _():
            run(featA)
        @pl.when(cid == 1)
        def _():
            run(featB)
        plsc.subcore_barrier()

        rbase = sid * RPT
        def ocp(base, nrows):
            pltpu.sync_copy(acc.at[pl.ds(base, nrows)],
                            rows0.at[pl.ds(0, nrows)])
            pltpu.sync_copy(rows0.at[pl.ds(0, nrows)],
                            out.at[cid, pl.ds(base, nrows)])
        @pl.when(sid < NS - 1)
        def _():
            ocp(rbase, RPT)
        @pl.when(sid == NS - 1)
        def _():
            ocp(rbase, RPT_LAST)

    return k


def _make_deg_pass():
    W = 16

    @functools.partial(
        pl.kernel,
        out_type=jax.ShapeDtypeStruct((NC, N, W), jnp.float32),
        mesh=_MESH,
        scratch_types=[
            pltpu.VMEM((CPT_D, CHD), jnp.int32),
            pltpu.VMEM((CHD, W), jnp.float32),
            pltpu.VMEM((CHD, W), jnp.float32),
            pltpu.VMEM((RPT, W), jnp.float32),
            pltpu.VMEM_SHARED((N_ACC, W), jnp.float32),
        ],
        compiler_params=pltpu.CompilerParams(use_tc_tiling_on_sc=False),
    )
    def k(dstr, out, didx, ones, zeros, obuf, acc):
        cid = lax.axis_index("c")
        sid = lax.axis_index("s")
        wid = sid * NC + cid
        pltpu.sync_copy(dstr.at[wid], didx)

        def fill(i, _):
            ones[i, pl.ds(0, 16)] = jnp.ones((16,), jnp.float32)
            zeros[i, pl.ds(0, 16)] = jnp.zeros((16,), jnp.float32)
            return 0
        lax.fori_loop(0, CHD, fill, 0)
        zbase = sid * ZPT
        def zcp(i, _):
            pltpu.sync_copy(zeros, acc.at[pl.ds(zbase + i * CHD, CHD)])
            return 0
        lax.fori_loop(0, ZPT // CHD, zcp, 0)
        plsc.subcore_barrier()

        def body(j, _):
            pltpu.sync_copy(ones, acc.at[didx.at[j]], add=True)
            return 0
        lax.fori_loop(0, CPT_D, body, 0)
        plsc.subcore_barrier()

        rbase = sid * RPT
        @pl.when(sid < NS - 1)
        def _():
            pltpu.sync_copy(acc.at[pl.ds(rbase, RPT)], obuf)
            pltpu.sync_copy(obuf, out.at[cid, pl.ds(rbase, RPT)])
        @pl.when(sid == NS - 1)
        def _():
            pltpu.sync_copy(acc.at[pl.ds(rbase, RPT_LAST)],
                            obuf.at[pl.ds(0, RPT_LAST)])
            pltpu.sync_copy(obuf.at[pl.ds(0, RPT_LAST)],
                            out.at[cid, pl.ds(rbase, RPT_LAST)])

    return k


_EDGE = _make_edge_pass()
_DEG = _make_deg_pass()


def _instnorm_relu(t):
    m = jnp.mean(t, axis=1, keepdims=True)
    v = jnp.mean((t - m) ** 2, axis=1, keepdims=True)
    return jnp.maximum((t - m) * lax.rsqrt(v + EPS), 0.0)


def _bn_relu(z, g, b):
    m = jnp.mean(z, axis=0, keepdims=True)
    v = jnp.mean((z - m) ** 2, axis=0, keepdims=True)
    return jnp.maximum((z - m) * lax.rsqrt(v + EPS) * g + b, 0.0)


def _tc1(degp, x, W1):
    def body(degp_ref, x_ref, w1_ref, xsA_ref, xsB_ref, dinv_ref):
        deg = degp_ref[0, :, 0:1] + degp_ref[1, :, 0:1] + 1.0
        dinv = lax.rsqrt(deg)
        xw = jnp.dot(x_ref[...], w1_ref[...],
                     preferred_element_type=jnp.float32)
        xs = xw * dinv
        xsA_ref[...] = xs[:, :HW]
        xsB_ref[...] = xs[:, HW:]
        dinv_ref[...] = dinv
    return pl.pallas_call(
        body,
        out_shape=(jax.ShapeDtypeStruct((N, HW), jnp.float32),
                   jax.ShapeDtypeStruct((N, HW), jnp.float32),
                   jax.ShapeDtypeStruct((N, 1), jnp.float32)),
    )(degp, x, W1)


def _tc2(p, xsA, xsB, dinv, b1, W2):
    def body(p_ref, xsA_ref, xsB_ref, dinv_ref, b1_ref, w2_ref,
             oA_ref, oB_ref):
        dinv = dinv_ref[...]
        t = jnp.concatenate([p_ref[0] + xsA_ref[...],
                             p_ref[1] + xsB_ref[...]], axis=1)
        t = dinv * t + b1_ref[...]
        h = _instnorm_relu(t)
        xs = jnp.dot(h, w2_ref[...], preferred_element_type=jnp.float32) * dinv
        oA_ref[...] = xs[:, :HW]
        oB_ref[...] = xs[:, HW:]
    return pl.pallas_call(
        body,
        out_shape=(jax.ShapeDtypeStruct((N, HW), jnp.float32),
                   jax.ShapeDtypeStruct((N, HW), jnp.float32)),
    )(p, xsA, xsB, dinv, b1, W2)


def _tc3(p, xsA, xsB, dinv, b2):
    def body(p_ref, xsA_ref, xsB_ref, dinv_ref, b2_ref, oA_ref, oB_ref):
        t = jnp.concatenate([p_ref[0] + xsA_ref[...],
                             p_ref[1] + xsB_ref[...]], axis=1)
        t = dinv_ref[...] * t + b2_ref[...]
        h2 = _instnorm_relu(t)
        oA_ref[...] = h2[:, :HW]
        oB_ref[...] = h2[:, HW:]
    return pl.pallas_call(
        body,
        out_shape=(jax.ShapeDtypeStruct((N, HW), jnp.float32),
                   jax.ShapeDtypeStruct((N, HW), jnp.float32)),
    )(p, xsA, xsB, dinv, b2)


def _tc4(p, h2A, h2B, g1W1, g1b1, g1W2, g1b2, bn1_g, bn1_b):
    def body(p_ref, h2A_ref, h2B_ref, wa_ref, ba_ref, wb_ref, bb_ref,
             g_ref, be_ref, oA_ref, oB_ref):
        ain = jnp.concatenate([h2A_ref[...] + p_ref[0],
                               h2B_ref[...] + p_ref[1]], axis=1)
        z = jnp.maximum(jnp.dot(ain, wa_ref[...],
                                preferred_element_type=jnp.float32)
                        + ba_ref[...], 0.0)
        z = jnp.dot(z, wb_ref[...],
                    preferred_element_type=jnp.float32) + bb_ref[...]
        za = _bn_relu(z, g_ref[...], be_ref[...])
        oA_ref[...] = za[:, :HW]
        oB_ref[...] = za[:, HW:]
    return pl.pallas_call(
        body,
        out_shape=(jax.ShapeDtypeStruct((N, HW), jnp.float32),
                   jax.ShapeDtypeStruct((N, HW), jnp.float32)),
    )(p, h2A, h2B, g1W1, g1b1, g1W2, g1b2, bn1_g, bn1_b)


def _tc5(p, aA, aB, g2W, g2b, bn2_g, bn2_b, batch, fcWt, fcb):
    def body(p_ref, aA_ref, aB_ref, w_ref, b_ref, g_ref, be_ref, batch_ref,
             fcw_ref, fcb_ref, out_ref):
        a2 = jnp.concatenate([aA_ref[...] + p_ref[0],
                              aB_ref[...] + p_ref[1]], axis=1)
        y = jnp.dot(a2, w_ref[...],
                    preferred_element_type=jnp.float32) + b_ref[...]
        y = _bn_relu(y, g_ref[...], be_ref[...])
        gid = lax.broadcasted_iota(jnp.int32, (G, N), 0)
        oh = (gid == jnp.broadcast_to(batch_ref[...], (G, N))
              ).astype(jnp.float32)
        pooled = jnp.dot(oh, y, preferred_element_type=jnp.float32)
        out_ref[...] = (jnp.sum(pooled * fcw_ref[...], axis=1, keepdims=True)
                        + fcb_ref[...])
    return pl.pallas_call(
        body,
        out_shape=jax.ShapeDtypeStruct((G, 1), jnp.float32),
    )(p, aA, aB, g2W, g2b, bn2_g, bn2_b, batch, fcWt, fcb)


def kernel(x, edge_index, batch, W1, b1, W2, b2, g1W1, g1b1, g1W2, g1b2,
           g2W, g2b, bn1_g, bn1_b, bn2_g, bn2_b, fcW, fcb):
    src = edge_index[0].astype(jnp.int32)
    dst = edge_index[1].astype(jnp.int32)
    pad = EP - E
    srcf = jnp.concatenate([src, jnp.zeros((pad,), jnp.int32)])
    dstf = jnp.concatenate([dst, jnp.full((pad,), DUMMY, jnp.int32)])
    srcp = srcf.reshape(NS, CPT, CH)
    dstp = dstf.reshape(NS, CPT, CH)
    dstd = dstf.reshape(NW, CPT_D, CHD)

    degp = _DEG(dstd)
    xs1A, xs1B, dinv = _tc1(degp, x, W1)
    p1 = _EDGE(xs1A, xs1B, srcp, dstp)
    xs2A, xs2B = _tc2(p1, xs1A, xs1B, dinv, b1.reshape(1, -1), W2)
    p2 = _EDGE(xs2A, xs2B, srcp, dstp)
    h2A, h2B = _tc3(p2, xs2A, xs2B, dinv, b2.reshape(1, -1))
    p3 = _EDGE(h2A, h2B, srcp, dstp)
    aA, aB = _tc4(p3, h2A, h2B, g1W1, g1b1.reshape(1, -1), g1W2,
                  g1b2.reshape(1, -1), bn1_g.reshape(1, -1),
                  bn1_b.reshape(1, -1))
    p4 = _EDGE(aA, aB, srcp, dstp)
    out = _tc5(p4, aA, aB, g2W, g2b.reshape(1, -1), bn2_g.reshape(1, -1),
               bn2_b.reshape(1, -1), batch.reshape(1, -1).astype(jnp.int32),
               fcW.reshape(1, -1), fcb.reshape(1, 1))
    return out

# --- scband reference (transcript-rebuilt; emitter-appended) ---
"""Pipeline reference for scband-ppimodel-41858751267052 (READ-ONLY COPY).

The authoritative reference and input builder live on the scoring server;
editing this copy changes nothing except your own understanding.
"""

import jax, jax.numpy as jnp
import numpy as np

N_NODES = 10000
N_EDGES = 320000
D_IN = 128
H = 64
GCN_OUT = 64
GIN_H = 64
GIN_OUT = 32
NUM_GRAPHS = 16
EPS = 1e-5


def setup_inputs(seed: int = 0) -> dict:
    key = jax.random.key(seed)
    ks = jax.random.split(key, 16)
    x = jax.random.normal(ks[0], (N_NODES, D_IN), dtype=jnp.float32)
    edge_index = jax.random.randint(ks[1], (2, N_EDGES), 0, N_NODES, dtype=jnp.int64 if jax.config.jax_enable_x64 else jnp.int32)
    batch = jnp.sort(jax.random.randint(ks[2], (N_NODES,), 0, NUM_GRAPHS, dtype=jnp.int64 if jax.config.jax_enable_x64 else jnp.int32))
    def glorot(k, shape):
        fan_in, fan_out = shape[0], shape[1]
        s = jnp.sqrt(6.0 / (fan_in + fan_out))
        return jax.random.uniform(k, shape, jnp.float32, -s, s)
    W1 = glorot(ks[3], (D_IN, H)); b1 = jnp.zeros((H,), jnp.float32)
    W2 = glorot(ks[4], (H, GCN_OUT)); b2 = jnp.zeros((GCN_OUT,), jnp.float32)
    g1W1 = glorot(ks[5], (GCN_OUT, GIN_H)); g1b1 = jnp.zeros((GIN_H,), jnp.float32)
    g1W2 = glorot(ks[6], (GIN_H, GIN_H)); g1b2 = jnp.zeros((GIN_H,), jnp.float32)
    g2W = glorot(ks[7], (GIN_H, GIN_OUT)); g2b = jnp.zeros((GIN_OUT,), jnp.float32)
    bn1_g = jnp.ones((GIN_H,), jnp.float32); bn1_b = jnp.zeros((GIN_H,), jnp.float32)
    bn2_g = jnp.ones((GIN_OUT,), jnp.float32); bn2_b = jnp.zeros((GIN_OUT,), jnp.float32)
    fcW = glorot(ks[8], (GIN_OUT, 1)); fcb = jnp.zeros((1,), jnp.float32)
    return {"x": x, "edge_index": edge_index, "batch": batch,
            "W1": W1, "b1": b1, "W2": W2, "b2": b2,
            "g1W1": g1W1, "g1b1": g1b1, "g1W2": g1W2, "g1b2": g1b2,
            "g2W": g2W, "g2b": g2b,
            "bn1_g": bn1_g, "bn1_b": bn1_b, "bn2_g": bn2_g, "bn2_b": bn2_b,
            "fcW": fcW, "fcb": fcb}


def _gcn_conv(x, src, dst, W, b):
    N = x.shape[0]
    loop = jnp.arange(N, dtype=src.dtype)
    s = jnp.concatenate([src, loop])
    d = jnp.concatenate([dst, loop])
    w = jnp.ones(s.shape[0], jnp.float32)
    deg = jnp.zeros((N,), jnp.float32).at[d].add(w)
    dinv = jnp.where(deg > 0, jax.lax.rsqrt(deg), 0.0)
    norm = dinv[s] * dinv[d]
    xw = x @ W
    msg = xw[s] * norm[:, None]
    out = jnp.zeros((N, W.shape[1]), jnp.float32).at[d].add(msg)
    return out + b


def _instance_norm_2d(x):
    # torch InstanceNorm1d on 2D input (C, L): normalize each row over features
    m = jnp.mean(x, axis=1, keepdims=True)
    v = jnp.mean((x - m) ** 2, axis=1, keepdims=True)
    return (x - m) * jax.lax.rsqrt(v + EPS)


def _batch_norm(x, gamma, beta):
    m = jnp.mean(x, axis=0)
    v = jnp.mean((x - m) ** 2, axis=0)
    return (x - m) * jax.lax.rsqrt(v + EPS) * gamma + beta


def _gin_agg(x, src, dst):
    N = x.shape[0]
    return jnp.zeros_like(x).at[dst].add(x[src])


def reference(x, edge_index, batch, W1, b1, W2, b2, g1W1, g1b1, g1W2, g1b2, g2W, g2b, bn1_g, bn1_b, bn2_g, bn2_b, fcW, fcb):
    src, dst = edge_index[0], edge_index[1]
    # GCNModel (dropout is identity deterministically)
    h = _gcn_conv(x, src, dst, W1, b1)
    h = _instance_norm_2d(h)
    h = jax.nn.relu(h)
    h = _gcn_conv(h, src, dst, W2, b2)
    h = _instance_norm_2d(h)
    h = jax.nn.relu(h)
    # GINModel
    a = (1.0 + 0.0) * h + _gin_agg(h, src, dst)
    a = jax.nn.relu(a @ g1W1 + g1b1) @ g1W2 + g1b2
    a = _batch_norm(a, bn1_g, bn1_b)
    a = jax.nn.relu(a)
    a2 = (1.0 + 0.0) * a + _gin_agg(a, src, dst)
    a2 = a2 @ g2W + g2b
    a2 = _batch_norm(a2, bn2_g, bn2_b)
    a2 = jax.nn.relu(a2)
    pooled = jax.ops.segment_sum(a2, batch, num_segments=NUM_GRAPHS)
    out = pooled @ fcW + fcb
    return out

if __name__ == "__main__":
    import jax
    _d = setup_inputs()
    print(jax.jit(kernel)(*tuple(_d.values())))

</pallas_src>

<mosaic_0001>
#map = affine_map<(d0, d1) -> (0, 0, 0)>
module attributes {stable_mosaic.version = 14 : i64} {
  func.func @k(%arg0: i32, %arg1: i32, %arg2: memref<32x80x128xi32, #tpu.memory_space<hbm>>, %arg3: memref<2x10000x16xf32, #tpu.memory_space<hbm>>, %arg4: memref<80x128xi32, #tpu.memory_space<vmem>>, %arg5: memref<128x16xf32, #tpu.memory_space<vmem>>, %arg6: memref<128x16xf32, #tpu.memory_space<vmem>>, %arg7: memref<640x16xf32, #tpu.memory_space<vmem>>, %arg8: memref<10240x16xf32, #tpu.memory_space<vmem_shared>>) attributes {dimension_semantics = [#tpu.dimension_semantics<core_parallel>, #tpu.dimension_semantics<subcore_parallel>], iteration_bounds = array<i64: 2, 16>, scalar_prefetch = 0 : i64, scratch_operands = 5 : i64, tpu.core_type = #tpu.core_type<sc_vector_subcore>, window_params = [{transform_indices = #map}, {transform_indices = #map}]} {
    %mul3A = arith.constant 2 : i32
    %mul3A_0 = arith.muli %arg1, %mul3A : i32
    %add3A = arith.addi %mul3A_0, %arg0 : i32
    "tpu.region"() ({
      %run_scoped3A = tpu.sem_alloc : memref<!tpu.dma_semaphore, #tpu.memory_space<semaphore_mem>>
      %dma_start3A = arith.constant 0 : i32
      %dma_start3A_32 = arith.constant 0 : i32
      %dma_start3A_33 = tpu.memref_slice %arg2[%add3A, %dma_start3A, %dma_start3A_32] : memref<32x80x128xi32, #tpu.memory_space<hbm>> -> memref<1x80x128xi32, #tpu.memory_space<hbm>>
      %dma_start3A_34 = tpu.memref_squeeze %dma_start3A_33 : memref<1x80x128xi32, #tpu.memory_space<hbm>> -> memref<80x128xi32, #tpu.memory_space<hbm>>
      %dma_start3A_35 = arith.constant 0 : i32
      %dma_start3A_36 = arith.constant 0 : i32
      %dma_start3A_37 = tpu.memref_slice %arg2[%add3A, %dma_start3A_35, %dma_start3A_36] : memref<32x80x128xi32, #tpu.memory_space<hbm>> -> memref<1x80x128xi32, #tpu.memory_space<hbm>>
      %dma_start3A_38 = tpu.memref_squeeze %dma_start3A_37 : memref<1x80x128xi32, #tpu.memory_space<hbm>> -> memref<80x128xi32, #tpu.memory_space<hbm>>
      tpu.enqueue_dma source(%dma_start3A_38 : memref<80x128xi32, #tpu.memory_space<hbm>>) target(%arg4 : memref<80x128xi32, #tpu.memory_space<vmem>>) target_semaphore(%run_scoped3A : memref<!tpu.dma_semaphore, #tpu.memory_space<semaphore_mem>>)
      %dma_wait3A = arith.constant 0 : i32
      %dma_wait3A_39 = arith.constant 0 : i32
      %dma_wait3A_40 = tpu.memref_slice %arg2[%add3A, %dma_wait3A, %dma_wait3A_39] : memref<32x80x128xi32, #tpu.memory_space<hbm>> -> memref<1x80x128xi32, #tpu.memory_space<hbm>>
      %dma_wait3A_41 = tpu.memref_squeeze %dma_wait3A_40 : memref<1x80x128xi32, #tpu.memory_space<hbm>> -> memref<80x128xi32, #tpu.memory_space<hbm>>
      %dma_wait3A_42 = arith.constant 0 : i32
      %dma_wait3A_43 = arith.constant 0 : i32
      %dma_wait3A_44 = tpu.memref_slice %arg2[%add3A, %dma_wait3A_42, %dma_wait3A_43] : memref<32x80x128xi32, #tpu.memory_space<hbm>> -> memref<1x80x128xi32, #tpu.memory_space<hbm>>
      %dma_wait3A_45 = tpu.memref_squeeze %dma_wait3A_44 : memref<1x80x128xi32, #tpu.memory_space<hbm>> -> memref<80x128xi32, #tpu.memory_space<hbm>>
      tpu.wait_dma2 semaphore(%run_scoped3A : memref<!tpu.dma_semaphore, #tpu.memory_space<semaphore_mem>>) src(%dma_wait3A_45 : memref<80x128xi32, #tpu.memory_space<hbm>>) dst(%arg4 : memref<80x128xi32, #tpu.memory_space<vmem>>)
      tpu.yield
    }) : () -> ()
    %scan3A = arith.constant 0 : i32
    %scan3A_1 = arith.constant 0 : i32
    %scan3A_2 = arith.constant 128 : i32
    %scan3A_3 = arith.addi %scan3A_1, %scan3A_2 : i32
    %scan3A_4 = arith.constant 1 : i32
    %scan3A_5 = scf.for %scan3A_32 = %scan3A_1 to %scan3A_3 step %scan3A_4 iter_args(%scan3A_33 = %scan3A) -> (i32)  : i32 {
      %broadcast_in_dim3A = arith.constant 1.000000e+00 : f32
      %broadcast_in_dim3A_34 = vector.broadcast %broadcast_in_dim3A : f32 to vector<16xf32>
      %swap3A = arith.index_cast %scan3A_32 : i32 to index
      %swap3A_35 = arith.constant 0 : index
      %swap3A_36 = tpu.vector_load %arg5[%swap3A, %swap3A_35] {strides = array<i32>} : memref<128x16xf32, #tpu.memory_space<vmem>>, vector<1x16xf32>,
      %swap3A_37 = vector.shape_cast %swap3A_36 : vector<1x16xf32> to vector<16xf32>
      %swap3A_38 = vector.shape_cast %broadcast_in_dim3A_34 : vector<16xf32> to vector<1x16xf32>
      tpu.vector_store %arg5[%swap3A, %swap3A_35], %swap3A_38 {strides = array<i32>} : memref<128x16xf32, #tpu.memory_space<vmem>>, vector<1x16xf32>,
      %broadcast_in_dim3A_39 = arith.constant 0.000000e+00 : f32
      %broadcast_in_dim3A_40 = vector.broadcast %broadcast_in_dim3A_39 : f32 to vector<16xf32>
      %swap3A_41 = arith.index_cast %scan3A_32 : i32 to index
      %swap3A_42 = arith.constant 0 : index
      %swap3A_43 = tpu.vector_load %arg6[%swap3A_41, %swap3A_42] {strides = array<i32>} : memref<128x16xf32, #tpu.memory_space<vmem>>, vector<1x16xf32>,
      %swap3A_44 = vector.shape_cast %swap3A_43 : vector<1x16xf32> to vector<16xf32>
      %swap3A_45 = vector.shape_cast %broadcast_in_dim3A_40 : vector<16xf32> to vector<1x16xf32>
      tpu.vector_store %arg6[%swap3A_41, %swap3A_42], %swap3A_45 {strides = array<i32>} : memref<128x16xf32, #tpu.memory_space<vmem>>, vector<1x16xf32>,
      %scan3A_46 = arith.constant 0 : i32
      scf.yield %scan3A_46 : i32
    }
    %scan3A_6 = arith.constant 128 : i32
    %mul3A_7 = arith.constant 640 : i32
    %mul3A_8 = arith.muli %arg1, %mul3A_7 : i32
    %scan3A_9 = arith.constant 0 : i32
    %scan3A_10 = arith.constant 0 : i32
    %scan3A_11 = arith.constant 5 : i32
    %scan3A_12 = arith.addi %scan3A_10, %scan3A_11 : i32
    %scan3A_13 = arith.constant 1 : i32
    %scan3A_14 = scf.for %scan3A_32 = %scan3A_10 to %scan3A_12 step %scan3A_13 iter_args(%scan3A_33 = %scan3A_9) -> (i32)  : i32 {
      %mul3A_34 = arith.constant 128 : i32
      %mul3A_35 = arith.muli %scan3A_32, %mul3A_34 : i32
      %add3A_36 = arith.addi %mul3A_8, %mul3A_35 : i32
      "tpu.region"() ({
        %run_scoped3A = tpu.sem_alloc : memref<!tpu.dma_semaphore, #tpu.memory_space<semaphore_mem>>
        %dma_start3A = arith.constant 0 : i32
        %dma_start3A_38 = tpu.memref_slice %arg8[%add3A_36, %dma_start3A] : memref<10240x16xf32, #tpu.memory_space<vmem_shared>> -> memref<128x16xf32, #tpu.memory_space<vmem_shared>>
        %dma_start3A_39 = arith.constant 0 : i32
        %dma_start3A_40 = tpu.memref_slice %arg8[%add3A_36, %dma_start3A_39] : memref<10240x16xf32, #tpu.memory_space<vmem_shared>> -> memref<128x16xf32, #tpu.memory_space<vmem_shared>>
        tpu.enqueue_dma source(%arg6 : memref<128x16xf32, #tpu.memory_space<vmem>>) target(%dma_start3A_40 : memref<128x16xf32, #tpu.memory_space<vmem_shared>>) target_semaphore(%run_scoped3A : memref<!tpu.dma_semaphore, #tpu.memory_space<semaphore_mem>>)
        %dma_wait3A = arith.constant 0 : i32
        %dma_wait3A_41 = tpu.memref_slice %arg8[%add3A_36, %dma_wait3A] : memref<10240x16xf32, #tpu.memory_space<vmem_shared>> -> memref<128x16xf32, #tpu.memory_space<vmem_shared>>
        %dma_wait3A_42 = arith.constant 0 : i32
        %dma_wait3A_43 = tpu.memref_slice %arg8[%add3A_36, %dma_wait3A_42] : memref<10240x16xf32, #tpu.memory_space<vmem_shared>> -> memref<128x16xf32, #tpu.memory_space<vmem_shared>>
        tpu.wait_dma2 semaphore(%run_scoped3A : memref<!tpu.dma_semaphore, #tpu.memory_space<semaphore_mem>>) src(%arg6 : memref<128x16xf32, #tpu.memory_space<vmem>>) dst(%dma_wait3A_43 : memref<128x16xf32, #tpu.memory_space<vmem_shared>>)
        tpu.yield
      }) : () -> ()
      %scan3A_37 = arith.constant 0 : i32
      scf.yield %scan3A_37 : i32
    }
    %scan3A_15 = arith.constant 5 : i32
    %barrier3A = arith.constant 0 : index
    tpu.barrier barrier_id(%barrier3A)
    %scan3A_16 = arith.constant 0 : i32
    %scan3A_17 = arith.constant 0 : i32
    %scan3A_18 = arith.constant 80 : i32
    %scan3A_19 = arith.addi %scan3A_17, %scan3A_18 : i32
    %scan3A_20 = arith.constant 1 : i32
    %scan3A_21 = scf.for %scan3A_32 = %scan3A_17 to %scan3A_19 step %scan3A_20 iter_args(%scan3A_33 = %scan3A_16) -> (i32)  : i32 {
      "tpu.region"() ({
        %run_scoped3A = tpu.sem_alloc : memref<!tpu.dma_semaphore, #tpu.memory_space<semaphore_mem>>
        %dma_start3A = arith.constant 0 : i32
        %dma_start3A_35 = tpu.memref_slice %arg4[%scan3A_32, %dma_start3A] : memref<80x128xi32, #tpu.memory_space<vmem>> -> memref<1x128xi32, #tpu.memory_space<vmem>>
        %dma_start3A_36 = tpu.memref_squeeze %dma_start3A_35 : memref<1x128xi32, #tpu.memory_space<vmem>> -> memref<128xi32, #tpu.memory_space<vmem>>
        %dma_start3A_37 = arith.constant 0 : i32
        %dma_start3A_38 = arith.constant 0 : i32
        %dma_start3A_39 = tpu.memref_slice %arg8[%dma_start3A_37, %dma_start3A_38] : memref<10240x16xf32, #tpu.memory_space<vmem_shared>> -> memref<10240x16xf32, #tpu.memory_space<vmem_shared>>
        tpu.enqueue_indirect_dma source(%arg5 : memref<128x16xf32, #tpu.memory_space<vmem>>) target(%dma_start3A_39 : memref<10240x16xf32, #tpu.memory_space<vmem_shared>>) offsets(%dma_start3A_36 : memref<128xi32, #tpu.memory_space<vmem>>) semaphore(%run_scoped3A : memref<!tpu.dma_semaphore, #tpu.memory_space<semaphore_mem>>) {add = true}
        %dma_wait3A = arith.constant 0 : i32
        %dma_wait3A_40 = tpu.memref_slice %arg4[%scan3A_32, %dma_wait3A] : memref<80x128xi32, #tpu.memory_space<vmem>> -> memref<1x128xi32, #tpu.memory_space<vmem>>
        %dma_wait3A_41 = tpu.memref_squeeze %dma_wait3A_40 : memref<1x128xi32, #tpu.memory_space<vmem>> -> memref<128xi32, #tpu.memory_space<vmem>>
        %dma_wait3A_42 = arith.constant 0 : i32
        %dma_wait3A_43 = arith.constant 0 : i32
        %dma_wait3A_44 = tpu.memref_slice %arg8[%dma_wait3A_42, %dma_wait3A_43] : memref<10240x16xf32, #tpu.memory_space<vmem_shared>> -> memref<10240x16xf32, #tpu.memory_space<vmem_shared>>
        tpu.wait_indirect_dma semaphore(%run_scoped3A : memref<!tpu.dma_semaphore, #tpu.memory_space<semaphore_mem>>) src(%arg5 : memref<128x16xf32, #tpu.memory_space<vmem>>) dst(%dma_wait3A_44 : memref<10240x16xf32, #tpu.memory_space<vmem_shared>>)
        tpu.yield
      }) : () -> ()
      %scan3A_34 = arith.constant 0 : i32
      scf.yield %scan3A_34 : i32
    }
    %scan3A_22 = arith.constant 80 : i32
    %barrier3A_23 = arith.constant 0 : index
    tpu.barrier barrier_id(%barrier3A_23)
    %mul3A_24 = arith.constant 640 : i32
    %mul3A_25 = arith.muli %arg1, %mul3A_24 : i32
    %lt3A = arith.constant 15 : i32
    %lt3A_26 = arith.cmpi slt, %arg1, %lt3A : i32
    %convert_element_type3A = arith.extui %lt3A_26 : i1 to i32
    %cond3A = arith.constant 0 : i32
    %cond3A_27 = arith.cmpi ne, %convert_element_type3A, %cond3A : i32
    scf.if %cond3A_27 {
      "tpu.region"() ({
        %run_scoped3A = tpu.sem_alloc : memref<!tpu.dma_semaphore, #tpu.memory_space<semaphore_mem>>
        %dma_start3A = arith.constant 0 : i32
        %dma_start3A_32 = tpu.memref_slice %arg8[%mul3A_25, %dma_start3A] : memref<10240x16xf32, #tpu.memory_space<vmem_shared>> -> memref<640x16xf32, #tpu.memory_space<vmem_shared>>
        %dma_start3A_33 = arith.constant 0 : i32
        %dma_start3A_34 = tpu.memref_slice %arg8[%mul3A_25, %dma_start3A_33] : memref<10240x16xf32, #tpu.memory_space<vmem_shared>> -> memref<640x16xf32, #tpu.memory_space<vmem_shared>>
        tpu.enqueue_dma source(%dma_start3A_34 : memref<640x16xf32, #tpu.memory_space<vmem_shared>>) target(%arg7 : memref<640x16xf32, #tpu.memory_space<vmem>>) target_semaphore(%run_scoped3A : memref<!tpu.dma_semaphore, #tpu.memory_space<semaphore_mem>>)
        %dma_wait3A = arith.constant 0 : i32
        %dma_wait3A_35 = tpu.memref_slice %arg8[%mul3A_25, %dma_wait3A] : memref<10240x16xf32, #tpu.memory_space<vmem_shared>> -> memref<640x16xf32, #tpu.memory_space<vmem_shared>>
        %dma_wait3A_36 = arith.constant 0 : i32
        %dma_wait3A_37 = tpu.memref_slice %arg8[%mul3A_25, %dma_wait3A_36] : memref<10240x16xf32, #tpu.memory_space<vmem_shared>> -> memref<640x16xf32, #tpu.memory_space<vmem_shared>>
        tpu.wait_dma2 semaphore(%run_scoped3A : memref<!tpu.dma_semaphore, #tpu.memory_space<semaphore_mem>>) src(%dma_wait3A_37 : memref<640x16xf32, #tpu.memory_space<vmem_shared>>) dst(%arg7 : memref<640x16xf32, #tpu.memory_space<vmem>>)
        tpu.yield
      }) : () -> ()
      "tpu.region"() ({
        %run_scoped3A = tpu.sem_alloc : memref<!tpu.dma_semaphore, #tpu.memory_space<semaphore_mem>>
        %dma_start3A = arith.constant 0 : i32
        %dma_start3A_32 = tpu.memref_slice %arg3[%arg0, %mul3A_25, %dma_start3A] : memref<2x10000x16xf32, #tpu.memory_space<hbm>> -> memref<1x640x16xf32, #tpu.memory_space<hbm>>
        %dma_start3A_33 = tpu.memref_squeeze %dma_start3A_32 : memref<1x640x16xf32, #tpu.memory_space<hbm>> -> memref<640x16xf32, #tpu.memory_space<hbm>>
        %dma_start3A_34 = arith.constant 0 : i32
        %dma_start3A_35 = tpu.memref_slice %arg3[%arg0, %mul3A_25, %dma_start3A_34] : memref<2x10000x16xf32, #tpu.memory_space<hbm>> -> memref<1x640x16xf32, #tpu.memory_space<hbm>>
        %dma_start3A_36 = tpu.memref_squeeze %dma_start3A_35 : memref<1x640x16xf32, #tpu.memory_space<hbm>> -> memref<640x16xf32, #tpu.memory_space<hbm>>
        tpu.enqueue_dma source(%arg7 : memref<640x16xf32, #tpu.memory_space<vmem>>) target(%dma_start3A_36 : memref<640x16xf32, #tpu.memory_space<hbm>>) target_semaphore(%run_scoped3A : memref<!tpu.dma_semaphore, #tpu.memory_space<semaphore_mem>>)
        %dma_wait3A = arith.constant 0 : i32
        %dma_wait3A_37 = tpu.memref_slice %arg3[%arg0, %mul3A_25, %dma_wait3A] : memref<2x10000x16xf32, #tpu.memory_space<hbm>> -> memref<1x640x16xf32, #tpu.memory_space<hbm>>
        %dma_wait3A_38 = tpu.memref_squeeze %dma_wait3A_37 : memref<1x640x16xf32, #tpu.memory_space<hbm>> -> memref<640x16xf32, #tpu.memory_space<hbm>>
        %dma_wait3A_39 = arith.constant 0 : i32
        %dma_wait3A_40 = tpu.memref_slice %arg3[%arg0, %mul3A_25, %dma_wait3A_39] : memref<2x10000x16xf32, #tpu.memory_space<hbm>> -> memref<1x640x16xf32, #tpu.memory_space<hbm>>
        %dma_wait3A_41 = tpu.memref_squeeze %dma_wait3A_40 : memref<1x640x16xf32, #tpu.memory_space<hbm>> -> memref<640x16xf32, #tpu.memory_space<hbm>>
        tpu.wait_dma2 semaphore(%run_scoped3A : memref<!tpu.dma_semaphore, #tpu.memory_space<semaphore_mem>>) src(%arg7 : memref<640x16xf32, #tpu.memory_space<vmem>>) dst(%dma_wait3A_41 : memref<640x16xf32, #tpu.memory_space<hbm>>)
        tpu.yield
      }) : () -> ()
    } else {
    }
    %eq3A = arith.constant 15 : i32
    %eq3A_28 = arith.cmpi eq, %arg1, %eq3A : i32
    %convert_element_type3A_29 = arith.extui %eq3A_28 : i1 to i32
    %cond3A_30 = arith.constant 0 : i32
    %cond3A_31 = arith.cmpi ne, %convert_element_type3A_29, %cond3A_30 : i32
    scf.if %cond3A_31 {
      "tpu.region"() ({
        %run_scoped3A = tpu.sem_alloc : memref<!tpu.dma_semaphore, #tpu.memory_space<semaphore_mem>>
        %dma_start3A = arith.constant 0 : i32
        %dma_start3A_32 = arith.constant 0 : i32
        %dma_start3A_33 = tpu.memref_slice %arg7[%dma_start3A, %dma_start3A_32] : memref<640x16xf32, #tpu.memory_space<vmem>> -> memref<400x16xf32, #tpu.memory_space<vmem>>
        %dma_start3A_34 = arith.constant 0 : i32
        %dma_start3A_35 = tpu.memref_slice %arg8[%mul3A_25, %dma_start3A_34] : memref<10240x16xf32, #tpu.memory_space<vmem_shared>> -> memref<400x16xf32, #tpu.memory_space<vmem_shared>>
        %dma_start3A_36 = arith.constant 0 : i32
        %dma_start3A_37 = arith.constant 0 : i32
        %dma_start3A_38 = tpu.memref_slice %arg7[%dma_start3A_36, %dma_start3A_37] : memref<640x16xf32, #tpu.memory_space<vmem>> -> memref<400x16xf32, #tpu.memory_space<vmem>>
        %dma_start3A_39 = arith.constant 0 : i32
        %dma_start3A_40 = tpu.memref_slice %arg8[%mul3A_25, %dma_start3A_39] : memref<10240x16xf32, #tpu.memory_space<vmem_shared>> -> memref<400x16xf32, #tpu.memory_space<vmem_shared>>
        tpu.enqueue_dma source(%dma_start3A_40 : memref<400x16xf32, #tpu.memory_space<vmem_shared>>) target(%dma_start3A_38 : memref<400x16xf32, #tpu.memory_space<vmem>>) target_semaphore(%run_scoped3A : memref<!tpu.dma_semaphore, #tpu.memory_space<semaphore_mem>>)
        %dma_wait3A = arith.constant 0 : i32
        %dma_wait3A_41 = arith.constant 0 : i32
        %dma_wait3A_42 = tpu.memref_slice %arg7[%dma_wait3A, %dma_wait3A_41] : memref<640x16xf32, #tpu.memory_space<vmem>> -> memref<400x16xf32, #tpu.memory_space<vmem>>
        %dma_wait3A_43 = arith.constant 0 : i32
        %dma_wait3A_44 = tpu.memref_slice %arg8[%mul3A_25, %dma_wait3A_43] : memref<10240x16xf32, #tpu.memory_space<vmem_shared>> -> memref<400x16xf32, #tpu.memory_space<vmem_shared>>
        %dma_wait3A_45 = arith.constant 0 : i32
        %dma_wait3A_46 = arith.constant 0 : i32
        %dma_wait3A_47 = tpu.memref_slice %arg7[%dma_wait3A_45, %dma_wait3A_46] : memref<640x16xf32, #tpu.memory_space<vmem>> -> memref<400x16xf32, #tpu.memory_space<vmem>>
        %dma_wait3A_48 = arith.constant 0 : i32
        %dma_wait3A_49 = tpu.memref_slice %arg8[%mul3A_25, %dma_wait3A_48] : memref<10240x16xf32, #tpu.memory_space<vmem_shared>> -> memref<400x16xf32, #tpu.memory_space<vmem_shared>>
        tpu.wait_dma2 semaphore(%run_scoped3A : memref<!tpu.dma_semaphore, #tpu.memory_space<semaphore_mem>>) src(%dma_wait3A_49 : memref<400x16xf32, #tpu.memory_space<vmem_shared>>) dst(%dma_wait3A_47 : memref<400x16xf32, #tpu.memory_space<vmem>>)
        tpu.yield
      }) : () -> ()
      "tpu.region"() ({
        %run_scoped3A = tpu.sem_alloc : memref<!tpu.dma_semaphore, #tpu.memory_space<semaphore_mem>>
        %dma_start3A = arith.constant 0 : i32
        %dma_start3A_32 = arith.constant 0 : i32
        %dma_start3A_33 = tpu.memref_slice %arg7[%dma_start3A, %dma_start3A_32] : memref<640x16xf32, #tpu.memory_space<vmem>> -> memref<400x16xf32, #tpu.memory_space<vmem>>
        %dma_start3A_34 = arith.constant 0 : i32
        %dma_start3A_35 = tpu.memref_slice %arg3[%arg0, %mul3A_25, %dma_start3A_34] : memref<2x10000x16xf32, #tpu.memory_space<hbm>> -> memref<1x400x16xf32, #tpu.memory_space<hbm>>
        %dma_start3A_36 = tpu.memref_squeeze %dma_start3A_35 : memref<1x400x16xf32, #tpu.memory_space<hbm>> -> memref<400x16xf32, #tpu.memory_space<hbm>>
        %dma_start3A_37 = arith.constant 0 : i32
        %dma_start3A_38 = tpu.memref_slice %arg3[%arg0, %mul3A_25, %dma_start3A_37] : memref<2x10000x16xf32, #tpu.memory_space<hbm>> -> memref<1x400x16xf32, #tpu.memory_space<hbm>>
        %dma_start3A_39 = tpu.memref_squeeze %dma_start3A_38 : memref<1x400x16xf32, #tpu.memory_space<hbm>> -> memref<400x16xf32, #tpu.memory_space<hbm>>
        %dma_start3A_40 = arith.constant 0 : i32
        %dma_start3A_41 = arith.constant 0 : i32
        %dma_start3A_42 = tpu.memref_slice %arg7[%dma_start3A_40, %dma_start3A_41] : memref<640x16xf32, #tpu.memory_space<vmem>> -> memref<400x16xf32, #tpu.memory_space<vmem>>
        tpu.enqueue_dma source(%dma_start3A_42 : memref<400x16xf32, #tpu.memory_space<vmem>>) target(%dma_start3A_39 : memref<400x16xf32, #tpu.memory_space<hbm>>) target_semaphore(%run_scoped3A : memref<!tpu.dma_semaphore, #tpu.memory_space<semaphore_mem>>)
        %dma_wait3A = arith.constant 0 : i32
        %dma_wait3A_43 = arith.constant 0 : i32
        %dma_wait3A_44 = tpu.memref_slice %arg7[%dma_wait3A, %dma_wait3A_43] : memref<640x16xf32, #tpu.memory_space<vmem>> -> memref<400x16xf32, #tpu.memory_space<vmem>>
        %dma_wait3A_45 = arith.constant 0 : i32
        %dma_wait3A_46 = tpu.memref_slice %arg3[%arg0, %mul3A_25, %dma_wait3A_45] : memref<2x10000x16xf32, #tpu.memory_space<hbm>> -> memref<1x400x16xf32, #tpu.memory_space<hbm>>
        %dma_wait3A_47 = tpu.memref_squeeze %dma_wait3A_46 : memref<1x400x16xf32, #tpu.memory_space<hbm>> -> memref<400x16xf32, #tpu.memory_space<hbm>>
        %dma_wait3A_48 = arith.constant 0 : i32
        %dma_wait3A_49 = tpu.memref_slice %arg3[%arg0, %mul3A_25, %dma_wait3A_48] : memref<2x10000x16xf32, #tpu.memory_space<hbm>> -> memref<1x400x16xf32, #tpu.memory_space<hbm>>
        %dma_wait3A_50 = tpu.memref_squeeze %dma_wait3A_49 : memref<1x400x16xf32, #tpu.memory_space<hbm>> -> memref<400x16xf32, #tpu.memory_space<hbm>>
        %dma_wait3A_51 = arith.constant 0 : i32
        %dma_wait3A_52 = arith.constant 0 : i32
        %dma_wait3A_53 = tpu.memref_slice %arg7[%dma_wait3A_51, %dma_wait3A_52] : memref<640x16xf32, #tpu.memory_space<vmem>> -> memref<400x16xf32, #tpu.memory_space<vmem>>
        tpu.wait_dma2 semaphore(%run_scoped3A : memref<!tpu.dma_semaphore, #tpu.memory_space<semaphore_mem>>) src(%dma_wait3A_53 : memref<400x16xf32, #tpu.memory_space<vmem>>) dst(%dma_wait3A_50 : memref<400x16xf32, #tpu.memory_space<hbm>>)
        tpu.yield
      }) : () -> ()
    } else {
    }
    return
  }
}

#map = affine_map<(d0, d1) -> (0, 0)>
#map1 = affine_map<(d0, d1) -> (0, 0, 0)>
module attributes {stable_mosaic.version = 14 : i64} {
  func.func @k(%arg0: i32, %arg1: i32, %arg2: memref<10000x32xf32, #tpu.memory_space<hbm>>, %arg3: memref<10000x32xf32, #tpu.memory_space<hbm>>, %arg4: memref<16x20x1024xi32, #tpu.memory_space<hbm>>, %arg5: memref<16x20x1024xi32, #tpu.memory_space<hbm>>, %arg6: memref<2x10000x32xf32, #tpu.memory_space<hbm>>, %arg7: memref<20x1024xi32, #tpu.memory_space<vmem>>, %arg8: memref<20x1024xi32, #tpu.memory_space<vmem>>, %arg9: memref<1024x32xf32, #tpu.memory_space<vmem>>, %arg10: memref<1024x32xf32, #tpu.memory_space<vmem>>, %arg11: memref<10240x32xf32, #tpu.memory_space<vmem_shared>>, %arg12: memref<!tpu.dma_semaphore, #tpu.memory_space<semaphore_mem>>, %arg13: memref<!tpu.dma_semaphore, #tpu.memory_space<semaphore_mem>>) attributes {dimension_semantics = [#tpu.dimension_semantics<core_parallel>, #tpu.dimension_semantics<subcore_parallel>], iteration_bounds = array<i64: 2, 16>, scalar_prefetch = 0 : i64, scratch_operands = 7 : i64, tpu.core_type = #tpu.core_type<sc_vector_subcore>, window_params = [{transform_indices = #map}, {transform_indices = #map}, {transform_indices = #map1}, {transform_indices = #map1}, {transform_indices = #map1}]} {
    "tpu.region"() ({
      %run_scoped3A = tpu.sem_alloc : memref<!tpu.dma_semaphore, #tpu.memory_space<semaphore_mem>>
      %dma_start3A = arith.constant 0 : i32
      %dma_start3A_26 = arith.constant 0 : i32
      %dma_start3A_27 = tpu.memref_slice %arg4[%arg1, %dma_start3A, %dma_start3A_26] : memref<16x20x1024xi32, #tpu.memory_space<hbm>> -> memref<1x20x1024xi32, #tpu.memory_space<hbm>>
      %dma_start3A_28 = tpu.memref_squeeze %dma_start3A_27 : memref<1x20x1024xi32, #tpu.memory_space<hbm>> -> memref<20x1024xi32, #tpu.memory_space<hbm>>
      %dma_start3A_29 = arith.constant 0 : i32
      %dma_start3A_30 = arith.constant 0 : i32
      %dma_start3A_31 = tpu.memref_slice %arg4[%arg1, %dma_start3A_29, %dma_start3A_30] : memref<16x20x1024xi32, #tpu.memory_space<hbm>> -> memref<1x20x1024xi32, #tpu.memory_space<hbm>>
      %dma_start3A_32 = tpu.memref_squeeze %dma_start3A_31 : memref<1x20x1024xi32, #tpu.memory_space<hbm>> -> memref<20x1024xi32, #tpu.memory_space<hbm>>
      tpu.enqueue_dma source(%dma_start3A_32 : memref<20x1024xi32, #tpu.memory_space<hbm>>) target(%arg7 : memref<20x1024xi32, #tpu.memory_space<vmem>>) target_semaphore(%run_scoped3A : memref<!tpu.dma_semaphore, #tpu.memory_space<semaphore_mem>>)
      %dma_wait3A = arith.constant 0 : i32
      %dma_wait3A_33 = arith.constant 0 : i32
      %dma_wait3A_34 = tpu.memref_slice %arg4[%arg1, %dma_wait3A, %dma_wait3A_33] : memref<16x20x1024xi32, #tpu.memory_space<hbm>> -> memref<1x20x1024xi32, #tpu.memory_space<hbm>>
      %dma_wait3A_35 = tpu.memref_squeeze %dma_wait3A_34 : memref<1x20x1024xi32, #tpu.memory_space<hbm>> -> memref<20x1024xi32, #tpu.memory_space<hbm>>
      %dma_wait3A_36 = arith.constant 0 : i32
      %dma_wait3A_37 = arith.constant 0 : i32
      %dma_wait3A_38 = tpu.memref_slice %arg4[%arg1, %dma_wait3A_36, %dma_wait3A_37] : memref<16x20x1024xi32, #tpu.memory_space<hbm>> -> memref<1x20x1024xi32, #tpu.memory_space<hbm>>
      %dma_wait3A_39 = tpu.memref_squeeze %dma_wait3A_38 : memref<1x20x1024xi32, #tpu.memory_space<hbm>> -> memref<20x1024xi32, #tpu.memory_space<hbm>>
      tpu.wait_dma2 semaphore(%run_scoped3A : memref<!tpu.dma_semaphore, #tpu.memory_space<semaphore_mem>>) src(%dma_wait3A_39 : memref<20x1024xi32, #tpu.memory_space<hbm>>) dst(%arg7 : memref<20x1024xi32, #tpu.memory_space<vmem>>)
      tpu.yield
    }) : () -> ()
    "tpu.region"() ({
      %run_scoped3A = tpu.sem_alloc : memref<!tpu.dma_semaphore, #tpu.memory_space<semaphore_mem>>
      %dma_start3A = arith.constant 0 : i32
      %dma_start3A_26 = arith.constant 0 : i32
      %dma_start3A_27 = tpu.memref_slice %arg5[%arg1, %dma_start3A, %dma_start3A_26] : memref<16x20x1024xi32, #tpu.memory_space<hbm>> -> memref<1x20x1024xi32, #tpu.memory_space<hbm>>
      %dma_start3A_28 = tpu.memref_squeeze %dma_start3A_27 : memref<1x20x1024xi32, #tpu.memory_space<hbm>> -> memref<20x1024xi32, #tpu.memory_space<hbm>>
      %dma_start3A_29 = arith.constant 0 : i32
      %dma_start3A_30 = arith.constant 0 : i32
      %dma_start3A_31 = tpu.memref_slice %arg5[%arg1, %dma_start3A_29, %dma_start3A_30] : memref<16x20x1024xi32, #tpu.memory_space<hbm>> -> memref<1x20x1024xi32, #tpu.memory_space<hbm>>
      %dma_start3A_32 = tpu.memref_squeeze %dma_start3A_31 : memref<1x20x1024xi32, #tpu.memory_space<hbm>> -> memref<20x1024xi32, #tpu.memory_space<hbm>>
      tpu.enqueue_dma source(%dma_start3A_32 : memref<20x1024xi32, #tpu.memory_space<hbm>>) target(%arg8 : memref<20x1024xi32, #tpu.memory_space<vmem>>) target_semaphore(%run_scoped3A : memref<!tpu.dma_semaphore, #tpu.memory_space<semaphore_mem>>)
      %dma_wait3A = arith.constant 0 : i32
      %dma_wait3A_33 = arith.constant 0 : i32
      %dma_wait3A_34 = tpu.memref_slice %arg5[%arg1, %dma_wait3A, %dma_wait3A_33] : memref<16x20x1024xi32, #tpu.memory_space<hbm>> -> memref<1x20x1024xi32, #tpu.memory_space<hbm>>
      %dma_wait3A_35 = tpu.memref_squeeze %dma_wait3A_34 : memref<1x20x1024xi32, #tpu.memory_space<hbm>> -> memref<20x1024xi32, #tpu.memory_space<hbm>>
      %dma_wait3A_36 = arith.constant 0 : i32
      %dma_wait3A_37 = arith.constant 0 : i32
      %dma_wait3A_38 = tpu.memref_slice %arg5[%arg1, %dma_wait3A_36, %dma_wait3A_37] : memref<16x20x1024xi32, #tpu.memory_space<hbm>> -> memref<1x20x1024xi32, #tpu.memory_space<hbm>>
      %dma_wait3A_39 = tpu.memref_squeeze %dma_wait3A_38 : memref<1x20x1024xi32, #tpu.memory_space<hbm>> -> memref<20x1024xi32, #tpu.memory_space<hbm>>
      tpu.wait_dma2 semaphore(%run_scoped3A : memref<!tpu.dma_semaphore, #tpu.memory_space<semaphore_mem>>) src(%dma_wait3A_39 : memref<20x1024xi32, #tpu.memory_space<hbm>>) dst(%arg8 : memref<20x1024xi32, #tpu.memory_space<vmem>>)
      tpu.yield
    }) : () -> ()
    %scan3A = arith.constant 0 : i32
    %scan3A_0 = arith.constant 0 : i32
    %scan3A_1 = arith.constant 640 : i32
    %scan3A_2 = arith.addi %scan3A_0, %scan3A_1 : i32
    %scan3A_3 = arith.constant 1 : i32
    %scan3A_4 = scf.for %scan3A_26 = %scan3A_0 to %scan3A_2 step %scan3A_3 iter_args(%scan3A_27 = %scan3A) -> (i32)  : i32 {
      %broadcast_in_dim3A = arith.constant 0.000000e+00 : f32
      %broadcast_in_dim3A_28 = vector.broadcast %broadcast_in_dim3A : f32 to vector<16xf32>
      %swap3A = arith.index_cast %scan3A_26 : i32 to index
      %swap3A_29 = arith.constant 0 : index
      %swap3A_30 = tpu.vector_load %arg9[%swap3A, %swap3A_29] {strides = array<i32>} : memref<1024x32xf32, #tpu.memory_space<vmem>>, vector<1x16xf32>,
      %swap3A_31 = vector.shape_cast %swap3A_30 : vector<1x16xf32> to vector<16xf32>
      %swap3A_32 = vector.shape_cast %broadcast_in_dim3A_28 : vector<16xf32> to vector<1x16xf32>
      tpu.vector_store %arg9[%swap3A, %swap3A_29], %swap3A_32 {strides = array<i32>} : memref<1024x32xf32, #tpu.memory_space<vmem>>, vector<1x16xf32>,
      %broadcast_in_dim3A_33 = arith.constant 0.000000e+00 : f32
      %broadcast_in_dim3A_34 = vector.broadcast %broadcast_in_dim3A_33 : f32 to vector<16xf32>
      %swap3A_35 = arith.index_cast %scan3A_26 : i32 to index
      %swap3A_36 = arith.constant 16 : index
      %swap3A_37 = tpu.vector_load %arg9[%swap3A_35, %swap3A_36] {strides = array<i32>} : memref<1024x32xf32, #tpu.memory_space<vmem>>, vector<1x16xf32>,
      %swap3A_38 = vector.shape_cast %swap3A_37 : vector<1x16xf32> to vector<16xf32>
      %swap3A_39 = vector.shape_cast %broadcast_in_dim3A_34 : vector<16xf32> to vector<1x16xf32>
      tpu.vector_store %arg9[%swap3A_35, %swap3A_36], %swap3A_39 {strides = array<i32>} : memref<1024x32xf32, #tpu.memory_space<vmem>>, vector<1x16xf32>,
      %scan3A_40 = arith.constant 0 : i32
      scf.yield %scan3A_40 : i32
    }
    %scan3A_5 = arith.constant 640 : i32
    %mul3A = arith.constant 640 : i32
    %mul3A_6 = arith.muli %arg1, %mul3A : i32
    "tpu.region"() ({
      %run_scoped3A = tpu.sem_alloc : memref<!tpu.dma_semaphore, #tpu.memory_space<semaphore_mem>>
      %dma_start3A = arith.constant 0 : i32
      %dma_start3A_26 = arith.constant 0 : i32
      %dma_start3A_27 = tpu.memref_slice %arg9[%dma_start3A, %dma_start3A_26] : memref<1024x32xf32, #tpu.memory_space<vmem>> -> memref<640x32xf32, #tpu.memory_space<vmem>>
      %dma_start3A_28 = arith.constant 0 : i32
      %dma_start3A_29 = tpu.memref_slice %arg11[%mul3A_6, %dma_start3A_28] : memref<10240x32xf32, #tpu.memory_space<vmem_shared>> -> memref<640x32xf32, #tpu.memory_space<vmem_shared>>
      %dma_start3A_30 = arith.constant 0 : i32
      %dma_start3A_31 = tpu.memref_slice %arg11[%mul3A_6, %dma_start3A_30] : memref<10240x32xf32, #tpu.memory_space<vmem_shared>> -> memref<640x32xf32, #tpu.memory_space<vmem_shared>>
      %dma_start3A_32 = arith.constant 0 : i32
      %dma_start3A_33 = arith.constant 0 : i32
      %dma_start3A_34 = tpu.memref_slice %arg9[%dma_start3A_32, %dma_start3A_33] : memref<1024x32xf32, #tpu.memory_space<vmem>> -> memref<640x32xf32, #tpu.memory_space<vmem>>
      tpu.enqueue_dma source(%dma_start3A_34 : memref<640x32xf32, #tpu.memory_space<vmem>>) target(%dma_start3A_31 : memref<640x32xf32, #tpu.memory_space<vmem_shared>>) target_semaphore(%run_scoped3A : memref<!tpu.dma_semaphore, #tpu.memory_space<semaphore_mem>>)
      %dma_wait3A = arith.constant 0 : i32
      %dma_wait3A_35 = arith.constant 0 : i32
      %dma_wait3A_36 = tpu.memref_slice %arg9[%dma_wait3A, %dma_wait3A_35] : memref<1024x32xf32, #tpu.memory_space<vmem>> -> memref<640x32xf32, #tpu.memory_space<vmem>>
      %dma_wait3A_37 = arith.constant 0 : i32
      %dma_wait3A_38 = tpu.memref_slice %arg11[%mul3A_6, %dma_wait3A_37] : memref<10240x32xf32, #tpu.memory_space<vmem_shared>> -> memref<640x32xf32, #tpu.memory_space<vmem_shared>>
      %dma_wait3A_39 = arith.constant 0 : i32
      %dma_wait3A_40 = tpu.memref_slice %arg11[%mul3A_6, %dma_wait3A_39] : memref<10240x32xf32, #tpu.memory_space<vmem_shared>> -> memref<640x32xf32, #tpu.memory_space<vmem_shared>>
      %dma_wait3A_41 = arith.constant 0 : i32
      %dma_wait3A_42 = arith.constant 0 : i32
      %dma_wait3A_43 = tpu.memref_slice %arg9[%dma_wait3A_41, %dma_wait3A_42] : memref<1024x32xf32, #tpu.memory_space<vmem>> -> memref<640x32xf32, #tpu.memory_space<vmem>>
      tpu.wait_dma2 semaphore(%run_scoped3A : memref<!tpu.dma_semaphore, #tpu.memory_space<semaphore_mem>>) src(%dma_wait3A_43 : memref<640x32xf32, #tpu.memory_space<vmem>>) dst(%dma_wait3A_40 : memref<640x32xf32, #tpu.memory_space<vmem_shared>>)
      tpu.yield
    }) : () -> ()
    %barrier3A = arith.constant 0 : index
    tpu.barrier barrier_id(%barrier3A)
    %eq3A = arith.constant 0 : i32
    %eq3A_7 = arith.cmpi eq, %arg0, %eq3A : i32
    %convert_element_type3A = arith.extui %eq3A_7 : i1 to i32
    %cond3A = arith.constant 0 : i32
    %cond3A_8 = arith.cmpi ne, %convert_element_type3A, %cond3A : i32
    scf.if %cond3A_8 {
      %dma_start3A = arith.constant 0 : i32
      %dma_start3A_26 = arith.constant 0 : i32
      %dma_start3A_27 = tpu.memref_slice %arg7[%dma_start3A, %dma_start3A_26] : memref<20x1024xi32, #tpu.memory_space<vmem>> -> memref<1x1024xi32, #tpu.memory_space<vmem>>
      %dma_start3A_28 = tpu.memref_squeeze %dma_start3A_27 : memref<1x1024xi32, #tpu.memory_space<vmem>> -> memref<1024xi32, #tpu.memory_space<vmem>>
      %dma_start3A_29 = arith.constant 0 : i32
      %dma_start3A_30 = arith.constant 0 : i32
      %dma_start3A_31 = tpu.memref_slice %arg2[%dma_start3A_29, %dma_start3A_30] : memref<10000x32xf32, #tpu.memory_space<hbm>> -> memref<10000x32xf32, #tpu.memory_space<hbm>>
      tpu.enqueue_indirect_dma source(%dma_start3A_31 : memref<10000x32xf32, #tpu.memory_space<hbm>>) target(%arg9 : memref<1024x32xf32, #tpu.memory_space<vmem>>) offsets(%dma_start3A_28 : memref<1024xi32, #tpu.memory_space<vmem>>) semaphore(%arg12 : memref<!tpu.dma_semaphore, #tpu.memory_space<semaphore_mem>>)
      %scan3A_32 = arith.constant 0 : i32
      %scan3A_33 = arith.constant 0 : i32
      %scan3A_34 = arith.constant 10 : i32
      %scan3A_35 = arith.addi %scan3A_33, %scan3A_34 : i32
      %scan3A_36 = arith.constant 1 : i32
      %scan3A_37 = scf.for %scan3A_39 = %scan3A_33 to %scan3A_35 step %scan3A_36 iter_args(%scan3A_40 = %scan3A_32) -> (i32)  : i32 {
        %mul3A_41 = arith.constant 2 : i32
        %mul3A_42 = arith.muli %mul3A_41, %scan3A_39 : i32
        %dma_wait3A = arith.constant 0 : i32
        %dma_wait3A_43 = arith.constant 0 : i32
        %dma_wait3A_44 = tpu.memref_slice %arg7[%dma_wait3A, %dma_wait3A_43] : memref<20x1024xi32, #tpu.memory_space<vmem>> -> memref<1x1024xi32, #tpu.memory_space<vmem>>
        %dma_wait3A_45 = tpu.memref_squeeze %dma_wait3A_44 : memref<1x1024xi32, #tpu.memory_space<vmem>> -> memref<1024xi32, #tpu.memory_space<vmem>>
        %dma_wait3A_46 = arith.constant 0 : i32
        %dma_wait3A_47 = arith.constant 0 : i32
        %dma_wait3A_48 = tpu.memref_slice %arg2[%dma_wait3A_46, %dma_wait3A_47] : memref<10000x32xf32, #tpu.memory_space<hbm>> -> memref<10000x32xf32, #tpu.memory_space<hbm>>
        tpu.wait_indirect_dma semaphore(%arg12 : memref<!tpu.dma_semaphore, #tpu.memory_space<semaphore_mem>>) src(%dma_wait3A_48 : memref<10000x32xf32, #tpu.memory_space<hbm>>) dst(%arg9 : memref<1024x32xf32, #tpu.memory_space<vmem>>)
        %add3A = arith.constant 1 : i32
        %add3A_49 = arith.addi %mul3A_42, %add3A : i32
        %lt3A_50 = arith.constant 20 : i32
        %lt3A_51 = arith.cmpi slt, %add3A_49, %lt3A_50 : i32
        %convert_element_type3A_52 = arith.extui %lt3A_51 : i1 to i32
        %cond3A_53 = arith.constant 0 : i32
        %cond3A_54 = arith.cmpi ne, %convert_element_type3A_52, %cond3A_53 : i32
        scf.if %cond3A_54 {
          %add3A_74 = arith.constant 1 : i32
          %add3A_75 = arith.addi %mul3A_42, %add3A_74 : i32
          %dma_start3A_76 = arith.constant 0 : i32
          %dma_start3A_77 = tpu.memref_slice %arg7[%add3A_75, %dma_start3A_76] : memref<20x1024xi32, #tpu.memory_space<vmem>> -> memref<1x1024xi32, #tpu.memory_space<vmem>>
          %dma_start3A_78 = tpu.memref_squeeze %dma_start3A_77 : memref<1x1024xi32, #tpu.memory_space<vmem>> -> memref<1024xi32, #tpu.memory_space<vmem>>
          %dma_start3A_79 = arith.constant 0 : i32
          %dma_start3A_80 = arith.constant 0 : i32
          %dma_start3A_81 = tpu.memref_slice %arg2[%dma_start3A_79, %dma_start3A_80] : memref<10000x32xf32, #tpu.memory_space<hbm>> -> memref<10000x32xf32, #tpu.memory_space<hbm>>
          tpu.enqueue_indirect_dma source(%dma_start3A_81 : memref<10000x32xf32, #tpu.memory_space<hbm>>) target(%arg10 : memref<1024x32xf32, #tpu.memory_space<vmem>>) offsets(%dma_start3A_78 : memref<1024xi32, #tpu.memory_space<vmem>>) semaphore(%arg12 : memref<!tpu.dma_semaphore, #tpu.memory_space<semaphore_mem>>)
        } else {
        }
        "tpu.region"() ({
          %run_scoped3A = tpu.sem_alloc : memref<!tpu.dma_semaphore, #tpu.memory_space<semaphore_mem>>
          %dma_start3A_74 = arith.constant 0 : i32
          %dma_start3A_75 = tpu.memref_slice %arg8[%mul3A_42, %dma_start3A_74] : memref<20x1024xi32, #tpu.memory_space<vmem>> -> memref<1x1024xi32, #tpu.memory_space<vmem>>
          %dma_start3A_76 = tpu.memref_squeeze %dma_start3A_75 : memref<1x1024xi32, #tpu.memory_space<vmem>> -> memref<1024xi32, #tpu.memory_space<vmem>>
          %dma_start3A_77 = arith.constant 0 : i32
          %dma_start3A_78 = arith.constant 0 : i32
          %dma_start3A_79 = tpu.memref_slice %arg11[%dma_start3A_77, %dma_start3A_78] : memref<10240x32xf32, #tpu.memory_space<vmem_shared>> -> memref<10240x32xf32, #tpu.memory_space<vmem_shared>>
          tpu.enqueue_indirect_dma source(%arg9 : memref<1024x32xf32, #tpu.memory_space<vmem>>) target(%dma_start3A_79 : memref<10240x32xf32, #tpu.memory_space<vmem_shared>>) offsets(%dma_start3A_76 : memref<1024xi32, #tpu.memory_space<vmem>>) semaphore(%run_scoped3A : memref<!tpu.dma_semaphore, #tpu.memory_space<semaphore_mem>>) {add = true}
          %dma_wait3A_80 = arith.constant 0 : i32
          %dma_wait3A_81 = tpu.memref_slice %arg8[%mul3A_42, %dma_wait3A_80] : memref<20x1024xi32, #tpu.memory_space<vmem>> -> memref<1x1024xi32, #tpu.memory_space<vmem>>
          %dma_wait3A_82 = tpu.memref_squeeze %dma_wait3A_81 : memref<1x1024xi32, #tpu.memory_space<vmem>> -> memref<1024xi32, #tpu.memory_space<vmem>>
          %dma_wait3A_83 = arith.constant 0 : i32
          %dma_wait3A_84 = arith.constant 0 : i32
          %dma_wait3A_85 = tpu.memref_slice %arg11[%dma_wait3A_83, %dma_wait3A_84] : memref<10240x32xf32, #tpu.memory_space<vmem_shared>> -> memref<10240x32xf32, #tpu.memory_space<vmem_shared>>
          tpu.wait_indirect_dma semaphore(%run_scoped3A : memref<!tpu.dma_semaphore, #tpu.memory_space<semaphore_mem>>) src(%arg9 : memref<1024x32xf32, #tpu.memory_space<vmem>>) dst(%dma_wait3A_85 : memref<10240x32xf32, #tpu.memory_space<vmem_shared>>)
          tpu.yield
        }) : () -> ()
        %mul3A_55 = arith.constant 2 : i32
        %mul3A_56 = arith.muli %mul3A_55, %scan3A_39 : i32
        %add3A_57 = arith.constant 1 : i32
        %add3A_58 = arith.addi %mul3A_56, %add3A_57 : i32
        %dma_wait3A_59 = arith.constant 0 : i32
        %dma_wait3A_60 = arith.constant 0 : i32
        %dma_wait3A_61 = tpu.memref_slice %arg7[%dma_wait3A_59, %dma_wait3A_60] : memref<20x1024xi32, #tpu.memory_space<vmem>> -> memref<1x1024xi32, #tpu.memory_space<vmem>>
        %dma_wait3A_62 = tpu.memref_squeeze %dma_wait3A_61 : memref<1x1024xi32, #tpu.memory_space<vmem>> -> memref<1024xi32, #tpu.memory_space<vmem>>
        %dma_wait3A_63 = arith.constant 0 : i32
        %dma_wait3A_64 = arith.constant 0 : i32
        %dma_wait3A_65 = tpu.memref_slice %arg2[%dma_wait3A_63, %dma_wait3A_64] : memref<10000x32xf32, #tpu.memory_space<hbm>> -> memref<10000x32xf32, #tpu.memory_space<hbm>>
        tpu.wait_indirect_dma semaphore(%arg12 : memref<!tpu.dma_semaphore, #tpu.memory_space<semaphore_mem>>) src(%dma_wait3A_65 : memref<10000x32xf32, #tpu.memory_space<hbm>>) dst(%arg9 : memref<1024x32xf32, #tpu.memory_space<vmem>>)
        %add3A_66 = arith.constant 1 : i32
        %add3A_67 = arith.addi %add3A_58, %add3A_66 : i32
        %lt3A_68 = arith.constant 20 : i32
        %lt3A_69 = arith.cmpi slt, %add3A_67, %lt3A_68 : i32
        %convert_element_type3A_70 = arith.extui %lt3A_69 : i1 to i32
        %cond3A_71 = arith.constant 0 : i32
        %cond3A_72 = arith.cmpi ne, %convert_element_type3A_70, %cond3A_71 : i32
        scf.if %cond3A_72 {
          %add3A_74 = arith.constant 1 : i32
          %add3A_75 = arith.addi %add3A_58, %add3A_74 : i32
          %dma_start3A_76 = arith.constant 0 : i32
          %dma_start3A_77 = tpu.memref_slice %arg7[%add3A_75, %dma_start3A_76] : memref<20x1024xi32, #tpu.memory_space<vmem>> -> memref<1x1024xi32, #tpu.memory_space<vmem>>
          %dma_start3A_78 = tpu.memref_squeeze %dma_start3A_77 : memref<1x1024xi32, #tpu.memory_space<vmem>> -> memref<1024xi32, #tpu.memory_space<vmem>>
          %dma_start3A_79 = arith.constant 0 : i32
          %dma_start3A_80 = arith.constant 0 : i32
          %dma_start3A_81 = tpu.memref_slice %arg2[%dma_start3A_79, %dma_start3A_80] : memref<10000x32xf32, #tpu.memory_space<hbm>> -> memref<10000x32xf32, #tpu.memory_space<hbm>>
          tpu.enqueue_indirect_dma source(%dma_start3A_81 : memref<10000x32xf32, #tpu.memory_space<hbm>>) target(%arg9 : memref<1024x32xf32, #tpu.memory_space<vmem>>) offsets(%dma_start3A_78 : memref<1024xi32, #tpu.memory_space<vmem>>) semaphore(%arg12 : memref<!tpu.dma_semaphore, #tpu.memory_space<semaphore_mem>>)
        } else {
        }
        "tpu.region"() ({
          %run_scoped3A = tpu.sem_alloc : memref<!tpu.dma_semaphore, #tpu.memory_space<semaphore_mem>>
          %dma_start3A_74 = arith.constant 0 : i32
          %dma_start3A_75 = tpu.memref_slice %arg8[%add3A_58, %dma_start3A_74] : memref<20x1024xi32, #tpu.memory_space<vmem>> -> memref<1x1024xi32, #tpu.memory_space<vmem>>
          %dma_start3A_76 = tpu.memref_squeeze %dma_start3A_75 : memref<1x1024xi32, #tpu.memory_space<vmem>> -> memref<1024xi32, #tpu.memory_space<vmem>>
          %dma_start3A_77 = arith.constant 0 : i32
          %dma_start3A_78 = arith.constant 0 : i32
          %dma_start3A_79 = tpu.memref_slice %arg11[%dma_start3A_77, %dma_start3A_78] : memref<10240x32xf32, #tpu.memory_space<vmem_shared>> -> memref<10240x32xf32, #tpu.memory_space<vmem_shared>>
          tpu.enqueue_indirect_dma source(%arg10 : memref<1024x32xf32, #tpu.memory_space<vmem>>) target(%dma_start3A_79 : memref<10240x32xf32, #tpu.memory_space<vmem_shared>>) offsets(%dma_start3A_76 : memref<1024xi32, #tpu.memory_space<vmem>>) semaphore(%run_scoped3A : memref<!tpu.dma_semaphore, #tpu.memory_space<semaphore_mem>>) {add = true}
          %dma_wait3A_80 = arith.constant 0 : i32
          %dma_wait3A_81 = tpu.memref_slice %arg8[%add3A_58, %dma_wait3A_80] : memref<20x1024xi32, #tpu.memory_space<vmem>> -> memref<1x1024xi32, #tpu.memory_space<vmem>>
          %dma_wait3A_82 = tpu.memref_squeeze %dma_wait3A_81 : memref<1x1024xi32, #tpu.memory_space<vmem>> -> memref<1024xi32, #tpu.memory_space<vmem>>
          %dma_wait3A_83 = arith.constant 0 : i32
          %dma_wait3A_84 = arith.constant 0 : i32
          %dma_wait3A_85 = tpu.memref_slice %arg11[%dma_wait3A_83, %dma_wait3A_84] : memref<10240x32xf32, #tpu.memory_space<vmem_shared>> -> memref<10240x32xf32, #tpu.memory_space<vmem_shared>>
          tpu.wait_indirect_dma semaphore(%run_scoped3A : memref<!tpu.dma_semaphore, #tpu.memory_space<semaphore_mem>>) src(%arg10 : memref<1024x32xf32, #tpu.memory_space<vmem>>) dst(%dma_wait3A_85 : memref<10240x32xf32, #tpu.memory_space<vmem_shared>>)
          tpu.yield
        }) : () -> ()
        %scan3A_73 = arith.constant 0 : i32
        scf.yield %scan3A_73 : i32
      }
      %scan3A_38 = arith.constant 10 : i32
    } else {
    }
    %eq3A_9 = arith.constant 1 : i32
    %eq3A_10 = arith.cmpi eq, %arg0, %eq3A_9 : i32
    %convert_element_type3A_11 = arith.extui %eq3A_10 : i1 to i32
    %cond3A_12 = arith.constant 0 : i32
    %cond3A_13 = arith.cmpi ne, %convert_element_type3A_11, %cond3A_12 : i32
    scf.if %cond3A_13 {
      %dma_start3A = arith.constant 0 : i32
      %dma_start3A_26 = arith.constant 0 : i32
      %dma_start3A_27 = tpu.memref_slice %arg7[%dma_start3A, %dma_start3A_26] : memref<20x1024xi32, #tpu.memory_space<vmem>> -> memref<1x1024xi32, #tpu.memory_space<vmem>>
      %dma_start3A_28 = tpu.memref_squeeze %dma_start3A_27 : memref<1x1024xi32, #tpu.memory_space<vmem>> -> memref<1024xi32, #tpu.memory_space<vmem>>
      %dma_start3A_29 = arith.constant 0 : i32
      %dma_start3A_30 = arith.constant 0 : i32
      %dma_start3A_31 = tpu.memref_slice %arg3[%dma_start3A_29, %dma_start3A_30] : memref<10000x32xf32, #tpu.memory_space<hbm>> -> memref<10000x32xf32, #tpu.memory_space<hbm>>
      tpu.enqueue_indirect_dma source(%dma_start3A_31 : memref<10000x32xf32, #tpu.memory_space<hbm>>) target(%arg9 : memref<1024x32xf32, #tpu.memory_space<vmem>>) offsets(%dma_start3A_28 : memref<1024xi32, #tpu.memory_space<vmem>>) semaphore(%arg12 : memref<!tpu.dma_semaphore, #tpu.memory_space<semaphore_mem>>)
      %scan3A_32 = arith.constant 0 : i32
      %scan3A_33 = arith.constant 0 : i32
      %scan3A_34 = arith.constant 10 : i32
      %scan3A_35 = arith.addi %scan3A_33, %scan3A_34 : i32
      %scan3A_36 = arith.constant 1 : i32
      %scan3A_37 = scf.for %scan3A_39 = %scan3A_33 to %scan3A_35 step %scan3A_36 iter_args(%scan3A_40 = %scan3A_32) -> (i32)  : i32 {
        %mul3A_41 = arith.constant 2 : i32
        %mul3A_42 = arith.muli %mul3A_41, %scan3A_39 : i32
        %dma_wait3A = arith.constant 0 : i32
        %dma_wait3A_43 = arith.constant 0 : i32
        %dma_wait3A_44 = tpu.memref_slice %arg7[%dma_wait3A, %dma_wait3A_43] : memref<20x1024xi32, #tpu.memory_space<vmem>> -> memref<1x1024xi32, #tpu.memory_space<vmem>>
        %dma_wait3A_45 = tpu.memref_squeeze %dma_wait3A_44 : memref<1x1024xi32, #tpu.memory_space<vmem>> -> memref<1024xi32, #tpu.memory_space<vmem>>
        %dma_wait3A_46 = arith.constant 0 : i32
        %dma_wait3A_47 = arith.constant 0 : i32
        %dma_wait3A_48 = tpu.memref_slice %arg3[%dma_wait3A_46, %dma_wait3A_47] : memref<10000x32xf32, #tpu.memory_space<hbm>> -> memref<10000x32xf32, #tpu.memory_space<hbm>>
        tpu.wait_indirect_dma semaphore(%arg12 : memref<!tpu.dma_semaphore, #tpu.memory_space<semaphore_mem>>) src(%dma_wait3A_48 : memref<10000x32xf32, #tpu.memory_space<hbm>>) dst(%arg9 : memref<1024x32xf32, #tpu.memory_space<vmem>>)
        %add3A = arith.constant 1 : i32
        %add3A_49 = arith.addi %mul3A_42, %add3A : i32
        %lt3A_50 = arith.constant 20 : i32
        %lt3A_51 = arith.cmpi slt, %add3A_49, %lt3A_50 : i32
        %convert_element_type3A_52 = arith.extui %lt3A_51 : i1 to i32
        %cond3A_53 = arith.constant 0 : i32
        %cond3A_54 = arith.cmpi ne, %convert_element_type3A_52, %cond3A_53 : i32
        scf.if %cond3A_54 {
          %add3A_74 = arith.constant 1 : i32
          %add3A_75 = arith.addi %mul3A_42, %add3A_74 : i32
          %dma_start3A_76 = arith.constant 0 : i32
          %dma_start3A_77 = tpu.memref_slice %arg7[%add3A_75, %dma_start3A_76] : memref<20x1024xi32, #tpu.memory_space<vmem>> -> memref<1x1024xi32, #tpu.memory_space<vmem>>
          %dma_start3A_78 = tpu.memref_squeeze %dma_start3A_77 : memref<1x1024xi32, #tpu.memory_space<vmem>> -> memref<1024xi32, #tpu.memory_space<vmem>>
          %dma_start3A_79 = arith.constant 0 : i32
          %dma_start3A_80 = arith.constant 0 : i32
          %dma_start3A_81 = tpu.memref_slice %arg3[%dma_start3A_79, %dma_start3A_80] : memref<10000x32xf32, #tpu.memory_space<hbm>> -> memref<10000x32xf32, #tpu.memory_space<hbm>>
          tpu.enqueue_indirect_dma source(%dma_start3A_81 : memref<10000x32xf32, #tpu.memory_space<hbm>>) target(%arg10 : memref<1024x32xf32, #tpu.memory_space<vmem>>) offsets(%dma_start3A_78 : memref<1024xi32, #tpu.memory_space<vmem>>) semaphore(%arg12 : memref<!tpu.dma_semaphore, #tpu.memory_space<semaphore_mem>>)
        } else {
        }
        "tpu.region"() ({
          %run_scoped3A = tpu.sem_alloc : memref<!tpu.dma_semaphore, #tpu.memory_space<semaphore_mem>>
          %dma_start3A_74 = arith.constant 0 : i32
          %dma_start3A_75 = tpu.memref_slice %arg8[%mul3A_42, %dma_start3A_74] : memref<20x1024xi32, #tpu.memory_space<vmem>> -> memref<1x1024xi32, #tpu.memory_space<vmem>>
          %dma_start3A_76 = tpu.memref_squeeze %dma_start3A_75 : memref<1x1024xi32, #tpu.memory_space<vmem>> -> memref<1024xi32, #tpu.memory_space<vmem>>
          %dma_start3A_77 = arith.constant 0 : i32
          %dma_start3A_78 = arith.constant 0 : i32
          %dma_start3A_79 = tpu.memref_slice %arg11[%dma_start3A_77, %dma_start3A_78] : memref<10240x32xf32, #tpu.memory_space<vmem_shared>> -> memref<10240x32xf32, #tpu.memory_space<vmem_shared>>
          tpu.enqueue_indirect_dma source(%arg9 : memref<1024x32xf32, #tpu.memory_space<vmem>>) target(%dma_start3A_79 : memref<10240x32xf32, #tpu.memory_space<vmem_shared>>) offsets(%dma_start3A_76 : memref<1024xi32, #tpu.memory_space<vmem>>) semaphore(%run_scoped3A : memref<!tpu.dma_semaphore, #tpu.memory_space<semaphore_mem>>) {add = true}
          %dma_wait3A_80 = arith.constant 0 : i32
          %dma_wait3A_81 = tpu.memref_slice %arg8[%mul3A_42, %dma_wait3A_80] : memref<20x1024xi32, #tpu.memory_space<vmem>> -> memref<1x1024xi32, #tpu.memory_space<vmem>>
          %dma_wait3A_82 = tpu.memref_squeeze %dma_wait3A_81 : memref<1x1024xi32, #tpu.memory_space<vmem>> -> memref<1024xi32, #tpu.memory_space<vmem>>
          %dma_wait3A_83 = arith.constant 0 : i32
          %dma_wait3A_84 = arith.constant 0 : i32
          %dma_wait3A_85 = tpu.memref_slice %arg11[%dma_wait3A_83, %dma_wait3A_84] : memref<10240x32xf32, #tpu.memory_space<vmem_shared>> -> memref<10240x32xf32, #tpu.memory_space<vmem_shared>>
          tpu.wait_indirect_dma semaphore(%run_scoped3A : memref<!tpu.dma_semaphore, #tpu.memory_space<semaphore_mem>>) src(%arg9 : memref<1024x32xf32, #tpu.memory_space<vmem>>) dst(%dma_wait3A_85 : memref<10240x32xf32, #tpu.memory_space<vmem_shared>>)
          tpu.yield
        }) : () -> ()
        %mul3A_55 = arith.constant 2 : i32
        %mul3A_56 = arith.muli %mul3A_55, %scan3A_39 : i32
        %add3A_57 = arith.constant 1 : i32
        %add3A_58 = arith.addi %mul3A_56, %add3A_57 : i32
        %dma_wait3A_59 = arith.constant 0 : i32
        %dma_wait3A_60 = arith.constant 0 : i32
        %dma_wait3A_61 = tpu.memref_slice %arg7[%dma_wait3A_59, %dma_wait3A_60] : memref<20x1024xi32, #tpu.memory_space<vmem>> -> memref<1x1024xi32, #tpu.memory_space<vmem>>
        %dma_wait3A_62 = tpu.memref_squeeze %dma_wait3A_61 : memref<1x1024xi32, #tpu.memory_space<vmem>> -> memref<1024xi32, #tpu.memory_space<vmem>>
        %dma_wait3A_63 = arith.constant 0 : i32
        %dma_wait3A_64 = arith.constant 0 : i32
        %dma_wait3A_65 = tpu.memref_slice %arg3[%dma_wait3A_63, %dma_wait3A_64] : memref<10000x32xf32, #tpu.memory_space<hbm>> -> memref<10000x32xf32, #tpu.memory_space<hbm>>
        tpu.wait_indirect_dma semaphore(%arg12 : memref<!tpu.dma_semaphore, #tpu.memory_space<semaphore_mem>>) src(%dma_wait3A_65 : memref<10000x32xf32, #tpu.memory_space<hbm>>) dst(%arg9 : memref<1024x32xf32, #tpu.memory_space<vmem>>)
        %add3A_66 = arith.constant 1 : i32
        %add3A_67 = arith.addi %add3A_58, %add3A_66 : i32
        %lt3A_68 = arith.constant 20 : i32
        %lt3A_69 = arith.cmpi slt, %add3A_67, %lt3A_68 : i32
        %convert_element_type3A_70 = arith.extui %lt3A_69 : i1 to i32
        %cond3A_71 = arith.constant 0 : i32
        %cond3A_72 = arith.cmpi ne, %convert_element_type3A_70, %cond3A_71 : i32
        scf.if %cond3A_72 {
          %add3A_74 = arith.constant 1 : i32
          %add3A_75 = arith.addi %add3A_58, %add3A_74 : i32
          %dma_start3A_76 = arith.constant 0 : i32
          %dma_start3A_77 = tpu.memref_slice %arg7[%add3A_75, %dma_start3A_76] : memref<20x1024xi32, #tpu.memory_space<vmem>> -> memref<1x1024xi32, #tpu.memory_space<vmem>>
          %dma_start3A_78 = tpu.memref_squeeze %dma_start3A_77 : memref<1x1024xi32, #tpu.memory_space<vmem>> -> memref<1024xi32, #tpu.memory_space<vmem>>
          %dma_start3A_79 = arith.constant 0 : i32
          %dma_start3A_80 = arith.constant 0 : i32
          %dma_start3A_81 = tpu.memref_slice %arg3[%dma_start3A_79, %dma_start3A_80] : memref<10000x32xf32, #tpu.memory_space<hbm>> -> memref<10000x32xf32, #tpu.memory_space<hbm>>
          tpu.enqueue_indirect_dma source(%dma_start3A_81 : memref<10000x32xf32, #tpu.memory_space<hbm>>) target(%arg9 : memref<1024x32xf32, #tpu.memory_space<vmem>>) offsets(%dma_start3A_78 : memref<1024xi32, #tpu.memory_space<vmem>>) semaphore(%arg12 : memref<!tpu.dma_semaphore, #tpu.memory_space<semaphore_mem>>)
        } else {
        }
        "tpu.region"() ({
          %run_scoped3A = tpu.sem_alloc : memref<!tpu.dma_semaphore, #tpu.memory_space<semaphore_mem>>
          %dma_start3A_74 = arith.constant 0 : i32
          %dma_start3A_75 = tpu.memref_slice %arg8[%add3A_58, %dma_start3A_74] : memref<20x1024xi32, #tpu.memory_space<vmem>> -> memref<1x1024xi32, #tpu.memory_space<vmem>>
          %dma_start3A_76 = tpu.memref_squeeze %dma_start3A_75 : memref<1x1024xi32, #tpu.memory_space<vmem>> -> memref<1024xi32, #tpu.memory_space<vmem>>
          %dma_start3A_77 = arith.constant 0 : i32
          %dma_start3A_78 = arith.constant 0 : i32
          %dma_start3A_79 = tpu.memref_slice %arg11[%dma_start3A_77, %dma_start3A_78] : memref<10240x32xf32, #tpu.memory_space<vmem_shared>> -> memref<10240x32xf32, #tpu.memory_space<vmem_shared>>
          tpu.enqueue_indirect_dma source(%arg10 : memref<1024x32xf32, #tpu.memory_space<vmem>>) target(%dma_start3A_79 : memref<10240x32xf32, #tpu.memory_space<vmem_shared>>) offsets(%dma_start3A_76 : memref<1024xi32, #tpu.memory_space<vmem>>) semaphore(%run_scoped3A : memref<!tpu.dma_semaphore, #tpu.memory_space<semaphore_mem>>) {add = true}
          %dma_wait3A_80 = arith.constant 0 : i32
          %dma_wait3A_81 = tpu.memref_slice %arg8[%add3A_58, %dma_wait3A_80] : memref<20x1024xi32, #tpu.memory_space<vmem>> -> memref<1x1024xi32, #tpu.memory_space<vmem>>
          %dma_wait3A_82 = tpu.memref_squeeze %dma_wait3A_81 : memref<1x1024xi32, #tpu.memory_space<vmem>> -> memref<1024xi32, #tpu.memory_space<vmem>>
          %dma_wait3A_83 = arith.constant 0 : i32
          %dma_wait3A_84 = arith.constant 0 : i32
          %dma_wait3A_85 = tpu.memref_slice %arg11[%dma_wait3A_83, %dma_wait3A_84] : memref<10240x32xf32, #tpu.memory_space<vmem_shared>> -> memref<10240x32xf32, #tpu.memory_space<vmem_shared>>
          tpu.wait_indirect_dma semaphore(%run_scoped3A : memref<!tpu.dma_semaphore, #tpu.memory_space<semaphore_mem>>) src(%arg10 : memref<1024x32xf32, #tpu.memory_space<vmem>>) dst(%dma_wait3A_85 : memref<10240x32xf32, #tpu.memory_space<vmem_shared>>)
          tpu.yield
        }) : () -> ()
        %scan3A_73 = arith.constant 0 : i32
        scf.yield %scan3A_73 : i32
      }
      %scan3A_38 = arith.constant 10 : i32
    } else {
    }
    %barrier3A_14 = arith.constant 0 : index
    tpu.barrier barrier_id(%barrier3A_14)
    %mul3A_15 = arith.constant 640 : i32
    %mul3A_16 = arith.muli %arg1, %mul3A_15 : i32
    %lt3A = arith.constant 15 : i32
    %lt3A_17 = arith.cmpi slt, %arg1, %lt3A : i32
    %convert_element_type3A_18 = arith.extui %lt3A_17 : i1 to i32
    %cond3A_19 = arith.constant 0 : i32
    %cond3A_20 = arith.cmpi ne, %convert_element_type3A_18, %cond3A_19 : i32
    scf.if %cond3A_20 {
      "tpu.region"() ({
        %run_scoped3A = tpu.sem_alloc : memref<!tpu.dma_semaphore, #tpu.memory_space<semaphore_mem>>
        %dma_start3A = arith.constant 0 : i32
        %dma_start3A_26 = arith.constant 0 : i32
        %dma_start3A_27 = tpu.memref_slice %arg9[%dma_start3A, %dma_start3A_26] : memref<1024x32xf32, #tpu.memory_space<vmem>> -> memref<640x32xf32, #tpu.memory_space<vmem>>
        %dma_start3A_28 = arith.constant 0 : i32
        %dma_start3A_29 = tpu.memref_slice %arg11[%mul3A_16, %dma_start3A_28] : memref<10240x32xf32, #tpu.memory_space<vmem_shared>> -> memref<640x32xf32, #tpu.memory_space<vmem_shared>>
        %dma_start3A_30 = arith.constant 0 : i32
        %dma_start3A_31 = arith.constant 0 : i32
        %dma_start3A_32 = tpu.memref_slice %arg9[%dma_start3A_30, %dma_start3A_31] : memref<1024x32xf32, #tpu.memory_space<vmem>> -> memref<640x32xf32, #tpu.memory_space<vmem>>
        %dma_start3A_33 = arith.constant 0 : i32
        %dma_start3A_34 = tpu.memref_slice %arg11[%mul3A_16, %dma_start3A_33] : memref<10240x32xf32, #tpu.memory_space<vmem_shared>> -> memref<640x32xf32, #tpu.memory_space<vmem_shared>>
        tpu.enqueue_dma source(%dma_start3A_34 : memref<640x32xf32, #tpu.memory_space<vmem_shared>>) target(%dma_start3A_32 : memref<640x32xf32, #tpu.memory_space<vmem>>) target_semaphore(%run_scoped3A : memref<!tpu.dma_semaphore, #tpu.memory_space<semaphore_mem>>)
        %dma_wait3A = arith.constant 0 : i32
        %dma_wait3A_35 = arith.constant 0 : i32
        %dma_wait3A_36 = tpu.memref_slice %arg9[%dma_wait3A, %dma_wait3A_35] : memref<1024x32xf32, #tpu.memory_space<vmem>> -> memref<640x32xf32, #tpu.memory_space<vmem>>
        %dma_wait3A_37 = arith.constant 0 : i32
        %dma_wait3A_38 = tpu.memref_slice %arg11[%mul3A_16, %dma_wait3A_37] : memref<10240x32xf32, #tpu.memory_space<vmem_shared>> -> memref<640x32xf32, #tpu.memory_space<vmem_shared>>
        %dma_wait3A_39 = arith.constant 0 : i32
        %dma_wait3A_40 = arith.constant 0 : i32
        %dma_wait3A_41 = tpu.memref_slice %arg9[%dma_wait3A_39, %dma_wait3A_40] : memref<1024x32xf32, #tpu.memory_space<vmem>> -> memref<640x32xf32, #tpu.memory_space<vmem>>
        %dma_wait3A_42 = arith.constant 0 : i32
        %dma_wait3A_43 = tpu.memref_slice %arg11[%mul3A_16, %dma_wait3A_42] : memref<10240x32xf32, #tpu.memory_space<vmem_shared>> -> memref<640x32xf32, #tpu.memory_space<vmem_shared>>
        tpu.wait_dma2 semaphore(%run_scoped3A : memref<!tpu.dma_semaphore, #tpu.memory_space<semaphore_mem>>) src(%dma_wait3A_43 : memref<640x32xf32, #tpu.memory_space<vmem_shared>>) dst(%dma_wait3A_41 : memref<640x32xf32, #tpu.memory_space<vmem>>)
        tpu.yield
      }) : () -> ()
      "tpu.region"() ({
        %run_scoped3A = tpu.sem_alloc : memref<!tpu.dma_semaphore, #tpu.memory_space<semaphore_mem>>
        %dma_start3A = arith.constant 0 : i32
        %dma_start3A_26 = arith.constant 0 : i32
        %dma_start3A_27 = tpu.memref_slice %arg9[%dma_start3A, %dma_start3A_26] : memref<1024x32xf32, #tpu.memory_space<vmem>> -> memref<640x32xf32, #tpu.memory_space<vmem>>
        %dma_start3A_28 = arith.constant 0 : i32
        %dma_start3A_29 = tpu.memref_slice %arg6[%arg0, %mul3A_16, %dma_start3A_28] : memref<2x10000x32xf32, #tpu.memory_space<hbm>> -> memref<1x640x32xf32, #tpu.memory_space<hbm>>
        %dma_start3A_30 = tpu.memref_squeeze %dma_start3A_29 : memref<1x640x32xf32, #tpu.memory_space<hbm>> -> memref<640x32xf32, #tpu.memory_space<hbm>>
        %dma_start3A_31 = arith.constant 0 : i32
        %dma_start3A_32 = tpu.memref_slice %arg6[%arg0, %mul3A_16, %dma_start3A_31] : memref<2x10000x32xf32, #tpu.memory_space<hbm>> -> memref<1x640x32xf32, #tpu.memory_space<hbm>>
        %dma_start3A_33 = tpu.memref_squeeze %dma_start3A_32 : memref<1x640x32xf32, #tpu.memory_space<hbm>> -> memref<640x32xf32, #tpu.memory_space<hbm>>
        %dma_start3A_34 = arith.constant 0 : i32
        %dma_start3A_35 = arith.constant 0 : i32
        %dma_start3A_36 = tpu.memref_slice %arg9[%dma_start3A_34, %dma_start3A_35] : memref<1024x32xf32, #tpu.memory_space<vmem>> -> memref<640x32xf32, #tpu.memory_space<vmem>>
        tpu.enqueue_dma source(%dma_start3A_36 : memref<640x32xf32, #tpu.memory_space<vmem>>) target(%dma_start3A_33 : memref<640x32xf32, #tpu.memory_space<hbm>>) target_semaphore(%run_scoped3A : memref<!tpu.dma_semaphore, #tpu.memory_space<semaphore_mem>>)
        %dma_wait3A = arith.constant 0 : i32
        %dma_wait3A_37 = arith.constant 0 : i32
        %dma_wait3A_38 = tpu.memref_slice %arg9[%dma_wait3A, %dma_wait3A_37] : memref<1024x32xf32, #tpu.memory_space<vmem>> -> memref<640x32xf32, #tpu.memory_space<vmem>>
        %dma_wait3A_39 = arith.constant 0 : i32
        %dma_wait3A_40 = tpu.memref_slice %arg6[%arg0, %mul3A_16, %dma_wait3A_39] : memref<2x10000x32xf32, #tpu.memory_space<hbm>> -> memref<1x640x32xf32, #tpu.memory_space<hbm>>
        %dma_wait3A_41 = tpu.memref_squeeze %dma_wait3A_40 : memref<1x640x32xf32, #tpu.memory_space<hbm>> -> memref<640x32xf32, #tpu.memory_space<hbm>>
        %dma_wait3A_42 = arith.constant 0 : i32
        %dma_wait3A_43 = tpu.memref_slice %arg6[%arg0, %mul3A_16, %dma_wait3A_42] : memref<2x10000x32xf32, #tpu.memory_space<hbm>> -> memref<1x640x32xf32, #tpu.memory_space<hbm>>
        %dma_wait3A_44 = tpu.memref_squeeze %dma_wait3A_43 : memref<1x640x32xf32, #tpu.memory_space<hbm>> -> memref<640x32xf32, #tpu.memory_space<hbm>>
        %dma_wait3A_45 = arith.constant 0 : i32
        %dma_wait3A_46 = arith.constant 0 : i32
        %dma_wait3A_47 = tpu.memref_slice %arg9[%dma_wait3A_45, %dma_wait3A_46] : memref<1024x32xf32, #tpu.memory_space<vmem>> -> memref<640x32xf32, #tpu.memory_space<vmem>>
        tpu.wait_dma2 semaphore(%run_scoped3A : memref<!tpu.dma_semaphore, #tpu.memory_space<semaphore_mem>>) src(%dma_wait3A_47 : memref<640x32xf32, #tpu.memory_space<vmem>>) dst(%dma_wait3A_44 : memref<640x32xf32, #tpu.memory_space<hbm>>)
        tpu.yield
      }) : () -> ()
    } else {
    }
    %eq3A_21 = arith.constant 15 : i32
    %eq3A_22 = arith.cmpi eq, %arg1, %eq3A_21 : i32
    %convert_element_type3A_23 = arith.extui %eq3A_22 : i1 to i32
    %cond3A_24 = arith.constant 0 : i32
    %cond3A_25 = arith.cmpi ne, %convert_element_type3A_23, %cond3A_24 : i32
    scf.if %cond3A_25 {
      "tpu.region"() ({
        %run_scoped3A = tpu.sem_alloc : memref<!tpu.dma_semaphore, #tpu.memory_space<semaphore_mem>>
        %dma_start3A = arith.constant 0 : i32
        %dma_start3A_26 = arith.constant 0 : i32
        %dma_start3A_27 = tpu.memref_slice %arg9[%dma_start3A, %dma_start3A_26] : memref<1024x32xf32, #tpu.memory_space<vmem>> -> memref<400x32xf32, #tpu.memory_space<vmem>>
        %dma_start3A_28 = arith.constant 0 : i32
        %dma_start3A_29 = tpu.memref_slice %arg11[%mul3A_16, %dma_start3A_28] : memref<10240x32xf32, #tpu.memory_space<vmem_shared>> -> memref<400x32xf32, #tpu.memory_space<vmem_shared>>
        %dma_start3A_30 = arith.constant 0 : i32
        %dma_start3A_31 = arith.constant 0 : i32
        %dma_start3A_32 = tpu.memref_slice %arg9[%dma_start3A_30, %dma_start3A_31] : memref<1024x32xf32, #tpu.memory_space<vmem>> -> memref<400x32xf32, #tpu.memory_space<vmem>>
        %dma_start3A_33 = arith.constant 0 : i32
        %dma_start3A_34 = tpu.memref_slice %arg11[%mul3A_16, %dma_start3A_33] : memref<10240x32xf32, #tpu.memory_space<vmem_shared>> -> memref<400x32xf32, #tpu.memory_space<vmem_shared>>
        tpu.enqueue_dma source(%dma_start3A_34 : memref<400x32xf32, #tpu.memory_space<vmem_shared>>) target(%dma_start3A_32 : memref<400x32xf32, #tpu.memory_space<vmem>>) target_semaphore(%run_scoped3A : memref<!tpu.dma_semaphore, #tpu.memory_space<semaphore_mem>>)
        %dma_wait3A = arith.constant 0 : i32
        %dma_wait3A_35 = arith.constant 0 : i32
        %dma_wait3A_36 = tpu.memref_slice %arg9[%dma_wait3A, %dma_wait3A_35] : memref<1024x32xf32, #tpu.memory_space<vmem>> -> memref<400x32xf32, #tpu.memory_space<vmem>>
        %dma_wait3A_37 = arith.constant 0 : i32
        %dma_wait3A_38 = tpu.memref_slice %arg11[%mul3A_16, %dma_wait3A_37] : memref<10240x32xf32, #tpu.memory_space<vmem_shared>> -> memref<400x32xf32, #tpu.memory_space<vmem_shared>>
        %dma_wait3A_39 = arith.constant 0 : i32
        %dma_wait3A_40 = arith.constant 0 : i32
        %dma_wait3A_41 = tpu.memref_slice %arg9[%dma_wait3A_39, %dma_wait3A_40] : memref<1024x32xf32, #tpu.memory_space<vmem>> -> memref<400x32xf32, #tpu.memory_space<vmem>>
        %dma_wait3A_42 = arith.constant 0 : i32
        %dma_wait3A_43 = tpu.memref_slice %arg11[%mul3A_16, %dma_wait3A_42] : memref<10240x32xf32, #tpu.memory_space<vmem_shared>> -> memref<400x32xf32, #tpu.memory_space<vmem_shared>>
        tpu.wait_dma2 semaphore(%run_scoped3A : memref<!tpu.dma_semaphore, #tpu.memory_space<semaphore_mem>>) src(%dma_wait3A_43 : memref<400x32xf32, #tpu.memory_space<vmem_shared>>) dst(%dma_wait3A_41 : memref<400x32xf32, #tpu.memory_space<vmem>>)
        tpu.yield
      }) : () -> ()
      "tpu.region"() ({
        %run_scoped3A = tpu.sem_alloc : memref<!tpu.dma_semaphore, #tpu.memory_space<semaphore_mem>>
        %dma_start3A = arith.constant 0 : i32
        %dma_start3A_26 = arith.constant 0 : i32
        %dma_start3A_27 = tpu.memref_slice %arg9[%dma_start3A, %dma_start3A_26] : memref<1024x32xf32, #tpu.memory_space<vmem>> -> memref<400x32xf32, #tpu.memory_space<vmem>>
        %dma_start3A_28 = arith.constant 0 : i32
        %dma_start3A_29 = tpu.memref_slice %arg6[%arg0, %mul3A_16, %dma_start3A_28] : memref<2x10000x32xf32, #tpu.memory_space<hbm>> -> memref<1x400x32xf32, #tpu.memory_space<hbm>>
        %dma_start3A_30 = tpu.memref_squeeze %dma_start3A_29 : memref<1x400x32xf32, #tpu.memory_space<hbm>> -> memref<400x32xf32, #tpu.memory_space<hbm>>
        %dma_start3A_31 = arith.constant 0 : i32
        %dma_start3A_32 = tpu.memref_slice %arg6[%arg0, %mul3A_16, %dma_start3A_31] : memref<2x10000x32xf32, #tpu.memory_space<hbm>> -> memref<1x400x32xf32, #tpu.memory_space<hbm>>
        %dma_start3A_33 = tpu.memref_squeeze %dma_start3A_32 : memref<1x400x32xf32, #tpu.memory_space<hbm>> -> memref<400x32xf32, #tpu.memory_space<hbm>>
        %dma_start3A_34 = arith.constant 0 : i32
        %dma_start3A_35 = arith.constant 0 : i32
        %dma_start3A_36 = tpu.memref_slice %arg9[%dma_start3A_34, %dma_start3A_35] : memref<1024x32xf32, #tpu.memory_space<vmem>> -> memref<400x32xf32, #tpu.memory_space<vmem>>
        tpu.enqueue_dma source(%dma_start3A_36 : memref<400x32xf32, #tpu.memory_space<vmem>>) target(%dma_start3A_33 : memref<400x32xf32, #tpu.memory_space<hbm>>) target_semaphore(%run_scoped3A : memref<!tpu.dma_semaphore, #tpu.memory_space<semaphore_mem>>)
        %dma_wait3A = arith.constant 0 : i32
        %dma_wait3A_37 = arith.constant 0 : i32
        %dma_wait3A_38 = tpu.memref_slice %arg9[%dma_wait3A, %dma_wait3A_37] : memref<1024x32xf32, #tpu.memory_space<vmem>> -> memref<400x32xf32, #tpu.memory_space<vmem>>
        %dma_wait3A_39 = arith.constant 0 : i32
        %dma_wait3A_40 = tpu.memref_slice %arg6[%arg0, %mul3A_16, %dma_wait3A_39] : memref<2x10000x32xf32, #tpu.memory_space<hbm>> -> memref<1x400x32xf32, #tpu.memory_space<hbm>>
        %dma_wait3A_41 = tpu.memref_squeeze %dma_wait3A_40 : memref<1x400x32xf32, #tpu.memory_space<hbm>> -> memref<400x32xf32, #tpu.memory_space<hbm>>
        %dma_wait3A_42 = arith.constant 0 : i32
        %dma_wait3A_43 = tpu.memref_slice %arg6[%arg0, %mul3A_16, %dma_wait3A_42] : memref<2x10000x32xf32, #tpu.memory_space<hbm>> -> memref<1x400x32xf32, #tpu.memory_space<hbm>>
        %dma_wait3A_44 = tpu.memref_squeeze %dma_wait3A_43 : memref<1x400x32xf32, #tpu.memory_space<hbm>> -> memref<400x32xf32, #tpu.memory_space<hbm>>
        %dma_wait3A_45 = arith.constant 0 : i32
        %dma_wait3A_46 = arith.constant 0 : i32
        %dma_wait3A_47 = tpu.memref_slice %arg9[%dma_wait3A_45, %dma_wait3A_46] : memref<1024x32xf32, #tpu.memory_space<vmem>> -> memref<400x32xf32, #tpu.memory_space<vmem>>
        tpu.wait_dma2 semaphore(%run_scoped3A : memref<!tpu.dma_semaphore, #tpu.memory_space<semaphore_mem>>) src(%dma_wait3A_47 : memref<400x32xf32, #tpu.memory_space<vmem>>) dst(%dma_wait3A_44 : memref<400x32xf32, #tpu.memory_space<hbm>>)
        tpu.yield
      }) : () -> ()
    } else {
    }
    return
  }
}

#map = affine_map<(d0, d1) -> (0, 0)>
#map1 = affine_map<(d0, d1) -> (0, 0, 0)>
module attributes {stable_mosaic.version = 14 : i64} {
  func.func @k(%arg0: i32, %arg1: i32, %arg2: memref<10000x32xf32, #tpu.memory_space<hbm>>, %arg3: memref<10000x32xf32, #tpu.memory_space<hbm>>, %arg4: memref<16x20x1024xi32, #tpu.memory_space<hbm>>, %arg5: memref<16x20x1024xi32, #tpu.memory_space<hbm>>, %arg6: memref<2x10000x32xf32, #tpu.memory_space<hbm>>, %arg7: memref<20x1024xi32, #tpu.memory_space<vmem>>, %arg8: memref<20x1024xi32, #tpu.memory_space<vmem>>, %arg9: memref<1024x32xf32, #tpu.memory_space<vmem>>, %arg10: memref<1024x32xf32, #tpu.memory_space<vmem>>, %arg11: memref<10240x32xf32, #tpu.memory_space<vmem_shared>>, %arg12: memref<!tpu.dma_semaphore, #tpu.memory_space<semaphore_mem>>, %arg13: memref<!tpu.dma_semaphore, #tpu.memory_space<semaphore_mem>>) attributes {dimension_semantics = [#tpu.dimension_semantics<core_parallel>, #tpu.dimension_semantics<subcore_parallel>], iteration_bounds = array<i64: 2, 16>, scalar_prefetch = 0 : i64, scratch_operands = 7 : i64, tpu.core_type = #tpu.core_type<sc_vector_subcore>, window_params = [{transform_indices = #map}, {transform_indices = #map}, {transform_indices = #map1}, {transform_indices = #map1}, {transform_indices = #map1}]} {
    "tpu.region"() ({
      %run_scoped3A = tpu.sem_alloc : memref<!tpu.dma_semaphore, #tpu.memory_space<semaphore_mem>>
      %dma_start3A = arith.constant 0 : i32
      %dma_start3A_26 = arith.constant 0 : i32
      %dma_start3A_27 = tpu.memref_slice %arg4[%arg1, %dma_start3A, %dma_start3A_26] : memref<16x20x1024xi32, #tpu.memory_space<hbm>> -> memref<1x20x1024xi32, #tpu.memory_space<hbm>>
      %dma_start3A_28 = tpu.memref_squeeze %dma_start3A_27 : memref<1x20x1024xi32, #tpu.memory_space<hbm>> -> memref<20x1024xi32, #tpu.memory_space<hbm>>
      %dma_start3A_29 = arith.constant 0 : i32
      %dma_start3A_30 = arith.constant 0 : i32
      %dma_start3A_31 = tpu.memref_slice %arg4[%arg1, %dma_start3A_29, %dma_start3A_30] : memref<16x20x1024xi32, #tpu.memory_space<hbm>> -> memref<1x20x1024xi32, #tpu.memory_space<hbm>>
      %dma_start3A_32 = tpu.memref_squeeze %dma_start3A_31 : memref<1x20x1024xi32, #tpu.memory_space<hbm>> -> memref<20x1024xi32, #tpu.memory_space<hbm>>
      tpu.enqueue_dma source(%dma_start3A_32 : memref<20x1024xi32, #tpu.memory_space<hbm>>) target(%arg7 : memref<20x1024xi32, #tpu.memory_space<vmem>>) target_semaphore(%run_scoped3A : memref<!tpu.dma_semaphore, #tpu.memory_space<semaphore_mem>>)
      %dma_wait3A = arith.constant 0 : i32
      %dma_wait3A_33 = arith.constant 0 : i32
      %dma_wait3A_34 = tpu.memref_slice %arg4[%arg1, %dma_wait3A, %dma_wait3A_33] : memref<16x20x1024xi32, #tpu.memory_space<hbm>> -> memref<1x20x1024xi32, #tpu.memory_space<hbm>>
      %dma_wait3A_35 = tpu.memref_squeeze %dma_wait3A_34 : memref<1x20x1024xi32, #tpu.memory_space<hbm>> -> memref<20x1024xi32, #tpu.memory_space<hbm>>
      %dma_wait3A_36 = arith.constant 0 : i32
      %dma_wait3A_37 = arith.constant 0 : i32
      %dma_wait3A_38 = tpu.memref_slice %arg4[%arg1, %dma_wait3A_36, %dma_wait3A_37] : memref<16x20x1024xi32, #tpu.memory_space<hbm>> -> memref<1x20x1024xi32, #tpu.memory_space<hbm>>
      %dma_wait3A_39 = tpu.memref_squeeze %dma_wait3A_38 : memref<1x20x1024xi32, #tpu.memory_space<hbm>> -> memref<20x1024xi32, #tpu.memory_space<hbm>>
      tpu.wait_dma2 semaphore(%run_scoped3A : memref<!tpu.dma_semaphore, #tpu.memory_space<semaphore_mem>>) src(%dma_wait3A_39 : memref<20x1024xi32, #tpu.memory_space<hbm>>) dst(%arg7 : memref<20x1024xi32, #tpu.memory_space<vmem>>)
      tpu.yield
    }) : () -> ()
    "tpu.region"() ({
      %run_scoped3A = tpu.sem_alloc : memref<!tpu.dma_semaphore, #tpu.memory_space<semaphore_mem>>
      %dma_start3A = arith.constant 0 : i32
      %dma_start3A_26 = arith.constant 0 : i32
      %dma_start3A_27 = tpu.memref_slice %arg5[%arg1, %dma_start3A, %dma_start3A_26] : memref<16x20x1024xi32, #tpu.memory_space<hbm>> -> memref<1x20x1024xi32, #tpu.memory_space<hbm>>
      %dma_start3A_28 = tpu.memref_squeeze %dma_start3A_27 : memref<1x20x1024xi32, #tpu.memory_space<hbm>> -> memref<20x1024xi32, #tpu.memory_space<hbm>>
      %dma_start3A_29 = arith.constant 0 : i32
      %dma_start3A_30 = arith.constant 0 : i32
      %dma_start3A_31 = tpu.memref_slice %arg5[%arg1, %dma_start3A_29, %dma_start3A_30] : memref<16x20x1024xi32, #tpu.memory_space<hbm>> -> memref<1x20x1024xi32, #tpu.memory_space<hbm>>
      %dma_start3A_32 = tpu.memref_squeeze %dma_start3A_31 : memref<1x20x1024xi32, #tpu.memory_space<hbm>> -> memref<20x1024xi32, #tpu.memory_space<hbm>>
      tpu.enqueue_dma source(%dma_start3A_32 : memref<20x1024xi32, #tpu.memory_space<hbm>>) target(%arg8 : memref<20x1024xi32, #tpu.memory_space<vmem>>) target_semaphore(%run_scoped3A : memref<!tpu.dma_semaphore, #tpu.memory_space<semaphore_mem>>)
      %dma_wait3A = arith.constant 0 : i32
      %dma_wait3A_33 = arith.constant 0 : i32
      %dma_wait3A_34 = tpu.memref_slice %arg5[%arg1, %dma_wait3A, %dma_wait3A_33] : memref<16x20x1024xi32, #tpu.memory_space<hbm>> -> memref<1x20x1024xi32, #tpu.memory_space<hbm>>
      %dma_wait3A_35 = tpu.memref_squeeze %dma_wait3A_34 : memref<1x20x1024xi32, #tpu.memory_space<hbm>> -> memref<20x1024xi32, #tpu.memory_space<hbm>>
      %dma_wait3A_36 = arith.constant 0 : i32
      %dma_wait3A_37 = arith.constant 0 : i32
      %dma_wait3A_38 = tpu.memref_slice %arg5[%arg1, %dma_wait3A_36, %dma_wait3A_37] : memref<16x20x1024xi32, #tpu.memory_space<hbm>> -> memref<1x20x1024xi32, #tpu.memory_space<hbm>>
      %dma_wait3A_39 = tpu.memref_squeeze %dma_wait3A_38 : memref<1x20x1024xi32, #tpu.memory_space<hbm>> -> memref<20x1024xi32, #tpu.memory_space<hbm>>
      tpu.wait_dma2 semaphore(%run_scoped3A : memref<!tpu.dma_semaphore, #tpu.memory_space<semaphore_mem>>) src(%dma_wait3A_39 : memref<20x1024xi32, #tpu.memory_space<hbm>>) dst(%arg8 : memref<20x1024xi32, #tpu.memory_space<vmem>>)
      tpu.yield
    }) : () -> ()
    %scan3A = arith.constant 0 : i32
    %scan3A_0 = arith.constant 0 : i32
    %scan3A_1 = arith.constant 640 : i32
    %scan3A_2 = arith.addi %scan3A_0, %scan3A_1 : i32
    %scan3A_3 = arith.constant 1 : i32
    %scan3A_4 = scf.for %scan3A_26 = %scan3A_0 to %scan3A_2 step %scan3A_3 iter_args(%scan3A_27 = %scan3A) -> (i32)  : i32 {
      %broadcast_in_dim3A = arith.constant 0.000000e+00 : f32
      %broadcast_in_dim3A_28 = vector.broadcast %broadcast_in_dim3A : f32 to vector<16xf32>
      %swap3A = arith.index_cast %scan3A_26 : i32 to index
      %swap3A_29 = arith.constant 0 : index
      %swap3A_30 = tpu.vector_load %arg9[%swap3A, %swap3A_29] {strides = array<i32>} : memref<1024x32xf32, #tpu.memory_space<vmem>>, vector<1x16xf32>,
      %swap3A_31 = vector.shape_cast %swap3A_30 : vector<1x16xf32> to vector<16xf32>
      %swap3A_32 = vector.shape_cast %broadcast_in_dim3A_28 : vector<16xf32> to vector<1x16xf32>
      tpu.vector_store %arg9[%swap3A, %swap3A_29], %swap3A_32 {strides = array<i32>} : memref<1024x32xf32, #tpu.memory_space<vmem>>, vector<1x16xf32>,
      %broadcast_in_dim3A_33 = arith.constant 0.000000e+00 : f32
      %broadcast_in_dim3A_34 = vector.broadcast %broadcast_in_dim3A_33 : f32 to vector<16xf32>
      %swap3A_35 = arith.index_cast %scan3A_26 : i32 to index
      %swap3A_36 = arith.constant 16 : index
      %swap3A_37 = tpu.vector_load %arg9[%swap3A_35, %swap3A_36] {strides = array<i32>} : memref<1024x32xf32, #tpu.memory_space<vmem>>, vector<1x16xf32>,
      %swap3A_38 = vector.shape_cast %swap3A_37 : vector<1x16xf32> to vector<16xf32>
      %swap3A_39 = vector.shape_cast %broadcast_in_dim3A_34 : vector<16xf32> to vector<1x16xf32>
      tpu.vector_store %arg9[%swap3A_35, %swap3A_36], %swap3A_39 {strides = array<i32>} : memref<1024x32xf32, #tpu.memory_space<vmem>>, vector<1x16xf32>,
      %scan3A_40 = arith.constant 0 : i32
      scf.yield %scan3A_40 : i32
    }
    %scan3A_5 = arith.constant 640 : i32
    %mul3A = arith.constant 640 : i32
    %mul3A_6 = arith.muli %arg1, %mul3A : i32
    "tpu.region"() ({
      %run_scoped3A = tpu.sem_alloc : memref<!tpu.dma_semaphore, #tpu.memory_space<semaphore_mem>>
      %dma_start3A = arith.constant 0 : i32
      %dma_start3A_26 = arith.constant 0 : i32
      %dma_start3A_27 = tpu.memref_slice %arg9[%dma_start3A, %dma_start3A_26] : memref<1024x32xf32, #tpu.memory_space<vmem>> -> memref<640x32xf32, #tpu.memory_space<vmem>>
      %dma_start3A_28 = arith.constant 0 : i32
      %dma_start3A_29 = tpu.memref_slice %arg11[%mul3A_6, %dma_start3A_28] : memref<10240x32xf32, #tpu.memory_space<vmem_shared>> -> memref<640x32xf32, #tpu.memory_space<vmem_shared>>
      %dma_start3A_30 = arith.constant 0 : i32
      %dma_start3A_31 = tpu.memref_slice %arg11[%mul3A_6, %dma_start3A_30] : memref<10240x32xf32, #tpu.memory_space<vmem_shared>> -> memref<640x32xf32, #tpu.memory_space<vmem_shared>>
      %dma_start3A_32 = arith.constant 0 : i32
      %dma_start3A_33 = arith.constant 0 : i32
      %dma_start3A_34 = tpu.memref_slice %arg9[%dma_start3A_32, %dma_start3A_33] : memref<1024x32xf32, #tpu.memory_space<vmem>> -> memref<640x32xf32, #tpu.memory_space<vmem>>
      tpu.enqueue_dma source(%dma_start3A_34 : memref<640x32xf32, #tpu.memory_space<vmem>>) target(%dma_start3A_31 : memref<640x32xf32, #tpu.memory_space<vmem_shared>>) target_semaphore(%run_scoped3A : memref<!tpu.dma_semaphore, #tpu.memory_space<semaphore_mem>>)
      %dma_wait3A = arith.constant 0 : i32
      %dma_wait3A_35 = arith.constant 0 : i32
      %dma_wait3A_36 = tpu.memref_slice %arg9[%dma_wait3A, %dma_wait3A_35] : memref<1024x32xf32, #tpu.memory_space<vmem>> -> memref<640x32xf32, #tpu.memory_space<vmem>>
      %dma_wait3A_37 = arith.constant 0 : i32
      %dma_wait3A_38 = tpu.memref_slice %arg11[%mul3A_6, %dma_wait3A_37] : memref<10240x32xf32, #tpu.memory_space<vmem_shared>> -> memref<640x32xf32, #tpu.memory_space<vmem_shared>>
      %dma_wait3A_39 = arith.constant 0 : i32
      %dma_wait3A_40 = tpu.memref_slice %arg11[%mul3A_6, %dma_wait3A_39] : memref<10240x32xf32, #tpu.memory_space<vmem_shared>> -> memref<640x32xf32, #tpu.memory_space<vmem_shared>>
      %dma_wait3A_41 = arith.constant 0 : i32
      %dma_wait3A_42 = arith.constant 0 : i32
      %dma_wait3A_43 = tpu.memref_slice %arg9[%dma_wait3A_41, %dma_wait3A_42] : memref<1024x32xf32, #tpu.memory_space<vmem>> -> memref<640x32xf32, #tpu.memory_space<vmem>>
      tpu.wait_dma2 semaphore(%run_scoped3A : memref<!tpu.dma_semaphore, #tpu.memory_space<semaphore_mem>>) src(%dma_wait3A_43 : memref<640x32xf32, #tpu.memory_space<vmem>>) dst(%dma_wait3A_40 : memref<640x32xf32, #tpu.memory_space<vmem_shared>>)
      tpu.yield
    }) : () -> ()
    %barrier3A = arith.constant 0 : index
    tpu.barrier barrier_id(%barrier3A)
    %eq3A = arith.constant 0 : i32
    %eq3A_7 = arith.cmpi eq, %arg0, %eq3A : i32
    %convert_element_type3A = arith.extui %eq3A_7 : i1 to i32
    %cond3A = arith.constant 0 : i32
    %cond3A_8 = arith.cmpi ne, %convert_element_type3A, %cond3A : i32
    scf.if %cond3A_8 {
      %dma_start3A = arith.constant 0 : i32
      %dma_start3A_26 = arith.constant 0 : i32
      %dma_start3A_27 = tpu.memref_slice %arg7[%dma_start3A, %dma_start3A_26] : memref<20x1024xi32, #tpu.memory_space<vmem>> -> memref<1x1024xi32, #tpu.memory_space<vmem>>
      %dma_start3A_28 = tpu.memref_squeeze %dma_start3A_27 : memref<1x1024xi32, #tpu.memory_space<vmem>> -> memref<1024xi32, #tpu.memory_space<vmem>>
      %dma_start3A_29 = arith.constant 0 : i32
      %dma_start3A_30 = arith.constant 0 : i32
      %dma_start3A_31 = tpu.memref_slice %arg2[%dma_start3A_29, %dma_start3A_30] : memref<10000x32xf32, #tpu.memory_space<hbm>> -> memref<10000x32xf32, #tpu.memory_space<hbm>>
      tpu.enqueue_indirect_dma source(%dma_start3A_31 : memref<10000x32xf32, #tpu.memory_space<hbm>>) target(%arg9 : memref<1024x32xf32, #tpu.memory_space<vmem>>) offsets(%dma_start3A_28 : memref<1024xi32, #tpu.memory_space<vmem>>) semaphore(%arg12 : memref<!tpu.dma_semaphore, #tpu.memory_space<semaphore_mem>>)
      %scan3A_32 = arith.constant 0 : i32
      %scan3A_33 = arith.constant 0 : i32
      %scan3A_34 = arith.constant 10 : i32
      %scan3A_35 = arith.addi %scan3A_33, %scan3A_34 : i32
      %scan3A_36 = arith.constant 1 : i32
      %scan3A_37 = scf.for %scan3A_39 = %scan3A_33 to %scan3A_35 step %scan3A_36 iter_args(%scan3A_40 = %scan3A_32) -> (i32)  : i32 {
        %mul3A_41 = arith.constant 2 : i32
        %mul3A_42 = arith.muli %mul3A_41, %scan3A_39 : i32
        %dma_wait3A = arith.constant 0 : i32
        %dma_wait3A_43 = arith.constant 0 : i32
        %dma_wait3A_44 = tpu.memref_slice %arg7[%dma_wait3A, %dma_wait3A_43] : memref<20x1024xi32, #tpu.memory_space<vmem>> -> memref<1x1024xi32, #tpu.memory_space<vmem>>
        %dma_wait3A_45 = tpu.memref_squeeze %dma_wait3A_44 : memref<1x1024xi32, #tpu.memory_space<vmem>> -> memref<1024xi32, #tpu.memory_space<vmem>>
        %dma_wait3A_46 = arith.constant 0 : i32
        %dma_wait3A_47 = arith.constant 0 : i32
        %dma_wait3A_48 = tpu.memref_slice %arg2[%dma_wait3A_46, %dma_wait3A_47] : memref<10000x32xf32, #tpu.memory_space<hbm>> -> memref<10000x32xf32, #tpu.memory_space<hbm>>
        tpu.wait_indirect_dma semaphore(%arg12 : memref<!tpu.dma_semaphore, #tpu.memory_space<semaphore_mem>>) src(%dma_wait3A_48 : memref<10000x32xf32, #tpu.memory_space<hbm>>) dst(%arg9 : memref<1024x32xf32, #tpu.memory_space<vmem>>)
        %add3A = arith.constant 1 : i32
        %add3A_49 = arith.addi %mul3A_42, %add3A : i32
        %lt3A_50 = arith.constant 20 : i32
        %lt3A_51 = arith.cmpi slt, %add3A_49, %lt3A_50 : i32
        %convert_element_type3A_52 = arith.extui %lt3A_51 : i1 to i32
        %cond3A_53 = arith.constant 0 : i32
        %cond3A_54 = arith.cmpi ne, %convert_element_type3A_52, %cond3A_53 : i32
        scf.if %cond3A_54 {
          %add3A_74 = arith.constant 1 : i32
          %add3A_75 = arith.addi %mul3A_42, %add3A_74 : i32
          %dma_start3A_76 = arith.constant 0 : i32
          %dma_start3A_77 = tpu.memref_slice %arg7[%add3A_75, %dma_start3A_76] : memref<20x1024xi32, #tpu.memory_space<vmem>> -> memref<1x1024xi32, #tpu.memory_space<vmem>>
          %dma_start3A_78 = tpu.memref_squeeze %dma_start3A_77 : memref<1x1024xi32, #tpu.memory_space<vmem>> -> memref<1024xi32, #tpu.memory_space<vmem>>
          %dma_start3A_79 = arith.constant 0 : i32
          %dma_start3A_80 = arith.constant 0 : i32
          %dma_start3A_81 = tpu.memref_slice %arg2[%dma_start3A_79, %dma_start3A_80] : memref<10000x32xf32, #tpu.memory_space<hbm>> -> memref<10000x32xf32, #tpu.memory_space<hbm>>
          tpu.enqueue_indirect_dma source(%dma_start3A_81 : memref<10000x32xf32, #tpu.memory_space<hbm>>) target(%arg10 : memref<1024x32xf32, #tpu.memory_space<vmem>>) offsets(%dma_start3A_78 : memref<1024xi32, #tpu.memory_space<vmem>>) semaphore(%arg12 : memref<!tpu.dma_semaphore, #tpu.memory_space<semaphore_mem>>)
        } else {
        }
        "tpu.region"() ({
          %run_scoped3A = tpu.sem_alloc : memref<!tpu.dma_semaphore, #tpu.memory_space<semaphore_mem>>
          %dma_start3A_74 = arith.constant 0 : i32
          %dma_start3A_75 = tpu.memref_slice %arg8[%mul3A_42, %dma_start3A_74] : memref<20x1024xi32, #tpu.memory_space<vmem>> -> memref<1x1024xi32, #tpu.memory_space<vmem>>
          %dma_start3A_76 = tpu.memref_squeeze %dma_start3A_75 : memref<1x1024xi32, #tpu.memory_space<vmem>> -> memref<1024xi32, #tpu.memory_space<vmem>>
          %dma_start3A_77 = arith.constant 0 : i32
          %dma_start3A_78 = arith.constant 0 : i32
          %dma_start3A_79 = tpu.memref_slice %arg11[%dma_start3A_77, %dma_start3A_78] : memref<10240x32xf32, #tpu.memory_space<vmem_shared>> -> memref<10240x32xf32, #tpu.memory_space<vmem_shared>>
          tpu.enqueue_indirect_dma source(%arg9 : memref<1024x32xf32, #tpu.memory_space<vmem>>) target(%dma_start3A_79 : memref<10240x32xf32, #tpu.memory_space<vmem_shared>>) offsets(%dma_start3A_76 : memref<1024xi32, #tpu.memory_space<vmem>>) semaphore(%run_scoped3A : memref<!tpu.dma_semaphore, #tpu.memory_space<semaphore_mem>>) {add = true}
          %dma_wait3A_80 = arith.constant 0 : i32
          %dma_wait3A_81 = tpu.memref_slice %arg8[%mul3A_42, %dma_wait3A_80] : memref<20x1024xi32, #tpu.memory_space<vmem>> -> memref<1x1024xi32, #tpu.memory_space<vmem>>
          %dma_wait3A_82 = tpu.memref_squeeze %dma_wait3A_81 : memref<1x1024xi32, #tpu.memory_space<vmem>> -> memref<1024xi32, #tpu.memory_space<vmem>>
          %dma_wait3A_83 = arith.constant 0 : i32
          %dma_wait3A_84 = arith.constant 0 : i32
          %dma_wait3A_85 = tpu.memref_slice %arg11[%dma_wait3A_83, %dma_wait3A_84] : memref<10240x32xf32, #tpu.memory_space<vmem_shared>> -> memref<10240x32xf32, #tpu.memory_space<vmem_shared>>
          tpu.wait_indirect_dma semaphore(%run_scoped3A : memref<!tpu.dma_semaphore, #tpu.memory_space<semaphore_mem>>) src(%arg9 : memref<1024x32xf32, #tpu.memory_space<vmem>>) dst(%dma_wait3A_85 : memref<10240x32xf32, #tpu.memory_space<vmem_shared>>)
          tpu.yield
        }) : () -> ()
        %mul3A_55 = arith.constant 2 : i32
        %mul3A_56 = arith.muli %mul3A_55, %scan3A_39 : i32
        %add3A_57 = arith.constant 1 : i32
        %add3A_58 = arith.addi %mul3A_56, %add3A_57 : i32
        %dma_wait3A_59 = arith.constant 0 : i32
        %dma_wait3A_60 = arith.constant 0 : i32
        %dma_wait3A_61 = tpu.memref_slice %arg7[%dma_wait3A_59, %dma_wait3A_60] : memref<20x1024xi32, #tpu.memory_space<vmem>> -> memref<1x1024xi32, #tpu.memory_space<vmem>>
        %dma_wait3A_62 = tpu.memref_squeeze %dma_wait3A_61 : memref<1x1024xi32, #tpu.memory_space<vmem>> -> memref<1024xi32, #tpu.memory_space<vmem>>
        %dma_wait3A_63 = arith.constant 0 : i32
        %dma_wait3A_64 = arith.constant 0 : i32
        %dma_wait3A_65 = tpu.memref_slice %arg2[%dma_wait3A_63, %dma_wait3A_64] : memref<10000x32xf32, #tpu.memory_space<hbm>> -> memref<10000x32xf32, #tpu.memory_space<hbm>>
        tpu.wait_indirect_dma semaphore(%arg12 : memref<!tpu.dma_semaphore, #tpu.memory_space<semaphore_mem>>) src(%dma_wait3A_65 : memref<10000x32xf32, #tpu.memory_space<hbm>>) dst(%arg9 : memref<1024x32xf32, #tpu.memory_space<vmem>>)
        %add3A_66 = arith.constant 1 : i32
        %add3A_67 = arith.addi %add3A_58, %add3A_66 : i32
        %lt3A_68 = arith.constant 20 : i32
        %lt3A_69 = arith.cmpi slt, %add3A_67, %lt3A_68 : i32
        %convert_element_type3A_70 = arith.extui %lt3A_69 : i1 to i32
        %cond3A_71 = arith.constant 0 : i32
        %cond3A_72 = arith.cmpi ne, %convert_element_type3A_70, %cond3A_71 : i32
        scf.if %cond3A_72 {
          %add3A_74 = arith.constant 1 : i32
          %add3A_75 = arith.addi %add3A_58, %add3A_74 : i32
          %dma_start3A_76 = arith.constant 0 : i32
          %dma_start3A_77 = tpu.memref_slice %arg7[%add3A_75, %dma_start3A_76] : memref<20x1024xi32, #tpu.memory_space<vmem>> -> memref<1x1024xi32, #tpu.memory_space<vmem>>
          %dma_start3A_78 = tpu.memref_squeeze %dma_start3A_77 : memref<1x1024xi32, #tpu.memory_space<vmem>> -> memref<1024xi32, #tpu.memory_space<vmem>>
          %dma_start3A_79 = arith.constant 0 : i32
          %dma_start3A_80 = arith.constant 0 : i32
          %dma_start3A_81 = tpu.memref_slice %arg2[%dma_start3A_79, %dma_start3A_80] : memref<10000x32xf32, #tpu.memory_space<hbm>> -> memref<10000x32xf32, #tpu.memory_space<hbm>>
          tpu.enqueue_indirect_dma source(%dma_start3A_81 : memref<10000x32xf32, #tpu.memory_space<hbm>>) target(%arg9 : memref<1024x32xf32, #tpu.memory_space<vmem>>) offsets(%dma_start3A_78 : memref<1024xi32, #tpu.memory_space<vmem>>) semaphore(%arg12 : memref<!tpu.dma_semaphore, #tpu.memory_space<semaphore_mem>>)
        } else {
        }
        "tpu.region"() ({
          %run_scoped3A = tpu.sem_alloc : memref<!tpu.dma_semaphore, #tpu.memory_space<semaphore_mem>>
          %dma_start3A_74 = arith.constant 0 : i32
          %dma_start3A_75 = tpu.memref_slice %arg8[%add3A_58, %dma_start3A_74] : memref<20x1024xi32, #tpu.memory_space<vmem>> -> memref<1x1024xi32, #tpu.memory_space<vmem>>
          %dma_start3A_76 = tpu.memref_squeeze %dma_start3A_75 : memref<1x1024xi32, #tpu.memory_space<vmem>> -> memref<1024xi32, #tpu.memory_space<vmem>>
          %dma_start3A_77 = arith.constant 0 : i32
          %dma_start3A_78 = arith.constant 0 : i32
          %dma_start3A_79 = tpu.memref_slice %arg11[%dma_start3A_77, %dma_start3A_78] : memref<10240x32xf32, #tpu.memory_space<vmem_shared>> -> memref<10240x32xf32, #tpu.memory_space<vmem_shared>>
          tpu.enqueue_indirect_dma source(%arg10 : memref<1024x32xf32, #tpu.memory_space<vmem>>) target(%dma_start3A_79 : memref<10240x32xf32, #tpu.memory_space<vmem_shared>>) offsets(%dma_start3A_76 : memref<1024xi32, #tpu.memory_space<vmem>>) semaphore(%run_scoped3A : memref<!tpu.dma_semaphore, #tpu.memory_space<semaphore_mem>>) {add = true}
          %dma_wait3A_80 = arith.constant 0 : i32
          %dma_wait3A_81 = tpu.memref_slice %arg8[%add3A_58, %dma_wait3A_80] : memref<20x1024xi32, #tpu.memory_space<vmem>> -> memref<1x1024xi32, #tpu.memory_space<vmem>>
          %dma_wait3A_82 = tpu.memref_squeeze %dma_wait3A_81 : memref<1x1024xi32, #tpu.memory_space<vmem>> -> memref<1024xi32, #tpu.memory_space<vmem>>
          %dma_wait3A_83 = arith.constant 0 : i32
          %dma_wait3A_84 = arith.constant 0 : i32
          %dma_wait3A_85 = tpu.memref_slice %arg11[%dma_wait3A_83, %dma_wait3A_84] : memref<10240x32xf32, #tpu.memory_space<vmem_shared>> -> memref<10240x32xf32, #tpu.memory_space<vmem_shared>>
          tpu.wait_indirect_dma semaphore(%run_scoped3A : memref<!tpu.dma_semaphore, #tpu.memory_space<semaphore_mem>>) src(%arg10 : memref<1024x32xf32, #tpu.memory_space<vmem>>) dst(%dma_wait3A_85 : memref<10240x32xf32, #tpu.memory_space<vmem_shared>>)
          tpu.yield
        }) : () -> ()
        %scan3A_73 = arith.constant 0 : i32
        scf.yield %scan3A_73 : i32
      }
      %scan3A_38 = arith.constant 10 : i32
    } else {
    }
    %eq3A_9 = arith.constant 1 : i32
    %eq3A_10 = arith.cmpi eq, %arg0, %eq3A_9 : i32
    %convert_element_type3A_11 = arith.extui %eq3A_10 : i1 to i32
    %cond3A_12 = arith.constant 0 : i32
    %cond3A_13 = arith.cmpi ne, %convert_element_type3A_11, %cond3A_12 : i32
    scf.if %cond3A_13 {
      %dma_start3A = arith.constant 0 : i32
      %dma_start3A_26 = arith.constant 0 : i32
      %dma_start3A_27 = tpu.memref_slice %arg7[%dma_start3A, %dma_start3A_26] : memref<20x1024xi32, #tpu.memory_space<vmem>> -> memref<1x1024xi32, #tpu.memory_space<vmem>>
      %dma_start3A_28 = tpu.memref_squeeze %dma_start3A_27 : memref<1x1024xi32, #tpu.memory_space<vmem>> -> memref<1024xi32, #tpu.memory_space<vmem>>
      %dma_start3A_29 = arith.constant 0 : i32
      %dma_start3A_30 = arith.constant 0 : i32
      %dma_start3A_31 = tpu.memref_slice %arg3[%dma_start3A_29, %dma_start3A_30] : memref<10000x32xf32, #tpu.memory_space<hbm>> -> memref<10000x32xf32, #tpu.memory_space<hbm>>
      tpu.enqueue_indirect_dma source(%dma_start3A_31 : memref<10000x32xf32, #tpu.memory_space<hbm>>) target(%arg9 : memref<1024x32xf32, #tpu.memory_space<vmem>>) offsets(%dma_start3A_28 : memref<1024xi32, #tpu.memory_space<vmem>>) semaphore(%arg12 : memref<!tpu.dma_semaphore, #tpu.memory_space<semaphore_mem>>)
      %scan3A_32 = arith.constant 0 : i32
      %scan3A_33 = arith.constant 0 : i32
      %scan3A_34 = arith.constant 10 : i32
      %scan3A_35 = arith.addi %scan3A_33, %scan3A_34 : i32
      %scan3A_36 = arith.constant 1 : i32
      %scan3A_37 = scf.for %scan3A_39 = %scan3A_33 to %scan3A_35 step %scan3A_36 iter_args(%scan3A_40 = %scan3A_32) -> (i32)  : i32 {
        %mul3A_41 = arith.constant 2 : i32
        %mul3A_42 = arith.muli %mul3A_41, %scan3A_39 : i32
        %dma_wait3A = arith.constant 0 : i32
        %dma_wait3A_43 = arith.constant 0 : i32
        %dma_wait3A_44 = tpu.memref_slice %arg7[%dma_wait3A, %dma_wait3A_43] : memref<20x1024xi32, #tpu.memory_space<vmem>> -> memref<1x1024xi32, #tpu.memory_space<vmem>>
        %dma_wait3A_45 = tpu.memref_squeeze %dma_wait3A_44 : memref<1x1024xi32, #tpu.memory_space<vmem>> -> memref<1024xi32, #tpu.memory_space<vmem>>
        %dma_wait3A_46 = arith.constant 0 : i32
        %dma_wait3A_47 = arith.constant 0 : i32
        %dma_wait3A_48 = tpu.memref_slice %arg3[%dma_wait3A_46, %dma_wait3A_47] : memref<10000x32xf32, #tpu.memory_space<hbm>> -> memref<10000x32xf32, #tpu.memory_space<hbm>>
        tpu.wait_indirect_dma semaphore(%arg12 : memref<!tpu.dma_semaphore, #tpu.memory_space<semaphore_mem>>) src(%dma_wait3A_48 : memref<10000x32xf32, #tpu.memory_space<hbm>>) dst(%arg9 : memref<1024x32xf32, #tpu.memory_space<vmem>>)
        %add3A = arith.constant 1 : i32
        %add3A_49 = arith.addi %mul3A_42, %add3A : i32
        %lt3A_50 = arith.constant 20 : i32
        %lt3A_51 = arith.cmpi slt, %add3A_49, %lt3A_50 : i32
        %convert_element_type3A_52 = arith.extui %lt3A_51 : i1 to i32
        %cond3A_53 = arith.constant 0 : i32
        %cond3A_54 = arith.cmpi ne, %convert_element_type3A_52, %cond3A_53 : i32
        scf.if %cond3A_54 {
          %add3A_74 = arith.constant 1 : i32
          %add3A_75 = arith.addi %mul3A_42, %add3A_74 : i32
          %dma_start3A_76 = arith.constant 0 : i32
          %dma_start3A_77 = tpu.memref_slice %arg7[%add3A_75, %dma_start3A_76] : memref<20x1024xi32, #tpu.memory_space<vmem>> -> memref<1x1024xi32, #tpu.memory_space<vmem>>
          %dma_start3A_78 = tpu.memref_squeeze %dma_start3A_77 : memref<1x1024xi32, #tpu.memory_space<vmem>> -> memref<1024xi32, #tpu.memory_space<vmem>>
          %dma_start3A_79 = arith.constant 0 : i32
          %dma_start3A_80 = arith.constant 0 : i32
          %dma_start3A_81 = tpu.memref_slice %arg3[%dma_start3A_79, %dma_start3A_80] : memref<10000x32xf32, #tpu.memory_space<hbm>> -> memref<10000x32xf32, #tpu.memory_space<hbm>>
          tpu.enqueue_indirect_dma source(%dma_start3A_81 : memref<10000x32xf32, #tpu.memory_space<hbm>>) target(%arg10 : memref<1024x32xf32, #tpu.memory_space<vmem>>) offsets(%dma_start3A_78 : memref<1024xi32, #tpu.memory_space<vmem>>) semaphore(%arg12 : memref<!tpu.dma_semaphore, #tpu.memory_space<semaphore_mem>>)
        } else {
        }
        "tpu.region"() ({
          %run_scoped3A = tpu.sem_alloc : memref<!tpu.dma_semaphore, #tpu.memory_space<semaphore_mem>>
          %dma_start3A_74 = arith.constant 0 : i32
          %dma_start3A_75 = tpu.memref_slice %arg8[%mul3A_42, %dma_start3A_74] : memref<20x1024xi32, #tpu.memory_space<vmem>> -> memref<1x1024xi32, #tpu.memory_space<vmem>>
          %dma_start3A_76 = tpu.memref_squeeze %dma_start3A_75 : memref<1x1024xi32, #tpu.memory_space<vmem>> -> memref<1024xi32, #tpu.memory_space<vmem>>
          %dma_start3A_77 = arith.constant 0 : i32
          %dma_start3A_78 = arith.constant 0 : i32
          %dma_start3A_79 = tpu.memref_slice %arg11[%dma_start3A_77, %dma_start3A_78] : memref<10240x32xf32, #tpu.memory_space<vmem_shared>> -> memref<10240x32xf32, #tpu.memory_space<vmem_shared>>
          tpu.enqueue_indirect_dma source(%arg9 : memref<1024x32xf32, #tpu.memory_space<vmem>>) target(%dma_start3A_79 : memref<10240x32xf32, #tpu.memory_space<vmem_shared>>) offsets(%dma_start3A_76 : memref<1024xi32, #tpu.memory_space<vmem>>) semaphore(%run_scoped3A : memref<!tpu.dma_semaphore, #tpu.memory_space<semaphore_mem>>) {add = true}
          %dma_wait3A_80 = arith.constant 0 : i32
          %dma_wait3A_81 = tpu.memref_slice %arg8[%mul3A_42, %dma_wait3A_80] : memref<20x1024xi32, #tpu.memory_space<vmem>> -> memref<1x1024xi32, #tpu.memory_space<vmem>>
          %dma_wait3A_82 = tpu.memref_squeeze %dma_wait3A_81 : memref<1x1024xi32, #tpu.memory_space<vmem>> -> memref<1024xi32, #tpu.memory_space<vmem>>
          %dma_wait3A_83 = arith.constant 0 : i32
          %dma_wait3A_84 = arith.constant 0 : i32
          %dma_wait3A_85 = tpu.memref_slice %arg11[%dma_wait3A_83, %dma_wait3A_84] : memref<10240x32xf32, #tpu.memory_space<vmem_shared>> -> memref<10240x32xf32, #tpu.memory_space<vmem_shared>>
          tpu.wait_indirect_dma semaphore(%run_scoped3A : memref<!tpu.dma_semaphore, #tpu.memory_space<semaphore_mem>>) src(%arg9 : memref<1024x32xf32, #tpu.memory_space<vmem>>) dst(%dma_wait3A_85 : memref<10240x32xf32, #tpu.memory_space<vmem_shared>>)
          tpu.yield
        }) : () -> ()
        %mul3A_55 = arith.constant 2 : i32
        %mul3A_56 = arith.muli %mul3A_55, %scan3A_39 : i32
        %add3A_57 = arith.constant 1 : i32
        %add3A_58 = arith.addi %mul3A_56, %add3A_57 : i32
        %dma_wait3A_59 = arith.constant 0 : i32
        %dma_wait3A_60 = arith.constant 0 : i32
        %dma_wait3A_61 = tpu.memref_slice %arg7[%dma_wait3A_59, %dma_wait3A_60] : memref<20x1024xi32, #tpu.memory_space<vmem>> -> memref<1x1024xi32, #tpu.memory_space<vmem>>
        %dma_wait3A_62 = tpu.memref_squeeze %dma_wait3A_61 : memref<1x1024xi32, #tpu.memory_space<vmem>> -> memref<1024xi32, #tpu.memory_space<vmem>>
        %dma_wait3A_63 = arith.constant 0 : i32
        %dma_wait3A_64 = arith.constant 0 : i32
        %dma_wait3A_65 = tpu.memref_slice %arg3[%dma_wait3A_63, %dma_wait3A_64] : memref<10000x32xf32, #tpu.memory_space<hbm>> -> memref<10000x32xf32, #tpu.memory_space<hbm>>
        tpu.wait_indirect_dma semaphore(%arg12 : memref<!tpu.dma_semaphore, #tpu.memory_space<semaphore_mem>>) src(%dma_wait3A_65 : memref<10000x32xf32, #tpu.memory_space<hbm>>) dst(%arg9 : memref<1024x32xf32, #tpu.memory_space<vmem>>)
        %add3A_66 = arith.constant 1 : i32
        %add3A_67 = arith.addi %add3A_58, %add3A_66 : i32
        %lt3A_68 = arith.constant 20 : i32
        %lt3A_69 = arith.cmpi slt, %add3A_67, %lt3A_68 : i32
        %convert_element_type3A_70 = arith.extui %lt3A_69 : i1 to i32
        %cond3A_71 = arith.constant 0 : i32
        %cond3A_72 = arith.cmpi ne, %convert_element_type3A_70, %cond3A_71 : i32
        scf.if %cond3A_72 {
          %add3A_74 = arith.constant 1 : i32
          %add3A_75 = arith.addi %add3A_58, %add3A_74 : i32
          %dma_start3A_76 = arith.constant 0 : i32
          %dma_start3A_77 = tpu.memref_slice %arg7[%add3A_75, %dma_start3A_76] : memref<20x1024xi32, #tpu.memory_space<vmem>> -> memref<1x1024xi32, #tpu.memory_space<vmem>>
          %dma_start3A_78 = tpu.memref_squeeze %dma_start3A_77 : memref<1x1024xi32, #tpu.memory_space<vmem>> -> memref<1024xi32, #tpu.memory_space<vmem>>
          %dma_start3A_79 = arith.constant 0 : i32
          %dma_start3A_80 = arith.constant 0 : i32
          %dma_start3A_81 = tpu.memref_slice %arg3[%dma_start3A_79, %dma_start3A_80] : memref<10000x32xf32, #tpu.memory_space<hbm>> -> memref<10000x32xf32, #tpu.memory_space<hbm>>
          tpu.enqueue_indirect_dma source(%dma_start3A_81 : memref<10000x32xf32, #tpu.memory_space<hbm>>) target(%arg9 : memref<1024x32xf32, #tpu.memory_space<vmem>>) offsets(%dma_start3A_78 : memref<1024xi32, #tpu.memory_space<vmem>>) semaphore(%arg12 : memref<!tpu.dma_semaphore, #tpu.memory_space<semaphore_mem>>)
        } else {
        }
        "tpu.region"() ({
          %run_scoped3A = tpu.sem_alloc : memref<!tpu.dma_semaphore, #tpu.memory_space<semaphore_mem>>
          %dma_start3A_74 = arith.constant 0 : i32
          %dma_start3A_75 = tpu.memref_slice %arg8[%add3A_58, %dma_start3A_74] : memref<20x1024xi32, #tpu.memory_space<vmem>> -> memref<1x1024xi32, #tpu.memory_space<vmem>>
          %dma_start3A_76 = tpu.memref_squeeze %dma_start3A_75 : memref<1x1024xi32, #tpu.memory_space<vmem>> -> memref<1024xi32, #tpu.memory_space<vmem>>
          %dma_start3A_77 = arith.constant 0 : i32
          %dma_start3A_78 = arith.constant 0 : i32
          %dma_start3A_79 = tpu.memref_slice %arg11[%dma_start3A_77, %dma_start3A_78] : memref<10240x32xf32, #tpu.memory_space<vmem_shared>> -> memref<10240x32xf32, #tpu.memory_space<vmem_shared>>
          tpu.enqueue_indirect_dma source(%arg10 : memref<1024x32xf32, #tpu.memory_space<vmem>>) target(%dma_start3A_79 : memref<10240x32xf32, #tpu.memory_space<vmem_shared>>) offsets(%dma_start3A_76 : memref<1024xi32, #tpu.memory_space<vmem>>) semaphore(%run_scoped3A : memref<!tpu.dma_semaphore, #tpu.memory_space<semaphore_mem>>) {add = true}
          %dma_wait3A_80 = arith.constant 0 : i32
          %dma_wait3A_81 = tpu.memref_slice %arg8[%add3A_58, %dma_wait3A_80] : memref<20x1024xi32, #tpu.memory_space<vmem>> -> memref<1x1024xi32, #tpu.memory_space<vmem>>
          %dma_wait3A_82 = tpu.memref_squeeze %dma_wait3A_81 : memref<1x1024xi32, #tpu.memory_space<vmem>> -> memref<1024xi32, #tpu.memory_space<vmem>>
          %dma_wait3A_83 = arith.constant 0 : i32
          %dma_wait3A_84 = arith.constant 0 : i32
          %dma_wait3A_85 = tpu.memref_slice %arg11[%dma_wait3A_83, %dma_wait3A_84] : memref<10240x32xf32, #tpu.memory_space<vmem_shared>> -> memref<10240x32xf32, #tpu.memory_space<vmem_shared>>
          tpu.wait_indirect_dma semaphore(%run_scoped3A : memref<!tpu.dma_semaphore, #tpu.memory_space<semaphore_mem>>) src(%arg10 : memref<1024x32xf32, #tpu.memory_space<vmem>>) dst(%dma_wait3A_85 : memref<10240x32xf32, #tpu.memory_space<vmem_shared>>)
          tpu.yield
        }) : () -> ()
        %scan3A_73 = arith.constant 0 : i32
        scf.yield %scan3A_73 : i32
      }
      %scan3A_38 = arith.constant 10 : i32
    } else {
    }
    %barrier3A_14 = arith.constant 0 : index
    tpu.barrier barrier_id(%barrier3A_14)
    %mul3A_15 = arith.constant 640 : i32
    %mul3A_16 = arith.muli %arg1, %mul3A_15 : i32
    %lt3A = arith.constant 15 : i32
    %lt3A_17 = arith.cmpi slt, %arg1, %lt3A : i32
    %convert_element_type3A_18 = arith.extui %lt3A_17 : i1 to i32
    %cond3A_19 = arith.constant 0 : i32
    %cond3A_20 = arith.cmpi ne, %convert_element_type3A_18, %cond3A_19 : i32
    scf.if %cond3A_20 {
      "tpu.region"() ({
        %run_scoped3A = tpu.sem_alloc : memref<!tpu.dma_semaphore, #tpu.memory_space<semaphore_mem>>
        %dma_start3A = arith.constant 0 : i32
        %dma_start3A_26 = arith.constant 0 : i32
        %dma_start3A_27 = tpu.memref_slice %arg9[%dma_start3A, %dma_start3A_26] : memref<1024x32xf32, #tpu.memory_space<vmem>> -> memref<640x32xf32, #tpu.memory_space<vmem>>
        %dma_start3A_28 = arith.constant 0 : i32
        %dma_start3A_29 = tpu.memref_slice %arg11[%mul3A_16, %dma_start3A_28] : memref<10240x32xf32, #tpu.memory_space<vmem_shared>> -> memref<640x32xf32, #tpu.memory_space<vmem_shared>>
        %dma_start3A_30 = arith.constant 0 : i32
        %dma_start3A_31 = arith.constant 0 : i32
        %dma_start3A_32 = tpu.memref_slice %arg9[%dma_start3A_30, %dma_start3A_31] : memref<1024x32xf32, #tpu.memory_space<vmem>> -> memref<640x32xf32, #tpu.memory_space<vmem>>
        %dma_start3A_33 = arith.constant 0 : i32
        %dma_start3A_34 = tpu.memref_slice %arg11[%mul3A_16, %dma_start3A_33] : memref<10240x32xf32, #tpu.memory_space<vmem_shared>> -> memref<640x32xf32, #tpu.memory_space<vmem_shared>>
        tpu.enqueue_dma source(%dma_start3A_34 : memref<640x32xf32, #tpu.memory_space<vmem_shared>>) target(%dma_start3A_32 : memref<640x32xf32, #tpu.memory_space<vmem>>) target_semaphore(%run_scoped3A : memref<!tpu.dma_semaphore, #tpu.memory_space<semaphore_mem>>)
        %dma_wait3A = arith.constant 0 : i32
        %dma_wait3A_35 = arith.constant 0 : i32
        %dma_wait3A_36 = tpu.memref_slice %arg9[%dma_wait3A, %dma_wait3A_35] : memref<1024x32xf32, #tpu.memory_space<vmem>> -> memref<640x32xf32, #tpu.memory_space<vmem>>
        %dma_wait3A_37 = arith.constant 0 : i32
        %dma_wait3A_38 = tpu.memref_slice %arg11[%mul3A_16, %dma_wait3A_37] : memref<10240x32xf32, #tpu.memory_space<vmem_shared>> -> memref<640x32xf32, #tpu.memory_space<vmem_shared>>
        %dma_wait3A_39 = arith.constant 0 : i32
        %dma_wait3A_40 = arith.constant 0 : i32
        %dma_wait3A_41 = tpu.memref_slice %arg9[%dma_wait3A_39, %dma_wait3A_40] : memref<1024x32xf32, #tpu.memory_space<vmem>> -> memref<640x32xf32, #tpu.memory_space<vmem>>
        %dma_wait3A_42 = arith.constant 0 : i32
        %dma_wait3A_43 = tpu.memref_slice %arg11[%mul3A_16, %dma_wait3A_42] : memref<10240x32xf32, #tpu.memory_space<vmem_shared>> -> memref<640x32xf32, #tpu.memory_space<vmem_shared>>
        tpu.wait_dma2 semaphore(%run_scoped3A : memref<!tpu.dma_semaphore, #tpu.memory_space<semaphore_mem>>) src(%dma_wait3A_43 : memref<640x32xf32, #tpu.memory_space<vmem_shared>>) dst(%dma_wait3A_41 : memref<640x32xf32, #tpu.memory_space<vmem>>)
        tpu.yield
      }) : () -> ()
      "tpu.region"() ({
        %run_scoped3A = tpu.sem_alloc : memref<!tpu.dma_semaphore, #tpu.memory_space<semaphore_mem>>
        %dma_start3A = arith.constant 0 : i32
        %dma_start3A_26 = arith.constant 0 : i32
        %dma_start3A_27 = tpu.memref_slice %arg9[%dma_start3A, %dma_start3A_26] : memref<1024x32xf32, #tpu.memory_space<vmem>> -> memref<640x32xf32, #tpu.memory_space<vmem>>
        %dma_start3A_28 = arith.constant 0 : i32
        %dma_start3A_29 = tpu.memref_slice %arg6[%arg0, %mul3A_16, %dma_start3A_28] : memref<2x10000x32xf32, #tpu.memory_space<hbm>> -> memref<1x640x32xf32, #tpu.memory_space<hbm>>
        %dma_start3A_30 = tpu.memref_squeeze %dma_start3A_29 : memref<1x640x32xf32, #tpu.memory_space<hbm>> -> memref<640x32xf32, #tpu.memory_space<hbm>>
        %dma_start3A_31 = arith.constant 0 : i32
        %dma_start3A_32 = tpu.memref_slice %arg6[%arg0, %mul3A_16, %dma_start3A_31] : memref<2x10000x32xf32, #tpu.memory_space<hbm>> -> memref<1x640x32xf32, #tpu.memory_space<hbm>>
        %dma_start3A_33 = tpu.memref_squeeze %dma_start3A_32 : memref<1x640x32xf32, #tpu.memory_space<hbm>> -> memref<640x32xf32, #tpu.memory_space<hbm>>
        %dma_start3A_34 = arith.constant 0 : i32
        %dma_start3A_35 = arith.constant 0 : i32
        %dma_start3A_36 = tpu.memref_slice %arg9[%dma_start3A_34, %dma_start3A_35] : memref<1024x32xf32, #tpu.memory_space<vmem>> -> memref<640x32xf32, #tpu.memory_space<vmem>>
        tpu.enqueue_dma source(%dma_start3A_36 : memref<640x32xf32, #tpu.memory_space<vmem>>) target(%dma_start3A_33 : memref<640x32xf32, #tpu.memory_space<hbm>>) target_semaphore(%run_scoped3A : memref<!tpu.dma_semaphore, #tpu.memory_space<semaphore_mem>>)
        %dma_wait3A = arith.constant 0 : i32
        %dma_wait3A_37 = arith.constant 0 : i32
        %dma_wait3A_38 = tpu.memref_slice %arg9[%dma_wait3A, %dma_wait3A_37] : memref<1024x32xf32, #tpu.memory_space<vmem>> -> memref<640x32xf32, #tpu.memory_space<vmem>>
        %dma_wait3A_39 = arith.constant 0 : i32
        %dma_wait3A_40 = tpu.memref_slice %arg6[%arg0, %mul3A_16, %dma_wait3A_39] : memref<2x10000x32xf32, #tpu.memory_space<hbm>> -> memref<1x640x32xf32, #tpu.memory_space<hbm>>
        %dma_wait3A_41 = tpu.memref_squeeze %dma_wait3A_40 : memref<1x640x32xf32, #tpu.memory_space<hbm>> -> memref<640x32xf32, #tpu.memory_space<hbm>>
        %dma_wait3A_42 = arith.constant 0 : i32
        %dma_wait3A_43 = tpu.memref_slice %arg6[%arg0, %mul3A_16, %dma_wait3A_42] : memref<2x10000x32xf32, #tpu.memory_space<hbm>> -> memref<1x640x32xf32, #tpu.memory_space<hbm>>
        %dma_wait3A_44 = tpu.memref_squeeze %dma_wait3A_43 : memref<1x640x32xf32, #tpu.memory_space<hbm>> -> memref<640x32xf32, #tpu.memory_space<hbm>>
        %dma_wait3A_45 = arith.constant 0 : i32
        %dma_wait3A_46 = arith.constant 0 : i32
        %dma_wait3A_47 = tpu.memref_slice %arg9[%dma_wait3A_45, %dma_wait3A_46] : memref<1024x32xf32, #tpu.memory_space<vmem>> -> memref<640x32xf32, #tpu.memory_space<vmem>>
        tpu.wait_dma2 semaphore(%run_scoped3A : memref<!tpu.dma_semaphore, #tpu.memory_space<semaphore_mem>>) src(%dma_wait3A_47 : memref<640x32xf32, #tpu.memory_space<vmem>>) dst(%dma_wait3A_44 : memref<640x32xf32, #tpu.memory_space<hbm>>)
        tpu.yield
      }) : () -> ()
    } else {
    }
    %eq3A_21 = arith.constant 15 : i32
    %eq3A_22 = arith.cmpi eq, %arg1, %eq3A_21 : i32
    %convert_element_type3A_23 = arith.extui %eq3A_22 : i1 to i32
    %cond3A_24 = arith.constant 0 : i32
    %cond3A_25 = arith.cmpi ne, %convert_element_type3A_23, %cond3A_24 : i32
    scf.if %cond3A_25 {
      "tpu.region"() ({
        %run_scoped3A = tpu.sem_alloc : memref<!tpu.dma_semaphore, #tpu.memory_space<semaphore_mem>>
        %dma_start3A = arith.constant 0 : i32
        %dma_start3A_26 = arith.constant 0 : i32
        %dma_start3A_27 = tpu.memref_slice %arg9[%dma_start3A, %dma_start3A_26] : memref<1024x32xf32, #tpu.memory_space<vmem>> -> memref<400x32xf32, #tpu.memory_space<vmem>>
        %dma_start3A_28 = arith.constant 0 : i32
        %dma_start3A_29 = tpu.memref_slice %arg11[%mul3A_16, %dma_start3A_28] : memref<10240x32xf32, #tpu.memory_space<vmem_shared>> -> memref<400x32xf32, #tpu.memory_space<vmem_shared>>
        %dma_start3A_30 = arith.constant 0 : i32
        %dma_start3A_31 = arith.constant 0 : i32
        %dma_start3A_32 = tpu.memref_slice %arg9[%dma_start3A_30, %dma_start3A_31] : memref<1024x32xf32, #tpu.memory_space<vmem>> -> memref<400x32xf32, #tpu.memory_space<vmem>>
        %dma_start3A_33 = arith.constant 0 : i32
        %dma_start3A_34 = tpu.memref_slice %arg11[%mul3A_16, %dma_start3A_33] : memref<10240x32xf32, #tpu.memory_space<vmem_shared>> -> memref<400x32xf32, #tpu.memory_space<vmem_shared>>
        tpu.enqueue_dma source(%dma_start3A_34 : memref<400x32xf32, #tpu.memory_space<vmem_shared>>) target(%dma_start3A_32 : memref<400x32xf32, #tpu.memory_space<vmem>>) target_semaphore(%run_scoped3A : memref<!tpu.dma_semaphore, #tpu.memory_space<semaphore_mem>>)
        %dma_wait3A = arith.constant 0 : i32
        %dma_wait3A_35 = arith.constant 0 : i32
        %dma_wait3A_36 = tpu.memref_slice %arg9[%dma_wait3A, %dma_wait3A_35] : memref<1024x32xf32, #tpu.memory_space<vmem>> -> memref<400x32xf32, #tpu.memory_space<vmem>>
        %dma_wait3A_37 = arith.constant 0 : i32
        %dma_wait3A_38 = tpu.memref_slice %arg11[%mul3A_16, %dma_wait3A_37] : memref<10240x32xf32, #tpu.memory_space<vmem_shared>> -> memref<400x32xf32, #tpu.memory_space<vmem_shared>>
        %dma_wait3A_39 = arith.constant 0 : i32
        %dma_wait3A_40 = arith.constant 0 : i32
        %dma_wait3A_41 = tpu.memref_slice %arg9[%dma_wait3A_39, %dma_wait3A_40] : memref<1024x32xf32, #tpu.memory_space<vmem>> -> memref<400x32xf32, #tpu.memory_space<vmem>>
        %dma_wait3A_42 = arith.constant 0 : i32
        %dma_wait3A_43 = tpu.memref_slice %arg11[%mul3A_16, %dma_wait3A_42] : memref<10240x32xf32, #tpu.memory_space<vmem_shared>> -> memref<400x32xf32, #tpu.memory_space<vmem_shared>>
        tpu.wait_dma2 semaphore(%run_scoped3A : memref<!tpu.dma_semaphore, #tpu.memory_space<semaphore_mem>>) src(%dma_wait3A_43 : memref<400x32xf32, #tpu.memory_space<vmem_shared>>) dst(%dma_wait3A_41 : memref<400x32xf32, #tpu.memory_space<vmem>>)
        tpu.yield
      }) : () -> ()
      "tpu.region"() ({
        %run_scoped3A = tpu.sem_alloc : memref<!tpu.dma_semaphore, #tpu.memory_space<semaphore_mem>>
        %dma_start3A = arith.constant 0 : i32
        %dma_start3A_26 = arith.constant 0 : i32
        %dma_start3A_27 = tpu.memref_slice %arg9[%dma_start3A, %dma_start3A_26] : memref<1024x32xf32, #tpu.memory_space<vmem>> -> memref<400x32xf32, #tpu.memory_space<vmem>>
        %dma_start3A_28 = arith.constant 0 : i32
        %dma_start3A_29 = tpu.memref_slice %arg6[%arg0, %mul3A_16, %dma_start3A_28] : memref<2x10000x32xf32, #tpu.memory_space<hbm>> -> memref<1x400x32xf32, #tpu.memory_space<hbm>>
        %dma_start3A_30 = tpu.memref_squeeze %dma_start3A_29 : memref<1x400x32xf32, #tpu.memory_space<hbm>> -> memref<400x32xf32, #tpu.memory_space<hbm>>
        %dma_start3A_31 = arith.constant 0 : i32
        %dma_start3A_32 = tpu.memref_slice %arg6[%arg0, %mul3A_16, %dma_start3A_31] : memref<2x10000x32xf32, #tpu.memory_space<hbm>> -> memref<1x400x32xf32, #tpu.memory_space<hbm>>
        %dma_start3A_33 = tpu.memref_squeeze %dma_start3A_32 : memref<1x400x32xf32, #tpu.memory_space<hbm>> -> memref<400x32xf32, #tpu.memory_space<hbm>>
        %dma_start3A_34 = arith.constant 0 : i32
        %dma_start3A_35 = arith.constant 0 : i32
        %dma_start3A_36 = tpu.memref_slice %arg9[%dma_start3A_34, %dma_start3A_35] : memref<1024x32xf32, #tpu.memory_space<vmem>> -> memref<400x32xf32, #tpu.memory_space<vmem>>
        tpu.enqueue_dma source(%dma_start3A_36 : memref<400x32xf32, #tpu.memory_space<vmem>>) target(%dma_start3A_33 : memref<400x32xf32, #tpu.memory_space<hbm>>) target_semaphore(%run_scoped3A : memref<!tpu.dma_semaphore, #tpu.memory_space<semaphore_mem>>)
        %dma_wait3A = arith.constant 0 : i32
        %dma_wait3A_37 = arith.constant 0 : i32
        %dma_wait3A_38 = tpu.memref_slice %arg9[%dma_wait3A, %dma_wait3A_37] : memref<1024x32xf32, #tpu.memory_space<vmem>> -> memref<400x32xf32, #tpu.memory_space<vmem>>
        %dma_wait3A_39 = arith.constant 0 : i32
        %dma_wait3A_40 = tpu.memref_slice %arg6[%arg0, %mul3A_16, %dma_wait3A_39] : memref<2x10000x32xf32, #tpu.memory_space<hbm>> -> memref<1x400x32xf32, #tpu.memory_space<hbm>>
        %dma_wait3A_41 = tpu.memref_squeeze %dma_wait3A_40 : memref<1x400x32xf32, #tpu.memory_space<hbm>> -> memref<400x32xf32, #tpu.memory_space<hbm>>
        %dma_wait3A_42 = arith.constant 0 : i32
        %dma_wait3A_43 = tpu.memref_slice %arg6[%arg0, %mul3A_16, %dma_wait3A_42] : memref<2x10000x32xf32, #tpu.memory_space<hbm>> -> memref<1x400x32xf32, #tpu.memory_space<hbm>>
        %dma_wait3A_44 = tpu.memref_squeeze %dma_wait3A_43 : memref<1x400x32xf32, #tpu.memory_space<hbm>> -> memref<400x32xf32, #tpu.memory_space<hbm>>
        %dma_wait3A_45 = arith.constant 0 : i32
        %dma_wait3A_46 = arith.constant 0 : i32
        %dma_wait3A_47 = tpu.memref_slice %arg9[%dma_wait3A_45, %dma_wait3A_46] : memref<1024x32xf32, #tpu.memory_space<vmem>> -> memref<400x32xf32, #tpu.memory_space<vmem>>
        tpu.wait_dma2 semaphore(%run_scoped3A : memref<!tpu.dma_semaphore, #tpu.memory_space<semaphore_mem>>) src(%dma_wait3A_47 : memref<400x32xf32, #tpu.memory_space<vmem>>) dst(%dma_wait3A_44 : memref<400x32xf32, #tpu.memory_space<hbm>>)
        tpu.yield
      }) : () -> ()
    } else {
    }
    return
  }
}

#map = affine_map<(d0, d1) -> (0, 0)>
#map1 = affine_map<(d0, d1) -> (0, 0, 0)>
module attributes {stable_mosaic.version = 14 : i64} {
  func.func @k(%arg0: i32, %arg1: i32, %arg2: memref<10000x32xf32, #tpu.memory_space<hbm>>, %arg3: memref<10000x32xf32, #tpu.memory_space<hbm>>, %arg4: memref<16x20x1024xi32, #tpu.memory_space<hbm>>, %arg5: memref<16x20x1024xi32, #tpu.memory_space<hbm>>, %arg6: memref<2x10000x32xf32, #tpu.memory_space<hbm>>, %arg7: memref<20x1024xi32, #tpu.memory_space<vmem>>, %arg8: memref<20x1024xi32, #tpu.memory_space<vmem>>, %arg9: memref<1024x32xf32, #tpu.memory_space<vmem>>, %arg10: memref<1024x32xf32, #tpu.memory_space<vmem>>, %arg11: memref<10240x32xf32, #tpu.memory_space<vmem_shared>>, %arg12: memref<!tpu.dma_semaphore, #tpu.memory_space<semaphore_mem>>, %arg13: memref<!tpu.dma_semaphore, #tpu.memory_space<semaphore_mem>>) attributes {dimension_semantics = [#tpu.dimension_semantics<core_parallel>, #tpu.dimension_semantics<subcore_parallel>], iteration_bounds = array<i64: 2, 16>, scalar_prefetch = 0 : i64, scratch_operands = 7 : i64, tpu.core_type = #tpu.core_type<sc_vector_subcore>, window_params = [{transform_indices = #map}, {transform_indices = #map}, {transform_indices = #map1}, {transform_indices = #map1}, {transform_indices = #map1}]} {
    "tpu.region"() ({
      %run_scoped3A = tpu.sem_alloc : memref<!tpu.dma_semaphore, #tpu.memory_space<semaphore_mem>>
      %dma_start3A = arith.constant 0 : i32
      %dma_start3A_26 = arith.constant 0 : i32
      %dma_start3A_27 = tpu.memref_slice %arg4[%arg1, %dma_start3A, %dma_start3A_26] : memref<16x20x1024xi32, #tpu.memory_space<hbm>> -> memref<1x20x1024xi32, #tpu.memory_space<hbm>>
      %dma_start3A_28 = tpu.memref_squeeze %dma_start3A_27 : memref<1x20x1024xi32, #tpu.memory_space<hbm>> -> memref<20x1024xi32, #tpu.memory_space<hbm>>
      %dma_start3A_29 = arith.constant 0 : i32
      %dma_start3A_30 = arith.constant 0 : i32
      %dma_start3A_31 = tpu.memref_slice %arg4[%arg1, %dma_start3A_29, %dma_start3A_30] : memref<16x20x1024xi32, #tpu.memory_space<hbm>> -> memref<1x20x1024xi32, #tpu.memory_space<hbm>>
      %dma_start3A_32 = tpu.memref_squeeze %dma_start3A_31 : memref<1x20x1024xi32, #tpu.memory_space<hbm>> -> memref<20x1024xi32, #tpu.memory_space<hbm>>
      tpu.enqueue_dma source(%dma_start3A_32 : memref<20x1024xi32, #tpu.memory_space<hbm>>) target(%arg7 : memref<20x1024xi32, #tpu.memory_space<vmem>>) target_semaphore(%run_scoped3A : memref<!tpu.dma_semaphore, #tpu.memory_space<semaphore_mem>>)
      %dma_wait3A = arith.constant 0 : i32
      %dma_wait3A_33 = arith.constant 0 : i32
      %dma_wait3A_34 = tpu.memref_slice %arg4[%arg1, %dma_wait3A, %dma_wait3A_33] : memref<16x20x1024xi32, #tpu.memory_space<hbm>> -> memref<1x20x1024xi32, #tpu.memory_space<hbm>>
      %dma_wait3A_35 = tpu.memref_squeeze %dma_wait3A_34 : memref<1x20x1024xi32, #tpu.memory_space<hbm>> -> memref<20x1024xi32, #tpu.memory_space<hbm>>
      %dma_wait3A_36 = arith.constant 0 : i32
      %dma_wait3A_37 = arith.constant 0 : i32
      %dma_wait3A_38 = tpu.memref_slice %arg4[%arg1, %dma_wait3A_36, %dma_wait3A_37] : memref<16x20x1024xi32, #tpu.memory_space<hbm>> -> memref<1x20x1024xi32, #tpu.memory_space<hbm>>
      %dma_wait3A_39 = tpu.memref_squeeze %dma_wait3A_38 : memref<1x20x1024xi32, #tpu.memory_space<hbm>> -> memref<20x1024xi32, #tpu.memory_space<hbm>>
      tpu.wait_dma2 semaphore(%run_scoped3A : memref<!tpu.dma_semaphore, #tpu.memory_space<semaphore_mem>>) src(%dma_wait3A_39 : memref<20x1024xi32, #tpu.memory_space<hbm>>) dst(%arg7 : memref<20x1024xi32, #tpu.memory_space<vmem>>)
      tpu.yield
    }) : () -> ()
    "tpu.region"() ({
      %run_scoped3A = tpu.sem_alloc : memref<!tpu.dma_semaphore, #tpu.memory_space<semaphore_mem>>
      %dma_start3A = arith.constant 0 : i32
      %dma_start3A_26 = arith.constant 0 : i32
      %dma_start3A_27 = tpu.memref_slice %arg5[%arg1, %dma_start3A, %dma_start3A_26] : memref<16x20x1024xi32, #tpu.memory_space<hbm>> -> memref<1x20x1024xi32, #tpu.memory_space<hbm>>
      %dma_start3A_28 = tpu.memref_squeeze %dma_start3A_27 : memref<1x20x1024xi32, #tpu.memory_space<hbm>> -> memref<20x1024xi32, #tpu.memory_space<hbm>>
      %dma_start3A_29 = arith.constant 0 : i32
      %dma_start3A_30 = arith.constant 0 : i32
      %dma_start3A_31 = tpu.memref_slice %arg5[%arg1, %dma_start3A_29, %dma_start3A_30] : memref<16x20x1024xi32, #tpu.memory_space<hbm>> -> memref<1x20x1024xi32, #tpu.memory_space<hbm>>
      %dma_start3A_32 = tpu.memref_squeeze %dma_start3A_31 : memref<1x20x1024xi32, #tpu.memory_space<hbm>> -> memref<20x1024xi32, #tpu.memory_space<hbm>>
      tpu.enqueue_dma source(%dma_start3A_32 : memref<20x1024xi32, #tpu.memory_space<hbm>>) target(%arg8 : memref<20x1024xi32, #tpu.memory_space<vmem>>) target_semaphore(%run_scoped3A : memref<!tpu.dma_semaphore, #tpu.memory_space<semaphore_mem>>)
      %dma_wait3A = arith.constant 0 : i32
      %dma_wait3A_33 = arith.constant 0 : i32
      %dma_wait3A_34 = tpu.memref_slice %arg5[%arg1, %dma_wait3A, %dma_wait3A_33] : memref<16x20x1024xi32, #tpu.memory_space<hbm>> -> memref<1x20x1024xi32, #tpu.memory_space<hbm>>
      %dma_wait3A_35 = tpu.memref_squeeze %dma_wait3A_34 : memref<1x20x1024xi32, #tpu.memory_space<hbm>> -> memref<20x1024xi32, #tpu.memory_space<hbm>>
      %dma_wait3A_36 = arith.constant 0 : i32
      %dma_wait3A_37 = arith.constant 0 : i32
      %dma_wait3A_38 = tpu.memref_slice %arg5[%arg1, %dma_wait3A_36, %dma_wait3A_37] : memref<16x20x1024xi32, #tpu.memory_space<hbm>> -> memref<1x20x1024xi32, #tpu.memory_space<hbm>>
      %dma_wait3A_39 = tpu.memref_squeeze %dma_wait3A_38 : memref<1x20x1024xi32, #tpu.memory_space<hbm>> -> memref<20x1024xi32, #tpu.memory_space<hbm>>
      tpu.wait_dma2 semaphore(%run_scoped3A : memref<!tpu.dma_semaphore, #tpu.memory_space<semaphore_mem>>) src(%dma_wait3A_39 : memref<20x1024xi32, #tpu.memory_space<hbm>>) dst(%arg8 : memref<20x1024xi32, #tpu.memory_space<vmem>>)
      tpu.yield
    }) : () -> ()
    %scan3A = arith.constant 0 : i32
    %scan3A_0 = arith.constant 0 : i32
    %scan3A_1 = arith.constant 640 : i32
    %scan3A_2 = arith.addi %scan3A_0, %scan3A_1 : i32
    %scan3A_3 = arith.constant 1 : i32
    %scan3A_4 = scf.for %scan3A_26 = %scan3A_0 to %scan3A_2 step %scan3A_3 iter_args(%scan3A_27 = %scan3A) -> (i32)  : i32 {
      %broadcast_in_dim3A = arith.constant 0.000000e+00 : f32
      %broadcast_in_dim3A_28 = vector.broadcast %broadcast_in_dim3A : f32 to vector<16xf32>
      %swap3A = arith.index_cast %scan3A_26 : i32 to index
      %swap3A_29 = arith.constant 0 : index
      %swap3A_30 = tpu.vector_load %arg9[%swap3A, %swap3A_29] {strides = array<i32>} : memref<1024x32xf32, #tpu.memory_space<vmem>>, vector<1x16xf32>,
      %swap3A_31 = vector.shape_cast %swap3A_30 : vector<1x16xf32> to vector<16xf32>
      %swap3A_32 = vector.shape_cast %broadcast_in_dim3A_28 : vector<16xf32> to vector<1x16xf32>
      tpu.vector_store %arg9[%swap3A, %swap3A_29], %swap3A_32 {strides = array<i32>} : memref<1024x32xf32, #tpu.memory_space<vmem>>, vector<1x16xf32>,
      %broadcast_in_dim3A_33 = arith.constant 0.000000e+00 : f32
      %broadcast_in_dim3A_34 = vector.broadcast %broadcast_in_dim3A_33 : f32 to vector<16xf32>
      %swap3A_35 = arith.index_cast %scan3A_26 : i32 to index
      %swap3A_36 = arith.constant 16 : index
      %swap3A_37 = tpu.vector_load %arg9[%swap3A_35, %swap3A_36] {strides = array<i32>} : memref<1024x32xf32, #tpu.memory_space<vmem>>, vector<1x16xf32>,
      %swap3A_38 = vector.shape_cast %swap3A_37 : vector<1x16xf32> to vector<16xf32>
      %swap3A_39 = vector.shape_cast %broadcast_in_dim3A_34 : vector<16xf32> to vector<1x16xf32>
      tpu.vector_store %arg9[%swap3A_35, %swap3A_36], %swap3A_39 {strides = array<i32>} : memref<1024x32xf32, #tpu.memory_space<vmem>>, vector<1x16xf32>,
      %scan3A_40 = arith.constant 0 : i32
      scf.yield %scan3A_40 : i32
    }
    %scan3A_5 = arith.constant 640 : i32
    %mul3A = arith.constant 640 : i32
    %mul3A_6 = arith.muli %arg1, %mul3A : i32
    "tpu.region"() ({
      %run_scoped3A = tpu.sem_alloc : memref<!tpu.dma_semaphore, #tpu.memory_space<semaphore_mem>>
      %dma_start3A = arith.constant 0 : i32
      %dma_start3A_26 = arith.constant 0 : i32
      %dma_start3A_27 = tpu.memref_slice %arg9[%dma_start3A, %dma_start3A_26] : memref<1024x32xf32, #tpu.memory_space<vmem>> -> memref<640x32xf32, #tpu.memory_space<vmem>>
      %dma_start3A_28 = arith.constant 0 : i32
      %dma_start3A_29 = tpu.memref_slice %arg11[%mul3A_6, %dma_start3A_28] : memref<10240x32xf32, #tpu.memory_space<vmem_shared>> -> memref<640x32xf32, #tpu.memory_space<vmem_shared>>
      %dma_start3A_30 = arith.constant 0 : i32
      %dma_start3A_31 = tpu.memref_slice %arg11[%mul3A_6, %dma_start3A_30] : memref<10240x32xf32, #tpu.memory_space<vmem_shared>> -> memref<640x32xf32, #tpu.memory_space<vmem_shared>>
      %dma_start3A_32 = arith.constant 0 : i32
      %dma_start3A_33 = arith.constant 0 : i32
      %dma_start3A_34 = tpu.memref_slice %arg9[%dma_start3A_32, %dma_start3A_33] : memref<1024x32xf32, #tpu.memory_space<vmem>> -> memref<640x32xf32, #tpu.memory_space<vmem>>
      tpu.enqueue_dma source(%dma_start3A_34 : memref<640x32xf32, #tpu.memory_space<vmem>>) target(%dma_start3A_31 : memref<640x32xf32, #tpu.memory_space<vmem_shared>>) target_semaphore(%run_scoped3A : memref<!tpu.dma_semaphore, #tpu.memory_space<semaphore_mem>>)
      %dma_wait3A = arith.constant 0 : i32
      %dma_wait3A_35 = arith.constant 0 : i32
      %dma_wait3A_36 = tpu.memref_slice %arg9[%dma_wait3A, %dma_wait3A_35] : memref<1024x32xf32, #tpu.memory_space<vmem>> -> memref<640x32xf32, #tpu.memory_space<vmem>>
      %dma_wait3A_37 = arith.constant 0 : i32
      %dma_wait3A_38 = tpu.memref_slice %arg11[%mul3A_6, %dma_wait3A_37] : memref<10240x32xf32, #tpu.memory_space<vmem_shared>> -> memref<640x32xf32, #tpu.memory_space<vmem_shared>>
      %dma_wait3A_39 = arith.constant 0 : i32
      %dma_wait3A_40 = tpu.memref_slice %arg11[%mul3A_6, %dma_wait3A_39] : memref<10240x32xf32, #tpu.memory_space<vmem_shared>> -> memref<640x32xf32, #tpu.memory_space<vmem_shared>>
      %dma_wait3A_41 = arith.constant 0 : i32
      %dma_wait3A_42 = arith.constant 0 : i32
      %dma_wait3A_43 = tpu.memref_slice %arg9[%dma_wait3A_41, %dma_wait3A_42] : memref<1024x32xf32, #tpu.memory_space<vmem>> -> memref<640x32xf32, #tpu.memory_space<vmem>>
      tpu.wait_dma2 semaphore(%run_scoped3A : memref<!tpu.dma_semaphore, #tpu.memory_space<semaphore_mem>>) src(%dma_wait3A_43 : memref<640x32xf32, #tpu.memory_space<vmem>>) dst(%dma_wait3A_40 : memref<640x32xf32, #tpu.memory_space<vmem_shared>>)
      tpu.yield
    }) : () -> ()
    %barrier3A = arith.constant 0 : index
    tpu.barrier barrier_id(%barrier3A)
    %eq3A = arith.constant 0 : i32
    %eq3A_7 = arith.cmpi eq, %arg0, %eq3A : i32
    %convert_element_type3A = arith.extui %eq3A_7 : i1 to i32
    %cond3A = arith.constant 0 : i32
    %cond3A_8 = arith.cmpi ne, %convert_element_type3A, %cond3A : i32
    scf.if %cond3A_8 {
      %dma_start3A = arith.constant 0 : i32
      %dma_start3A_26 = arith.constant 0 : i32
      %dma_start3A_27 = tpu.memref_slice %arg7[%dma_start3A, %dma_start3A_26] : memref<20x1024xi32, #tpu.memory_space<vmem>> -> memref<1x1024xi32, #tpu.memory_space<vmem>>
      %dma_start3A_28 = tpu.memref_squeeze %dma_start3A_27 : memref<1x1024xi32, #tpu.memory_space<vmem>> -> memref<1024xi32, #tpu.memory_space<vmem>>
      %dma_start3A_29 = arith.constant 0 : i32
      %dma_start3A_30 = arith.constant 0 : i32
      %dma_start3A_31 = tpu.memref_slice %arg2[%dma_start3A_29, %dma_start3A_30] : memref<10000x32xf32, #tpu.memory_space<hbm>> -> memref<10000x32xf32, #tpu.memory_space<hbm>>
      tpu.enqueue_indirect_dma source(%dma_start3A_31 : memref<10000x32xf32, #tpu.memory_space<hbm>>) target(%arg9 : memref<1024x32xf32, #tpu.memory_space<vmem>>) offsets(%dma_start3A_28 : memref<1024xi32, #tpu.memory_space<vmem>>) semaphore(%arg12 : memref<!tpu.dma_semaphore, #tpu.memory_space<semaphore_mem>>)
      %scan3A_32 = arith.constant 0 : i32
      %scan3A_33 = arith.constant 0 : i32
      %scan3A_34 = arith.constant 10 : i32
      %scan3A_35 = arith.addi %scan3A_33, %scan3A_34 : i32
      %scan3A_36 = arith.constant 1 : i32
      %scan3A_37 = scf.for %scan3A_39 = %scan3A_33 to %scan3A_35 step %scan3A_36 iter_args(%scan3A_40 = %scan3A_32) -> (i32)  : i32 {
        %mul3A_41 = arith.constant 2 : i32
        %mul3A_42 = arith.muli %mul3A_41, %scan3A_39 : i32
        %dma_wait3A = arith.constant 0 : i32
        %dma_wait3A_43 = arith.constant 0 : i32
        %dma_wait3A_44 = tpu.memref_slice %arg7[%dma_wait3A, %dma_wait3A_43] : memref<20x1024xi32, #tpu.memory_space<vmem>> -> memref<1x1024xi32, #tpu.memory_space<vmem>>
        %dma_wait3A_45 = tpu.memref_squeeze %dma_wait3A_44 : memref<1x1024xi32, #tpu.memory_space<vmem>> -> memref<1024xi32, #tpu.memory_space<vmem>>
        %dma_wait3A_46 = arith.constant 0 : i32
        %dma_wait3A_47 = arith.constant 0 : i32
        %dma_wait3A_48 = tpu.memref_slice %arg2[%dma_wait3A_46, %dma_wait3A_47] : memref<10000x32xf32, #tpu.memory_space<hbm>> -> memref<10000x32xf32, #tpu.memory_space<hbm>>
        tpu.wait_indirect_dma semaphore(%arg12 : memref<!tpu.dma_semaphore, #tpu.memory_space<semaphore_mem>>) src(%dma_wait3A_48 : memref<10000x32xf32, #tpu.memory_space<hbm>>) dst(%arg9 : memref<1024x32xf32, #tpu.memory_space<vmem>>)
        %add3A = arith.constant 1 : i32
        %add3A_49 = arith.addi %mul3A_42, %add3A : i32
        %lt3A_50 = arith.constant 20 : i32
        %lt3A_51 = arith.cmpi slt, %add3A_49, %lt3A_50 : i32
        %convert_element_type3A_52 = arith.extui %lt3A_51 : i1 to i32
        %cond3A_53 = arith.constant 0 : i32
        %cond3A_54 = arith.cmpi ne, %convert_element_type3A_52, %cond3A_53 : i32
        scf.if %cond3A_54 {
          %add3A_74 = arith.constant 1 : i32
          %add3A_75 = arith.addi %mul3A_42, %add3A_74 : i32
          %dma_start3A_76 = arith.constant 0 : i32
          %dma_start3A_77 = tpu.memref_slice %arg7[%add3A_75, %dma_start3A_76] : memref<20x1024xi32, #tpu.memory_space<vmem>> -> memref<1x1024xi32, #tpu.memory_space<vmem>>
          %dma_start3A_78 = tpu.memref_squeeze %dma_start3A_77 : memref<1x1024xi32, #tpu.memory_space<vmem>> -> memref<1024xi32, #tpu.memory_space<vmem>>
          %dma_start3A_79 = arith.constant 0 : i32
          %dma_start3A_80 = arith.constant 0 : i32
          %dma_start3A_81 = tpu.memref_slice %arg2[%dma_start3A_79, %dma_start3A_80] : memref<10000x32xf32, #tpu.memory_space<hbm>> -> memref<10000x32xf32, #tpu.memory_space<hbm>>
          tpu.enqueue_indirect_dma source(%dma_start3A_81 : memref<10000x32xf32, #tpu.memory_space<hbm>>) target(%arg10 : memref<1024x32xf32, #tpu.memory_space<vmem>>) offsets(%dma_start3A_78 : memref<1024xi32, #tpu.memory_space<vmem>>) semaphore(%arg12 : memref<!tpu.dma_semaphore, #tpu.memory_space<semaphore_mem>>)
        } else {
        }
        "tpu.region"() ({
          %run_scoped3A = tpu.sem_alloc : memref<!tpu.dma_semaphore, #tpu.memory_space<semaphore_mem>>
          %dma_start3A_74 = arith.constant 0 : i32
          %dma_start3A_75 = tpu.memref_slice %arg8[%mul3A_42, %dma_start3A_74] : memref<20x1024xi32, #tpu.memory_space<vmem>> -> memref<1x1024xi32, #tpu.memory_space<vmem>>
          %dma_start3A_76 = tpu.memref_squeeze %dma_start3A_75 : memref<1x1024xi32, #tpu.memory_space<vmem>> -> memref<1024xi32, #tpu.memory_space<vmem>>
          %dma_start3A_77 = arith.constant 0 : i32
          %dma_start3A_78 = arith.constant 0 : i32
          %dma_start3A_79 = tpu.memref_slice %arg11[%dma_start3A_77, %dma_start3A_78] : memref<10240x32xf32, #tpu.memory_space<vmem_shared>> -> memref<10240x32xf32, #tpu.memory_space<vmem_shared>>
          tpu.enqueue_indirect_dma source(%arg9 : memref<1024x32xf32, #tpu.memory_space<vmem>>) target(%dma_start3A_79 : memref<10240x32xf32, #tpu.memory_space<vmem_shared>>) offsets(%dma_start3A_76 : memref<1024xi32, #tpu.memory_space<vmem>>) semaphore(%run_scoped3A : memref<!tpu.dma_semaphore, #tpu.memory_space<semaphore_mem>>) {add = true}
          %dma_wait3A_80 = arith.constant 0 : i32
          %dma_wait3A_81 = tpu.memref_slice %arg8[%mul3A_42, %dma_wait3A_80] : memref<20x1024xi32, #tpu.memory_space<vmem>> -> memref<1x1024xi32, #tpu.memory_space<vmem>>
          %dma_wait3A_82 = tpu.memref_squeeze %dma_wait3A_81 : memref<1x1024xi32, #tpu.memory_space<vmem>> -> memref<1024xi32, #tpu.memory_space<vmem>>
          %dma_wait3A_83 = arith.constant 0 : i32
          %dma_wait3A_84 = arith.constant 0 : i32
          %dma_wait3A_85 = tpu.memref_slice %arg11[%dma_wait3A_83, %dma_wait3A_84] : memref<10240x32xf32, #tpu.memory_space<vmem_shared>> -> memref<10240x32xf32, #tpu.memory_space<vmem_shared>>
          tpu.wait_indirect_dma semaphore(%run_scoped3A : memref<!tpu.dma_semaphore, #tpu.memory_space<semaphore_mem>>) src(%arg9 : memref<1024x32xf32, #tpu.memory_space<vmem>>) dst(%dma_wait3A_85 : memref<10240x32xf32, #tpu.memory_space<vmem_shared>>)
          tpu.yield
        }) : () -> ()
        %mul3A_55 = arith.constant 2 : i32
        %mul3A_56 = arith.muli %mul3A_55, %scan3A_39 : i32
        %add3A_57 = arith.constant 1 : i32
        %add3A_58 = arith.addi %mul3A_56, %add3A_57 : i32
        %dma_wait3A_59 = arith.constant 0 : i32
        %dma_wait3A_60 = arith.constant 0 : i32
        %dma_wait3A_61 = tpu.memref_slice %arg7[%dma_wait3A_59, %dma_wait3A_60] : memref<20x1024xi32, #tpu.memory_space<vmem>> -> memref<1x1024xi32, #tpu.memory_space<vmem>>
        %dma_wait3A_62 = tpu.memref_squeeze %dma_wait3A_61 : memref<1x1024xi32, #tpu.memory_space<vmem>> -> memref<1024xi32, #tpu.memory_space<vmem>>
        %dma_wait3A_63 = arith.constant 0 : i32
        %dma_wait3A_64 = arith.constant 0 : i32
        %dma_wait3A_65 = tpu.memref_slice %arg2[%dma_wait3A_63, %dma_wait3A_64] : memref<10000x32xf32, #tpu.memory_space<hbm>> -> memref<10000x32xf32, #tpu.memory_space<hbm>>
        tpu.wait_indirect_dma semaphore(%arg12 : memref<!tpu.dma_semaphore, #tpu.memory_space<semaphore_mem>>) src(%dma_wait3A_65 : memref<10000x32xf32, #tpu.memory_space<hbm>>) dst(%arg9 : memref<1024x32xf32, #tpu.memory_space<vmem>>)
        %add3A_66 = arith.constant 1 : i32
        %add3A_67 = arith.addi %add3A_58, %add3A_66 : i32
        %lt3A_68 = arith.constant 20 : i32
        %lt3A_69 = arith.cmpi slt, %add3A_67, %lt3A_68 : i32
        %convert_element_type3A_70 = arith.extui %lt3A_69 : i1 to i32
        %cond3A_71 = arith.constant 0 : i32
        %cond3A_72 = arith.cmpi ne, %convert_element_type3A_70, %cond3A_71 : i32
        scf.if %cond3A_72 {
          %add3A_74 = arith.constant 1 : i32
          %add3A_75 = arith.addi %add3A_58, %add3A_74 : i32
          %dma_start3A_76 = arith.constant 0 : i32
          %dma_start3A_77 = tpu.memref_slice %arg7[%add3A_75, %dma_start3A_76] : memref<20x1024xi32, #tpu.memory_space<vmem>> -> memref<1x1024xi32, #tpu.memory_space<vmem>>
          %dma_start3A_78 = tpu.memref_squeeze %dma_start3A_77 : memref<1x1024xi32, #tpu.memory_space<vmem>> -> memref<1024xi32, #tpu.memory_space<vmem>>
          %dma_start3A_79 = arith.constant 0 : i32
          %dma_start3A_80 = arith.constant 0 : i32
          %dma_start3A_81 = tpu.memref_slice %arg2[%dma_start3A_79, %dma_start3A_80] : memref<10000x32xf32, #tpu.memory_space<hbm>> -> memref<10000x32xf32, #tpu.memory_space<hbm>>
          tpu.enqueue_indirect_dma source(%dma_start3A_81 : memref<10000x32xf32, #tpu.memory_space<hbm>>) target(%arg9 : memref<1024x32xf32, #tpu.memory_space<vmem>>) offsets(%dma_start3A_78 : memref<1024xi32, #tpu.memory_space<vmem>>) semaphore(%arg12 : memref<!tpu.dma_semaphore, #tpu.memory_space<semaphore_mem>>)
        } else {
        }
        "tpu.region"() ({
          %run_scoped3A = tpu.sem_alloc : memref<!tpu.dma_semaphore, #tpu.memory_space<semaphore_mem>>
          %dma_start3A_74 = arith.constant 0 : i32
          %dma_start3A_75 = tpu.memref_slice %arg8[%add3A_58, %dma_start3A_74] : memref<20x1024xi32, #tpu.memory_space<vmem>> -> memref<1x1024xi32, #tpu.memory_space<vmem>>
          %dma_start3A_76 = tpu.memref_squeeze %dma_start3A_75 : memref<1x1024xi32, #tpu.memory_space<vmem>> -> memref<1024xi32, #tpu.memory_space<vmem>>
          %dma_start3A_77 = arith.constant 0 : i32
          %dma_start3A_78 = arith.constant 0 : i32
          %dma_start3A_79 = tpu.memref_slice %arg11[%dma_start3A_77, %dma_start3A_78] : memref<10240x32xf32, #tpu.memory_space<vmem_shared>> -> memref<10240x32xf32, #tpu.memory_space<vmem_shared>>
          tpu.enqueue_indirect_dma source(%arg10 : memref<1024x32xf32, #tpu.memory_space<vmem>>) target(%dma_start3A_79 : memref<10240x32xf32, #tpu.memory_space<vmem_shared>>) offsets(%dma_start3A_76 : memref<1024xi32, #tpu.memory_space<vmem>>) semaphore(%run_scoped3A : memref<!tpu.dma_semaphore, #tpu.memory_space<semaphore_mem>>) {add = true}
          %dma_wait3A_80 = arith.constant 0 : i32
          %dma_wait3A_81 = tpu.memref_slice %arg8[%add3A_58, %dma_wait3A_80] : memref<20x1024xi32, #tpu.memory_space<vmem>> -> memref<1x1024xi32, #tpu.memory_space<vmem>>
          %dma_wait3A_82 = tpu.memref_squeeze %dma_wait3A_81 : memref<1x1024xi32, #tpu.memory_space<vmem>> -> memref<1024xi32, #tpu.memory_space<vmem>>
          %dma_wait3A_83 = arith.constant 0 : i32
          %dma_wait3A_84 = arith.constant 0 : i32
          %dma_wait3A_85 = tpu.memref_slice %arg11[%dma_wait3A_83, %dma_wait3A_84] : memref<10240x32xf32, #tpu.memory_space<vmem_shared>> -> memref<10240x32xf32, #tpu.memory_space<vmem_shared>>
          tpu.wait_indirect_dma semaphore(%run_scoped3A : memref<!tpu.dma_semaphore, #tpu.memory_space<semaphore_mem>>) src(%arg10 : memref<1024x32xf32, #tpu.memory_space<vmem>>) dst(%dma_wait3A_85 : memref<10240x32xf32, #tpu.memory_space<vmem_shared>>)
          tpu.yield
        }) : () -> ()
        %scan3A_73 = arith.constant 0 : i32
        scf.yield %scan3A_73 : i32
      }
      %scan3A_38 = arith.constant 10 : i32
    } else {
    }
    %eq3A_9 = arith.constant 1 : i32
    %eq3A_10 = arith.cmpi eq, %arg0, %eq3A_9 : i32
    %convert_element_type3A_11 = arith.extui %eq3A_10 : i1 to i32
    %cond3A_12 = arith.constant 0 : i32
    %cond3A_13 = arith.cmpi ne, %convert_element_type3A_11, %cond3A_12 : i32
    scf.if %cond3A_13 {
      %dma_start3A = arith.constant 0 : i32
      %dma_start3A_26 = arith.constant 0 : i32
      %dma_start3A_27 = tpu.memref_slice %arg7[%dma_start3A, %dma_start3A_26] : memref<20x1024xi32, #tpu.memory_space<vmem>> -> memref<1x1024xi32, #tpu.memory_space<vmem>>
      %dma_start3A_28 = tpu.memref_squeeze %dma_start3A_27 : memref<1x1024xi32, #tpu.memory_space<vmem>> -> memref<1024xi32, #tpu.memory_space<vmem>>
      %dma_start3A_29 = arith.constant 0 : i32
      %dma_start3A_30 = arith.constant 0 : i32
      %dma_start3A_31 = tpu.memref_slice %arg3[%dma_start3A_29, %dma_start3A_30] : memref<10000x32xf32, #tpu.memory_space<hbm>> -> memref<10000x32xf32, #tpu.memory_space<hbm>>
      tpu.enqueue_indirect_dma source(%dma_start3A_31 : memref<10000x32xf32, #tpu.memory_space<hbm>>) target(%arg9 : memref<1024x32xf32, #tpu.memory_space<vmem>>) offsets(%dma_start3A_28 : memref<1024xi32, #tpu.memory_space<vmem>>) semaphore(%arg12 : memref<!tpu.dma_semaphore, #tpu.memory_space<semaphore_mem>>)
      %scan3A_32 = arith.constant 0 : i32
      %scan3A_33 = arith.constant 0 : i32
      %scan3A_34 = arith.constant 10 : i32
      %scan3A_35 = arith.addi %scan3A_33, %scan3A_34 : i32
      %scan3A_36 = arith.constant 1 : i32
      %scan3A_37 = scf.for %scan3A_39 = %scan3A_33 to %scan3A_35 step %scan3A_36 iter_args(%scan3A_40 = %scan3A_32) -> (i32)  : i32 {
        %mul3A_41 = arith.constant 2 : i32
        %mul3A_42 = arith.muli %mul3A_41, %scan3A_39 : i32
        %dma_wait3A = arith.constant 0 : i32
        %dma_wait3A_43 = arith.constant 0 : i32
        %dma_wait3A_44 = tpu.memref_slice %arg7[%dma_wait3A, %dma_wait3A_43] : memref<20x1024xi32, #tpu.memory_space<vmem>> -> memref<1x1024xi32, #tpu.memory_space<vmem>>
        %dma_wait3A_45 = tpu.memref_squeeze %dma_wait3A_44 : memref<1x1024xi32, #tpu.memory_space<vmem>> -> memref<1024xi32, #tpu.memory_space<vmem>>
        %dma_wait3A_46 = arith.constant 0 : i32
        %dma_wait3A_47 = arith.constant 0 : i32
        %dma_wait3A_48 = tpu.memref_slice %arg3[%dma_wait3A_46, %dma_wait3A_47] : memref<10000x32xf32, #tpu.memory_space<hbm>> -> memref<10000x32xf32, #tpu.memory_space<hbm>>
        tpu.wait_indirect_dma semaphore(%arg12 : memref<!tpu.dma_semaphore, #tpu.memory_space<semaphore_mem>>) src(%dma_wait3A_48 : memref<10000x32xf32, #tpu.memory_space<hbm>>) dst(%arg9 : memref<1024x32xf32, #tpu.memory_space<vmem>>)
        %add3A = arith.constant 1 : i32
        %add3A_49 = arith.addi %mul3A_42, %add3A : i32
        %lt3A_50 = arith.constant 20 : i32
        %lt3A_51 = arith.cmpi slt, %add3A_49, %lt3A_50 : i32
        %convert_element_type3A_52 = arith.extui %lt3A_51 : i1 to i32
        %cond3A_53 = arith.constant 0 : i32
        %cond3A_54 = arith.cmpi ne, %convert_element_type3A_52, %cond3A_53 : i32
        scf.if %cond3A_54 {
          %add3A_74 = arith.constant 1 : i32
          %add3A_75 = arith.addi %mul3A_42, %add3A_74 : i32
          %dma_start3A_76 = arith.constant 0 : i32
          %dma_start3A_77 = tpu.memref_slice %arg7[%add3A_75, %dma_start3A_76] : memref<20x1024xi32, #tpu.memory_space<vmem>> -> memref<1x1024xi32, #tpu.memory_space<vmem>>
          %dma_start3A_78 = tpu.memref_squeeze %dma_start3A_77 : memref<1x1024xi32, #tpu.memory_space<vmem>> -> memref<1024xi32, #tpu.memory_space<vmem>>
          %dma_start3A_79 = arith.constant 0 : i32
          %dma_start3A_80 = arith.constant 0 : i32
          %dma_start3A_81 = tpu.memref_slice %arg3[%dma_start3A_79, %dma_start3A_80] : memref<10000x32xf32, #tpu.memory_space<hbm>> -> memref<10000x32xf32, #tpu.memory_space<hbm>>
          tpu.enqueue_indirect_dma source(%dma_start3A_81 : memref<10000x32xf32, #tpu.memory_space<hbm>>) target(%arg10 : memref<1024x32xf32, #tpu.memory_space<vmem>>) offsets(%dma_start3A_78 : memref<1024xi32, #tpu.memory_space<vmem>>) semaphore(%arg12 : memref<!tpu.dma_semaphore, #tpu.memory_space<semaphore_mem>>)
        } else {
        }
        "tpu.region"() ({
          %run_scoped3A = tpu.sem_alloc : memref<!tpu.dma_semaphore, #tpu.memory_space<semaphore_mem>>
          %dma_start3A_74 = arith.constant 0 : i32
          %dma_start3A_75 = tpu.memref_slice %arg8[%mul3A_42, %dma_start3A_74] : memref<20x1024xi32, #tpu.memory_space<vmem>> -> memref<1x1024xi32, #tpu.memory_space<vmem>>
          %dma_start3A_76 = tpu.memref_squeeze %dma_start3A_75 : memref<1x1024xi32, #tpu.memory_space<vmem>> -> memref<1024xi32, #tpu.memory_space<vmem>>
          %dma_start3A_77 = arith.constant 0 : i32
          %dma_start3A_78 = arith.constant 0 : i32
          %dma_start3A_79 = tpu.memref_slice %arg11[%dma_start3A_77, %dma_start3A_78] : memref<10240x32xf32, #tpu.memory_space<vmem_shared>> -> memref<10240x32xf32, #tpu.memory_space<vmem_shared>>
          tpu.enqueue_indirect_dma source(%arg9 : memref<1024x32xf32, #tpu.memory_space<vmem>>) target(%dma_start3A_79 : memref<10240x32xf32, #tpu.memory_space<vmem_shared>>) offsets(%dma_start3A_76 : memref<1024xi32, #tpu.memory_space<vmem>>) semaphore(%run_scoped3A : memref<!tpu.dma_semaphore, #tpu.memory_space<semaphore_mem>>) {add = true}
          %dma_wait3A_80 = arith.constant 0 : i32
          %dma_wait3A_81 = tpu.memref_slice %arg8[%mul3A_42, %dma_wait3A_80] : memref<20x1024xi32, #tpu.memory_space<vmem>> -> memref<1x1024xi32, #tpu.memory_space<vmem>>
          %dma_wait3A_82 = tpu.memref_squeeze %dma_wait3A_81 : memref<1x1024xi32, #tpu.memory_space<vmem>> -> memref<1024xi32, #tpu.memory_space<vmem>>
          %dma_wait3A_83 = arith.constant 0 : i32
          %dma_wait3A_84 = arith.constant 0 : i32
          %dma_wait3A_85 = tpu.memref_slice %arg11[%dma_wait3A_83, %dma_wait3A_84] : memref<10240x32xf32, #tpu.memory_space<vmem_shared>> -> memref<10240x32xf32, #tpu.memory_space<vmem_shared>>
          tpu.wait_indirect_dma semaphore(%run_scoped3A : memref<!tpu.dma_semaphore, #tpu.memory_space<semaphore_mem>>) src(%arg9 : memref<1024x32xf32, #tpu.memory_space<vmem>>) dst(%dma_wait3A_85 : memref<10240x32xf32, #tpu.memory_space<vmem_shared>>)
          tpu.yield
        }) : () -> ()
        %mul3A_55 = arith.constant 2 : i32
        %mul3A_56 = arith.muli %mul3A_55, %scan3A_39 : i32
        %add3A_57 = arith.constant 1 : i32
        %add3A_58 = arith.addi %mul3A_56, %add3A_57 : i32
        %dma_wait3A_59 = arith.constant 0 : i32
        %dma_wait3A_60 = arith.constant 0 : i32
        %dma_wait3A_61 = tpu.memref_slice %arg7[%dma_wait3A_59, %dma_wait3A_60] : memref<20x1024xi32, #tpu.memory_space<vmem>> -> memref<1x1024xi32, #tpu.memory_space<vmem>>
        %dma_wait3A_62 = tpu.memref_squeeze %dma_wait3A_61 : memref<1x1024xi32, #tpu.memory_space<vmem>> -> memref<1024xi32, #tpu.memory_space<vmem>>
        %dma_wait3A_63 = arith.constant 0 : i32
        %dma_wait3A_64 = arith.constant 0 : i32
        %dma_wait3A_65 = tpu.memref_slice %arg3[%dma_wait3A_63, %dma_wait3A_64] : memref<10000x32xf32, #tpu.memory_space<hbm>> -> memref<10000x32xf32, #tpu.memory_space<hbm>>
        tpu.wait_indirect_dma semaphore(%arg12 : memref<!tpu.dma_semaphore, #tpu.memory_space<semaphore_mem>>) src(%dma_wait3A_65 : memref<10000x32xf32, #tpu.memory_space<hbm>>) dst(%arg9 : memref<1024x32xf32, #tpu.memory_space<vmem>>)
        %add3A_66 = arith.constant 1 : i32
        %add3A_67 = arith.addi %add3A_58, %add3A_66 : i32
        %lt3A_68 = arith.constant 20 : i32
        %lt3A_69 = arith.cmpi slt, %add3A_67, %lt3A_68 : i32
        %convert_element_type3A_70 = arith.extui %lt3A_69 : i1 to i32
        %cond3A_71 = arith.constant 0 : i32
        %cond3A_72 = arith.cmpi ne, %convert_element_type3A_70, %cond3A_71 : i32
        scf.if %cond3A_72 {
          %add3A_74 = arith.constant 1 : i32
          %add3A_75 = arith.addi %add3A_58, %add3A_74 : i32
          %dma_start3A_76 = arith.constant 0 : i32
          %dma_start3A_77 = tpu.memref_slice %arg7[%add3A_75, %dma_start3A_76] : memref<20x1024xi32, #tpu.memory_space<vmem>> -> memref<1x1024xi32, #tpu.memory_space<vmem>>
          %dma_start3A_78 = tpu.memref_squeeze %dma_start3A_77 : memref<1x1024xi32, #tpu.memory_space<vmem>> -> memref<1024xi32, #tpu.memory_space<vmem>>
          %dma_start3A_79 = arith.constant 0 : i32
          %dma_start3A_80 = arith.constant 0 : i32
          %dma_start3A_81 = tpu.memref_slice %arg3[%dma_start3A_79, %dma_start3A_80] : memref<10000x32xf32, #tpu.memory_space<hbm>> -> memref<10000x32xf32, #tpu.memory_space<hbm>>
          tpu.enqueue_indirect_dma source(%dma_start3A_81 : memref<10000x32xf32, #tpu.memory_space<hbm>>) target(%arg9 : memref<1024x32xf32, #tpu.memory_space<vmem>>) offsets(%dma_start3A_78 : memref<1024xi32, #tpu.memory_space<vmem>>) semaphore(%arg12 : memref<!tpu.dma_semaphore, #tpu.memory_space<semaphore_mem>>)
        } else {
        }
        "tpu.region"() ({
          %run_scoped3A = tpu.sem_alloc : memref<!tpu.dma_semaphore, #tpu.memory_space<semaphore_mem>>
          %dma_start3A_74 = arith.constant 0 : i32
          %dma_start3A_75 = tpu.memref_slice %arg8[%add3A_58, %dma_start3A_74] : memref<20x1024xi32, #tpu.memory_space<vmem>> -> memref<1x1024xi32, #tpu.memory_space<vmem>>
          %dma_start3A_76 = tpu.memref_squeeze %dma_start3A_75 : memref<1x1024xi32, #tpu.memory_space<vmem>> -> memref<1024xi32, #tpu.memory_space<vmem>>
          %dma_start3A_77 = arith.constant 0 : i32
          %dma_start3A_78 = arith.constant 0 : i32
          %dma_start3A_79 = tpu.memref_slice %arg11[%dma_start3A_77, %dma_start3A_78] : memref<10240x32xf32, #tpu.memory_space<vmem_shared>> -> memref<10240x32xf32, #tpu.memory_space<vmem_shared>>
          tpu.enqueue_indirect_dma source(%arg10 : memref<1024x32xf32, #tpu.memory_space<vmem>>) target(%dma_start3A_79 : memref<10240x32xf32, #tpu.memory_space<vmem_shared>>) offsets(%dma_start3A_76 : memref<1024xi32, #tpu.memory_space<vmem>>) semaphore(%run_scoped3A : memref<!tpu.dma_semaphore, #tpu.memory_space<semaphore_mem>>) {add = true}
          %dma_wait3A_80 = arith.constant 0 : i32
          %dma_wait3A_81 = tpu.memref_slice %arg8[%add3A_58, %dma_wait3A_80] : memref<20x1024xi32, #tpu.memory_space<vmem>> -> memref<1x1024xi32, #tpu.memory_space<vmem>>
          %dma_wait3A_82 = tpu.memref_squeeze %dma_wait3A_81 : memref<1x1024xi32, #tpu.memory_space<vmem>> -> memref<1024xi32, #tpu.memory_space<vmem>>
          %dma_wait3A_83 = arith.constant 0 : i32
          %dma_wait3A_84 = arith.constant 0 : i32
          %dma_wait3A_85 = tpu.memref_slice %arg11[%dma_wait3A_83, %dma_wait3A_84] : memref<10240x32xf32, #tpu.memory_space<vmem_shared>> -> memref<10240x32xf32, #tpu.memory_space<vmem_shared>>
          tpu.wait_indirect_dma semaphore(%run_scoped3A : memref<!tpu.dma_semaphore, #tpu.memory_space<semaphore_mem>>) src(%arg10 : memref<1024x32xf32, #tpu.memory_space<vmem>>) dst(%dma_wait3A_85 : memref<10240x32xf32, #tpu.memory_space<vmem_shared>>)
          tpu.yield
        }) : () -> ()
        %scan3A_73 = arith.constant 0 : i32
        scf.yield %scan3A_73 : i32
      }
      %scan3A_38 = arith.constant 10 : i32
    } else {
    }
    %barrier3A_14 = arith.constant 0 : index
    tpu.barrier barrier_id(%barrier3A_14)
    %mul3A_15 = arith.constant 640 : i32
    %mul3A_16 = arith.muli %arg1, %mul3A_15 : i32
    %lt3A = arith.constant 15 : i32
    %lt3A_17 = arith.cmpi slt, %arg1, %lt3A : i32
    %convert_element_type3A_18 = arith.extui %lt3A_17 : i1 to i32
    %cond3A_19 = arith.constant 0 : i32
    %cond3A_20 = arith.cmpi ne, %convert_element_type3A_18, %cond3A_19 : i32
    scf.if %cond3A_20 {
      "tpu.region"() ({
        %run_scoped3A = tpu.sem_alloc : memref<!tpu.dma_semaphore, #tpu.memory_space<semaphore_mem>>
        %dma_start3A = arith.constant 0 : i32
        %dma_start3A_26 = arith.constant 0 : i32
        %dma_start3A_27 = tpu.memref_slice %arg9[%dma_start3A, %dma_start3A_26] : memref<1024x32xf32, #tpu.memory_space<vmem>> -> memref<640x32xf32, #tpu.memory_space<vmem>>
        %dma_start3A_28 = arith.constant 0 : i32
        %dma_start3A_29 = tpu.memref_slice %arg11[%mul3A_16, %dma_start3A_28] : memref<10240x32xf32, #tpu.memory_space<vmem_shared>> -> memref<640x32xf32, #tpu.memory_space<vmem_shared>>
        %dma_start3A_30 = arith.constant 0 : i32
        %dma_start3A_31 = arith.constant 0 : i32
        %dma_start3A_32 = tpu.memref_slice %arg9[%dma_start3A_30, %dma_start3A_31] : memref<1024x32xf32, #tpu.memory_space<vmem>> -> memref<640x32xf32, #tpu.memory_space<vmem>>
        %dma_start3A_33 = arith.constant 0 : i32
        %dma_start3A_34 = tpu.memref_slice %arg11[%mul3A_16, %dma_start3A_33] : memref<10240x32xf32, #tpu.memory_space<vmem_shared>> -> memref<640x32xf32, #tpu.memory_space<vmem_shared>>
        tpu.enqueue_dma source(%dma_start3A_34 : memref<640x32xf32, #tpu.memory_space<vmem_shared>>) target(%dma_start3A_32 : memref<640x32xf32, #tpu.memory_space<vmem>>) target_semaphore(%run_scoped3A : memref<!tpu.dma_semaphore, #tpu.memory_space<semaphore_mem>>)
        %dma_wait3A = arith.constant 0 : i32
        %dma_wait3A_35 = arith.constant 0 : i32
        %dma_wait3A_36 = tpu.memref_slice %arg9[%dma_wait3A, %dma_wait3A_35] : memref<1024x32xf32, #tpu.memory_space<vmem>> -> memref<640x32xf32, #tpu.memory_space<vmem>>
        %dma_wait3A_37 = arith.constant 0 : i32
        %dma_wait3A_38 = tpu.memref_slice %arg11[%mul3A_16, %dma_wait3A_37] : memref<10240x32xf32, #tpu.memory_space<vmem_shared>> -> memref<640x32xf32, #tpu.memory_space<vmem_shared>>
        %dma_wait3A_39 = arith.constant 0 : i32
        %dma_wait3A_40 = arith.constant 0 : i32
        %dma_wait3A_41 = tpu.memref_slice %arg9[%dma_wait3A_39, %dma_wait3A_40] : memref<1024x32xf32, #tpu.memory_space<vmem>> -> memref<640x32xf32, #tpu.memory_space<vmem>>
        %dma_wait3A_42 = arith.constant 0 : i32
        %dma_wait3A_43 = tpu.memref_slice %arg11[%mul3A_16, %dma_wait3A_42] : memref<10240x32xf32, #tpu.memory_space<vmem_shared>> -> memref<640x32xf32, #tpu.memory_space<vmem_shared>>
        tpu.wait_dma2 semaphore(%run_scoped3A : memref<!tpu.dma_semaphore, #tpu.memory_space<semaphore_mem>>) src(%dma_wait3A_43 : memref<640x32xf32, #tpu.memory_space<vmem_shared>>) dst(%dma_wait3A_41 : memref<640x32xf32, #tpu.memory_space<vmem>>)
        tpu.yield
      }) : () -> ()
      "tpu.region"() ({
        %run_scoped3A = tpu.sem_alloc : memref<!tpu.dma_semaphore, #tpu.memory_space<semaphore_mem>>
        %dma_start3A = arith.constant 0 : i32
        %dma_start3A_26 = arith.constant 0 : i32
        %dma_start3A_27 = tpu.memref_slice %arg9[%dma_start3A, %dma_start3A_26] : memref<1024x32xf32, #tpu.memory_space<vmem>> -> memref<640x32xf32, #tpu.memory_space<vmem>>
        %dma_start3A_28 = arith.constant 0 : i32
        %dma_start3A_29 = tpu.memref_slice %arg6[%arg0, %mul3A_16, %dma_start3A_28] : memref<2x10000x32xf32, #tpu.memory_space<hbm>> -> memref<1x640x32xf32, #tpu.memory_space<hbm>>
        %dma_start3A_30 = tpu.memref_squeeze %dma_start3A_29 : memref<1x640x32xf32, #tpu.memory_space<hbm>> -> memref<640x32xf32, #tpu.memory_space<hbm>>
        %dma_start3A_31 = arith.constant 0 : i32
        %dma_start3A_32 = tpu.memref_slice %arg6[%arg0, %mul3A_16, %dma_start3A_31] : memref<2x10000x32xf32, #tpu.memory_space<hbm>> -> memref<1x640x32xf32, #tpu.memory_space<hbm>>
        %dma_start3A_33 = tpu.memref_squeeze %dma_start3A_32 : memref<1x640x32xf32, #tpu.memory_space<hbm>> -> memref<640x32xf32, #tpu.memory_space<hbm>>
        %dma_start3A_34 = arith.constant 0 : i32
        %dma_start3A_35 = arith.constant 0 : i32
        %dma_start3A_36 = tpu.memref_slice %arg9[%dma_start3A_34, %dma_start3A_35] : memref<1024x32xf32, #tpu.memory_space<vmem>> -> memref<640x32xf32, #tpu.memory_space<vmem>>
        tpu.enqueue_dma source(%dma_start3A_36 : memref<640x32xf32, #tpu.memory_space<vmem>>) target(%dma_start3A_33 : memref<640x32xf32, #tpu.memory_space<hbm>>) target_semaphore(%run_scoped3A : memref<!tpu.dma_semaphore, #tpu.memory_space<semaphore_mem>>)
        %dma_wait3A = arith.constant 0 : i32
        %dma_wait3A_37 = arith.constant 0 : i32
        %dma_wait3A_38 = tpu.memref_slice %arg9[%dma_wait3A, %dma_wait3A_37] : memref<1024x32xf32, #tpu.memory_space<vmem>> -> memref<640x32xf32, #tpu.memory_space<vmem>>
        %dma_wait3A_39 = arith.constant 0 : i32
        %dma_wait3A_40 = tpu.memref_slice %arg6[%arg0, %mul3A_16, %dma_wait3A_39] : memref<2x10000x32xf32, #tpu.memory_space<hbm>> -> memref<1x640x32xf32, #tpu.memory_space<hbm>>
        %dma_wait3A_41 = tpu.memref_squeeze %dma_wait3A_40 : memref<1x640x32xf32, #tpu.memory_space<hbm>> -> memref<640x32xf32, #tpu.memory_space<hbm>>
        %dma_wait3A_42 = arith.constant 0 : i32
        %dma_wait3A_43 = tpu.memref_slice %arg6[%arg0, %mul3A_16, %dma_wait3A_42] : memref<2x10000x32xf32, #tpu.memory_space<hbm>> -> memref<1x640x32xf32, #tpu.memory_space<hbm>>
        %dma_wait3A_44 = tpu.memref_squeeze %dma_wait3A_43 : memref<1x640x32xf32, #tpu.memory_space<hbm>> -> memref<640x32xf32, #tpu.memory_space<hbm>>
        %dma_wait3A_45 = arith.constant 0 : i32
        %dma_wait3A_46 = arith.constant 0 : i32
        %dma_wait3A_47 = tpu.memref_slice %arg9[%dma_wait3A_45, %dma_wait3A_46] : memref<1024x32xf32, #tpu.memory_space<vmem>> -> memref<640x32xf32, #tpu.memory_space<vmem>>
        tpu.wait_dma2 semaphore(%run_scoped3A : memref<!tpu.dma_semaphore, #tpu.memory_space<semaphore_mem>>) src(%dma_wait3A_47 : memref<640x32xf32, #tpu.memory_space<vmem>>) dst(%dma_wait3A_44 : memref<640x32xf32, #tpu.memory_space<hbm>>)
        tpu.yield
      }) : () -> ()
    } else {
    }
    %eq3A_21 = arith.constant 15 : i32
    %eq3A_22 = arith.cmpi eq, %arg1, %eq3A_21 : i32
    %convert_element_type3A_23 = arith.extui %eq3A_22 : i1 to i32
    %cond3A_24 = arith.constant 0 : i32
    %cond3A_25 = arith.cmpi ne, %convert_element_type3A_23, %cond3A_24 : i32
    scf.if %cond3A_25 {
      "tpu.region"() ({
        %run_scoped3A = tpu.sem_alloc : memref<!tpu.dma_semaphore, #tpu.memory_space<semaphore_mem>>
        %dma_start3A = arith.constant 0 : i32
        %dma_start3A_26 = arith.constant 0 : i32
        %dma_start3A_27 = tpu.memref_slice %arg9[%dma_start3A, %dma_start3A_26] : memref<1024x32xf32, #tpu.memory_space<vmem>> -> memref<400x32xf32, #tpu.memory_space<vmem>>
        %dma_start3A_28 = arith.constant 0 : i32
        %dma_start3A_29 = tpu.memref_slice %arg11[%mul3A_16, %dma_start3A_28] : memref<10240x32xf32, #tpu.memory_space<vmem_shared>> -> memref<400x32xf32, #tpu.memory_space<vmem_shared>>
        %dma_start3A_30 = arith.constant 0 : i32
        %dma_start3A_31 = arith.constant 0 : i32
        %dma_start3A_32 = tpu.memref_slice %arg9[%dma_start3A_30, %dma_start3A_31] : memref<1024x32xf32, #tpu.memory_space<vmem>> -> memref<400x32xf32, #tpu.memory_space<vmem>>
        %dma_start3A_33 = arith.constant 0 : i32
        %dma_start3A_34 = tpu.memref_slice %arg11[%mul3A_16, %dma_start3A_33] : memref<10240x32xf32, #tpu.memory_space<vmem_shared>> -> memref<400x32xf32, #tpu.memory_space<vmem_shared>>
        tpu.enqueue_dma source(%dma_start3A_34 : memref<400x32xf32, #tpu.memory_space<vmem_shared>>) target(%dma_start3A_32 : memref<400x32xf32, #tpu.memory_space<vmem>>) target_semaphore(%run_scoped3A : memref<!tpu.dma_semaphore, #tpu.memory_space<semaphore_mem>>)
        %dma_wait3A = arith.constant 0 : i32
        %dma_wait3A_35 = arith.constant 0 : i32
        %dma_wait3A_36 = tpu.memref_slice %arg9[%dma_wait3A, %dma_wait3A_35] : memref<1024x32xf32, #tpu.memory_space<vmem>> -> memref<400x32xf32, #tpu.memory_space<vmem>>
        %dma_wait3A_37 = arith.constant 0 : i32
        %dma_wait3A_38 = tpu.memref_slice %arg11[%mul3A_16, %dma_wait3A_37] : memref<10240x32xf32, #tpu.memory_space<vmem_shared>> -> memref<400x32xf32, #tpu.memory_space<vmem_shared>>
        %dma_wait3A_39 = arith.constant 0 : i32
        %dma_wait3A_40 = arith.constant 0 : i32
        %dma_wait3A_41 = tpu.memref_slice %arg9[%dma_wait3A_39, %dma_wait3A_40] : memref<1024x32xf32, #tpu.memory_space<vmem>> -> memref<400x32xf32, #tpu.memory_space<vmem>>
        %dma_wait3A_42 = arith.constant 0 : i32
        %dma_wait3A_43 = tpu.memref_slice %arg11[%mul3A_16, %dma_wait3A_42] : memref<10240x32xf32, #tpu.memory_space<vmem_shared>> -> memref<400x32xf32, #tpu.memory_space<vmem_shared>>
        tpu.wait_dma2 semaphore(%run_scoped3A : memref<!tpu.dma_semaphore, #tpu.memory_space<semaphore_mem>>) src(%dma_wait3A_43 : memref<400x32xf32, #tpu.memory_space<vmem_shared>>) dst(%dma_wait3A_41 : memref<400x32xf32, #tpu.memory_space<vmem>>)
        tpu.yield
      }) : () -> ()
      "tpu.region"() ({
        %run_scoped3A = tpu.sem_alloc : memref<!tpu.dma_semaphore, #tpu.memory_space<semaphore_mem>>
        %dma_start3A = arith.constant 0 : i32
        %dma_start3A_26 = arith.constant 0 : i32
        %dma_start3A_27 = tpu.memref_slice %arg9[%dma_start3A, %dma_start3A_26] : memref<1024x32xf32, #tpu.memory_space<vmem>> -> memref<400x32xf32, #tpu.memory_space<vmem>>
        %dma_start3A_28 = arith.constant 0 : i32
        %dma_start3A_29 = tpu.memref_slice %arg6[%arg0, %mul3A_16, %dma_start3A_28] : memref<2x10000x32xf32, #tpu.memory_space<hbm>> -> memref<1x400x32xf32, #tpu.memory_space<hbm>>
        %dma_start3A_30 = tpu.memref_squeeze %dma_start3A_29 : memref<1x400x32xf32, #tpu.memory_space<hbm>> -> memref<400x32xf32, #tpu.memory_space<hbm>>
        %dma_start3A_31 = arith.constant 0 : i32
        %dma_start3A_32 = tpu.memref_slice %arg6[%arg0, %mul3A_16, %dma_start3A_31] : memref<2x10000x32xf32, #tpu.memory_space<hbm>> -> memref<1x400x32xf32, #tpu.memory_space<hbm>>
        %dma_start3A_33 = tpu.memref_squeeze %dma_start3A_32 : memref<1x400x32xf32, #tpu.memory_space<hbm>> -> memref<400x32xf32, #tpu.memory_space<hbm>>
        %dma_start3A_34 = arith.constant 0 : i32
        %dma_start3A_35 = arith.constant 0 : i32
        %dma_start3A_36 = tpu.memref_slice %arg9[%dma_start3A_34, %dma_start3A_35] : memref<1024x32xf32, #tpu.memory_space<vmem>> -> memref<400x32xf32, #tpu.memory_space<vmem>>
        tpu.enqueue_dma source(%dma_start3A_36 : memref<400x32xf32, #tpu.memory_space<vmem>>) target(%dma_start3A_33 : memref<400x32xf32, #tpu.memory_space<hbm>>) target_semaphore(%run_scoped3A : memref<!tpu.dma_semaphore, #tpu.memory_space<semaphore_mem>>)
        %dma_wait3A = arith.constant 0 : i32
        %dma_wait3A_37 = arith.constant 0 : i32
        %dma_wait3A_38 = tpu.memref_slice %arg9[%dma_wait3A, %dma_wait3A_37] : memref<1024x32xf32, #tpu.memory_space<vmem>> -> memref<400x32xf32, #tpu.memory_space<vmem>>
        %dma_wait3A_39 = arith.constant 0 : i32
        %dma_wait3A_40 = tpu.memref_slice %arg6[%arg0, %mul3A_16, %dma_wait3A_39] : memref<2x10000x32xf32, #tpu.memory_space<hbm>> -> memref<1x400x32xf32, #tpu.memory_space<hbm>>
        %dma_wait3A_41 = tpu.memref_squeeze %dma_wait3A_40 : memref<1x400x32xf32, #tpu.memory_space<hbm>> -> memref<400x32xf32, #tpu.memory_space<hbm>>
        %dma_wait3A_42 = arith.constant 0 : i32
        %dma_wait3A_43 = tpu.memref_slice %arg6[%arg0, %mul3A_16, %dma_wait3A_42] : memref<2x10000x32xf32, #tpu.memory_space<hbm>> -> memref<1x400x32xf32, #tpu.memory_space<hbm>>
        %dma_wait3A_44 = tpu.memref_squeeze %dma_wait3A_43 : memref<1x400x32xf32, #tpu.memory_space<hbm>> -> memref<400x32xf32, #tpu.memory_space<hbm>>
        %dma_wait3A_45 = arith.constant 0 : i32
        %dma_wait3A_46 = arith.constant 0 : i32
        %dma_wait3A_47 = tpu.memref_slice %arg9[%dma_wait3A_45, %dma_wait3A_46] : memref<1024x32xf32, #tpu.memory_space<vmem>> -> memref<400x32xf32, #tpu.memory_space<vmem>>
        tpu.wait_dma2 semaphore(%run_scoped3A : memref<!tpu.dma_semaphore, #tpu.memory_space<semaphore_mem>>) src(%dma_wait3A_47 : memref<400x32xf32, #tpu.memory_space<vmem>>) dst(%dma_wait3A_44 : memref<400x32xf32, #tpu.memory_space<hbm>>)
        tpu.yield
      }) : () -> ()
    } else {
    }
    return
  }
}

#map = affine_map<(d0, d1) -> (0, 0)>
#map1 = affine_map<(d0, d1) -> (0, 0, 0)>
module attributes {stable_mosaic.version = 14 : i64} {
  func.func @k(%arg0: i32, %arg1: i32, %arg2: memref<10000x32xf32, #tpu.memory_space<hbm>>, %arg3: memref<10000x32xf32, #tpu.memory_space<hbm>>, %arg4: memref<16x20x1024xi32, #tpu.memory_space<hbm>>, %arg5: memref<16x20x1024xi32, #tpu.memory_space<hbm>>, %arg6: memref<2x10000x32xf32, #tpu.memory_space<hbm>>, %arg7: memref<20x1024xi32, #tpu.memory_space<vmem>>, %arg8: memref<20x1024xi32, #tpu.memory_space<vmem>>, %arg9: memref<1024x32xf32, #tpu.memory_space<vmem>>, %arg10: memref<1024x32xf32, #tpu.memory_space<vmem>>, %arg11: memref<10240x32xf32, #tpu.memory_space<vmem_shared>>, %arg12: memref<!tpu.dma_semaphore, #tpu.memory_space<semaphore_mem>>, %arg13: memref<!tpu.dma_semaphore, #tpu.memory_space<semaphore_mem>>) attributes {dimension_semantics = [#tpu.dimension_semantics<core_parallel>, #tpu.dimension_semantics<subcore_parallel>], iteration_bounds = array<i64: 2, 16>, scalar_prefetch = 0 : i64, scratch_operands = 7 : i64, tpu.core_type = #tpu.core_type<sc_vector_subcore>, window_params = [{transform_indices = #map}, {transform_indices = #map}, {transform_indices = #map1}, {transform_indices = #map1}, {transform_indices = #map1}]} {
    "tpu.region"() ({
      %run_scoped3A = tpu.sem_alloc : memref<!tpu.dma_semaphore, #tpu.memory_space<semaphore_mem>>
      %dma_start3A = arith.constant 0 : i32
      %dma_start3A_26 = arith.constant 0 : i32
      %dma_start3A_27 = tpu.memref_slice %arg4[%arg1, %dma_start3A, %dma_start3A_26] : memref<16x20x1024xi32, #tpu.memory_space<hbm>> -> memref<1x20x1024xi32, #tpu.memory_space<hbm>>
      %dma_start3A_28 = tpu.memref_squeeze %dma_start3A_27 : memref<1x20x1024xi32, #tpu.memory_space<hbm>> -> memref<20x1024xi32, #tpu.memory_space<hbm>>
      %dma_start3A_29 = arith.constant 0 : i32
      %dma_start3A_30 = arith.constant 0 : i32
      %dma_start3A_31 = tpu.memref_slice %arg4[%arg1, %dma_start3A_29, %dma_start3A_30] : memref<16x20x1024xi32, #tpu.memory_space<hbm>> -> memref<1x20x1024xi32, #tpu.memory_space<hbm>>
      %dma_start3A_32 = tpu.memref_squeeze %dma_start3A_31 : memref<1x20x1024xi32, #tpu.memory_space<hbm>> -> memref<20x1024xi32, #tpu.memory_space<hbm>>
      tpu.enqueue_dma source(%dma_start3A_32 : memref<20x1024xi32, #tpu.memory_space<hbm>>) target(%arg7 : memref<20x1024xi32, #tpu.memory_space<vmem>>) target_semaphore(%run_scoped3A : memref<!tpu.dma_semaphore, #tpu.memory_space<semaphore_mem>>)
      %dma_wait3A = arith.constant 0 : i32
      %dma_wait3A_33 = arith.constant 0 : i32
      %dma_wait3A_34 = tpu.memref_slice %arg4[%arg1, %dma_wait3A, %dma_wait3A_33] : memref<16x20x1024xi32, #tpu.memory_space<hbm>> -> memref<1x20x1024xi32, #tpu.memory_space<hbm>>
      %dma_wait3A_35 = tpu.memref_squeeze %dma_wait3A_34 : memref<1x20x1024xi32, #tpu.memory_space<hbm>> -> memref<20x1024xi32, #tpu.memory_space<hbm>>
      %dma_wait3A_36 = arith.constant 0 : i32
      %dma_wait3A_37 = arith.constant 0 : i32
      %dma_wait3A_38 = tpu.memref_slice %arg4[%arg1, %dma_wait3A_36, %dma_wait3A_37] : memref<16x20x1024xi32, #tpu.memory_space<hbm>> -> memref<1x20x1024xi32, #tpu.memory_space<hbm>>
      %dma_wait3A_39 = tpu.memref_squeeze %dma_wait3A_38 : memref<1x20x1024xi32, #tpu.memory_space<hbm>> -> memref<20x1024xi32, #tpu.memory_space<hbm>>
      tpu.wait_dma2 semaphore(%run_scoped3A : memref<!tpu.dma_semaphore, #tpu.memory_space<semaphore_mem>>) src(%dma_wait3A_39 : memref<20x1024xi32, #tpu.memory_space<hbm>>) dst(%arg7 : memref<20x1024xi32, #tpu.memory_space<vmem>>)
      tpu.yield
    }) : () -> ()
    "tpu.region"() ({
      %run_scoped3A = tpu.sem_alloc : memref<!tpu.dma_semaphore, #tpu.memory_space<semaphore_mem>>
      %dma_start3A = arith.constant 0 : i32
      %dma_start3A_26 = arith.constant 0 : i32
      %dma_start3A_27 = tpu.memref_slice %arg5[%arg1, %dma_start3A, %dma_start3A_26] : memref<16x20x1024xi32, #tpu.memory_space<hbm>> -> memref<1x20x1024xi32, #tpu.memory_space<hbm>>
      %dma_start3A_28 = tpu.memref_squeeze %dma_start3A_27 : memref<1x20x1024xi32, #tpu.memory_space<hbm>> -> memref<20x1024xi32, #tpu.memory_space<hbm>>
      %dma_start3A_29 = arith.constant 0 : i32
      %dma_start3A_30 = arith.constant 0 : i32
      %dma_start3A_31 = tpu.memref_slice %arg5[%arg1, %dma_start3A_29, %dma_start3A_30] : memref<16x20x1024xi32, #tpu.memory_space<hbm>> -> memref<1x20x1024xi32, #tpu.memory_space<hbm>>
      %dma_start3A_32 = tpu.memref_squeeze %dma_start3A_31 : memref<1x20x1024xi32, #tpu.memory_space<hbm>> -> memref<20x1024xi32, #tpu.memory_space<hbm>>
      tpu.enqueue_dma source(%dma_start3A_32 : memref<20x1024xi32, #tpu.memory_space<hbm>>) target(%arg8 : memref<20x1024xi32, #tpu.memory_space<vmem>>) target_semaphore(%run_scoped3A : memref<!tpu.dma_semaphore, #tpu.memory_space<semaphore_mem>>)
      %dma_wait3A = arith.constant 0 : i32
      %dma_wait3A_33 = arith.constant 0 : i32
      %dma_wait3A_34 = tpu.memref_slice %arg5[%arg1, %dma_wait3A, %dma_wait3A_33] : memref<16x20x1024xi32, #tpu.memory_space<hbm>> -> memref<1x20x1024xi32, #tpu.memory_space<hbm>>
      %dma_wait3A_35 = tpu.memref_squeeze %dma_wait3A_34 : memref<1x20x1024xi32, #tpu.memory_space<hbm>> -> memref<20x1024xi32, #tpu.memory_space<hbm>>
      %dma_wait3A_36 = arith.constant 0 : i32
      %dma_wait3A_37 = arith.constant 0 : i32
      %dma_wait3A_38 = tpu.memref_slice %arg5[%arg1, %dma_wait3A_36, %dma_wait3A_37] : memref<16x20x1024xi32, #tpu.memory_space<hbm>> -> memref<1x20x1024xi32, #tpu.memory_space<hbm>>
      %dma_wait3A_39 = tpu.memref_squeeze %dma_wait3A_38 : memref<1x20x1024xi32, #tpu.memory_space<hbm>> -> memref<20x1024xi32, #tpu.memory_space<hbm>>
      tpu.wait_dma2 semaphore(%run_scoped3A : memref<!tpu.dma_semaphore, #tpu.memory_space<semaphore_mem>>) src(%dma_wait3A_39 : memref<20x1024xi32, #tpu.memory_space<hbm>>) dst(%arg8 : memref<20x1024xi32, #tpu.memory_space<vmem>>)
      tpu.yield
    }) : () -> ()
    %scan3A = arith.constant 0 : i32
    %scan3A_0 = arith.constant 0 : i32
    %scan3A_1 = arith.constant 640 : i32
    %scan3A_2 = arith.addi %scan3A_0, %scan3A_1 : i32
    %scan3A_3 = arith.constant 1 : i32
    %scan3A_4 = scf.for %scan3A_26 = %scan3A_0 to %scan3A_2 step %scan3A_3 iter_args(%scan3A_27 = %scan3A) -> (i32)  : i32 {
      %broadcast_in_dim3A = arith.constant 0.000000e+00 : f32
      %broadcast_in_dim3A_28 = vector.broadcast %broadcast_in_dim3A : f32 to vector<16xf32>
      %swap3A = arith.index_cast %scan3A_26 : i32 to index
      %swap3A_29 = arith.constant 0 : index
      %swap3A_30 = tpu.vector_load %arg9[%swap3A, %swap3A_29] {strides = array<i32>} : memref<1024x32xf32, #tpu.memory_space<vmem>>, vector<1x16xf32>,
      %swap3A_31 = vector.shape_cast %swap3A_30 : vector<1x16xf32> to vector<16xf32>
      %swap3A_32 = vector.shape_cast %broadcast_in_dim3A_28 : vector<16xf32> to vector<1x16xf32>
      tpu.vector_store %arg9[%swap3A, %swap3A_29], %swap3A_32 {strides = array<i32>} : memref<1024x32xf32, #tpu.memory_space<vmem>>, vector<1x16xf32>,
      %broadcast_in_dim3A_33 = arith.constant 0.000000e+00 : f32
      %broadcast_in_dim3A_34 = vector.broadcast %broadcast_in_dim3A_33 : f32 to vector<16xf32>
      %swap3A_35 = arith.index_cast %scan3A_26 : i32 to index
      %swap3A_36 = arith.constant 16 : index
      %swap3A_37 = tpu.vector_load %arg9[%swap3A_35, %swap3A_36] {strides = array<i32>} : memref<1024x32xf32, #tpu.memory_space<vmem>>, vector<1x16xf32>,
      %swap3A_38 = vector.shape_cast %swap3A_37 : vector<1x16xf32> to vector<16xf32>
      %swap3A_39 = vector.shape_cast %broadcast_in_dim3A_34 : vector<16xf32> to vector<1x16xf32>
      tpu.vector_store %arg9[%swap3A_35, %swap3A_36], %swap3A_39 {strides = array<i32>} : memref<1024x32xf32, #tpu.memory_space<vmem>>, vector<1x16xf32>,
      %scan3A_40 = arith.constant 0 : i32
      scf.yield %scan3A_40 : i32
    }
    %scan3A_5 = arith.constant 640 : i32
    %mul3A = arith.constant 640 : i32
    %mul3A_6 = arith.muli %arg1, %mul3A : i32
    "tpu.region"() ({
      %run_scoped3A = tpu.sem_alloc : memref<!tpu.dma_semaphore, #tpu.memory_space<semaphore_mem>>
      %dma_start3A = arith.constant 0 : i32
      %dma_start3A_26 = arith.constant 0 : i32
      %dma_start3A_27 = tpu.memref_slice %arg9[%dma_start3A, %dma_start3A_26] : memref<1024x32xf32, #tpu.memory_space<vmem>> -> memref<640x32xf32, #tpu.memory_space<vmem>>
      %dma_start3A_28 = arith.constant 0 : i32
      %dma_start3A_29 = tpu.memref_slice %arg11[%mul3A_6, %dma_start3A_28] : memref<10240x32xf32, #tpu.memory_space<vmem_shared>> -> memref<640x32xf32, #tpu.memory_space<vmem_shared>>
      %dma_start3A_30 = arith.constant 0 : i32
      %dma_start3A_31 = tpu.memref_slice %arg11[%mul3A_6, %dma_start3A_30] : memref<10240x32xf32, #tpu.memory_space<vmem_shared>> -> memref<640x32xf32, #tpu.memory_space<vmem_shared>>
      %dma_start3A_32 = arith.constant 0 : i32
      %dma_start3A_33 = arith.constant 0 : i32
      %dma_start3A_34 = tpu.memref_slice %arg9[%dma_start3A_32, %dma_start3A_33] : memref<1024x32xf32, #tpu.memory_space<vmem>> -> memref<640x32xf32, #tpu.memory_space<vmem>>
      tpu.enqueue_dma source(%dma_start3A_34 : memref<640x32xf32, #tpu.memory_space<vmem>>) target(%dma_start3A_31 : memref<640x32xf32, #tpu.memory_space<vmem_shared>>) target_semaphore(%run_scoped3A : memref<!tpu.dma_semaphore, #tpu.memory_space<semaphore_mem>>)
      %dma_wait3A = arith.constant 0 : i32
      %dma_wait3A_35 = arith.constant 0 : i32
      %dma_wait3A_36 = tpu.memref_slice %arg9[%dma_wait3A, %dma_wait3A_35] : memref<1024x32xf32, #tpu.memory_space<vmem>> -> memref<640x32xf32, #tpu.memory_space<vmem>>
      %dma_wait3A_37 = arith.constant 0 : i32
      %dma_wait3A_38 = tpu.memref_slice %arg11[%mul3A_6, %dma_wait3A_37] : memref<10240x32xf32, #tpu.memory_space<vmem_shared>> -> memref<640x32xf32, #tpu.memory_space<vmem_shared>>
      %dma_wait3A_39 = arith.constant 0 : i32
      %dma_wait3A_40 = tpu.memref_slice %arg11[%mul3A_6, %dma_wait3A_39] : memref<10240x32xf32, #tpu.memory_space<vmem_shared>> -> memref<640x32xf32, #tpu.memory_space<vmem_shared>>
      %dma_wait3A_41 = arith.constant 0 : i32
      %dma_wait3A_42 = arith.constant 0 : i32
      %dma_wait3A_43 = tpu.memref_slice %arg9[%dma_wait3A_41, %dma_wait3A_42] : memref<1024x32xf32, #tpu.memory_space<vmem>> -> memref<640x32xf32, #tpu.memory_space<vmem>>
      tpu.wait_dma2 semaphore(%run_scoped3A : memref<!tpu.dma_semaphore, #tpu.memory_space<semaphore_mem>>) src(%dma_wait3A_43 : memref<640x32xf32, #tpu.memory_space<vmem>>) dst(%dma_wait3A_40 : memref<640x32xf32, #tpu.memory_space<vmem_shared>>)
      tpu.yield
    }) : () -> ()
    %barrier3A = arith.constant 0 : index
    tpu.barrier barrier_id(%barrier3A)
    %eq3A = arith.constant 0 : i32
    %eq3A_7 = arith.cmpi eq, %arg0, %eq3A : i32
    %convert_element_type3A = arith.extui %eq3A_7 : i1 to i32
    %cond3A = arith.constant 0 : i32
    %cond3A_8 = arith.cmpi ne, %convert_element_type3A, %cond3A : i32
    scf.if %cond3A_8 {
      %dma_start3A = arith.constant 0 : i32
      %dma_start3A_26 = arith.constant 0 : i32
      %dma_start3A_27 = tpu.memref_slice %arg7[%dma_start3A, %dma_start3A_26] : memref<20x1024xi32, #tpu.memory_space<vmem>> -> memref<1x1024xi32, #tpu.memory_space<vmem>>
      %dma_start3A_28 = tpu.memref_squeeze %dma_start3A_27 : memref<1x1024xi32, #tpu.memory_space<vmem>> -> memref<1024xi32, #tpu.memory_space<vmem>>
      %dma_start3A_29 = arith.constant 0 : i32
      %dma_start3A_30 = arith.constant 0 : i32
      %dma_start3A_31 = tpu.memref_slice %arg2[%dma_start3A_29, %dma_start3A_30] : memref<10000x32xf32, #tpu.memory_space<hbm>> -> memref<10000x32xf32, #tpu.memory_space<hbm>>
      tpu.enqueue_indirect_dma source(%dma_start3A_31 : memref<10000x32xf32, #tpu.memory_space<hbm>>) target(%arg9 : memref<1024x32xf32, #tpu.memory_space<vmem>>) offsets(%dma_start3A_28 : memref<1024xi32, #tpu.memory_space<vmem>>) semaphore(%arg12 : memref<!tpu.dma_semaphore, #tpu.memory_space<semaphore_mem>>)
      %scan3A_32 = arith.constant 0 : i32
      %scan3A_33 = arith.constant 0 : i32
      %scan3A_34 = arith.constant 10 : i32
      %scan3A_35 = arith.addi %scan3A_33, %scan3A_34 : i32
      %scan3A_36 = arith.constant 1 : i32
      %scan3A_37 = scf.for %scan3A_39 = %scan3A_33 to %scan3A_35 step %scan3A_36 iter_args(%scan3A_40 = %scan3A_32) -> (i32)  : i32 {
        %mul3A_41 = arith.constant 2 : i32
        %mul3A_42 = arith.muli %mul3A_41, %scan3A_39 : i32
        %dma_wait3A = arith.constant 0 : i32
        %dma_wait3A_43 = arith.constant 0 : i32
        %dma_wait3A_44 = tpu.memref_slice %arg7[%dma_wait3A, %dma_wait3A_43] : memref<20x1024xi32, #tpu.memory_space<vmem>> -> memref<1x1024xi32, #tpu.memory_space<vmem>>
        %dma_wait3A_45 = tpu.memref_squeeze %dma_wait3A_44 : memref<1x1024xi32, #tpu.memory_space<vmem>> -> memref<1024xi32, #tpu.memory_space<vmem>>
        %dma_wait3A_46 = arith.constant 0 : i32
        %dma_wait3A_47 = arith.constant 0 : i32
        %dma_wait3A_48 = tpu.memref_slice %arg2[%dma_wait3A_46, %dma_wait3A_47] : memref<10000x32xf32, #tpu.memory_space<hbm>> -> memref<10000x32xf32, #tpu.memory_space<hbm>>
        tpu.wait_indirect_dma semaphore(%arg12 : memref<!tpu.dma_semaphore, #tpu.memory_space<semaphore_mem>>) src(%dma_wait3A_48 : memref<10000x32xf32, #tpu.memory_space<hbm>>) dst(%arg9 : memref<1024x32xf32, #tpu.memory_space<vmem>>)
        %add3A = arith.constant 1 : i32
        %add3A_49 = arith.addi %mul3A_42, %add3A : i32
        %lt3A_50 = arith.constant 20 : i32
        %lt3A_51 = arith.cmpi slt, %add3A_49, %lt3A_50 : i32
        %convert_element_type3A_52 = arith.extui %lt3A_51 : i1 to i32
        %cond3A_53 = arith.constant 0 : i32
        %cond3A_54 = arith.cmpi ne, %convert_element_type3A_52, %cond3A_53 : i32
        scf.if %cond3A_54 {
          %add3A_74 = arith.constant 1 : i32
          %add3A_75 = arith.addi %mul3A_42, %add3A_74 : i32
          %dma_start3A_76 = arith.constant 0 : i32
          %dma_start3A_77 = tpu.memref_slice %arg7[%add3A_75, %dma_start3A_76] : memref<20x1024xi32, #tpu.memory_space<vmem>> -> memref<1x1024xi32, #tpu.memory_space<vmem>>
          %dma_start3A_78 = tpu.memref_squeeze %dma_start3A_77 : memref<1x1024xi32, #tpu.memory_space<vmem>> -> memref<1024xi32, #tpu.memory_space<vmem>>
          %dma_start3A_79 = arith.constant 0 : i32
          %dma_start3A_80 = arith.constant 0 : i32
          %dma_start3A_81 = tpu.memref_slice %arg2[%dma_start3A_79, %dma_start3A_80] : memref<10000x32xf32, #tpu.memory_space<hbm>> -> memref<10000x32xf32, #tpu.memory_space<hbm>>
          tpu.enqueue_indirect_dma source(%dma_start3A_81 : memref<10000x32xf32, #tpu.memory_space<hbm>>) target(%arg10 : memref<1024x32xf32, #tpu.memory_space<vmem>>) offsets(%dma_start3A_78 : memref<1024xi32, #tpu.memory_space<vmem>>) semaphore(%arg12 : memref<!tpu.dma_semaphore, #tpu.memory_space<semaphore_mem>>)
        } else {
        }
        "tpu.region"() ({
          %run_scoped3A = tpu.sem_alloc : memref<!tpu.dma_semaphore, #tpu.memory_space<semaphore_mem>>
          %dma_start3A_74 = arith.constant 0 : i32
          %dma_start3A_75 = tpu.memref_slice %arg8[%mul3A_42, %dma_start3A_74] : memref<20x1024xi32, #tpu.memory_space<vmem>> -> memref<1x1024xi32, #tpu.memory_space<vmem>>
          %dma_start3A_76 = tpu.memref_squeeze %dma_start3A_75 : memref<1x1024xi32, #tpu.memory_space<vmem>> -> memref<1024xi32, #tpu.memory_space<vmem>>
          %dma_start3A_77 = arith.constant 0 : i32
          %dma_start3A_78 = arith.constant 0 : i32
          %dma_start3A_79 = tpu.memref_slice %arg11[%dma_start3A_77, %dma_start3A_78] : memref<10240x32xf32, #tpu.memory_space<vmem_shared>> -> memref<10240x32xf32, #tpu.memory_space<vmem_shared>>
          tpu.enqueue_indirect_dma source(%arg9 : memref<1024x32xf32, #tpu.memory_space<vmem>>) target(%dma_start3A_79 : memref<10240x32xf32, #tpu.memory_space<vmem_shared>>) offsets(%dma_start3A_76 : memref<1024xi32, #tpu.memory_space<vmem>>) semaphore(%run_scoped3A : memref<!tpu.dma_semaphore, #tpu.memory_space<semaphore_mem>>) {add = true}
          %dma_wait3A_80 = arith.constant 0 : i32
          %dma_wait3A_81 = tpu.memref_slice %arg8[%mul3A_42, %dma_wait3A_80] : memref<20x1024xi32, #tpu.memory_space<vmem>> -> memref<1x1024xi32, #tpu.memory_space<vmem>>
          %dma_wait3A_82 = tpu.memref_squeeze %dma_wait3A_81 : memref<1x1024xi32, #tpu.memory_space<vmem>> -> memref<1024xi32, #tpu.memory_space<vmem>>
          %dma_wait3A_83 = arith.constant 0 : i32
          %dma_wait3A_84 = arith.constant 0 : i32
          %dma_wait3A_85 = tpu.memref_slice %arg11[%dma_wait3A_83, %dma_wait3A_84] : memref<10240x32xf32, #tpu.memory_space<vmem_shared>> -> memref<10240x32xf32, #tpu.memory_space<vmem_shared>>
          tpu.wait_indirect_dma semaphore(%run_scoped3A : memref<!tpu.dma_semaphore, #tpu.memory_space<semaphore_mem>>) src(%arg9 : memref<1024x32xf32, #tpu.memory_space<vmem>>) dst(%dma_wait3A_85 : memref<10240x32xf32, #tpu.memory_space<vmem_shared>>)
          tpu.yield
        }) : () -> ()
        %mul3A_55 = arith.constant 2 : i32
        %mul3A_56 = arith.muli %mul3A_55, %scan3A_39 : i32
        %add3A_57 = arith.constant 1 : i32
        %add3A_58 = arith.addi %mul3A_56, %add3A_57 : i32
        %dma_wait3A_59 = arith.constant 0 : i32
        %dma_wait3A_60 = arith.constant 0 : i32
        %dma_wait3A_61 = tpu.memref_slice %arg7[%dma_wait3A_59, %dma_wait3A_60] : memref<20x1024xi32, #tpu.memory_space<vmem>> -> memref<1x1024xi32, #tpu.memory_space<vmem>>
        %dma_wait3A_62 = tpu.memref_squeeze %dma_wait3A_61 : memref<1x1024xi32, #tpu.memory_space<vmem>> -> memref<1024xi32, #tpu.memory_space<vmem>>
        %dma_wait3A_63 = arith.constant 0 : i32
        %dma_wait3A_64 = arith.constant 0 : i32
        %dma_wait3A_65 = tpu.memref_slice %arg2[%dma_wait3A_63, %dma_wait3A_64] : memref<10000x32xf32, #tpu.memory_space<hbm>> -> memref<10000x32xf32, #tpu.memory_space<hbm>>
        tpu.wait_indirect_dma semaphore(%arg12 : memref<!tpu.dma_semaphore, #tpu.memory_space<semaphore_mem>>) src(%dma_wait3A_65 : memref<10000x32xf32, #tpu.memory_space<hbm>>) dst(%arg9 : memref<1024x32xf32, #tpu.memory_space<vmem>>)
        %add3A_66 = arith.constant 1 : i32
        %add3A_67 = arith.addi %add3A_58, %add3A_66 : i32
        %lt3A_68 = arith.constant 20 : i32
        %lt3A_69 = arith.cmpi slt, %add3A_67, %lt3A_68 : i32
        %convert_element_type3A_70 = arith.extui %lt3A_69 : i1 to i32
        %cond3A_71 = arith.constant 0 : i32
        %cond3A_72 = arith.cmpi ne, %convert_element_type3A_70, %cond3A_71 : i32
        scf.if %cond3A_72 {
          %add3A_74 = arith.constant 1 : i32
          %add3A_75 = arith.addi %add3A_58, %add3A_74 : i32
          %dma_start3A_76 = arith.constant 0 : i32
          %dma_start3A_77 = tpu.memref_slice %arg7[%add3A_75, %dma_start3A_76] : memref<20x1024xi32, #tpu.memory_space<vmem>> -> memref<1x1024xi32, #tpu.memory_space<vmem>>
          %dma_start3A_78 = tpu.memref_squeeze %dma_start3A_77 : memref<1x1024xi32, #tpu.memory_space<vmem>> -> memref<1024xi32, #tpu.memory_space<vmem>>
          %dma_start3A_79 = arith.constant 0 : i32
          %dma_start3A_80 = arith.constant 0 : i32
          %dma_start3A_81 = tpu.memref_slice %arg2[%dma_start3A_79, %dma_start3A_80] : memref<10000x32xf32, #tpu.memory_space<hbm>> -> memref<10000x32xf32, #tpu.memory_space<hbm>>
          tpu.enqueue_indirect_dma source(%dma_start3A_81 : memref<10000x32xf32, #tpu.memory_space<hbm>>) target(%arg9 : memref<1024x32xf32, #tpu.memory_space<vmem>>) offsets(%dma_start3A_78 : memref<1024xi32, #tpu.memory_space<vmem>>) semaphore(%arg12 : memref<!tpu.dma_semaphore, #tpu.memory_space<semaphore_mem>>)
        } else {
        }
        "tpu.region"() ({
          %run_scoped3A = tpu.sem_alloc : memref<!tpu.dma_semaphore, #tpu.memory_space<semaphore_mem>>
          %dma_start3A_74 = arith.constant 0 : i32
          %dma_start3A_75 = tpu.memref_slice %arg8[%add3A_58, %dma_start3A_74] : memref<20x1024xi32, #tpu.memory_space<vmem>> -> memref<1x1024xi32, #tpu.memory_space<vmem>>
          %dma_start3A_76 = tpu.memref_squeeze %dma_start3A_75 : memref<1x1024xi32, #tpu.memory_space<vmem>> -> memref<1024xi32, #tpu.memory_space<vmem>>
          %dma_start3A_77 = arith.constant 0 : i32
          %dma_start3A_78 = arith.constant 0 : i32
          %dma_start3A_79 = tpu.memref_slice %arg11[%dma_start3A_77, %dma_start3A_78] : memref<10240x32xf32, #tpu.memory_space<vmem_shared>> -> memref<10240x32xf32, #tpu.memory_space<vmem_shared>>
          tpu.enqueue_indirect_dma source(%arg10 : memref<1024x32xf32, #tpu.memory_space<vmem>>) target(%dma_start3A_79 : memref<10240x32xf32, #tpu.memory_space<vmem_shared>>) offsets(%dma_start3A_76 : memref<1024xi32, #tpu.memory_space<vmem>>) semaphore(%run_scoped3A : memref<!tpu.dma_semaphore, #tpu.memory_space<semaphore_mem>>) {add = true}
          %dma_wait3A_80 = arith.constant 0 : i32
          %dma_wait3A_81 = tpu.memref_slice %arg8[%add3A_58, %dma_wait3A_80] : memref<20x1024xi32, #tpu.memory_space<vmem>> -> memref<1x1024xi32, #tpu.memory_space<vmem>>
          %dma_wait3A_82 = tpu.memref_squeeze %dma_wait3A_81 : memref<1x1024xi32, #tpu.memory_space<vmem>> -> memref<1024xi32, #tpu.memory_space<vmem>>
          %dma_wait3A_83 = arith.constant 0 : i32
          %dma_wait3A_84 = arith.constant 0 : i32
          %dma_wait3A_85 = tpu.memref_slice %arg11[%dma_wait3A_83, %dma_wait3A_84] : memref<10240x32xf32, #tpu.memory_space<vmem_shared>> -> memref<10240x32xf32, #tpu.memory_space<vmem_shared>>
          tpu.wait_indirect_dma semaphore(%run_scoped3A : memref<!tpu.dma_semaphore, #tpu.memory_space<semaphore_mem>>) src(%arg10 : memref<1024x32xf32, #tpu.memory_space<vmem>>) dst(%dma_wait3A_85 : memref<10240x32xf32, #tpu.memory_space<vmem_shared>>)
          tpu.yield
        }) : () -> ()
        %scan3A_73 = arith.constant 0 : i32
        scf.yield %scan3A_73 : i32
      }
      %scan3A_38 = arith.constant 10 : i32
    } else {
    }
    %eq3A_9 = arith.constant 1 : i32
    %eq3A_10 = arith.cmpi eq, %arg0, %eq3A_9 : i32
    %convert_element_type3A_11 = arith.extui %eq3A_10 : i1 to i32
    %cond3A_12 = arith.constant 0 : i32
    %cond3A_13 = arith.cmpi ne, %convert_element_type3A_11, %cond3A_12 : i32
    scf.if %cond3A_13 {
      %dma_start3A = arith.constant 0 : i32
      %dma_start3A_26 = arith.constant 0 : i32
      %dma_start3A_27 = tpu.memref_slice %arg7[%dma_start3A, %dma_start3A_26] : memref<20x1024xi32, #tpu.memory_space<vmem>> -> memref<1x1024xi32, #tpu.memory_space<vmem>>
      %dma_start3A_28 = tpu.memref_squeeze %dma_start3A_27 : memref<1x1024xi32, #tpu.memory_space<vmem>> -> memref<1024xi32, #tpu.memory_space<vmem>>
      %dma_start3A_29 = arith.constant 0 : i32
      %dma_start3A_30 = arith.constant 0 : i32
      %dma_start3A_31 = tpu.memref_slice %arg3[%dma_start3A_29, %dma_start3A_30] : memref<10000x32xf32, #tpu.memory_space<hbm>> -> memref<10000x32xf32, #tpu.memory_space<hbm>>
      tpu.enqueue_indirect_dma source(%dma_start3A_31 : memref<10000x32xf32, #tpu.memory_space<hbm>>) target(%arg9 : memref<1024x32xf32, #tpu.memory_space<vmem>>) offsets(%dma_start3A_28 : memref<1024xi32, #tpu.memory_space<vmem>>) semaphore(%arg12 : memref<!tpu.dma_semaphore, #tpu.memory_space<semaphore_mem>>)
      %scan3A_32 = arith.constant 0 : i32
      %scan3A_33 = arith.constant 0 : i32
      %scan3A_34 = arith.constant 10 : i32
      %scan3A_35 = arith.addi %scan3A_33, %scan3A_34 : i32
      %scan3A_36 = arith.constant 1 : i32
      %scan3A_37 = scf.for %scan3A_39 = %scan3A_33 to %scan3A_35 step %scan3A_36 iter_args(%scan3A_40 = %scan3A_32) -> (i32)  : i32 {
        %mul3A_41 = arith.constant 2 : i32
        %mul3A_42 = arith.muli %mul3A_41, %scan3A_39 : i32
        %dma_wait3A = arith.constant 0 : i32
        %dma_wait3A_43 = arith.constant 0 : i32
        %dma_wait3A_44 = tpu.memref_slice %arg7[%dma_wait3A, %dma_wait3A_43] : memref<20x1024xi32, #tpu.memory_space<vmem>> -> memref<1x1024xi32, #tpu.memory_space<vmem>>
        %dma_wait3A_45 = tpu.memref_squeeze %dma_wait3A_44 : memref<1x1024xi32, #tpu.memory_space<vmem>> -> memref<1024xi32, #tpu.memory_space<vmem>>
        %dma_wait3A_46 = arith.constant 0 : i32
        %dma_wait3A_47 = arith.constant 0 : i32
        %dma_wait3A_48 = tpu.memref_slice %arg3[%dma_wait3A_46, %dma_wait3A_47] : memref<10000x32xf32, #tpu.memory_space<hbm>> -> memref<10000x32xf32, #tpu.memory_space<hbm>>
        tpu.wait_indirect_dma semaphore(%arg12 : memref<!tpu.dma_semaphore, #tpu.memory_space<semaphore_mem>>) src(%dma_wait3A_48 : memref<10000x32xf32, #tpu.memory_space<hbm>>) dst(%arg9 : memref<1024x32xf32, #tpu.memory_space<vmem>>)
        %add3A = arith.constant 1 : i32
        %add3A_49 = arith.addi %mul3A_42, %add3A : i32
        %lt3A_50 = arith.constant 20 : i32
        %lt3A_51 = arith.cmpi slt, %add3A_49, %lt3A_50 : i32
        %convert_element_type3A_52 = arith.extui %lt3A_51 : i1 to i32
        %cond3A_53 = arith.constant 0 : i32
        %cond3A_54 = arith.cmpi ne, %convert_element_type3A_52, %cond3A_53 : i32
        scf.if %cond3A_54 {
          %add3A_74 = arith.constant 1 : i32
          %add3A_75 = arith.addi %mul3A_42, %add3A_74 : i32
          %dma_start3A_76 = arith.constant 0 : i32
          %dma_start3A_77 = tpu.memref_slice %arg7[%add3A_75, %dma_start3A_76] : memref<20x1024xi32, #tpu.memory_space<vmem>> -> memref<1x1024xi32, #tpu.memory_space<vmem>>
          %dma_start3A_78 = tpu.memref_squeeze %dma_start3A_77 : memref<1x1024xi32, #tpu.memory_space<vmem>> -> memref<1024xi32, #tpu.memory_space<vmem>>
          %dma_start3A_79 = arith.constant 0 : i32
          %dma_start3A_80 = arith.constant 0 : i32
          %dma_start3A_81 = tpu.memref_slice %arg3[%dma_start3A_79, %dma_start3A_80] : memref<10000x32xf32, #tpu.memory_space<hbm>> -> memref<10000x32xf32, #tpu.memory_space<hbm>>
          tpu.enqueue_indirect_dma source(%dma_start3A_81 : memref<10000x32xf32, #tpu.memory_space<hbm>>) target(%arg10 : memref<1024x32xf32, #tpu.memory_space<vmem>>) offsets(%dma_start3A_78 : memref<1024xi32, #tpu.memory_space<vmem>>) semaphore(%arg12 : memref<!tpu.dma_semaphore, #tpu.memory_space<semaphore_mem>>)
        } else {
        }
        "tpu.region"() ({
          %run_scoped3A = tpu.sem_alloc : memref<!tpu.dma_semaphore, #tpu.memory_space<semaphore_mem>>
          %dma_start3A_74 = arith.constant 0 : i32
          %dma_start3A_75 = tpu.memref_slice %arg8[%mul3A_42, %dma_start3A_74] : memref<20x1024xi32, #tpu.memory_space<vmem>> -> memref<1x1024xi32, #tpu.memory_space<vmem>>
          %dma_start3A_76 = tpu.memref_squeeze %dma_start3A_75 : memref<1x1024xi32, #tpu.memory_space<vmem>> -> memref<1024xi32, #tpu.memory_space<vmem>>
          %dma_start3A_77 = arith.constant 0 : i32
          %dma_start3A_78 = arith.constant 0 : i32
          %dma_start3A_79 = tpu.memref_slice %arg11[%dma_start3A_77, %dma_start3A_78] : memref<10240x32xf32, #tpu.memory_space<vmem_shared>> -> memref<10240x32xf32, #tpu.memory_space<vmem_shared>>
          tpu.enqueue_indirect_dma source(%arg9 : memref<1024x32xf32, #tpu.memory_space<vmem>>) target(%dma_start3A_79 : memref<10240x32xf32, #tpu.memory_space<vmem_shared>>) offsets(%dma_start3A_76 : memref<1024xi32, #tpu.memory_space<vmem>>) semaphore(%run_scoped3A : memref<!tpu.dma_semaphore, #tpu.memory_space<semaphore_mem>>) {add = true}
          %dma_wait3A_80 = arith.constant 0 : i32
          %dma_wait3A_81 = tpu.memref_slice %arg8[%mul3A_42, %dma_wait3A_80] : memref<20x1024xi32, #tpu.memory_space<vmem>> -> memref<1x1024xi32, #tpu.memory_space<vmem>>
          %dma_wait3A_82 = tpu.memref_squeeze %dma_wait3A_81 : memref<1x1024xi32, #tpu.memory_space<vmem>> -> memref<1024xi32, #tpu.memory_space<vmem>>
          %dma_wait3A_83 = arith.constant 0 : i32
          %dma_wait3A_84 = arith.constant 0 : i32
          %dma_wait3A_85 = tpu.memref_slice %arg11[%dma_wait3A_83, %dma_wait3A_84] : memref<10240x32xf32, #tpu.memory_space<vmem_shared>> -> memref<10240x32xf32, #tpu.memory_space<vmem_shared>>
          tpu.wait_indirect_dma semaphore(%run_scoped3A : memref<!tpu.dma_semaphore, #tpu.memory_space<semaphore_mem>>) src(%arg9 : memref<1024x32xf32, #tpu.memory_space<vmem>>) dst(%dma_wait3A_85 : memref<10240x32xf32, #tpu.memory_space<vmem_shared>>)
          tpu.yield
        }) : () -> ()
        %mul3A_55 = arith.constant 2 : i32
        %mul3A_56 = arith.muli %mul3A_55, %scan3A_39 : i32
        %add3A_57 = arith.constant 1 : i32
        %add3A_58 = arith.addi %mul3A_56, %add3A_57 : i32
        %dma_wait3A_59 = arith.constant 0 : i32
        %dma_wait3A_60 = arith.constant 0 : i32
        %dma_wait3A_61 = tpu.memref_slice %arg7[%dma_wait3A_59, %dma_wait3A_60] : memref<20x1024xi32, #tpu.memory_space<vmem>> -> memref<1x1024xi32, #tpu.memory_space<vmem>>
        %dma_wait3A_62 = tpu.memref_squeeze %dma_wait3A_61 : memref<1x1024xi32, #tpu.memory_space<vmem>> -> memref<1024xi32, #tpu.memory_space<vmem>>
        %dma_wait3A_63 = arith.constant 0 : i32
        %dma_wait3A_64 = arith.constant 0 : i32
        %dma_wait3A_65 = tpu.memref_slice %arg3[%dma_wait3A_63, %dma_wait3A_64] : memref<10000x32xf32, #tpu.memory_space<hbm>> -> memref<10000x32xf32, #tpu.memory_space<hbm>>
        tpu.wait_indirect_dma semaphore(%arg12 : memref<!tpu.dma_semaphore, #tpu.memory_space<semaphore_mem>>) src(%dma_wait3A_65 : memref<10000x32xf32, #tpu.memory_space<hbm>>) dst(%arg9 : memref<1024x32xf32, #tpu.memory_space<vmem>>)
        %add3A_66 = arith.constant 1 : i32
        %add3A_67 = arith.addi %add3A_58, %add3A_66 : i32
        %lt3A_68 = arith.constant 20 : i32
        %lt3A_69 = arith.cmpi slt, %add3A_67, %lt3A_68 : i32
        %convert_element_type3A_70 = arith.extui %lt3A_69 : i1 to i32
        %cond3A_71 = arith.constant 0 : i32
        %cond3A_72 = arith.cmpi ne, %convert_element_type3A_70, %cond3A_71 : i32
        scf.if %cond3A_72 {
          %add3A_74 = arith.constant 1 : i32
          %add3A_75 = arith.addi %add3A_58, %add3A_74 : i32
          %dma_start3A_76 = arith.constant 0 : i32
          %dma_start3A_77 = tpu.memref_slice %arg7[%add3A_75, %dma_start3A_76] : memref<20x1024xi32, #tpu.memory_space<vmem>> -> memref<1x1024xi32, #tpu.memory_space<vmem>>
          %dma_start3A_78 = tpu.memref_squeeze %dma_start3A_77 : memref<1x1024xi32, #tpu.memory_space<vmem>> -> memref<1024xi32, #tpu.memory_space<vmem>>
          %dma_start3A_79 = arith.constant 0 : i32
          %dma_start3A_80 = arith.constant 0 : i32
          %dma_start3A_81 = tpu.memref_slice %arg3[%dma_start3A_79, %dma_start3A_80] : memref<10000x32xf32, #tpu.memory_space<hbm>> -> memref<10000x32xf32, #tpu.memory_space<hbm>>
          tpu.enqueue_indirect_dma source(%dma_start3A_81 : memref<10000x32xf32, #tpu.memory_space<hbm>>) target(%arg9 : memref<1024x32xf32, #tpu.memory_space<vmem>>) offsets(%dma_start3A_78 : memref<1024xi32, #tpu.memory_space<vmem>>) semaphore(%arg12 : memref<!tpu.dma_semaphore, #tpu.memory_space<semaphore_mem>>)
        } else {
        }
        "tpu.region"() ({
          %run_scoped3A = tpu.sem_alloc : memref<!tpu.dma_semaphore, #tpu.memory_space<semaphore_mem>>
          %dma_start3A_74 = arith.constant 0 : i32
          %dma_start3A_75 = tpu.memref_slice %arg8[%add3A_58, %dma_start3A_74] : memref<20x1024xi32, #tpu.memory_space<vmem>> -> memref<1x1024xi32, #tpu.memory_space<vmem>>
          %dma_start3A_76 = tpu.memref_squeeze %dma_start3A_75 : memref<1x1024xi32, #tpu.memory_space<vmem>> -> memref<1024xi32, #tpu.memory_space<vmem>>
          %dma_start3A_77 = arith.constant 0 : i32
          %dma_start3A_78 = arith.constant 0 : i32
          %dma_start3A_79 = tpu.memref_slice %arg11[%dma_start3A_77, %dma_start3A_78] : memref<10240x32xf32, #tpu.memory_space<vmem_shared>> -> memref<10240x32xf32, #tpu.memory_space<vmem_shared>>
          tpu.enqueue_indirect_dma source(%arg10 : memref<1024x32xf32, #tpu.memory_space<vmem>>) target(%dma_start3A_79 : memref<10240x32xf32, #tpu.memory_space<vmem_shared>>) offsets(%dma_start3A_76 : memref<1024xi32, #tpu.memory_space<vmem>>) semaphore(%run_scoped3A : memref<!tpu.dma_semaphore, #tpu.memory_space<semaphore_mem>>) {add = true}
          %dma_wait3A_80 = arith.constant 0 : i32
          %dma_wait3A_81 = tpu.memref_slice %arg8[%add3A_58, %dma_wait3A_80] : memref<20x1024xi32, #tpu.memory_space<vmem>> -> memref<1x1024xi32, #tpu.memory_space<vmem>>
          %dma_wait3A_82 = tpu.memref_squeeze %dma_wait3A_81 : memref<1x1024xi32, #tpu.memory_space<vmem>> -> memref<1024xi32, #tpu.memory_space<vmem>>
          %dma_wait3A_83 = arith.constant 0 : i32
          %dma_wait3A_84 = arith.constant 0 : i32
          %dma_wait3A_85 = tpu.memref_slice %arg11[%dma_wait3A_83, %dma_wait3A_84] : memref<10240x32xf32, #tpu.memory_space<vmem_shared>> -> memref<10240x32xf32, #tpu.memory_space<vmem_shared>>
          tpu.wait_indirect_dma semaphore(%run_scoped3A : memref<!tpu.dma_semaphore, #tpu.memory_space<semaphore_mem>>) src(%arg10 : memref<1024x32xf32, #tpu.memory_space<vmem>>) dst(%dma_wait3A_85 : memref<10240x32xf32, #tpu.memory_space<vmem_shared>>)
          tpu.yield
        }) : () -> ()
        %scan3A_73 = arith.constant 0 : i32
        scf.yield %scan3A_73 : i32
      }
      %scan3A_38 = arith.constant 10 : i32
    } else {
    }
    %barrier3A_14 = arith.constant 0 : index
    tpu.barrier barrier_id(%barrier3A_14)
    %mul3A_15 = arith.constant 640 : i32
    %mul3A_16 = arith.muli %arg1, %mul3A_15 : i32
    %lt3A = arith.constant 15 : i32
    %lt3A_17 = arith.cmpi slt, %arg1, %lt3A : i32
    %convert_element_type3A_18 = arith.extui %lt3A_17 : i1 to i32
    %cond3A_19 = arith.constant 0 : i32
    %cond3A_20 = arith.cmpi ne, %convert_element_type3A_18, %cond3A_19 : i32
    scf.if %cond3A_20 {
      "tpu.region"() ({
        %run_scoped3A = tpu.sem_alloc : memref<!tpu.dma_semaphore, #tpu.memory_space<semaphore_mem>>
        %dma_start3A = arith.constant 0 : i32
        %dma_start3A_26 = arith.constant 0 : i32
        %dma_start3A_27 = tpu.memref_slice %arg9[%dma_start3A, %dma_start3A_26] : memref<1024x32xf32, #tpu.memory_space<vmem>> -> memref<640x32xf32, #tpu.memory_space<vmem>>
        %dma_start3A_28 = arith.constant 0 : i32
        %dma_start3A_29 = tpu.memref_slice %arg11[%mul3A_16, %dma_start3A_28] : memref<10240x32xf32, #tpu.memory_space<vmem_shared>> -> memref<640x32xf32, #tpu.memory_space<vmem_shared>>
        %dma_start3A_30 = arith.constant 0 : i32
        %dma_start3A_31 = arith.constant 0 : i32
        %dma_start3A_32 = tpu.memref_slice %arg9[%dma_start3A_30, %dma_start3A_31] : memref<1024x32xf32, #tpu.memory_space<vmem>> -> memref<640x32xf32, #tpu.memory_space<vmem>>
        %dma_start3A_33 = arith.constant 0 : i32
        %dma_start3A_34 = tpu.memref_slice %arg11[%mul3A_16, %dma_start3A_33] : memref<10240x32xf32, #tpu.memory_space<vmem_shared>> -> memref<640x32xf32, #tpu.memory_space<vmem_shared>>
        tpu.enqueue_dma source(%dma_start3A_34 : memref<640x32xf32, #tpu.memory_space<vmem_shared>>) target(%dma_start3A_32 : memref<640x32xf32, #tpu.memory_space<vmem>>) target_semaphore(%run_scoped3A : memref<!tpu.dma_semaphore, #tpu.memory_space<semaphore_mem>>)
        %dma_wait3A = arith.constant 0 : i32
        %dma_wait3A_35 = arith.constant 0 : i32
        %dma_wait3A_36 = tpu.memref_slice %arg9[%dma_wait3A, %dma_wait3A_35] : memref<1024x32xf32, #tpu.memory_space<vmem>> -> memref<640x32xf32, #tpu.memory_space<vmem>>
        %dma_wait3A_37 = arith.constant 0 : i32
        %dma_wait3A_38 = tpu.memref_slice %arg11[%mul3A_16, %dma_wait3A_37] : memref<10240x32xf32, #tpu.memory_space<vmem_shared>> -> memref<640x32xf32, #tpu.memory_space<vmem_shared>>
        %dma_wait3A_39 = arith.constant 0 : i32
        %dma_wait3A_40 = arith.constant 0 : i32
        %dma_wait3A_41 = tpu.memref_slice %arg9[%dma_wait3A_39, %dma_wait3A_40] : memref<1024x32xf32, #tpu.memory_space<vmem>> -> memref<640x32xf32, #tpu.memory_space<vmem>>
        %dma_wait3A_42 = arith.constant 0 : i32
        %dma_wait3A_43 = tpu.memref_slice %arg11[%mul3A_16, %dma_wait3A_42] : memref<10240x32xf32, #tpu.memory_space<vmem_shared>> -> memref<640x32xf32, #tpu.memory_space<vmem_shared>>
        tpu.wait_dma2 semaphore(%run_scoped3A : memref<!tpu.dma_semaphore, #tpu.memory_space<semaphore_mem>>) src(%dma_wait3A_43 : memref<640x32xf32, #tpu.memory_space<vmem_shared>>) dst(%dma_wait3A_41 : memref<640x32xf32, #tpu.memory_space<vmem>>)
        tpu.yield
      }) : () -> ()
      "tpu.region"() ({
        %run_scoped3A = tpu.sem_alloc : memref<!tpu.dma_semaphore, #tpu.memory_space<semaphore_mem>>
        %dma_start3A = arith.constant 0 : i32
        %dma_start3A_26 = arith.constant 0 : i32
        %dma_start3A_27 = tpu.memref_slice %arg9[%dma_start3A, %dma_start3A_26] : memref<1024x32xf32, #tpu.memory_space<vmem>> -> memref<640x32xf32, #tpu.memory_space<vmem>>
        %dma_start3A_28 = arith.constant 0 : i32
        %dma_start3A_29 = tpu.memref_slice %arg6[%arg0, %mul3A_16, %dma_start3A_28] : memref<2x10000x32xf32, #tpu.memory_space<hbm>> -> memref<1x640x32xf32, #tpu.memory_space<hbm>>
        %dma_start3A_30 = tpu.memref_squeeze %dma_start3A_29 : memref<1x640x32xf32, #tpu.memory_space<hbm>> -> memref<640x32xf32, #tpu.memory_space<hbm>>
        %dma_start3A_31 = arith.constant 0 : i32
        %dma_start3A_32 = tpu.memref_slice %arg6[%arg0, %mul3A_16, %dma_start3A_31] : memref<2x10000x32xf32, #tpu.memory_space<hbm>> -> memref<1x640x32xf32, #tpu.memory_space<hbm>>
        %dma_start3A_33 = tpu.memref_squeeze %dma_start3A_32 : memref<1x640x32xf32, #tpu.memory_space<hbm>> -> memref<640x32xf32, #tpu.memory_space<hbm>>
        %dma_start3A_34 = arith.constant 0 : i32
        %dma_start3A_35 = arith.constant 0 : i32
        %dma_start3A_36 = tpu.memref_slice %arg9[%dma_start3A_34, %dma_start3A_35] : memref<1024x32xf32, #tpu.memory_space<vmem>> -> memref<640x32xf32, #tpu.memory_space<vmem>>
        tpu.enqueue_dma source(%dma_start3A_36 : memref<640x32xf32, #tpu.memory_space<vmem>>) target(%dma_start3A_33 : memref<640x32xf32, #tpu.memory_space<hbm>>) target_semaphore(%run_scoped3A : memref<!tpu.dma_semaphore, #tpu.memory_space<semaphore_mem>>)
        %dma_wait3A = arith.constant 0 : i32
        %dma_wait3A_37 = arith.constant 0 : i32
        %dma_wait3A_38 = tpu.memref_slice %arg9[%dma_wait3A, %dma_wait3A_37] : memref<1024x32xf32, #tpu.memory_space<vmem>> -> memref<640x32xf32, #tpu.memory_space<vmem>>
        %dma_wait3A_39 = arith.constant 0 : i32
        %dma_wait3A_40 = tpu.memref_slice %arg6[%arg0, %mul3A_16, %dma_wait3A_39] : memref<2x10000x32xf32, #tpu.memory_space<hbm>> -> memref<1x640x32xf32, #tpu.memory_space<hbm>>
        %dma_wait3A_41 = tpu.memref_squeeze %dma_wait3A_40 : memref<1x640x32xf32, #tpu.memory_space<hbm>> -> memref<640x32xf32, #tpu.memory_space<hbm>>
        %dma_wait3A_42 = arith.constant 0 : i32
        %dma_wait3A_43 = tpu.memref_slice %arg6[%arg0, %mul3A_16, %dma_wait3A_42] : memref<2x10000x32xf32, #tpu.memory_space<hbm>> -> memref<1x640x32xf32, #tpu.memory_space<hbm>>
        %dma_wait3A_44 = tpu.memref_squeeze %dma_wait3A_43 : memref<1x640x32xf32, #tpu.memory_space<hbm>> -> memref<640x32xf32, #tpu.memory_space<hbm>>
        %dma_wait3A_45 = arith.constant 0 : i32
        %dma_wait3A_46 = arith.constant 0 : i32
        %dma_wait3A_47 = tpu.memref_slice %arg9[%dma_wait3A_45, %dma_wait3A_46] : memref<1024x32xf32, #tpu.memory_space<vmem>> -> memref<640x32xf32, #tpu.memory_space<vmem>>
        tpu.wait_dma2 semaphore(%run_scoped3A : memref<!tpu.dma_semaphore, #tpu.memory_space<semaphore_mem>>) src(%dma_wait3A_47 : memref<640x32xf32, #tpu.memory_space<vmem>>) dst(%dma_wait3A_44 : memref<640x32xf32, #tpu.memory_space<hbm>>)
        tpu.yield
      }) : () -> ()
    } else {
    }
    %eq3A_21 = arith.constant 15 : i32
    %eq3A_22 = arith.cmpi eq, %arg1, %eq3A_21 : i32
    %convert_element_type3A_23 = arith.extui %eq3A_22 : i1 to i32
    %cond3A_24 = arith.constant 0 : i32
    %cond3A_25 = arith.cmpi ne, %convert_element_type3A_23, %cond3A_24 : i32
    scf.if %cond3A_25 {
      "tpu.region"() ({
        %run_scoped3A = tpu.sem_alloc : memref<!tpu.dma_semaphore, #tpu.memory_space<semaphore_mem>>
        %dma_start3A = arith.constant 0 : i32
        %dma_start3A_26 = arith.constant 0 : i32
        %dma_start3A_27 = tpu.memref_slice %arg9[%dma_start3A, %dma_start3A_26] : memref<1024x32xf32, #tpu.memory_space<vmem>> -> memref<400x32xf32, #tpu.memory_space<vmem>>
        %dma_start3A_28 = arith.constant 0 : i32
        %dma_start3A_29 = tpu.memref_slice %arg11[%mul3A_16, %dma_start3A_28] : memref<10240x32xf32, #tpu.memory_space<vmem_shared>> -> memref<400x32xf32, #tpu.memory_space<vmem_shared>>
        %dma_start3A_30 = arith.constant 0 : i32
        %dma_start3A_31 = arith.constant 0 : i32
        %dma_start3A_32 = tpu.memref_slice %arg9[%dma_start3A_30, %dma_start3A_31] : memref<1024x32xf32, #tpu.memory_space<vmem>> -> memref<400x32xf32, #tpu.memory_space<vmem>>
        %dma_start3A_33 = arith.constant 0 : i32
        %dma_start3A_34 = tpu.memref_slice %arg11[%mul3A_16, %dma_start3A_33] : memref<10240x32xf32, #tpu.memory_space<vmem_shared>> -> memref<400x32xf32, #tpu.memory_space<vmem_shared>>
        tpu.enqueue_dma source(%dma_start3A_34 : memref<400x32xf32, #tpu.memory_space<vmem_shared>>) target(%dma_start3A_32 : memref<400x32xf32, #tpu.memory_space<vmem>>) target_semaphore(%run_scoped3A : memref<!tpu.dma_semaphore, #tpu.memory_space<semaphore_mem>>)
        %dma_wait3A = arith.constant 0 : i32
        %dma_wait3A_35 = arith.constant 0 : i32
        %dma_wait3A_36 = tpu.memref_slice %arg9[%dma_wait3A, %dma_wait3A_35] : memref<1024x32xf32, #tpu.memory_space<vmem>> -> memref<400x32xf32, #tpu.memory_space<vmem>>
        %dma_wait3A_37 = arith.constant 0 : i32
        %dma_wait3A_38 = tpu.memref_slice %arg11[%mul3A_16, %dma_wait3A_37] : memref<10240x32xf32, #tpu.memory_space<vmem_shared>> -> memref<400x32xf32, #tpu.memory_space<vmem_shared>>
        %dma_wait3A_39 = arith.constant 0 : i32
        %dma_wait3A_40 = arith.constant 0 : i32
        %dma_wait3A_41 = tpu.memref_slice %arg9[%dma_wait3A_39, %dma_wait3A_40] : memref<1024x32xf32, #tpu.memory_space<vmem>> -> memref<400x32xf32, #tpu.memory_space<vmem>>
        %dma_wait3A_42 = arith.constant 0 : i32
        %dma_wait3A_43 = tpu.memref_slice %arg11[%mul3A_16, %dma_wait3A_42] : memref<10240x32xf32, #tpu.memory_space<vmem_shared>> -> memref<400x32xf32, #tpu.memory_space<vmem_shared>>
        tpu.wait_dma2 semaphore(%run_scoped3A : memref<!tpu.dma_semaphore, #tpu.memory_space<semaphore_mem>>) src(%dma_wait3A_43 : memref<400x32xf32, #tpu.memory_space<vmem_shared>>) dst(%dma_wait3A_41 : memref<400x32xf32, #tpu.memory_space<vmem>>)
        tpu.yield
      }) : () -> ()
      "tpu.region"() ({
        %run_scoped3A = tpu.sem_alloc : memref<!tpu.dma_semaphore, #tpu.memory_space<semaphore_mem>>
        %dma_start3A = arith.constant 0 : i32
        %dma_start3A_26 = arith.constant 0 : i32
        %dma_start3A_27 = tpu.memref_slice %arg9[%dma_start3A, %dma_start3A_26] : memref<1024x32xf32, #tpu.memory_space<vmem>> -> memref<400x32xf32, #tpu.memory_space<vmem>>
        %dma_start3A_28 = arith.constant 0 : i32
        %dma_start3A_29 = tpu.memref_slice %arg6[%arg0, %mul3A_16, %dma_start3A_28] : memref<2x10000x32xf32, #tpu.memory_space<hbm>> -> memref<1x400x32xf32, #tpu.memory_space<hbm>>
        %dma_start3A_30 = tpu.memref_squeeze %dma_start3A_29 : memref<1x400x32xf32, #tpu.memory_space<hbm>> -> memref<400x32xf32, #tpu.memory_space<hbm>>
        %dma_start3A_31 = arith.constant 0 : i32
        %dma_start3A_32 = tpu.memref_slice %arg6[%arg0, %mul3A_16, %dma_start3A_31] : memref<2x10000x32xf32, #tpu.memory_space<hbm>> -> memref<1x400x32xf32, #tpu.memory_space<hbm>>
        %dma_start3A_33 = tpu.memref_squeeze %dma_start3A_32 : memref<1x400x32xf32, #tpu.memory_space<hbm>> -> memref<400x32xf32, #tpu.memory_space<hbm>>
        %dma_start3A_34 = arith.constant 0 : i32
        %dma_start3A_35 = arith.constant 0 : i32
        %dma_start3A_36 = tpu.memref_slice %arg9[%dma_start3A_34, %dma_start3A_35] : memref<1024x32xf32, #tpu.memory_space<vmem>> -> memref<400x32xf32, #tpu.memory_space<vmem>>
        tpu.enqueue_dma source(%dma_start3A_36 : memref<400x32xf32, #tpu.memory_space<vmem>>) target(%dma_start3A_33 : memref<400x32xf32, #tpu.memory_space<hbm>>) target_semaphore(%run_scoped3A : memref<!tpu.dma_semaphore, #tpu.memory_space<semaphore_mem>>)
        %dma_wait3A = arith.constant 0 : i32
        %dma_wait3A_37 = arith.constant 0 : i32
        %dma_wait3A_38 = tpu.memref_slice %arg9[%dma_wait3A, %dma_wait3A_37] : memref<1024x32xf32, #tpu.memory_space<vmem>> -> memref<400x32xf32, #tpu.memory_space<vmem>>
        %dma_wait3A_39 = arith.constant 0 : i32
        %dma_wait3A_40 = tpu.memref_slice %arg6[%arg0, %mul3A_16, %dma_wait3A_39] : memref<2x10000x32xf32, #tpu.memory_space<hbm>> -> memref<1x400x32xf32, #tpu.memory_space<hbm>>
        %dma_wait3A_41 = tpu.memref_squeeze %dma_wait3A_40 : memref<1x400x32xf32, #tpu.memory_space<hbm>> -> memref<400x32xf32, #tpu.memory_space<hbm>>
        %dma_wait3A_42 = arith.constant 0 : i32
        %dma_wait3A_43 = tpu.memref_slice %arg6[%arg0, %mul3A_16, %dma_wait3A_42] : memref<2x10000x32xf32, #tpu.memory_space<hbm>> -> memref<1x400x32xf32, #tpu.memory_space<hbm>>
        %dma_wait3A_44 = tpu.memref_squeeze %dma_wait3A_43 : memref<1x400x32xf32, #tpu.memory_space<hbm>> -> memref<400x32xf32, #tpu.memory_space<hbm>>
        %dma_wait3A_45 = arith.constant 0 : i32
        %dma_wait3A_46 = arith.constant 0 : i32
        %dma_wait3A_47 = tpu.memref_slice %arg9[%dma_wait3A_45, %dma_wait3A_46] : memref<1024x32xf32, #tpu.memory_space<vmem>> -> memref<400x32xf32, #tpu.memory_space<vmem>>
        tpu.wait_dma2 semaphore(%run_scoped3A : memref<!tpu.dma_semaphore, #tpu.memory_space<semaphore_mem>>) src(%dma_wait3A_47 : memref<400x32xf32, #tpu.memory_space<vmem>>) dst(%dma_wait3A_44 : memref<400x32xf32, #tpu.memory_space<hbm>>)
        tpu.yield
      }) : () -> ()
    } else {
    }
    return
  }
}

module attributes {stable_mosaic.version = 14 : i64} {
  func.func @body(%arg0: memref<2x10000x16xf32, #tpu.memory_space<vmem>>, %arg1: memref<10000x128xf32, #tpu.memory_space<vmem>>, %arg2: memref<128x64xf32, #tpu.memory_space<vmem>>, %arg3: memref<10000x32xf32, #tpu.memory_space<vmem>>, %arg4: memref<10000x32xf32, #tpu.memory_space<vmem>>, %arg5: memref<10000x1xf32, #tpu.memory_space<vmem>>) attributes {dimension_semantics = [], scalar_prefetch = 0 : i64, scratch_operands = 0 : i64, tpu.core_type = #tpu.core_type<tc>} {
    %get3A = arith.constant 0 : index
    %get3A_0 = arith.constant 0 : index
    %get3A_1 = arith.constant 0 : index
    %get3A_2 = vector.load %arg0[%get3A, %get3A_0, %get3A_1] : memref<2x10000x16xf32, #tpu.memory_space<vmem>>, vector<1x10000x1xf32>
    %get3A_3 = vector.shape_cast %get3A_2 : vector<1x10000x1xf32> to vector<10000x1xf32>
    %get3A_4 = arith.constant 1 : index
    %get3A_5 = arith.constant 0 : index
    %get3A_6 = arith.constant 0 : index
    %get3A_7 = vector.load %arg0[%get3A_4, %get3A_5, %get3A_6] : memref<2x10000x16xf32, #tpu.memory_space<vmem>>, vector<1x10000x1xf32>
    %get3A_8 = vector.shape_cast %get3A_7 : vector<1x10000x1xf32> to vector<10000x1xf32>
    %add3A = arith.addf %get3A_3, %get3A_8 : vector<10000x1xf32>
    %add3A_9 = arith.constant 1.000000e+00 : f32
    %add3A_10 = vector.broadcast %add3A_9 : f32 to vector<10000x1xf32>
    %add3A_11 = arith.addf %add3A, %add3A_10 : vector<10000x1xf32>
    %rsqrt3A = math.rsqrt %add3A_11 : vector<10000x1xf32>
    %get3A_12 = arith.constant 0 : index
    %get3A_13 = arith.constant 0 : index
    %get3A_14 = vector.load %arg1[%get3A_12, %get3A_13] : memref<10000x128xf32, #tpu.memory_space<vmem>>, vector<10000x128xf32>
    %get3A_15 = arith.constant 0 : index
    %get3A_16 = arith.constant 0 : index
    %get3A_17 = vector.load %arg2[%get3A_15, %get3A_16] : memref<128x64xf32, #tpu.memory_space<vmem>>, vector<128x64xf32>
    %dot_general3A = arith.constant dense<0.000000e+00> : vector<10000x64xf32>
    %dot_general3A_18 = tpu.matmul %get3A_14, %get3A_17, %dot_general3A {dimension_numbers = #tpu.dot_dimension_numbers<[1], [0], [0], [1], [0, 0, 1, 1], [], []>, transpose_lhs_hint = false} : vector<10000x128xf32>, vector<128x64xf32>, vector<10000x64xf32> -> vector<10000x64xf32>
    %mul3A = vector.broadcast %rsqrt3A : vector<10000x1xf32> to vector<10000x64xf32>
    %mul3A_19 = arith.mulf %dot_general3A_18, %mul3A : vector<10000x64xf32>
    %slice3A = vector.extract_strided_slice %mul3A_19 {offsets = [0, 0], sizes = [10000, 32], strides = [1, 1]} : vector<10000x64xf32> to vector<10000x32xf32>
    %swap3A = arith.constant 0 : index
    %swap3A_20 = arith.constant 0 : index
    %swap3A_21 = vector.load %arg3[%swap3A, %swap3A_20] : memref<10000x32xf32, #tpu.memory_space<vmem>>, vector<10000x32xf32>
    tpu.vector_store %arg3[%swap3A, %swap3A_20], %slice3A {strides = array<i32>} : memref<10000x32xf32, #tpu.memory_space<vmem>>, vector<10000x32xf32>,
    %slice3A_22 = vector.extract_strided_slice %mul3A_19 {offsets = [0, 32], sizes = [10000, 32], strides = [1, 1]} : vector<10000x64xf32> to vector<10000x32xf32>
    %swap3A_23 = arith.constant 0 : index
    %swap3A_24 = arith.constant 0 : index
    %swap3A_25 = vector.load %arg4[%swap3A_23, %swap3A_24] : memref<10000x32xf32, #tpu.memory_space<vmem>>, vector<10000x32xf32>
    tpu.vector_store %arg4[%swap3A_23, %swap3A_24], %slice3A_22 {strides = array<i32>} : memref<10000x32xf32, #tpu.memory_space<vmem>>, vector<10000x32xf32>,
    %swap3A_26 = arith.constant 0 : index
    %swap3A_27 = arith.constant 0 : index
    %swap3A_28 = vector.load %arg5[%swap3A_26, %swap3A_27] : memref<10000x1xf32, #tpu.memory_space<vmem>>, vector<10000x1xf32>
    tpu.vector_store %arg5[%swap3A_26, %swap3A_27], %rsqrt3A {strides = array<i32>} : memref<10000x1xf32, #tpu.memory_space<vmem>>, vector<10000x1xf32>,
    return
  }
}

module attributes {stable_mosaic.version = 14 : i64} {
  func.func @body(%arg0: memref<2x10000x32xf32, #tpu.memory_space<vmem>>, %arg1: memref<10000x32xf32, #tpu.memory_space<vmem>>, %arg2: memref<10000x32xf32, #tpu.memory_space<vmem>>, %arg3: memref<10000x1xf32, #tpu.memory_space<vmem>>, %arg4: memref<1x64xf32, #tpu.memory_space<vmem>>, %arg5: memref<64x64xf32, #tpu.memory_space<vmem>>, %arg6: memref<10000x32xf32, #tpu.memory_space<vmem>>, %arg7: memref<10000x32xf32, #tpu.memory_space<vmem>>) attributes {dimension_semantics = [], scalar_prefetch = 0 : i64, scratch_operands = 0 : i64, tpu.core_type = #tpu.core_type<tc>} {
    %get3A = arith.constant 0 : index
    %get3A_0 = arith.constant 0 : index
    %get3A_1 = vector.load %arg3[%get3A, %get3A_0] : memref<10000x1xf32, #tpu.memory_space<vmem>>, vector<10000x1xf32>
    %get3A_2 = arith.constant 0 : index
    %get3A_3 = arith.constant 0 : index
    %get3A_4 = arith.constant 0 : index
    %get3A_5 = vector.load %arg0[%get3A_2, %get3A_3, %get3A_4] : memref<2x10000x32xf32, #tpu.memory_space<vmem>>, vector<1x10000x32xf32>
    %get3A_6 = vector.shape_cast %get3A_5 : vector<1x10000x32xf32> to vector<10000x32xf32>
    %get3A_7 = arith.constant 0 : index
    %get3A_8 = arith.constant 0 : index
    %get3A_9 = vector.load %arg1[%get3A_7, %get3A_8] : memref<10000x32xf32, #tpu.memory_space<vmem>>, vector<10000x32xf32>
    %add3A = arith.addf %get3A_6, %get3A_9 : vector<10000x32xf32>
    %get3A_10 = arith.constant 1 : index
    %get3A_11 = arith.constant 0 : index
    %get3A_12 = arith.constant 0 : index
    %get3A_13 = vector.load %arg0[%get3A_10, %get3A_11, %get3A_12] : memref<2x10000x32xf32, #tpu.memory_space<vmem>>, vector<1x10000x32xf32>
    %get3A_14 = vector.shape_cast %get3A_13 : vector<1x10000x32xf32> to vector<10000x32xf32>
    %get3A_15 = arith.constant 0 : index
    %get3A_16 = arith.constant 0 : index
    %get3A_17 = vector.load %arg2[%get3A_15, %get3A_16] : memref<10000x32xf32, #tpu.memory_space<vmem>>, vector<10000x32xf32>
    %add3A_18 = arith.addf %get3A_14, %get3A_17 : vector<10000x32xf32>
    %concatenate3A = tpu.concatenate %add3A, %add3A_18 in 1 : vector<10000x32xf32>, vector<10000x32xf32> -> vector<10000x64xf32>
    %mul3A = vector.broadcast %get3A_1 : vector<10000x1xf32> to vector<10000x64xf32>
    %mul3A_19 = arith.mulf %mul3A, %concatenate3A : vector<10000x64xf32>
    %get3A_20 = arith.constant 0 : index
    %get3A_21 = arith.constant 0 : index
    %get3A_22 = vector.load %arg4[%get3A_20, %get3A_21] : memref<1x64xf32, #tpu.memory_space<vmem>>, vector<1x64xf32>
    %add3A_23 = vector.broadcast %get3A_22 : vector<1x64xf32> to vector<10000x64xf32>
    %add3A_24 = arith.addf %mul3A_19, %add3A_23 : vector<10000x64xf32>
    %reduce_sum3A = arith.constant dense<0.000000e+00> : vector<10000xf32>
    %reduce_sum3A_25 = vector.multi_reduction <add>, %add3A_24, %reduce_sum3A [1] : vector<10000x64xf32> to vector<10000xf32>
    %broadcast_in_dim3A = vector.shape_cast %reduce_sum3A_25 : vector<10000xf32> to vector<10000x1xf32>
    %div3A = arith.constant 6.400000e+01 : f32
    %div3A_26 = vector.broadcast %div3A : f32 to vector<10000x1xf32>
    %div3A_27 = arith.divf %broadcast_in_dim3A, %div3A_26 : vector<10000x1xf32>
    %sub3A = vector.broadcast %div3A_27 : vector<10000x1xf32> to vector<10000x64xf32>
    %sub3A_28 = arith.subf %add3A_24, %sub3A : vector<10000x64xf32>
    %integer_pow3A = arith.mulf %sub3A_28, %sub3A_28 : vector<10000x64xf32>
    %reduce_sum3A_29 = arith.constant dense<0.000000e+00> : vector<10000xf32>
    %reduce_sum3A_30 = vector.multi_reduction <add>, %integer_pow3A, %reduce_sum3A_29 [1] : vector<10000x64xf32> to vector<10000xf32>
    %broadcast_in_dim3A_31 = vector.shape_cast %reduce_sum3A_30 : vector<10000xf32> to vector<10000x1xf32>
    %div3A_32 = arith.constant 6.400000e+01 : f32
    %div3A_33 = vector.broadcast %div3A_32 : f32 to vector<10000x1xf32>
    %div3A_34 = arith.divf %broadcast_in_dim3A_31, %div3A_33 : vector<10000x1xf32>
    %sub3A_35 = vector.broadcast %div3A_27 : vector<10000x1xf32> to vector<10000x64xf32>
    %sub3A_36 = arith.subf %add3A_24, %sub3A_35 : vector<10000x64xf32>
    %add3A_37 = arith.constant 9.99999974E-6 : f32
    %add3A_38 = vector.broadcast %add3A_37 : f32 to vector<10000x1xf32>
    %add3A_39 = arith.addf %div3A_34, %add3A_38 : vector<10000x1xf32>
    %rsqrt3A = math.rsqrt %add3A_39 : vector<10000x1xf32>
    %mul3A_40 = vector.broadcast %rsqrt3A : vector<10000x1xf32> to vector<10000x64xf32>
    %mul3A_41 = arith.mulf %sub3A_36, %mul3A_40 : vector<10000x64xf32>
    %max3A = arith.constant 0.000000e+00 : f32
    %max3A_42 = vector.broadcast %max3A : f32 to vector<10000x64xf32>
    %max3A_43 = arith.maximumf %mul3A_41, %max3A_42 : vector<10000x64xf32>
    %get3A_44 = arith.constant 0 : index
    %get3A_45 = arith.constant 0 : index
    %get3A_46 = vector.load %arg5[%get3A_44, %get3A_45] : memref<64x64xf32, #tpu.memory_space<vmem>>, vector<64x64xf32>
    %dot_general3A = arith.constant dense<0.000000e+00> : vector<10000x64xf32>
    %dot_general3A_47 = tpu.matmul %max3A_43, %get3A_46, %dot_general3A {dimension_numbers = #tpu.dot_dimension_numbers<[1], [0], [0], [1], [0, 0, 1, 1], [], []>, transpose_lhs_hint = false} : vector<10000x64xf32>, vector<64x64xf32>, vector<10000x64xf32> -> vector<10000x64xf32>
    %mul3A_48 = vector.broadcast %get3A_1 : vector<10000x1xf32> to vector<10000x64xf32>
    %mul3A_49 = arith.mulf %dot_general3A_47, %mul3A_48 : vector<10000x64xf32>
    %slice3A = vector.extract_strided_slice %mul3A_49 {offsets = [0, 0], sizes = [10000, 32], strides = [1, 1]} : vector<10000x64xf32> to vector<10000x32xf32>
    %swap3A = arith.constant 0 : index
    %swap3A_50 = arith.constant 0 : index
    %swap3A_51 = vector.load %arg6[%swap3A, %swap3A_50] : memref<10000x32xf32, #tpu.memory_space<vmem>>, vector<10000x32xf32>
    tpu.vector_store %arg6[%swap3A, %swap3A_50], %slice3A {strides = array<i32>} : memref<10000x32xf32, #tpu.memory_space<vmem>>, vector<10000x32xf32>,
    %slice3A_52 = vector.extract_strided_slice %mul3A_49 {offsets = [0, 32], sizes = [10000, 32], strides = [1, 1]} : vector<10000x64xf32> to vector<10000x32xf32>
    %swap3A_53 = arith.constant 0 : index
    %swap3A_54 = arith.constant 0 : index
    %swap3A_55 = vector.load %arg7[%swap3A_53, %swap3A_54] : memref<10000x32xf32, #tpu.memory_space<vmem>>, vector<10000x32xf32>
    tpu.vector_store %arg7[%swap3A_53, %swap3A_54], %slice3A_52 {strides = array<i32>} : memref<10000x32xf32, #tpu.memory_space<vmem>>, vector<10000x32xf32>,
    return
  }
}

module attributes {stable_mosaic.version = 14 : i64} {
  func.func @body(%arg0: memref<2x10000x32xf32, #tpu.memory_space<vmem>>, %arg1: memref<10000x32xf32, #tpu.memory_space<vmem>>, %arg2: memref<10000x32xf32, #tpu.memory_space<vmem>>, %arg3: memref<10000x1xf32, #tpu.memory_space<vmem>>, %arg4: memref<1x64xf32, #tpu.memory_space<vmem>>, %arg5: memref<10000x32xf32, #tpu.memory_space<vmem>>, %arg6: memref<10000x32xf32, #tpu.memory_space<vmem>>) attributes {dimension_semantics = [], scalar_prefetch = 0 : i64, scratch_operands = 0 : i64, tpu.core_type = #tpu.core_type<tc>} {
    %get3A = arith.constant 0 : index
    %get3A_0 = arith.constant 0 : index
    %get3A_1 = arith.constant 0 : index
    %get3A_2 = vector.load %arg0[%get3A, %get3A_0, %get3A_1] : memref<2x10000x32xf32, #tpu.memory_space<vmem>>, vector<1x10000x32xf32>
    %get3A_3 = vector.shape_cast %get3A_2 : vector<1x10000x32xf32> to vector<10000x32xf32>
    %get3A_4 = arith.constant 0 : index
    %get3A_5 = arith.constant 0 : index
    %get3A_6 = vector.load %arg1[%get3A_4, %get3A_5] : memref<10000x32xf32, #tpu.memory_space<vmem>>, vector<10000x32xf32>
    %add3A = arith.addf %get3A_3, %get3A_6 : vector<10000x32xf32>
    %get3A_7 = arith.constant 1 : index
    %get3A_8 = arith.constant 0 : index
    %get3A_9 = arith.constant 0 : index
    %get3A_10 = vector.load %arg0[%get3A_7, %get3A_8, %get3A_9] : memref<2x10000x32xf32, #tpu.memory_space<vmem>>, vector<1x10000x32xf32>
    %get3A_11 = vector.shape_cast %get3A_10 : vector<1x10000x32xf32> to vector<10000x32xf32>
    %get3A_12 = arith.constant 0 : index
    %get3A_13 = arith.constant 0 : index
    %get3A_14 = vector.load %arg2[%get3A_12, %get3A_13] : memref<10000x32xf32, #tpu.memory_space<vmem>>, vector<10000x32xf32>
    %add3A_15 = arith.addf %get3A_11, %get3A_14 : vector<10000x32xf32>
    %concatenate3A = tpu.concatenate %add3A, %add3A_15 in 1 : vector<10000x32xf32>, vector<10000x32xf32> -> vector<10000x64xf32>
    %get3A_16 = arith.constant 0 : index
    %get3A_17 = arith.constant 0 : index
    %get3A_18 = vector.load %arg3[%get3A_16, %get3A_17] : memref<10000x1xf32, #tpu.memory_space<vmem>>, vector<10000x1xf32>
    %mul3A = vector.broadcast %get3A_18 : vector<10000x1xf32> to vector<10000x64xf32>
    %mul3A_19 = arith.mulf %mul3A, %concatenate3A : vector<10000x64xf32>
    %get3A_20 = arith.constant 0 : index
    %get3A_21 = arith.constant 0 : index
    %get3A_22 = vector.load %arg4[%get3A_20, %get3A_21] : memref<1x64xf32, #tpu.memory_space<vmem>>, vector<1x64xf32>
    %add3A_23 = vector.broadcast %get3A_22 : vector<1x64xf32> to vector<10000x64xf32>
    %add3A_24 = arith.addf %mul3A_19, %add3A_23 : vector<10000x64xf32>
    %reduce_sum3A = arith.constant dense<0.000000e+00> : vector<10000xf32>
    %reduce_sum3A_25 = vector.multi_reduction <add>, %add3A_24, %reduce_sum3A [1] : vector<10000x64xf32> to vector<10000xf32>
    %broadcast_in_dim3A = vector.shape_cast %reduce_sum3A_25 : vector<10000xf32> to vector<10000x1xf32>
    %div3A = arith.constant 6.400000e+01 : f32
    %div3A_26 = vector.broadcast %div3A : f32 to vector<10000x1xf32>
    %div3A_27 = arith.divf %broadcast_in_dim3A, %div3A_26 : vector<10000x1xf32>
    %sub3A = vector.broadcast %div3A_27 : vector<10000x1xf32> to vector<10000x64xf32>
    %sub3A_28 = arith.subf %add3A_24, %sub3A : vector<10000x64xf32>
    %integer_pow3A = arith.mulf %sub3A_28, %sub3A_28 : vector<10000x64xf32>
    %reduce_sum3A_29 = arith.constant dense<0.000000e+00> : vector<10000xf32>
    %reduce_sum3A_30 = vector.multi_reduction <add>, %integer_pow3A, %reduce_sum3A_29 [1] : vector<10000x64xf32> to vector<10000xf32>
    %broadcast_in_dim3A_31 = vector.shape_cast %reduce_sum3A_30 : vector<10000xf32> to vector<10000x1xf32>
    %div3A_32 = arith.constant 6.400000e+01 : f32
    %div3A_33 = vector.broadcast %div3A_32 : f32 to vector<10000x1xf32>
    %div3A_34 = arith.divf %broadcast_in_dim3A_31, %div3A_33 : vector<10000x1xf32>
    %sub3A_35 = vector.broadcast %div3A_27 : vector<10000x1xf32> to vector<10000x64xf32>
    %sub3A_36 = arith.subf %add3A_24, %sub3A_35 : vector<10000x64xf32>
    %add3A_37 = arith.constant 9.99999974E-6 : f32
    %add3A_38 = vector.broadcast %add3A_37 : f32 to vector<10000x1xf32>
    %add3A_39 = arith.addf %div3A_34, %add3A_38 : vector<10000x1xf32>
    %rsqrt3A = math.rsqrt %add3A_39 : vector<10000x1xf32>
    %mul3A_40 = vector.broadcast %rsqrt3A : vector<10000x1xf32> to vector<10000x64xf32>
    %mul3A_41 = arith.mulf %sub3A_36, %mul3A_40 : vector<10000x64xf32>
    %max3A = arith.constant 0.000000e+00 : f32
    %max3A_42 = vector.broadcast %max3A : f32 to vector<10000x64xf32>
    %max3A_43 = arith.maximumf %mul3A_41, %max3A_42 : vector<10000x64xf32>
    %slice3A = vector.extract_strided_slice %max3A_43 {offsets = [0, 0], sizes = [10000, 32], strides = [1, 1]} : vector<10000x64xf32> to vector<10000x32xf32>
    %swap3A = arith.constant 0 : index
    %swap3A_44 = arith.constant 0 : index
    %swap3A_45 = vector.load %arg5[%swap3A, %swap3A_44] : memref<10000x32xf32, #tpu.memory_space<vmem>>, vector<10000x32xf32>
    tpu.vector_store %arg5[%swap3A, %swap3A_44], %slice3A {strides = array<i32>} : memref<10000x32xf32, #tpu.memory_space<vmem>>, vector<10000x32xf32>,
    %slice3A_46 = vector.extract_strided_slice %max3A_43 {offsets = [0, 32], sizes = [10000, 32], strides = [1, 1]} : vector<10000x64xf32> to vector<10000x32xf32>
    %swap3A_47 = arith.constant 0 : index
    %swap3A_48 = arith.constant 0 : index
    %swap3A_49 = vector.load %arg6[%swap3A_47, %swap3A_48] : memref<10000x32xf32, #tpu.memory_space<vmem>>, vector<10000x32xf32>
    tpu.vector_store %arg6[%swap3A_47, %swap3A_48], %slice3A_46 {strides = array<i32>} : memref<10000x32xf32, #tpu.memory_space<vmem>>, vector<10000x32xf32>,
    return
  }
}

module attributes {stable_mosaic.version = 14 : i64} {
  func.func @body(%arg0: memref<2x10000x32xf32, #tpu.memory_space<vmem>>, %arg1: memref<10000x32xf32, #tpu.memory_space<vmem>>, %arg2: memref<10000x32xf32, #tpu.memory_space<vmem>>, %arg3: memref<64x64xf32, #tpu.memory_space<vmem>>, %arg4: memref<1x64xf32, #tpu.memory_space<vmem>>, %arg5: memref<64x64xf32, #tpu.memory_space<vmem>>, %arg6: memref<1x64xf32, #tpu.memory_space<vmem>>, %arg7: memref<1x64xf32, #tpu.memory_space<vmem>>, %arg8: memref<1x64xf32, #tpu.memory_space<vmem>>, %arg9: memref<10000x32xf32, #tpu.memory_space<vmem>>, %arg10: memref<10000x32xf32, #tpu.memory_space<vmem>>) attributes {dimension_semantics = [], scalar_prefetch = 0 : i64, scratch_operands = 0 : i64, tpu.core_type = #tpu.core_type<tc>} {
    %get3A = arith.constant 0 : index
    %get3A_0 = arith.constant 0 : index
    %get3A_1 = vector.load %arg1[%get3A, %get3A_0] : memref<10000x32xf32, #tpu.memory_space<vmem>>, vector<10000x32xf32>
    %get3A_2 = arith.constant 0 : index
    %get3A_3 = arith.constant 0 : index
    %get3A_4 = arith.constant 0 : index
    %get3A_5 = vector.load %arg0[%get3A_2, %get3A_3, %get3A_4] : memref<2x10000x32xf32, #tpu.memory_space<vmem>>, vector<1x10000x32xf32>
    %get3A_6 = vector.shape_cast %get3A_5 : vector<1x10000x32xf32> to vector<10000x32xf32>
    %add3A = arith.addf %get3A_1, %get3A_6 : vector<10000x32xf32>
    %get3A_7 = arith.constant 0 : index
    %get3A_8 = arith.constant 0 : index
    %get3A_9 = vector.load %arg2[%get3A_7, %get3A_8] : memref<10000x32xf32, #tpu.memory_space<vmem>>, vector<10000x32xf32>
    %get3A_10 = arith.constant 1 : index
    %get3A_11 = arith.constant 0 : index
    %get3A_12 = arith.constant 0 : index
    %get3A_13 = vector.load %arg0[%get3A_10, %get3A_11, %get3A_12] : memref<2x10000x32xf32, #tpu.memory_space<vmem>>, vector<1x10000x32xf32>
    %get3A_14 = vector.shape_cast %get3A_13 : vector<1x10000x32xf32> to vector<10000x32xf32>
    %add3A_15 = arith.addf %get3A_9, %get3A_14 : vector<10000x32xf32>
    %concatenate3A = tpu.concatenate %add3A, %add3A_15 in 1 : vector<10000x32xf32>, vector<10000x32xf32> -> vector<10000x64xf32>
    %get3A_16 = arith.constant 0 : index
    %get3A_17 = arith.constant 0 : index
    %get3A_18 = vector.load %arg3[%get3A_16, %get3A_17] : memref<64x64xf32, #tpu.memory_space<vmem>>, vector<64x64xf32>
    %dot_general3A = arith.constant dense<0.000000e+00> : vector<10000x64xf32>
    %dot_general3A_19 = tpu.matmul %concatenate3A, %get3A_18, %dot_general3A {dimension_numbers = #tpu.dot_dimension_numbers<[1], [0], [0], [1], [0, 0, 1, 1], [], []>, transpose_lhs_hint = false} : vector<10000x64xf32>, vector<64x64xf32>, vector<10000x64xf32> -> vector<10000x64xf32>
    %get3A_20 = arith.constant 0 : index
    %get3A_21 = arith.constant 0 : index
    %get3A_22 = vector.load %arg4[%get3A_20, %get3A_21] : memref<1x64xf32, #tpu.memory_space<vmem>>, vector<1x64xf32>
    %add3A_23 = vector.broadcast %get3A_22 : vector<1x64xf32> to vector<10000x64xf32>
    %add3A_24 = arith.addf %dot_general3A_19, %add3A_23 : vector<10000x64xf32>
    %max3A = arith.constant 0.000000e+00 : f32
    %max3A_25 = vector.broadcast %max3A : f32 to vector<10000x64xf32>
    %max3A_26 = arith.maximumf %add3A_24, %max3A_25 : vector<10000x64xf32>
    %get3A_27 = arith.constant 0 : index
    %get3A_28 = arith.constant 0 : index
    %get3A_29 = vector.load %arg5[%get3A_27, %get3A_28] : memref<64x64xf32, #tpu.memory_space<vmem>>, vector<64x64xf32>
    %dot_general3A_30 = arith.constant dense<0.000000e+00> : vector<10000x64xf32>
    %dot_general3A_31 = tpu.matmul %max3A_26, %get3A_29, %dot_general3A_30 {dimension_numbers = #tpu.dot_dimension_numbers<[1], [0], [0], [1], [0, 0, 1, 1], [], []>, transpose_lhs_hint = false} : vector<10000x64xf32>, vector<64x64xf32>, vector<10000x64xf32> -> vector<10000x64xf32>
    %get3A_32 = arith.constant 0 : index
    %get3A_33 = arith.constant 0 : index
    %get3A_34 = vector.load %arg6[%get3A_32, %get3A_33] : memref<1x64xf32, #tpu.memory_space<vmem>>, vector<1x64xf32>
    %add3A_35 = vector.broadcast %get3A_34 : vector<1x64xf32> to vector<10000x64xf32>
    %add3A_36 = arith.addf %dot_general3A_31, %add3A_35 : vector<10000x64xf32>
    %get3A_37 = arith.constant 0 : index
    %get3A_38 = arith.constant 0 : index
    %get3A_39 = vector.load %arg7[%get3A_37, %get3A_38] : memref<1x64xf32, #tpu.memory_space<vmem>>, vector<1x64xf32>
    %get3A_40 = arith.constant 0 : index
    %get3A_41 = arith.constant 0 : index
    %get3A_42 = vector.load %arg8[%get3A_40, %get3A_41] : memref<1x64xf32, #tpu.memory_space<vmem>>, vector<1x64xf32>
    %reduce_sum3A = arith.constant dense<0.000000e+00> : vector<64xf32>
    %reduce_sum3A_43 = vector.multi_reduction <add>, %add3A_36, %reduce_sum3A [0] : vector<10000x64xf32> to vector<64xf32>
    %broadcast_in_dim3A = vector.shape_cast %reduce_sum3A_43 : vector<64xf32> to vector<1x64xf32>
    %div3A = arith.constant 1.000000e+04 : f32
    %div3A_44 = vector.broadcast %div3A : f32 to vector<1x64xf32>
    %div3A_45 = arith.divf %broadcast_in_dim3A, %div3A_44 : vector<1x64xf32>
    %sub3A = vector.broadcast %div3A_45 : vector<1x64xf32> to vector<10000x64xf32>
    %sub3A_46 = arith.subf %add3A_36, %sub3A : vector<10000x64xf32>
    %integer_pow3A = arith.mulf %sub3A_46, %sub3A_46 : vector<10000x64xf32>
    %reduce_sum3A_47 = arith.constant dense<0.000000e+00> : vector<64xf32>
    %reduce_sum3A_48 = vector.multi_reduction <add>, %integer_pow3A, %reduce_sum3A_47 [0] : vector<10000x64xf32> to vector<64xf32>
    %broadcast_in_dim3A_49 = vector.shape_cast %reduce_sum3A_48 : vector<64xf32> to vector<1x64xf32>
    %div3A_50 = arith.constant 1.000000e+04 : f32
    %div3A_51 = vector.broadcast %div3A_50 : f32 to vector<1x64xf32>
    %div3A_52 = arith.divf %broadcast_in_dim3A_49, %div3A_51 : vector<1x64xf32>
    %sub3A_53 = vector.broadcast %div3A_45 : vector<1x64xf32> to vector<10000x64xf32>
    %sub3A_54 = arith.subf %add3A_36, %sub3A_53 : vector<10000x64xf32>
    %add3A_55 = arith.constant 9.99999974E-6 : f32
    %add3A_56 = vector.broadcast %add3A_55 : f32 to vector<1x64xf32>
    %add3A_57 = arith.addf %div3A_52, %add3A_56 : vector<1x64xf32>
    %rsqrt3A = math.rsqrt %add3A_57 : vector<1x64xf32>
    %mul3A = vector.broadcast %rsqrt3A : vector<1x64xf32> to vector<10000x64xf32>
    %mul3A_58 = arith.mulf %sub3A_54, %mul3A : vector<10000x64xf32>
    %mul3A_59 = vector.broadcast %get3A_39 : vector<1x64xf32> to vector<10000x64xf32>
    %mul3A_60 = arith.mulf %mul3A_58, %mul3A_59 : vector<10000x64xf32>
    %add3A_61 = vector.broadcast %get3A_42 : vector<1x64xf32> to vector<10000x64xf32>
    %add3A_62 = arith.addf %mul3A_60, %add3A_61 : vector<10000x64xf32>
    %max3A_63 = arith.constant 0.000000e+00 : f32
    %max3A_64 = vector.broadcast %max3A_63 : f32 to vector<10000x64xf32>
    %max3A_65 = arith.maximumf %add3A_62, %max3A_64 : vector<10000x64xf32>
    %slice3A = vector.extract_strided_slice %max3A_65 {offsets = [0, 0], sizes = [10000, 32], strides = [1, 1]} : vector<10000x64xf32> to vector<10000x32xf32>
    %swap3A = arith.constant 0 : index
    %swap3A_66 = arith.constant 0 : index
    %swap3A_67 = vector.load %arg9[%swap3A, %swap3A_66] : memref<10000x32xf32, #tpu.memory_space<vmem>>, vector<10000x32xf32>
    tpu.vector_store %arg9[%swap3A, %swap3A_66], %slice3A {strides = array<i32>} : memref<10000x32xf32, #tpu.memory_space<vmem>>, vector<10000x32xf32>,
    %slice3A_68 = vector.extract_strided_slice %max3A_65 {offsets = [0, 32], sizes = [10000, 32], strides = [1, 1]} : vector<10000x64xf32> to vector<10000x32xf32>
    %swap3A_69 = arith.constant 0 : index
    %swap3A_70 = arith.constant 0 : index
    %swap3A_71 = vector.load %arg10[%swap3A_69, %swap3A_70] : memref<10000x32xf32, #tpu.memory_space<vmem>>, vector<10000x32xf32>
    tpu.vector_store %arg10[%swap3A_69, %swap3A_70], %slice3A_68 {strides = array<i32>} : memref<10000x32xf32, #tpu.memory_space<vmem>>, vector<10000x32xf32>,
    return
  }
}

module attributes {stable_mosaic.version = 14 : i64} {
  func.func @body(%arg0: memref<2x10000x32xf32, #tpu.memory_space<vmem>>, %arg1: memref<10000x32xf32, #tpu.memory_space<vmem>>, %arg2: memref<10000x32xf32, #tpu.memory_space<vmem>>, %arg3: memref<64x32xf32, #tpu.memory_space<vmem>>, %arg4: memref<1x32xf32, #tpu.memory_space<vmem>>, %arg5: memref<1x32xf32, #tpu.memory_space<vmem>>, %arg6: memref<1x32xf32, #tpu.memory_space<vmem>>, %arg7: memref<1x10000xi32, #tpu.memory_space<vmem>>, %arg8: memref<1x32xf32, #tpu.memory_space<vmem>>, %arg9: memref<1x1xf32, #tpu.memory_space<vmem>>, %arg10: memref<16x1xf32, #tpu.memory_space<vmem>>) attributes {dimension_semantics = [], scalar_prefetch = 0 : i64, scratch_operands = 0 : i64, tpu.core_type = #tpu.core_type<tc>} {
    %get3A = arith.constant 0 : index
    %get3A_0 = arith.constant 0 : index
    %get3A_1 = vector.load %arg1[%get3A, %get3A_0] : memref<10000x32xf32, #tpu.memory_space<vmem>>, vector<10000x32xf32>
    %get3A_2 = arith.constant 0 : index
    %get3A_3 = arith.constant 0 : index
    %get3A_4 = arith.constant 0 : index
    %get3A_5 = vector.load %arg0[%get3A_2, %get3A_3, %get3A_4] : memref<2x10000x32xf32, #tpu.memory_space<vmem>>, vector<1x10000x32xf32>
    %get3A_6 = vector.shape_cast %get3A_5 : vector<1x10000x32xf32> to vector<10000x32xf32>
    %add3A = arith.addf %get3A_1, %get3A_6 : vector<10000x32xf32>
    %get3A_7 = arith.constant 0 : index
    %get3A_8 = arith.constant 0 : index
    %get3A_9 = vector.load %arg2[%get3A_7, %get3A_8] : memref<10000x32xf32, #tpu.memory_space<vmem>>, vector<10000x32xf32>
    %get3A_10 = arith.constant 1 : index
    %get3A_11 = arith.constant 0 : index
    %get3A_12 = arith.constant 0 : index
    %get3A_13 = vector.load %arg0[%get3A_10, %get3A_11, %get3A_12] : memref<2x10000x32xf32, #tpu.memory_space<vmem>>, vector<1x10000x32xf32>
    %get3A_14 = vector.shape_cast %get3A_13 : vector<1x10000x32xf32> to vector<10000x32xf32>
    %add3A_15 = arith.addf %get3A_9, %get3A_14 : vector<10000x32xf32>
    %concatenate3A = tpu.concatenate %add3A, %add3A_15 in 1 : vector<10000x32xf32>, vector<10000x32xf32> -> vector<10000x64xf32>
    %get3A_16 = arith.constant 0 : index
    %get3A_17 = arith.constant 0 : index
    %get3A_18 = vector.load %arg3[%get3A_16, %get3A_17] : memref<64x32xf32, #tpu.memory_space<vmem>>, vector<64x32xf32>
    %dot_general3A = arith.constant dense<0.000000e+00> : vector<10000x32xf32>
    %dot_general3A_19 = tpu.matmul %concatenate3A, %get3A_18, %dot_general3A {dimension_numbers = #tpu.dot_dimension_numbers<[1], [0], [0], [1], [0, 0, 1, 1], [], []>, transpose_lhs_hint = false} : vector<10000x64xf32>, vector<64x32xf32>, vector<10000x32xf32> -> vector<10000x32xf32>
    %get3A_20 = arith.constant 0 : index
    %get3A_21 = arith.constant 0 : index
    %get3A_22 = vector.load %arg4[%get3A_20, %get3A_21] : memref<1x32xf32, #tpu.memory_space<vmem>>, vector<1x32xf32>
    %add3A_23 = vector.broadcast %get3A_22 : vector<1x32xf32> to vector<10000x32xf32>
    %add3A_24 = arith.addf %dot_general3A_19, %add3A_23 : vector<10000x32xf32>
    %get3A_25 = arith.constant 0 : index
    %get3A_26 = arith.constant 0 : index
    %get3A_27 = vector.load %arg5[%get3A_25, %get3A_26] : memref<1x32xf32, #tpu.memory_space<vmem>>, vector<1x32xf32>
    %get3A_28 = arith.constant 0 : index
    %get3A_29 = arith.constant 0 : index
    %get3A_30 = vector.load %arg6[%get3A_28, %get3A_29] : memref<1x32xf32, #tpu.memory_space<vmem>>, vector<1x32xf32>
    %reduce_sum3A = arith.constant dense<0.000000e+00> : vector<32xf32>
    %reduce_sum3A_31 = vector.multi_reduction <add>, %add3A_24, %reduce_sum3A [0] : vector<10000x32xf32> to vector<32xf32>
    %broadcast_in_dim3A = vector.shape_cast %reduce_sum3A_31 : vector<32xf32> to vector<1x32xf32>
    %div3A = arith.constant 1.000000e+04 : f32
    %div3A_32 = vector.broadcast %div3A : f32 to vector<1x32xf32>
    %div3A_33 = arith.divf %broadcast_in_dim3A, %div3A_32 : vector<1x32xf32>
    %sub3A = vector.broadcast %div3A_33 : vector<1x32xf32> to vector<10000x32xf32>
    %sub3A_34 = arith.subf %add3A_24, %sub3A : vector<10000x32xf32>
    %integer_pow3A = arith.mulf %sub3A_34, %sub3A_34 : vector<10000x32xf32>
    %reduce_sum3A_35 = arith.constant dense<0.000000e+00> : vector<32xf32>
    %reduce_sum3A_36 = vector.multi_reduction <add>, %integer_pow3A, %reduce_sum3A_35 [0] : vector<10000x32xf32> to vector<32xf32>
    %broadcast_in_dim3A_37 = vector.shape_cast %reduce_sum3A_36 : vector<32xf32> to vector<1x32xf32>
    %div3A_38 = arith.constant 1.000000e+04 : f32
    %div3A_39 = vector.broadcast %div3A_38 : f32 to vector<1x32xf32>
    %div3A_40 = arith.divf %broadcast_in_dim3A_37, %div3A_39 : vector<1x32xf32>
    %sub3A_41 = vector.broadcast %div3A_33 : vector<1x32xf32> to vector<10000x32xf32>
    %sub3A_42 = arith.subf %add3A_24, %sub3A_41 : vector<10000x32xf32>
    %add3A_43 = arith.constant 9.99999974E-6 : f32
    %add3A_44 = vector.broadcast %add3A_43 : f32 to vector<1x32xf32>
    %add3A_45 = arith.addf %div3A_40, %add3A_44 : vector<1x32xf32>
    %rsqrt3A = math.rsqrt %add3A_45 : vector<1x32xf32>
    %mul3A = vector.broadcast %rsqrt3A : vector<1x32xf32> to vector<10000x32xf32>
    %mul3A_46 = arith.mulf %sub3A_42, %mul3A : vector<10000x32xf32>
    %mul3A_47 = vector.broadcast %get3A_27 : vector<1x32xf32> to vector<10000x32xf32>
    %mul3A_48 = arith.mulf %mul3A_46, %mul3A_47 : vector<10000x32xf32>
    %add3A_49 = vector.broadcast %get3A_30 : vector<1x32xf32> to vector<10000x32xf32>
    %add3A_50 = arith.addf %mul3A_48, %add3A_49 : vector<10000x32xf32>
    %max3A = arith.constant 0.000000e+00 : f32
    %max3A_51 = vector.broadcast %max3A : f32 to vector<10000x32xf32>
    %max3A_52 = arith.maximumf %add3A_50, %max3A_51 : vector<10000x32xf32>
    %iota3A = tpu.iota {dimensions = array<i32: 0>} : vector<16x10000xi32>
    %get3A_53 = arith.constant 0 : index
    %get3A_54 = arith.constant 0 : index
    %get3A_55 = vector.load %arg7[%get3A_53, %get3A_54] : memref<1x10000xi32, #tpu.memory_space<vmem>>, vector<1x10000xi32>
    %broadcast_in_dim3A_56 = vector.shape_cast %get3A_55 : vector<1x10000xi32> to vector<1x10000xi32>
    %broadcast_in_dim3A_57 = vector.broadcast %broadcast_in_dim3A_56 : vector<1x10000xi32> to vector<16x10000xi32>
    %eq3A = arith.cmpi eq, %iota3A, %broadcast_in_dim3A_57 : vector<16x10000xi32>
    %convert_element_type3A = arith.extui %eq3A : vector<16x10000xi1> to vector<16x10000xi32>
    %convert_element_type3A_58 = arith.sitofp %convert_element_type3A : vector<16x10000xi32> to vector<16x10000xf32>
    %dot_general3A_59 = arith.constant dense<0.000000e+00> : vector<16x32xf32>
    %dot_general3A_60 = tpu.matmul %convert_element_type3A_58, %max3A_52, %dot_general3A_59 {dimension_numbers = #tpu.dot_dimension_numbers<[1], [0], [0], [1], [0, 0, 1, 1], [], []>, transpose_lhs_hint = false} : vector<16x10000xf32>, vector<10000x32xf32>, vector<16x32xf32> -> vector<16x32xf32>
    %get3A_61 = arith.constant 0 : index
    %get3A_62 = arith.constant 0 : index
    %get3A_63 = vector.load %arg8[%get3A_61, %get3A_62] : memref<1x32xf32, #tpu.memory_space<vmem>>, vector<1x32xf32>
    %mul3A_64 = vector.broadcast %get3A_63 : vector<1x32xf32> to vector<16x32xf32>
    %mul3A_65 = arith.mulf %dot_general3A_60, %mul3A_64 : vector<16x32xf32>
    %reduce_sum3A_66 = arith.constant dense<0.000000e+00> : vector<16xf32>
    %reduce_sum3A_67 = vector.multi_reduction <add>, %mul3A_65, %reduce_sum3A_66 [1] : vector<16x32xf32> to vector<16xf32>
    %broadcast_in_dim3A_68 = vector.shape_cast %reduce_sum3A_67 : vector<16xf32> to vector<16x1xf32>
    %get3A_69 = arith.constant 0 : index
    %get3A_70 = arith.constant 0 : index
    %get3A_71 = vector.load %arg9[%get3A_69, %get3A_70] : memref<1x1xf32, #tpu.memory_space<vmem>>, vector<1x1xf32>
    %add3A_72 = vector.broadcast %get3A_71 : vector<1x1xf32> to vector<16x1xf32>
    %add3A_73 = arith.addf %broadcast_in_dim3A_68, %add3A_72 : vector<16x1xf32>
    %swap3A = arith.constant 0 : index
    %swap3A_74 = arith.constant 0 : index
    %swap3A_75 = vector.load %arg10[%swap3A, %swap3A_74] : memref<16x1xf32, #tpu.memory_space<vmem>>, vector<16x1xf32>
    tpu.vector_store %arg10[%swap3A, %swap3A_74], %add3A_73 {strides = array<i32>} : memref<16x1xf32, #tpu.memory_space<vmem>>, vector<16x1xf32>,
    return
  }
}

</mosaic_0001>

<sc_bundles>
// kernel: kernel.12.cloned.1.call-start
scs
__scs_entry_jumppad:
0x0: {  	(pc) =	sbr.rel $0x88, $3  }
0x1: {  	(tag) =	ssettag $0x0;
	lr =	simm.s32 $0x1  }
0x2: {  	[smem:$0x3F8E] =	sst lr;
	_ =	strace $0xD0000000  }
0x3: {  	_ = 	snop  }
0x4: {  	_ = 	snop  }
0x5: {  	_ = 	snop  }
0x6: {  	_ = 	snop  }
0x7: {  	_ = 	snop  }
__scs_overlays_trampoline_lowered:
0x8: {  	[smem:$0x3F9D] =	sst s0  }
0x9: {  	[smem:$0x3F9E] =	sst s1  }
0xa: {  	[smem:$0x3F9F] =	sst s2  }
0xb: {  	[smem:$0x3FA0] =	sst s3  }
0xc: {  	[smem:$0x3FA1] =	sst s4  }
0xd: {  	[smem:$0x3FA2] =	sst s5  }
0xe: {  	[smem:$0x3FA3] =	sst s6  }
0xf: {  	[smem:$0x3FA4] =	sst s7  }
0x10: {  	[smem:$0x3FA5] =	sst s8  }
0x11: {  	[smem:$0x3FA6] =	sst s9;
	s0 =	simm.s32 @!p0 $0x0  }
0x12: {  	s1 =	sld [smem:$0x3F8C];
	s0 =	simm.s32 @p0 $0x1  }
0x13: {  	[smem:$0x3FA7] =	sst s0;
	s0 =	simm.s32 @!p1 $0x0  }
0x14: {  	s2 =	sld [smem:$0x3F8B];
	s0 =	simm.s32 @p1 $0x1  }
0x15: {  	[smem:$0x3FA8] =	sst s0;
	s0 =	simm.s32 @!p2 $0x0  }
0x16: {  	s3 =	sld [smem:$0x3FDB];
	s0 =	simm.s32 @p2 $0x1  }
0x17: {  	s4 =	simm.s32 $0x1BF5;
	[smem:$0x3FAA] =	sst s0  }
0x18: {  	s0 =	sld [smem:$0x3F8D];
	_ =	swait.ge [sflag:s4], $0x0  }
0x19: {  	s7 =	sld [smem:$0x3F8E]  }
0x1a: {  	s8 =	sadd.s32 $0xFFFFE003, lr  }
0x1b: {  	s9 =	sadd.s32 $0xFFFFFEF7, lr;
	s5 =	simm.s32 $0xFFFFFFFF;
	p2 =	slt.u32 s8, $0xFFFFF086  }
0x1c: {  	p1 =	slt.u32 s9, $0xF7A;
	s5 =	simm.s32 @!p2 $0x0  }
0x1d: {  	s5 =	simm.s32 @p1 $0x1;
	p0 =	seq.s32 s7, s2  }
0x1e: {  	s7 =	smul.u32 @!p0 $0xF7A, s2;
	p2 =	seq.s32 @!p0 s5, $0x0  }
0x1f: {  	s9 =	smul.u32 $0xF7A, s1;
	s8 =	simm.s32 @!p0 $0x1BF5;
	p2 =	por !p2, p0  }
0x20: {  	[sflag:s8] =	ssyncset.s32 @!p0 $0xFFFFF086;
	s6 =	sadd.s32 @!p0 s3, s7;
	s7 =	simm.s32 @!p0 $0x108  }
0x21: {  	s3 =	sadd.s32 s3, s9;
	s6 =	sadd.s32 @!p0 $0x88, s6;
	s7 =	simm.s32 @p2 $0x1082  }
0x22: {  	[simem:s7], [sflag:s8] =	dma.local @!p0 [hbm:s6], $0xF7A  }
0x23: {  	s9 =	sor.u32 $0xD0000000, s2;
	s6 =	simm.s32 $0x108;
	_ =	swait.ge @!p0 [sflag:s8], $0x0  }
0x24: {  	s3 =	sadd.s32 $0x88, s3;
	s6 =	simm.s32 @!p1 $0x1082;
	[sflag:s4] =	ssyncset.s32 $0xFFFFF086  }
0x25: {  	[simem:s6], [sflag:s4] =	dma.local [hbm:s3], $0xF7A  }
0x26: {  	[smem:$0x3F8E] =	sst s1;
	(tag) =	ssettag s2;
	_ =	strace s9  }
0x27: {  	s1 =	sld [smem:$0x3F9E]  }
0x28: {  	s2 =	sld [smem:$0x3F9F]  }
0x29: {  	s4 =	sld [smem:$0x3FA1]  }
0x2a: {  	p0 =	seq.s32 s5, $0x0;
	s5 =	sld [smem:$0x3FA2]  }
0x2b: {  	s6 =	sld [smem:$0x3FA3]  }
0x2c: {  	s7 =	sld [smem:$0x3FA4]  }
0x2d: {  	s3 =	simm.s32 $0x108;
	s8 =	sld [smem:$0x3FA5]  }
0x2e: {  	s3 =	simm.s32 @!p0 $0x1082;
	s9 =	sld [smem:$0x3FA6]  }
0x2f: {  	lr =	sadd.s32 s0, s3;
	s0 =	sld [smem:$0x3F9D]  }
0x30: {  	s3 =	sld [smem:$0x3FA0]  }
0x31: {  	[smem:$0x3FA9] =	sst s10  }
0x32: {  	s10 =	sld [smem:$0x3FA7];
	_ =	sdelay $0x3  }
0x33: {  	p0 =	seq.s32 s10, $0x1;
	s10 =	sld [smem:$0x3FA9];
	_ =	sdelay $0x3  }
0x34: {  	[smem:$0x3FA9] =	sst s10  }
0x35: {  	s10 =	sld [smem:$0x3FA8];
	_ =	sdelay $0x3  }
0x36: {  	p1 =	seq.s32 s10, $0x1;
	s10 =	sld [smem:$0x3FA9];
	_ =	sdelay $0x3  }
0x37: {  	[smem:$0x3FA9] =	sst s10  }
0x38: {  	s10 =	sld [smem:$0x3FAA]  }
0x39: {  	_ = 	snop;
	(pc) =	sbr.ind lr, $3  }
0x3a: {  	_ = 	snop  }
0x3b: {  	_ = 	snop  }
0x3c: {  	p2 =	seq.s32 s10, $0x1;
	s10 =	sld [smem:$0x3FA9]  }
0x3d: {  	_ =	shalt  }
0x3e: {  	_ =	shalt  }
0x3f: {  	_ =	shalt  }
0x40: {  	_ =	shalt  }
0x41: {  	_ =	shalt  }
0x42: {  	_ =	shalt  }
0x43: {  	_ =	shalt  }
0x44: {  	_ =	shalt  }
0x45: {  	_ =	shalt  }
0x46: {  	_ =	shalt  }
0x47: {  	_ =	shalt  }
0x48: {  	_ =	shalt  }
0x49: {  	_ =	shalt  }
0x4a: {  	_ =	shalt  }
0x4b: {  	_ =	shalt  }
0x4c: {  	_ =	shalt  }
0x4d: {  	_ =	shalt  }
0x4e: {  	_ =	shalt  }
0x4f: {  	_ =	shalt  }
0x50: {  	_ =	shalt  }
0x51: {  	_ =	shalt  }
0x52: {  	_ =	shalt  }
0x53: {  	_ =	shalt  }
0x54: {  	_ =	shalt  }
0x55: {  	_ =	shalt  }
0x56: {  	_ =	shalt  }
0x57: {  	_ =	shalt  }
0x58: {  	_ =	shalt  }
0x59: {  	_ =	shalt  }
0x5a: {  	_ =	shalt  }
0x5b: {  	_ =	shalt  }
0x5c: {  	_ =	shalt  }
0x5d: {  	_ =	shalt  }
0x5e: {  	_ =	shalt  }
0x5f: {  	_ =	shalt  }
0x60: {  	_ =	shalt  }
0x61: {  	_ =	shalt  }
0x62: {  	_ =	shalt  }
0x63: {  	_ =	shalt  }
0x64: {  	_ =	shalt  }
0x65: {  	_ =	shalt  }
0x66: {  	_ =	shalt  }
0x67: {  	_ =	shalt  }
0x68: {  	_ =	shalt  }
0x69: {  	_ =	shalt  }
0x6a: {  	_ =	shalt  }
0x6b: {  	_ =	shalt  }
0x6c: {  	_ =	shalt  }
0x6d: {  	_ =	shalt  }
0x6e: {  	_ =	shalt  }
0x6f: {  	_ =	shalt  }
0x70: {  	_ =	shalt  }
0x71: {  	_ =	shalt  }
0x72: {  	_ =	shalt  }
0x73: {  	_ =	shalt  }
0x74: {  	_ =	shalt  }
0x75: {  	_ =	shalt  }
0x76: {  	_ =	shalt  }
0x77: {  	_ =	shalt  }
0x78: {  	_ =	shalt  }
0x79: {  	_ =	shalt  }
0x7a: {  	_ =	shalt  }
0x7b: {  	_ =	shalt  }
0x7c: {  	_ =	shalt  }
0x7d: {  	_ =	shalt  }
0x7e: {  	_ =	shalt  }
0x7f: {  	_ =	shalt  }
0x80: {  	_ =	shalt  }
0x81: {  	_ =	shalt  }
0x82: {  	_ =	shalt  }
0x83: {  	_ =	shalt  }
0x84: {  	_ =	shalt  }
0x85: {  	_ =	shalt  }
0x86: {  	_ =	shalt  }
0x87: {  	_ =	shalt  }
.Lfunc_end0:
.L_simem_size_0:
called_computation_lowered:
.L_overlay_start_0:
0x88: {  	s2 =	sld [smem:$0x3FD9]  }
0x89: {  	s3 =	sld [smem:$0x3FFE];
	_ =	sdelay $0x1  }
0x8a: {  	s1 =	srdreg.scid  }
0x8b: {  	s0 =	sand.u32 $0x1, s1  }
0x8c: {  	s16 =	sshll.u32 s0, $0xA;
	s2 =	sadd.s32 s3, s2  }
0x8d: {  	s2 =	sadd.s32 s2, s16  }
0x8e: {  	[smem:$0x3FB5] =	sst s2  }
0x8f: {  	_ = 	snop  }
0x90: {  	(tm) =	ssettm $0x1  }
0x91: {  	s17 =	sld [smem:$0x3FFB];
	_ =	sdelay $0x3  }
0x92: {  	_ =	strace s17  }
0x93: {  	s2 =	sld [smem:$0x3FFC];
	_ =	sdelay $0x3  }
0x94: {  	_ =	strace s2  }
0x95: {  	s2 =	sld [smem:$0x3FFD];
	_ =	sdelay $0x3  }
0x96: {  	_ =	strace s2  }
0x97: {  	_ =	strace $0x8FFFFFFF  }
0x98: {  	s18 =	sld [smem:$0x3FDB];
	_ =	sdelay $0x1  }
0x99: {  	s19 =	simm.s32 $_scs_section_size  }
0x9a: {  	s4 =	simm.s32 $_size__tile_overlayer_lowered;
	s5 =	simm.s32 $_tile_overlayer_lowered  }
0x9b: {  	s22 =	simm.s32 $0x1BFF;
	s21 =	sshll.u32 s5, $0x1;
	s2 =	sadd.s32 s19, s18  }
0x9c: {  	s6 =	simm.s32 $0x0;
	s20 =	sshll.u32 s4, $0x1;
	s4 =	sadd.s32 s21, s2  }
0x9d: {  	[timem:s6], [sflag:s22] =	dma.local [hbm:s4], s20  }
0x9e: {  	_ =	swait.ge [sflag:s22], s20  }
0x9f: {  	s3 =	ssub.s32 $0x0, s20;
	[sflag:s22] =	ssyncset.done $0x0  }
0xa0: {  	[sflag:s22] =	ssyncadd.s32 s3;
	_ =	sdelay $0x1  }
0xa1: {  	s23 =	simm.s32 $0x1B8B  }
0xa2: {  	_ =	swait.ge [sflag:s23], $0x1  }
0xa3: {  	[sflag:s23] =	ssyncset.done $0x0  }
0xa4: {  	s25 =	simm.s32 $0x1B8E;
	s24 =	sld [smem:$0x3FFE];
	[sflag:s23] =	ssyncadd.s32 $0xFFFFFFFF  }
0xa5: {  	s26 =	simm.s32 $execute0_lowered;
	[smem:$0x3FD2] =	sst s25  }
0xa6: {  	s4 =	sshll.u32 s26, $0x1;
	_ =	strace $0x80000046;
	[dreg:$0x1] =	wrdreg $0xFFFFFFFF  }
0xa7: {  	s28 =	simm.s32 $_size_execute0_lowered;
	s2 =	sadd.s32 s2, s4;
	[dreg:$0x0] =	wrdreg $0x0  }
0xa8: {  	s4 =	sshll.u32 s28, $0x1;
	[dreg:$0x2] =	wrdreg s2  }
0xa9: {  	[dreg:$0x3] =	wrdreg s4  }
0xaa: {  	[dreg:$0x4] =	wrdreg $0xC0  }
0xab: {  	_ =	task [dreg:s6], $0x5FFFF  }
0xac: {  	[dreg:$0x1] =	wrdreg $0xFFFFFFFF  }
0xad: {  	[dreg:$0x0] =	wrdreg $0x60  }
0xae: {  	[dreg:$0x2] =	wrdreg s24  }
0xaf: {  	[dreg:$0x3] =	wrdreg $0x60000  }
0xb0: {  	[dreg:$0x4] =	wrdreg $0x9  }
0xb1: {  	_ =	task.clear_ibuf [dreg:s6], $0x5FFFF;
	_ =	strace $0x90000046  }
0xb2: {  	s29 =	simm.s32 $0x9;
	_ =	strace $0x80000048  }
0xb3: {  	_ =	swait.ge [sflag:s29], $0x1  }
0xb4: {  	[sflag:s29] =	ssyncadd.s32 $0xFFFFFFFF  }
0xb5: {  	_ =	strace $0x90000048  }
0xb6: {  	_ =	sfence  }
0xb7: {  	s30 =	sld [smem:$0x0];
	_ =	sdelay $0x2  }
0xb8: {  	s31 =	sshll.u32 s1, $0xD;
	s1 =	sshrl.u32 s1, $0x2  }
0xb9: {  	s3 =	sand.u32 $0x4000, s31;
	s1 =	sadd.s32 s1, s30  }
0xba: {  	s0 =	sor.u32 s3, s0;
	s1 =	sshll.u32 s1, $0x11  }
0xbb: {  	s0 =	sor.u32 s1, s0  }
0xbc: {  	s0 =	sadd.s32 $0x8F2B, s0  }
0xbd: {  	[sflag:s0] =	ssyncadd.remote.s32 $0x1  }
0xbe: {  	_ =	sfence.sel $0xFFFF  }
0xbf: {  	[dreg:$0x0] =	wrdreg $0xFFFFFFFF;
	(pc) =	sbr.abs _section_cstart, $3  }
0xc0: {  	[dreg:$0x1] =	wrdreg $0xFFFFFFFF  }
0xc1: {  	_ =	task.clear_ibuf [dreg:s6], $0x2FFFF;
	_ =	strace $0x9FFFFFFF  }
0xc2: {  	(tm) =	ssettm $0x7FFFFFFF  }
0xc3: {  	_ =	shalt  }
tec
execute0_lowered:
.L_overlay_start_1:
0x0: {  	(tag) =	ssettag $0x1  }
0x1: {  	s1 =	srdreg.scid  }
0x2: {  	s0 =	stileid.u32;
	s4 =	rddreg [dreg:$0x0]  }
0x3: {  	s2 =	rddreg [dreg:$0x1];
	s3 =	simm.s32 $0x0;
	s15 =	simm.s32 $0x1  }
0x4: {  	s16 =	simm.s32 $0x3000;
	s17 =	simm.s32 $0x80;
	s18 =	simm.s32 $0x2800  }
0x5: {  	s19 =	simm.s32 $0x0;
	s5 =	sand.u32 $0x1, s1;
	s1 =	rddreg [dreg:$0x2]  }
0x6: {  	s28 =	sshll.u32 s0, $0x1;
	[smem:$0x7FF] =	sst s3;
	s7 =	smul.u32 $0xA000, s0  }
0x7: {  	s9 =	smul.u32 $0x2800, s0;
	s12 =	sadd.s32 $0xF200, s4;
	p0 =	seq.s32 s0, $0xF  }
0x8: {  	s6 =	sor.u32 s5, s28;
	_ =	strace $0x80000047;
	s8 =	ssub.s32 $0x2, s5  }
0x9: {  	s11 =	smul.u32 $0x27100, s5;
	s10 =	sshrl.u32 s8, $0x1;
	s29 =	sshrl.u32 s7, $0x2  }
0xa: {  	s6 =	smul.u32 $0x500, s6;
	s10 =	ssub.s32 s8, s10;
	s5 =	sadd.s32 s29, s2  }
0xb: {  	s30 =	sadd.s32 s9, s11;
	s31 =	sshrl.u32 s11, $0x3;
	s8 =	sadd.s32 $0x25800, s2  }
0xc: {  	s6 =	sadd.s32 s6, s4;
	s7 =	sshrl.u32 s30, $0x3;
	s10 =	smax.u32 s10, $0x1  }
0xd: {  	s11 =	sadd.s32 $0x800, s5;
	s13 =	sadd.s32 $0x1800, s5;
	s14 =	sadd.s32 $0x2000, s5  }
0xe: {  	s4 =	sadd.s32 $0x5200, s6;
	s6 =	sadd.s32 s9, s2;
	s9 =	sadd.s32 s12, s31  }
0xf: {  	v0 =	vimm.f32 $1.000000000e+00;
	v1 =	vimm.f32 $0.0e+00;
	s7 =	sadd.s32 s12, s7;
	s12 =	sadd.s32 $0x1000, s5;
	s9 =	sadd.s32 $0x4B00, s9  }
.LBB2_1:
0x10: {  	[tilespmem:s3], [sflag:$0x1] =	stream.linear.gather [hbm4b:s4+s3], $0x2800, $0x38;
	[tilespmem:$0x8800] =	vst v63  }
0x11: {  	_ =	swait.ge [sflag:s15], $0x2800  }
0x12: {  	[sflag:s15] =	ssyncset.done $0x0  }
0x13: {  	s20 =	simm.s32 $0x40;
	s21 =	simm.s32 $0x0;
	[sflag:s15] =	ssyncadd.s32 $0xFFFFD800  }
.LBB2_2:
0x14: {  	p1 =	sne.s32 s20, $0x1FC0;
	[tilespmem:s21+$0x2800] =	vst v0;
	s22 =	smov.u32 s20;
	s20 =	sadd.s32 $0x40, s20  }
.Ltmp0:
0x15: {  	[tilespmem:s21+$0x3000] =	vst v1;
	(pc) =	sbr.rel @p1 .LBB2_2-.Ltmp0, $2  }
0x16: {  	_ =	sdelay $0x2  }
0x17: {  	s21 =	sshra.s32 s22, $0x2  }
0x18: {  	[tilespmem:s21+$0x2800] =	vst v0  }
0x19: {  	[tilespmem:s21+$0x3000] =	vst v1  }
0x1a: {  	[spmem:s5] =	stream.linear.scatter [tilespmem:s16], [sflag:$0x1], $0x800, $0x38;
	[tilespmem:$0x8800] =	vst v63  }
0x1b: {  	_ =	swait.ge [sflag:s15], $0x800  }
0x1c: {  	[sflag:s15] =	ssyncset.done $0x0  }
0x1d: {  	[sflag:s15] =	ssyncadd.s32 $0xFFFFF800  }
0x1e: {  	[spmem:s11] =	stream.linear.scatter [tilespmem:s16], [sflag:$0x1], $0x800, $0x38;
	[tilespmem:$0x8800] =	vst v63  }
0x1f: {  	_ =	swait.ge [sflag:s15], $0x800  }
0x20: {  	[sflag:s15] =	ssyncset.done $0x0  }
0x21: {  	[sflag:s15] =	ssyncadd.s32 $0xFFFFF800  }
0x22: {  	[spmem:s12] =	stream.linear.scatter [tilespmem:s16], [sflag:$0x1], $0x800, $0x38;
	[tilespmem:$0x8800] =	vst v63  }
0x23: {  	_ =	swait.ge [sflag:s15], $0x800  }
0x24: {  	[sflag:s15] =	ssyncset.done $0x0  }
0x25: {  	[sflag:s15] =	ssyncadd.s32 $0xFFFFF800  }
0x26: {  	[spmem:s13] =	stream.linear.scatter [tilespmem:s16], [sflag:$0x1], $0x800, $0x38;
	[tilespmem:$0x8800] =	vst v63  }
0x27: {  	_ =	swait.ge [sflag:s15], $0x800  }
0x28: {  	[sflag:s15] =	ssyncset.done $0x0  }
0x29: {  	[sflag:s15] =	ssyncadd.s32 $0xFFFFF800  }
0x2a: {  	[spmem:s14] =	stream.linear.scatter [tilespmem:s16], [sflag:$0x1], $0x800, $0x38;
	[tilespmem:$0x8800] =	vst v63  }
0x2b: {  	_ =	swait.ge [sflag:s15], $0x800  }
0x2c: {  	[sflag:s15] =	ssyncset.done $0x0  }
0x2d: {  	[sflag:s15] =	ssyncadd.s32 $0xFFFFF800  }
0x2e: {  	s20 =	simm.s32 $0x0;
	[bflag:$0x0] =	sbarrier.arrive $0xFFFF  }
0x2f: {  	[spmem:s2] =	stream.indirect.scatter.add.f32 [tilespmem:s18], [sflag:$0x1], $0x10, s20, s17, $0xb8;
	[tilespmem:$0x8800] =	vst v63  }
0x30: {  	_ =	swait.ge [sflag:s15], $0x800  }
0x31: {  	s20 =	simm.s32 $0x200;
	[sflag:s15] =	ssyncset.done $0x0  }
.LBB2_4:
0x32: {  	s21 =	sshra.s32 s20, $0x2;
	[sflag:s15] =	ssyncadd.s32 $0xFFFFF800;
	p1 =	sne.s32 s20, $0x9E00  }
0x33: {  	[spmem:s2] =	stream.indirect.scatter.add.f32 [tilespmem:s18], [sflag:$0x1], $0x10, s21, s17, $0xb8;
	[tilespmem:$0x8800] =	vst v63  }
.Ltmp1:
0x34: {  	_ = 	snop;
	(pc) =	sbr.rel @p1 .LBB2_4-.Ltmp1, $4  }
0x35: {  	_ = 	snop  }
0x36: {  	s20 =	sadd.s32 $0x200, s20  }
0x37: {  	_ =	swait.ge [sflag:s15], $0x800  }
0x38: {  	[sflag:s15] =	ssyncset.done $0x0  }
0x39: {  	[sflag:s15] =	ssyncadd.s32 $0xFFFFF800  }
0x3a: {  	s20 =	simm.s32 @p0 $0x3800;
	s21 =	simm.s32 @p0 $0x1;
	[bflag:$0x0] =	sbarrier.arrive $0xFFFF  }
0x3b: {  	[tilespmem:s20], [sflag:$0x1] =	stream.linear.gather @p0 [spmem:s8], $0x1900, $0x38;
	[tilespmem:$0x8800] =	vst v63  }
0x3c: {  	_ =	swait.ge @p0 [sflag:s21], $0x1900  }
0x3d: {  	[sflag:s21] =	ssyncset.done @p0 $0x0  }
0x3e: {  	s22 =	simm.s32 @p0 $0x0;
	[sflag:s21] =	ssyncadd.s32 @p0 $0xFFFFE700  }
0x3f: {  	[hbm4b:s9+s22] =	stream.linear.scatter @p0 [tilespmem:s20], [sflag:$0x1], $0x1900, $0x38;
	[tilespmem:$0x8800] =	vst v63  }
0x40: {  	_ =	swait.ge @p0 [sflag:s21], $0x1900  }
0x41: {  	[sflag:s21] =	ssyncset.done @p0 $0x0  }
0x42: {  	s20 =	simm.s32 @!p0 $0x3800;
	[sflag:s21] =	ssyncadd.s32 @p0 $0xFFFFE700;
	s21 =	simm.s32 @!p0 $0x1  }
0x43: {  	[tilespmem:s20], [sflag:$0x1] =	stream.linear.gather @!p0 [spmem:s6], $0x2800, $0x38;
	[tilespmem:$0x8800] =	vst v63  }
0x44: {  	s19 =	sadd.s32 $0x1, s19;
	_ =	swait.ge @!p0 [sflag:s21], $0x2800  }
0x45: {  	p1 =	sne.s32 s19, s10;
	[sflag:s21] =	ssyncset.done @!p0 $0x0  }
.Ltmp2:
0x46: {  	s22 =	simm.s32 @!p0 $0x0;
	[sflag:s21] =	ssyncadd.s32 @!p0 $0xFFFFD800;
	(pc) =	sbr.rel @p1 .LBB2_1-.Ltmp2, $4  }
0x47: {  	[hbm4b:s7+s22] =	stream.linear.scatter @!p0 [tilespmem:s20], [sflag:$0x1], $0x2800, $0x38;
	[tilespmem:$0x8800] =	vst v63  }
0x48: {  	_ =	swait.ge @!p0 [sflag:s21], $0x2800  }
0x49: {  	[sflag:s21] =	ssyncset.done @!p0 $0x0  }
0x4a: {  	[sflag:s21] =	ssyncadd.s32 @!p0 $0xFFFFD800  }
0x4b: {  	_ =	sfence.sel $0x180000  }
0x4c: {  	[bflag:$0x0] =	sbarrier.arrive $0xFFFF  }
0x4d: {  	p0 =	sne.s32 s0, $0x0;
	_ =	strace $0x90000047  }
0x4e: {  	s0 =	sadd.s32 @!p0 $0x100000, s1;
	[bflag:$0x2] =	sbarrier.arrive $0xFFFF  }
0x4f: {  	[sflag:s0] =	ssyncadd.tile.s32 @!p0 $0x1;
	_ =	shalt  }
.Lfunc_end2:
_tile_overlayer_lowered:
.L_overlay_start_2:
0x50: {  	(tag) =	ssettag $0x2  }
0x51: {  	s0 =	rddreg [dreg:$0x0];
	s2 =	stileid.u32  }
0x52: {  	s1 =	rddreg [dreg:$0x1];
	p0 =	sne.s32 s2, $0x0  }
0x53: {  	s3 =	rddreg [dreg:$0x2];
	[bflag:$0x3] =	sbarrier.arrive $0xFFFF;
	s2 =	simm.s32 @!p0 $0x1C01  }
0x54: {  	[timem:s3], [sflag:s2] =	dma.local @!p0 [hbm:s0], s1  }
0x55: {  	s0 =	simm.s32 @!p0 $0x1  }
0x56: {  	_ =	swait.ge @!p0 [sflag:s0], s1  }
0x57: {  	s1 =	ssub.s32 @!p0 $0x0, s1;
	[sflag:s0] =	ssyncset.done @!p0 $0x0  }
0x58: {  	[sflag:s0] =	ssyncadd.s32 @!p0 s1  }
0x59: {  	[bflag:$0x3] =	sbarrier.arrive $0xFFFF  }
0x5a: {  	_ =	shalt  }

// kernel: kernel.15.cloned.1.call-start
scs
__scs_entry_jumppad:
0x0: {  	(pc) =	sbr.rel $0x88, $3  }
0x1: {  	(tag) =	ssettag $0x0;
	lr =	simm.s32 $0x1  }
0x2: {  	[smem:$0x3F8E] =	sst lr;
	_ =	strace $0xD0000000  }
0x3: {  	_ = 	snop  }
0x4: {  	_ = 	snop  }
0x5: {  	_ = 	snop  }
0x6: {  	_ = 	snop  }
0x7: {  	_ = 	snop  }
__scs_overlays_trampoline_lowered:
0x8: {  	[smem:$0x3F9D] =	sst s0  }
0x9: {  	[smem:$0x3F9E] =	sst s1  }
0xa: {  	[smem:$0x3F9F] =	sst s2  }
0xb: {  	[smem:$0x3FA0] =	sst s3  }
0xc: {  	[smem:$0x3FA1] =	sst s4  }
0xd: {  	[smem:$0x3FA2] =	sst s5  }
0xe: {  	[smem:$0x3FA3] =	sst s6  }
0xf: {  	[smem:$0x3FA4] =	sst s7  }
0x10: {  	[smem:$0x3FA5] =	sst s8  }
0x11: {  	[smem:$0x3FA6] =	sst s9;
	s0 =	simm.s32 @!p0 $0x0  }
0x12: {  	s1 =	sld [smem:$0x3F8C];
	s0 =	simm.s32 @p0 $0x1  }
0x13: {  	[smem:$0x3FA7] =	sst s0;
	s0 =	simm.s32 @!p1 $0x0  }
0x14: {  	s2 =	sld [smem:$0x3F8B];
	s0 =	simm.s32 @p1 $0x1  }
0x15: {  	[smem:$0x3FA8] =	sst s0;
	s0 =	simm.s32 @!p2 $0x0  }
0x16: {  	s3 =	sld [smem:$0x3FDB];
	s0 =	simm.s32 @p2 $0x1  }
0x17: {  	s4 =	simm.s32 $0x1BF5;
	[smem:$0x3FAA] =	sst s0  }
0x18: {  	s0 =	sld [smem:$0x3F8D];
	_ =	swait.ge [sflag:s4], $0x0  }
0x19: {  	s7 =	sld [smem:$0x3F8E]  }
0x1a: {  	s8 =	sadd.s32 $0xFFFFE003, lr  }
0x1b: {  	s9 =	sadd.s32 $0xFFFFFEF7, lr;
	s5 =	simm.s32 $0xFFFFFFFF;
	p2 =	slt.u32 s8, $0xFFFFF086  }
0x1c: {  	p1 =	slt.u32 s9, $0xF7A;
	s5 =	simm.s32 @!p2 $0x0  }
0x1d: {  	s5 =	simm.s32 @p1 $0x1;
	p0 =	seq.s32 s7, s2  }
0x1e: {  	s7 =	smul.u32 @!p0 $0xF7A, s2;
	p2 =	seq.s32 @!p0 s5, $0x0  }
0x1f: {  	s9 =	smul.u32 $0xF7A, s1;
	s8 =	simm.s32 @!p0 $0x1BF5;
	p2 =	por !p2, p0  }
0x20: {  	[sflag:s8] =	ssyncset.s32 @!p0 $0xFFFFF086;
	s6 =	sadd.s32 @!p0 s3, s7;
	s7 =	simm.s32 @!p0 $0x108  }
0x21: {  	s3 =	sadd.s32 s3, s9;
	s6 =	sadd.s32 @!p0 $0x88, s6;
	s7 =	simm.s32 @p2 $0x1082  }
0x22: {  	[simem:s7], [sflag:s8] =	dma.local @!p0 [hbm:s6], $0xF7A  }
0x23: {  	s9 =	sor.u32 $0xD0000000, s2;
	s6 =	simm.s32 $0x108;
	_ =	swait.ge @!p0 [sflag:s8], $0x0  }
0x24: {  	s3 =	sadd.s32 $0x88, s3;
	s6 =	simm.s32 @!p1 $0x1082;
	[sflag:s4] =	ssyncset.s32 $0xFFFFF086  }
0x25: {  	[simem:s6], [sflag:s4] =	dma.local [hbm:s3], $0xF7A  }
0x26: {  	[smem:$0x3F8E] =	sst s1;
	(tag) =	ssettag s2;
	_ =	strace s9  }
0x27: {  	s1 =	sld [smem:$0x3F9E]  }
0x28: {  	s2 =	sld [smem:$0x3F9F]  }
0x29: {  	s4 =	sld [smem:$0x3FA1]  }
0x2a: {  	p0 =	seq.s32 s5, $0x0;
	s5 =	sld [smem:$0x3FA2]  }
0x2b: {  	s6 =	sld [smem:$0x3FA3]  }
0x2c: {  	s7 =	sld [smem:$0x3FA4]  }
0x2d: {  	s3 =	simm.s32 $0x108;
	s8 =	sld [smem:$0x3FA5]  }
0x2e: {  	s3 =	simm.s32 @!p0 $0x1082;
	s9 =	sld [smem:$0x3FA6]  }
0x2f: {  	lr =	sadd.s32 s0, s3;
	s0 =	sld [smem:$0x3F9D]  }
0x30: {  	s3 =	sld [smem:$0x3FA0]  }
0x31: {  	[smem:$0x3FA9] =	sst s10  }
0x32: {  	s10 =	sld [smem:$0x3FA7];
	_ =	sdelay $0x3  }
0x33: {  	p0 =	seq.s32 s10, $0x1;
	s10 =	sld [smem:$0x3FA9];
	_ =	sdelay $0x3  }
0x34: {  	[smem:$0x3FA9] =	sst s10  }
0x35: {  	s10 =	sld [smem:$0x3FA8];
	_ =	sdelay $0x3  }
0x36: {  	p1 =	seq.s32 s10, $0x1;
	s10 =	sld [smem:$0x3FA9];
	_ =	sdelay $0x3  }
0x37: {  	[smem:$0x3FA9] =	sst s10  }
0x38: {  	s10 =	sld [smem:$0x3FAA]  }
0x39: {  	_ = 	snop;
	(pc) =	sbr.ind lr, $3  }
0x3a: {  	_ = 	snop  }
0x3b: {  	_ = 	snop  }
0x3c: {  	p2 =	seq.s32 s10, $0x1;
	s10 =	sld [smem:$0x3FA9]  }
0x3d: {  	_ =	shalt  }
0x3e: {  	_ =	shalt  }
0x3f: {  	_ =	shalt  }
0x40: {  	_ =	shalt  }
0x41: {  	_ =	shalt  }
0x42: {  	_ =	shalt  }
0x43: {  	_ =	shalt  }
0x44: {  	_ =	shalt  }
0x45: {  	_ =	shalt  }
0x46: {  	_ =	shalt  }
0x47: {  	_ =	shalt  }
0x48: {  	_ =	shalt  }
0x49: {  	_ =	shalt  }
0x4a: {  	_ =	shalt  }
0x4b: {  	_ =	shalt  }
0x4c: {  	_ =	shalt  }
0x4d: {  	_ =	shalt  }
0x4e: {  	_ =	shalt  }
0x4f: {  	_ =	shalt  }
0x50: {  	_ =	shalt  }
0x51: {  	_ =	shalt  }
0x52: {  	_ =	shalt  }
0x53: {  	_ =	shalt  }
0x54: {  	_ =	shalt  }
0x55: {  	_ =	shalt  }
0x56: {  	_ =	shalt  }
0x57: {  	_ =	shalt  }
0x58: {  	_ =	shalt  }
0x59: {  	_ =	shalt  }
0x5a: {  	_ =	shalt  }
0x5b: {  	_ =	shalt  }
0x5c: {  	_ =	shalt  }
0x5d: {  	_ =	shalt  }
0x5e: {  	_ =	shalt  }
0x5f: {  	_ =	shalt  }
0x60: {  	_ =	shalt  }
0x61: {  	_ =	shalt  }
0x62: {  	_ =	shalt  }
0x63: {  	_ =	shalt  }
0x64: {  	_ =	shalt  }
0x65: {  	_ =	shalt  }
0x66: {  	_ =	shalt  }
0x67: {  	_ =	shalt  }
0x68: {  	_ =	shalt  }
0x69: {  	_ =	shalt  }
0x6a: {  	_ =	shalt  }
0x6b: {  	_ =	shalt  }
0x6c: {  	_ =	shalt  }
0x6d: {  	_ =	shalt  }
0x6e: {  	_ =	shalt  }
0x6f: {  	_ =	shalt  }
0x70: {  	_ =	shalt  }
0x71: {  	_ =	shalt  }
0x72: {  	_ =	shalt  }
0x73: {  	_ =	shalt  }
0x74: {  	_ =	shalt  }
0x75: {  	_ =	shalt  }
0x76: {  	_ =	shalt  }
0x77: {  	_ =	shalt  }
0x78: {  	_ =	shalt  }
0x79: {  	_ =	shalt  }
0x7a: {  	_ =	shalt  }
0x7b: {  	_ =	shalt  }
0x7c: {  	_ =	shalt  }
0x7d: {  	_ =	shalt  }
0x7e: {  	_ =	shalt  }
0x7f: {  	_ =	shalt  }
0x80: {  	_ =	shalt  }
0x81: {  	_ =	shalt  }
0x82: {  	_ =	shalt  }
0x83: {  	_ =	shalt  }
0x84: {  	_ =	shalt  }
0x85: {  	_ =	shalt  }
0x86: {  	_ =	shalt  }
0x87: {  	_ =	shalt  }
.Lfunc_end0:
.L_simem_size_0:
called_computation.1_lowered:
.L_overlay_start_0:
0x88: {  	s2 =	sld [smem:$0x3FD9]  }
0x89: {  	s3 =	sld [smem:$0x3FFE];
	_ =	sdelay $0x1  }
0x8a: {  	s1 =	srdreg.scid  }
0x8b: {  	s0 =	sand.u32 $0x1, s1  }
0x8c: {  	s16 =	sshll.u32 s0, $0xA;
	s2 =	sadd.s32 s3, s2  }
0x8d: {  	s2 =	sadd.s32 s2, s16  }
0x8e: {  	[smem:$0x3FB5] =	sst s2  }
0x8f: {  	_ = 	snop  }
0x90: {  	(tm) =	ssettm $0x1  }
0x91: {  	s17 =	sld [smem:$0x3FFB];
	_ =	sdelay $0x3  }
0x92: {  	_ =	strace s17  }
0x93: {  	s2 =	sld [smem:$0x3FFC];
	_ =	sdelay $0x3  }
0x94: {  	_ =	strace s2  }
0x95: {  	s2 =	sld [smem:$0x3FFD];
	_ =	sdelay $0x3  }
0x96: {  	_ =	strace s2  }
0x97: {  	_ =	strace $0x8FFFFFFF  }
0x98: {  	s18 =	sld [smem:$0x3FDB];
	_ =	sdelay $0x1  }
0x99: {  	s19 =	simm.s32 $_scs_section_size  }
0x9a: {  	s4 =	simm.s32 $_size__tile_overlayer_lowered;
	s5 =	simm.s32 $_tile_overlayer_lowered  }
0x9b: {  	s22 =	simm.s32 $0x1BFF;
	s21 =	sshll.u32 s5, $0x1;
	s2 =	sadd.s32 s19, s18  }
0x9c: {  	s6 =	simm.s32 $0x0;
	s20 =	sshll.u32 s4, $0x1;
	s4 =	sadd.s32 s21, s2  }
0x9d: {  	[timem:s6], [sflag:s22] =	dma.local [hbm:s4], s20  }
0x9e: {  	_ =	swait.ge [sflag:s22], s20  }
0x9f: {  	s3 =	ssub.s32 $0x0, s20;
	[sflag:s22] =	ssyncset.done $0x0  }
0xa0: {  	[sflag:s22] =	ssyncadd.s32 s3;
	_ =	sdelay $0x1  }
0xa1: {  	s23 =	simm.s32 $0x1B8B  }
0xa2: {  	_ =	swait.ge [sflag:s23], $0x1  }
0xa3: {  	[sflag:s23] =	ssyncset.done $0x0  }
0xa4: {  	s25 =	simm.s32 $0x1B8E;
	s24 =	sld [smem:$0x3FFE];
	[sflag:s23] =	ssyncadd.s32 $0xFFFFFFFF  }
0xa5: {  	s26 =	simm.s32 $execute0_lowered;
	[smem:$0x3FD2] =	sst s25  }
0xa6: {  	s4 =	sshll.u32 s26, $0x1;
	_ =	strace $0x80000049;
	[dreg:$0x1] =	wrdreg $0xFFFFFFFF  }
0xa7: {  	s28 =	simm.s32 $_size_execute0_lowered;
	s2 =	sadd.s32 s2, s4;
	[dreg:$0x0] =	wrdreg $0x0  }
0xa8: {  	s4 =	sshll.u32 s28, $0x1;
	[dreg:$0x2] =	wrdreg s2  }
0xa9: {  	[dreg:$0x3] =	wrdreg s4  }
0xaa: {  	[dreg:$0x4] =	wrdreg $0xC0  }
0xab: {  	_ =	task [dreg:s6], $0x5FFFF  }
0xac: {  	[dreg:$0x1] =	wrdreg $0xFFFFFFFF  }
0xad: {  	[dreg:$0x0] =	wrdreg $0x60  }
0xae: {  	[dreg:$0x2] =	wrdreg s24  }
0xaf: {  	[dreg:$0x3] =	wrdreg $0x1A0000  }
0xb0: {  	[dreg:$0x4] =	wrdreg $0x9  }
0xb1: {  	_ =	task.clear_ibuf [dreg:s6], $0x5FFFF;
	_ =	strace $0x90000049  }
0xb2: {  	s29 =	simm.s32 $0x9;
	_ =	strace $0x8000004B  }
0xb3: {  	_ =	swait.ge [sflag:s29], $0x1  }
0xb4: {  	[sflag:s29] =	ssyncadd.s32 $0xFFFFFFFF  }
0xb5: {  	_ =	strace $0x9000004B  }
0xb6: {  	_ =	sfence  }
0xb7: {  	s30 =	sld [smem:$0x0];
	_ =	sdelay $0x2  }
0xb8: {  	s31 =	sshll.u32 s1, $0xD;
	s1 =	sshrl.u32 s1, $0x2  }
0xb9: {  	s3 =	sand.u32 $0x4000, s31;
	s1 =	sadd.s32 s1, s30  }
0xba: {  	s0 =	sor.u32 s3, s0;
	s1 =	sshll.u32 s1, $0x11  }
0xbb: {  	s0 =	sor.u32 s1, s0  }
0xbc: {  	s0 =	sadd.s32 $0x8F2B, s0  }
0xbd: {  	[sflag:s0] =	ssyncadd.remote.s32 $0x1  }
0xbe: {  	_ =	sfence.sel $0xFFFF  }
0xbf: {  	[dreg:$0x0] =	wrdreg $0xFFFFFFFF;
	(pc) =	sbr.abs _section_cstart, $3  }
0xc0: {  	[dreg:$0x1] =	wrdreg $0xFFFFFFFF  }
0xc1: {  	_ =	task.clear_ibuf [dreg:s6], $0x2FFFF;
	_ =	strace $0x9FFFFFFF  }
0xc2: {  	(tm) =	ssettm $0x7FFFFFFF  }
0xc3: {  	_ =	shalt  }
tec
execute0_lowered:
.L_overlay_start_1:
0x0: {  	(tag) =	ssettag $0x1  }
0x1: {  	s0 =	rddreg [dreg:$0x0]  }
0x2: {  	s2 =	rddreg [dreg:$0x1];
	s3 =	simm.s32 $0x0;
	s18 =	stileid.u32  }
0x3: {  	s6 =	srdreg.scid;
	s13 =	simm.s32 $0x5000;
	s14 =	simm.s32 $0xA000  }
0x4: {  	s15 =	simm.s32 $0x400;
	s16 =	simm.s32 $0x1;
	s17 =	simm.s32 $0x12000  }
0x5: {  	s30 =	simm.s32 $0x3C00;
	s31 =	simm.s32 $0x8800;
	s19 =	simm.s32 $0x9000  }
0x6: {  	s20 =	simm.s32 $0x4800;
	s21 =	simm.s32 $0x9400;
	s22 =	simm.s32 $0x4C00  }
0x7: {  	s23 =	simm.s32 $0x9800;
	s24 =	simm.s32 $0x9C00;
	s25 =	simm.s32 $0x0  }
0x8: {  	[smem:$0x7FF] =	sst s3;
	s1 =	smul.u32 $0xA00, s18;
	s4 =	sadd.s32 $0x71400, s0  }
0x9: {  	s5 =	sadd.s32 $0xF200, s0;
	s9 =	sand.u32 $0x1, s6;
	s10 =	smul.u32 $0x5000, s18  }
0xa: {  	p1 =	seq.s32 s18, $0xF;
	s18 =	simm.s32 $0x4400;
	_ =	strace $0x8000004A  }
0xb: {  	s6 =	ssub.s32 $0x2, s9;
	s11 =	smul.u32 $0x4E200, s9;
	p0 =	seq.s32 s9, $0x1  }
0xc: {  	s1 =	sadd.s32 s1, s0;
	s0 =	sadd.s32 $0x7B200, s0;
	s7 =	sshrl.u32 s6, $0x1  }
.Ltmp0:
0xd: {  	s8 =	sadd.s32 s10, s2;
	s12 =	ssub.s32 s6, s7;
	(pc) =	sbr.rel .LBB2_1-.Ltmp0, $4  }
0xe: {  	s6 =	sadd.s32 $0x19000, s1;
	s28 =	sadd.s32 s10, s11;
	s29 =	sshrl.u32 s11, $0x3  }
0xf: {  	s7 =	sadd.s32 $0x5200, s1;
	s1 =	sshrl.u32 s28, $0x3;
	s10 =	sadd.s32 s0, s29  }
0x10: {  	s11 =	smax.u32 s12, $0x1;
	s12 =	simm.s32 $0x2;
	s9 =	sadd.s32 s0, s1  }
0x11: {  	v0 =	vimm.f32 $0.0e+00;
	s10 =	sadd.s32 $0x9600, s10;
	s0 =	simm.s32 $0x4000;
	s1 =	simm.s32 $0x8C00  }
.LBB2_5:
0x12: {  	[tilespmem:s14], [sflag:$0x1] =	stream.indirect.gather [hbm4b:s5+s15], $0x20, s3, s15, $0xb8;
	[tilespmem:$0x1F000] =	vst v63  }
0x13: {  	_ =	swait.ge [sflag:s16], $0x8000  }
0x14: {  	[sflag:s16] =	ssyncset.done $0x0  }
0x15: {  	[sflag:s16] =	ssyncadd.s32 $0xFFFF8000  }
0x16: {  	[tilespmem:s17], [sflag:$0x1] =	stream.indirect.gather [hbm4b:s5+s15], $0x20, s15, s15, $0xb8;
	[tilespmem:$0x1F000] =	vst v63  }
0x17: {  	_ = 	snop  }
0x18: {  	[spmem:s2] =	stream.indirect.scatter.add.f32 [tilespmem:s14], [sflag:$0x2], $0x20, s13, s15, $0xb8;
	[tilespmem:$0x1F000] =	vst v63  }
0x19: {  	_ =	swait.ge [sflag:s12], $0x8000  }
0x1a: {  	[sflag:s12] =	ssyncset.done $0x0  }
0x1b: {  	[sflag:s12] =	ssyncadd.s32 $0xFFFF8000  }
0x1c: {  	_ =	swait.ge [sflag:s16], $0x8000  }
0x1d: {  	[sflag:s16] =	ssyncset.done $0x0  }
0x1e: {  	s26 =	simm.s32 $0x800;
	[sflag:s16] =	ssyncadd.s32 $0xFFFF8000  }
0x1f: {  	[tilespmem:s14], [sflag:$0x1] =	stream.indirect.gather [hbm4b:s5+s15], $0x20, s26, s15, $0xb8;
	[tilespmem:$0x1F000] =	vst v63  }
0x20: {  	s29 =	simm.s32 $0x5400  }
0x21: {  	[spmem:s2] =	stream.indirect.scatter.add.f32 [tilespmem:s17], [sflag:$0x2], $0x20, s29, s15, $0xb8;
	[tilespmem:$0x1F000] =	vst v63  }
0x22: {  	_ =	swait.ge [sflag:s12], $0x8000  }
0x23: {  	[sflag:s12] =	ssyncset.done $0x0  }
0x24: {  	[sflag:s12] =	ssyncadd.s32 $0xFFFF8000  }
0x25: {  	_ =	swait.ge [sflag:s16], $0x8000  }
0x26: {  	[sflag:s16] =	ssyncset.done $0x0  }
0x27: {  	s28 =	simm.s32 $0xC00;
	[sflag:s16] =	ssyncadd.s32 $0xFFFF8000  }
0x28: {  	[tilespmem:s17], [sflag:$0x1] =	stream.indirect.gather [hbm4b:s5+s15], $0x20, s28, s15, $0xb8;
	[tilespmem:$0x1F000] =	vst v63  }
0x29: {  	s29 =	simm.s32 $0x5800  }
0x2a: {  	[spmem:s2] =	stream.indirect.scatter.add.f32 [tilespmem:s14], [sflag:$0x2], $0x20, s29, s15, $0xb8;
	[tilespmem:$0x1F000] =	vst v63  }
0x2b: {  	_ =	swait.ge [sflag:s12], $0x8000  }
0x2c: {  	[sflag:s12] =	ssyncset.done $0x0  }
0x2d: {  	[sflag:s12] =	ssyncadd.s32 $0xFFFF8000  }
0x2e: {  	_ =	swait.ge [sflag:s16], $0x8000  }
0x2f: {  	[sflag:s16] =	ssyncset.done $0x0  }
0x30: {  	s28 =	simm.s32 $0x1000;
	[sflag:s16] =	ssyncadd.s32 $0xFFFF8000  }
0x31: {  	[tilespmem:s14], [sflag:$0x1] =	stream.indirect.gather [hbm4b:s5+s15], $0x20, s28, s15, $0xb8;
	[tilespmem:$0x1F000] =	vst v63  }
0x32: {  	s29 =	simm.s32 $0x5C00  }
0x33: {  	[spmem:s2] =	stream.indirect.scatter.add.f32 [tilespmem:s17], [sflag:$0x2], $0x20, s29, s15, $0xb8;
	[tilespmem:$0x1F000] =	vst v63  }
0x34: {  	_ =	swait.ge [sflag:s12], $0x8000  }
0x35: {  	[sflag:s12] =	ssyncset.done $0x0  }
0x36: {  	[sflag:s12] =	ssyncadd.s32 $0xFFFF8000  }
0x37: {  	_ =	swait.ge [sflag:s16], $0x8000  }
0x38: {  	[sflag:s16] =	ssyncset.done $0x0  }
0x39: {  	s28 =	simm.s32 $0x1400;
	[sflag:s16] =	ssyncadd.s32 $0xFFFF8000  }
0x3a: {  	[tilespmem:s17], [sflag:$0x1] =	stream.indirect.gather [hbm4b:s5+s15], $0x20, s28, s15, $0xb8;
	[tilespmem:$0x1F000] =	vst v63  }
0x3b: {  	s29 =	simm.s32 $0x6000  }
0x3c: {  	[spmem:s2] =	stream.indirect.scatter.add.f32 [tilespmem:s14], [sflag:$0x2], $0x20, s29, s15, $0xb8;
	[tilespmem:$0x1F000] =	vst v63  }
0x3d: {  	_ =	swait.ge [sflag:s12], $0x8000  }
0x3e: {  	[sflag:s12] =	ssyncset.done $0x0  }
0x3f: {  	[sflag:s12] =	ssyncadd.s32 $0xFFFF8000  }
0x40: {  	_ =	swait.ge [sflag:s16], $0x8000  }
0x41: {  	[sflag:s16] =	ssyncset.done $0x0  }
0x42: {  	s28 =	simm.s32 $0x1800;
	[sflag:s16] =	ssyncadd.s32 $0xFFFF8000  }
0x43: {  	[tilespmem:s14], [sflag:$0x1] =	stream.indirect.gather [hbm4b:s5+s15], $0x20, s28, s15, $0xb8;
	[tilespmem:$0x1F000] =	vst v63  }
0x44: {  	s29 =	simm.s32 $0x6400  }
0x45: {  	[spmem:s2] =	stream.indirect.scatter.add.f32 [tilespmem:s17], [sflag:$0x2], $0x20, s29, s15, $0xb8;
	[tilespmem:$0x1F000] =	vst v63  }
0x46: {  	_ =	swait.ge [sflag:s12], $0x8000  }
0x47: {  	[sflag:s12] =	ssyncset.done $0x0  }
0x48: {  	[sflag:s12] =	ssyncadd.s32 $0xFFFF8000  }
0x49: {  	_ =	swait.ge [sflag:s16], $0x8000  }
0x4a: {  	[sflag:s16] =	ssyncset.done $0x0  }
0x4b: {  	s28 =	simm.s32 $0x1C00;
	[sflag:s16] =	ssyncadd.s32 $0xFFFF8000  }
0x4c: {  	[tilespmem:s17], [sflag:$0x1] =	stream.indirect.gather [hbm4b:s5+s15], $0x20, s28, s15, $0xb8;
	[tilespmem:$0x1F000] =	vst v63  }
0x4d: {  	s29 =	simm.s32 $0x6800  }
0x4e: {  	[spmem:s2] =	stream.indirect.scatter.add.f32 [tilespmem:s14], [sflag:$0x2], $0x20, s29, s15, $0xb8;
	[tilespmem:$0x1F000] =	vst v63  }
0x4f: {  	_ =	swait.ge [sflag:s12], $0x8000  }
0x50: {  	[sflag:s12] =	ssyncset.done $0x0  }
0x51: {  	[sflag:s12] =	ssyncadd.s32 $0xFFFF8000  }
0x52: {  	_ =	swait.ge [sflag:s16], $0x8000  }
0x53: {  	[sflag:s16] =	ssyncset.done $0x0  }
0x54: {  	s28 =	simm.s32 $0x2000;
	[sflag:s16] =	ssyncadd.s32 $0xFFFF8000  }
0x55: {  	[tilespmem:s14], [sflag:$0x1] =	stream.indirect.gather [hbm4b:s5+s15], $0x20, s28, s15, $0xb8;
	[tilespmem:$0x1F000] =	vst v63  }
0x56: {  	s29 =	simm.s32 $0x6C00  }
0x57: {  	[spmem:s2] =	stream.indirect.scatter.add.f32 [tilespmem:s17], [sflag:$0x2], $0x20, s29, s15, $0xb8;
	[tilespmem:$0x1F000] =	vst v63  }
0x58: {  	_ =	swait.ge [sflag:s12], $0x8000  }
0x59: {  	[sflag:s12] =	ssyncset.done $0x0  }
0x5a: {  	[sflag:s12] =	ssyncadd.s32 $0xFFFF8000  }
0x5b: {  	_ =	swait.ge [sflag:s16], $0x8000  }
0x5c: {  	[sflag:s16] =	ssyncset.done $0x0  }
0x5d: {  	s28 =	simm.s32 $0x2400;
	[sflag:s16] =	ssyncadd.s32 $0xFFFF8000  }
0x5e: {  	[tilespmem:s17], [sflag:$0x1] =	stream.indirect.gather [hbm4b:s5+s15], $0x20, s28, s15, $0xb8;
	[tilespmem:$0x1F000] =	vst v63  }
0x5f: {  	s29 =	simm.s32 $0x7000  }
0x60: {  	[spmem:s2] =	stream.indirect.scatter.add.f32 [tilespmem:s14], [sflag:$0x2], $0x20, s29, s15, $0xb8;
	[tilespmem:$0x1F000] =	vst v63  }
0x61: {  	_ =	swait.ge [sflag:s12], $0x8000  }
0x62: {  	[sflag:s12] =	ssyncset.done $0x0  }
0x63: {  	[sflag:s12] =	ssyncadd.s32 $0xFFFF8000  }
0x64: {  	_ =	swait.ge [sflag:s16], $0x8000  }
0x65: {  	[sflag:s16] =	ssyncset.done $0x0  }
0x66: {  	s28 =	simm.s32 $0x2800;
	[sflag:s16] =	ssyncadd.s32 $0xFFFF8000  }
0x67: {  	[tilespmem:s14], [sflag:$0x1] =	stream.indirect.gather [hbm4b:s5+s15], $0x20, s28, s15, $0xb8;
	[tilespmem:$0x1F000] =	vst v63  }
0x68: {  	s29 =	simm.s32 $0x7400  }
0x69: {  	[spmem:s2] =	stream.indirect.scatter.add.f32 [tilespmem:s17], [sflag:$0x2], $0x20, s29, s15, $0xb8;
	[tilespmem:$0x1F000] =	vst v63  }
0x6a: {  	_ =	swait.ge [sflag:s12], $0x8000  }
0x6b: {  	[sflag:s12] =	ssyncset.done $0x0  }
0x6c: {  	[sflag:s12] =	ssyncadd.s32 $0xFFFF8000  }
0x6d: {  	_ =	swait.ge [sflag:s16], $0x8000  }
0x6e: {  	[sflag:s16] =	ssyncset.done $0x0  }
0x6f: {  	s28 =	simm.s32 $0x2C00;
	[sflag:s16] =	ssyncadd.s32 $0xFFFF8000  }
0x70: {  	[tilespmem:s17], [sflag:$0x1] =	stream.indirect.gather [hbm4b:s5+s15], $0x20, s28, s15, $0xb8;
	[tilespmem:$0x1F000] =	vst v63  }
0x71: {  	s29 =	simm.s32 $0x7800  }
0x72: {  	[spmem:s2] =	stream.indirect.scatter.add.f32 [tilespmem:s14], [sflag:$0x2], $0x20, s29, s15, $0xb8;
	[tilespmem:$0x1F000] =	vst v63  }
0x73: {  	_ =	swait.ge [sflag:s12], $0x8000  }
0x74: {  	[sflag:s12] =	ssyncset.done $0x0  }
0x75: {  	[sflag:s12] =	ssyncadd.s32 $0xFFFF8000  }
0x76: {  	_ =	swait.ge [sflag:s16], $0x8000  }
0x77: {  	[sflag:s16] =	ssyncset.done $0x0  }
0x78: {  	s28 =	simm.s32 $0x3000;
	[sflag:s16] =	ssyncadd.s32 $0xFFFF8000  }
0x79: {  	[tilespmem:s14], [sflag:$0x1] =	stream.indirect.gather [hbm4b:s5+s15], $0x20, s28, s15, $0xb8;
	[tilespmem:$0x1F000] =	vst v63  }
0x7a: {  	s29 =	simm.s32 $0x7C00  }
0x7b: {  	[spmem:s2] =	stream.indirect.scatter.add.f32 [tilespmem:s17], [sflag:$0x2], $0x20, s29, s15, $0xb8;
	[tilespmem:$0x1F000] =	vst v63  }
0x7c: {  	_ =	swait.ge [sflag:s12], $0x8000  }
0x7d: {  	[sflag:s12] =	ssyncset.done $0x0  }
0x7e: {  	[sflag:s12] =	ssyncadd.s32 $0xFFFF8000  }
0x7f: {  	_ =	swait.ge [sflag:s16], $0x8000  }
0x80: {  	[sflag:s16] =	ssyncset.done $0x0  }
0x81: {  	s28 =	simm.s32 $0x3400;
	[sflag:s16] =	ssyncadd.s32 $0xFFFF8000  }
0x82: {  	[tilespmem:s17], [sflag:$0x1] =	stream.indirect.gather [hbm4b:s5+s15], $0x20, s28, s15, $0xb8;
	[tilespmem:$0x1F000] =	vst v63  }
0x83: {  	s29 =	simm.s32 $0x8000  }
0x84: {  	[spmem:s2] =	stream.indirect.scatter.add.f32 [tilespmem:s14], [sflag:$0x2], $0x20, s29, s15, $0xb8;
	[tilespmem:$0x1F000] =	vst v63  }
0x85: {  	_ =	swait.ge [sflag:s12], $0x8000  }
0x86: {  	[sflag:s12] =	ssyncset.done $0x0  }
0x87: {  	[sflag:s12] =	ssyncadd.s32 $0xFFFF8000  }
0x88: {  	_ =	swait.ge [sflag:s16], $0x8000  }
0x89: {  	[sflag:s16] =	ssyncset.done $0x0  }
0x8a: {  	s28 =	simm.s32 $0x3800;
	[sflag:s16] =	ssyncadd.s32 $0xFFFF8000  }
0x8b: {  	[tilespmem:s14], [sflag:$0x1] =	stream.indirect.gather [hbm4b:s5+s15], $0x20, s28, s15, $0xb8;
	[tilespmem:$0x1F000] =	vst v63  }
0x8c: {  	s29 =	simm.s32 $0x8400  }
0x8d: {  	[spmem:s2] =	stream.indirect.scatter.add.f32 [tilespmem:s17], [sflag:$0x2], $0x20, s29, s15, $0xb8;
	[tilespmem:$0x1F000] =	vst v63  }
0x8e: {  	_ =	swait.ge [sflag:s12], $0x8000  }
0x8f: {  	[sflag:s12] =	ssyncset.done $0x0  }
0x90: {  	[sflag:s12] =	ssyncadd.s32 $0xFFFF8000  }
0x91: {  	_ =	swait.ge [sflag:s16], $0x8000  }
0x92: {  	[sflag:s16] =	ssyncset.done $0x0  }
0x93: {  	[sflag:s16] =	ssyncadd.s32 $0xFFFF8000  }
0x94: {  	[tilespmem:s17], [sflag:$0x1] =	stream.indirect.gather [hbm4b:s5+s15], $0x20, s30, s15, $0xb8;
	[tilespmem:$0x1F000] =	vst v63  }
0x95: {  	_ = 	snop  }
0x96: {  	[spmem:s2] =	stream.indirect.scatter.add.f32 [tilespmem:s14], [sflag:$0x2], $0x20, s31, s15, $0xb8;
	[tilespmem:$0x1F000] =	vst v63  }
0x97: {  	_ =	swait.ge [sflag:s12], $0x8000  }
0x98: {  	[sflag:s12] =	ssyncset.done $0x0  }
0x99: {  	[sflag:s12] =	ssyncadd.s32 $0xFFFF8000  }
0x9a: {  	_ =	swait.ge [sflag:s16], $0x8000  }
0x9b: {  	[sflag:s16] =	ssyncset.done $0x0  }
0x9c: {  	[sflag:s16] =	ssyncadd.s32 $0xFFFF8000  }
0x9d: {  	[tilespmem:s14], [sflag:$0x1] =	stream.indirect.gather [hbm4b:s5+s15], $0x20, s0, s15, $0xb8;
	[tilespmem:$0x1F000] =	vst v63  }
0x9e: {  	_ = 	snop  }
0x9f: {  	[spmem:s2] =	stream.indirect.scatter.add.f32 [tilespmem:s17], [sflag:$0x2], $0x20, s1, s15, $0xb8;
	[tilespmem:$0x1F000] =	vst v63  }
0xa0: {  	_ =	swait.ge [sflag:s12], $0x8000  }
0xa1: {  	[sflag:s12] =	ssyncset.done $0x0  }
0xa2: {  	[sflag:s12] =	ssyncadd.s32 $0xFFFF8000  }
0xa3: {  	_ =	swait.ge [sflag:s16], $0x8000  }
0xa4: {  	[sflag:s16] =	ssyncset.done $0x0  }
0xa5: {  	[sflag:s16] =	ssyncadd.s32 $0xFFFF8000  }
0xa6: {  	[tilespmem:s17], [sflag:$0x1] =	stream.indirect.gather [hbm4b:s5+s15], $0x20, s18, s15, $0xb8;
	[tilespmem:$0x1F000] =	vst v63  }
0xa7: {  	_ = 	snop  }
0xa8: {  	[spmem:s2] =	stream.indirect.scatter.add.f32 [tilespmem:s14], [sflag:$0x2], $0x20, s19, s15, $0xb8;
	[tilespmem:$0x1F000] =	vst v63  }
0xa9: {  	_ =	swait.ge [sflag:s12], $0x8000  }
0xaa: {  	[sflag:s12] =	ssyncset.done $0x0  }
0xab: {  	[sflag:s12] =	ssyncadd.s32 $0xFFFF8000  }
0xac: {  	_ =	swait.ge [sflag:s16], $0x8000  }
0xad: {  	[sflag:s16] =	ssyncset.done $0x0  }
0xae: {  	[sflag:s16] =	ssyncadd.s32 $0xFFFF8000  }
0xaf: {  	[tilespmem:s14], [sflag:$0x1] =	stream.indirect.gather [hbm4b:s5+s15], $0x20, s20, s15, $0xb8;
	[tilespmem:$0x1F000] =	vst v63  }
0xb0: {  	_ = 	snop  }
0xb1: {  	[spmem:s2] =	stream.indirect.scatter.add.f32 [tilespmem:s17], [sflag:$0x2], $0x20, s21, s15, $0xb8;
	[tilespmem:$0x1F000] =	vst v63  }
0xb2: {  	_ =	swait.ge [sflag:s12], $0x8000  }
0xb3: {  	[sflag:s12] =	ssyncset.done $0x0  }
0xb4: {  	[sflag:s12] =	ssyncadd.s32 $0xFFFF8000  }
0xb5: {  	_ =	swait.ge [sflag:s16], $0x8000  }
0xb6: {  	[sflag:s16] =	ssyncset.done $0x0  }
0xb7: {  	[sflag:s16] =	ssyncadd.s32 $0xFFFF8000  }
0xb8: {  	[tilespmem:s17], [sflag:$0x1] =	stream.indirect.gather [hbm4b:s5+s15], $0x20, s22, s15, $0xb8;
	[tilespmem:$0x1F000] =	vst v63  }
.LBB2_6:
0xb9: {  	[spmem:s2] =	stream.indirect.scatter.add.f32 [tilespmem:s14], [sflag:$0x2], $0x20, s23, s15, $0xb8;
	[tilespmem:$0x1F000] =	vst v63  }
0xba: {  	_ =	swait.ge [sflag:s12], $0x8000  }
0xbb: {  	[sflag:s12] =	ssyncset.done $0x0  }
0xbc: {  	[sflag:s12] =	ssyncadd.s32 $0xFFFF8000  }
0xbd: {  	_ =	swait.ge [sflag:s16], $0x8000  }
0xbe: {  	[sflag:s16] =	ssyncset.done $0x0  }
0xbf: {  	[sflag:s16] =	ssyncadd.s32 $0xFFFF8000  }
0xc0: {  	[spmem:s2] =	stream.indirect.scatter.add.f32 [tilespmem:s17], [sflag:$0x2], $0x20, s24, s15, $0xb8;
	[tilespmem:$0x1F000] =	vst v63  }
0xc1: {  	_ =	swait.ge [sflag:s12], $0x8000  }
0xc2: {  	[sflag:s12] =	ssyncset.done $0x0  }
0xc3: {  	[sflag:s12] =	ssyncadd.s32 $0xFFFF8000  }
0xc4: {  	s26 =	simm.s32 @p1 $0xA000;
	s28 =	simm.s32 @p1 $0x2;
	[bflag:$0x0] =	sbarrier.arrive $0xFFFF  }
0xc5: {  	[tilespmem:s26], [sflag:$0x2] =	stream.linear.gather @p1 [spmem:s8], $0x3200, $0x38;
	[tilespmem:$0x1F000] =	vst v63  }
0xc6: {  	_ =	swait.ge @p1 [sflag:s28], $0x3200  }
0xc7: {  	[sflag:s28] =	ssyncset.done @p1 $0x0  }
0xc8: {  	s29 =	simm.s32 @p1 $0x0;
	[sflag:s28] =	ssyncadd.s32 @p1 $0xFFFFCE00  }
0xc9: {  	[hbm4b:s10+s29] =	stream.linear.scatter @p1 [tilespmem:s26], [sflag:$0x2], $0x3200, $0x38;
	[tilespmem:$0x1F000] =	vst v63  }
0xca: {  	_ =	swait.ge @p1 [sflag:s28], $0x3200  }
0xcb: {  	[sflag:s28] =	ssyncset.done @p1 $0x0  }
0xcc: {  	s26 =	simm.s32 @!p1 $0xA000;
	[sflag:s28] =	ssyncadd.s32 @p1 $0xFFFFCE00;
	s28 =	simm.s32 @!p1 $0x2  }
0xcd: {  	[tilespmem:s26], [sflag:$0x2] =	stream.linear.gather @!p1 [spmem:s8], $0x5000, $0x38;
	[tilespmem:$0x1F000] =	vst v63  }
0xce: {  	s25 =	sadd.s32 $0x1, s25;
	_ =	swait.ge @!p1 [sflag:s28], $0x5000  }
0xcf: {  	p2 =	sne.s32 s25, s11;
	[sflag:s28] =	ssyncset.done @!p1 $0x0  }
.Ltmp1:
0xd0: {  	s29 =	simm.s32 @!p1 $0x0;
	[sflag:s28] =	ssyncadd.s32 @!p1 $0xFFFFB000;
	(pc) =	sbr.rel @!p2 .LBB2_7-.Ltmp1, $4  }
0xd1: {  	[hbm4b:s9+s29] =	stream.linear.scatter @!p1 [tilespmem:s26], [sflag:$0x2], $0x5000, $0x38;
	[tilespmem:$0x1F000] =	vst v63  }
0xd2: {  	_ =	swait.ge @!p1 [sflag:s28], $0x5000  }
0xd3: {  	[sflag:s28] =	ssyncset.done @!p1 $0x0  }
0xd4: {  	[sflag:s28] =	ssyncadd.s32 @!p1 $0xFFFFB000  }
.LBB2_1:
0xd5: {  	[tilespmem:s3], [sflag:$0x2] =	stream.linear.gather [hbm4b:s6+s3], $0x5000, $0x38;
	[tilespmem:$0x1F000] =	vst v63  }
0xd6: {  	_ =	swait.ge [sflag:s12], $0x5000  }
0xd7: {  	[sflag:s12] =	ssyncset.done $0x0  }
0xd8: {  	[sflag:s12] =	ssyncadd.s32 $0xFFFFB000  }
0xd9: {  	[tilespmem:s13], [sflag:$0x2] =	stream.linear.gather [hbm4b:s7+s3], $0x5000, $0x38;
	[tilespmem:$0x1F000] =	vst v63  }
0xda: {  	_ =	swait.ge [sflag:s12], $0x5000  }
0xdb: {  	[sflag:s12] =	ssyncset.done $0x0  }
0xdc: {  	s26 =	simm.s32 $0x80;
	s28 =	simm.s32 $0x0;
	[sflag:s12] =	ssyncadd.s32 $0xFFFFB000  }
.LBB2_2:
0xdd: {  	p2 =	sne.s32 s26, $0x13F80;
	[tilespmem:s28+$0xA000] =	vst v0;
	s29 =	smov.u32 s26;
	s26 =	sadd.s32 $0x80, s26  }
.Ltmp2:
0xde: {  	[tilespmem:s28+$0xA010] =	vst v0;
	(pc) =	sbr.rel @p2 .LBB2_2-.Ltmp2, $2  }
0xdf: {  	_ =	sdelay $0x2  }
0xe0: {  	s28 =	sshra.s32 s29, $0x2  }
0xe1: {  	[tilespmem:s28+$0xA000] =	vst v0  }
0xe2: {  	[tilespmem:s28+$0xA010] =	vst v0  }
0xe3: {  	[spmem:s8] =	stream.linear.scatter [tilespmem:s14], [sflag:$0x2], $0x5000, $0x38;
	[tilespmem:$0x1F000] =	vst v63  }
.Ltmp3:
0xe4: {  	_ =	swait.ge [sflag:s12], $0x5000;
	(pc) =	sbr.rel @p0 .LBB2_5-.Ltmp3, $3  }
0xe5: {  	[sflag:s12] =	ssyncset.done $0x0  }
0xe6: {  	[sflag:s12] =	ssyncadd.s32 $0xFFFFB000  }
0xe7: {  	[bflag:$0x0] =	sbarrier.arrive $0xFFFF;
	_ =	sdelay $0x1  }
0xe8: {  	[tilespmem:s14], [sflag:$0x1] =	stream.indirect.gather [hbm4b:s4+s15], $0x20, s3, s15, $0xb8;
	[tilespmem:$0x1F000] =	vst v63  }
0xe9: {  	_ =	swait.ge [sflag:s16], $0x8000  }
0xea: {  	[sflag:s16] =	ssyncset.done $0x0  }
0xeb: {  	[sflag:s16] =	ssyncadd.s32 $0xFFFF8000  }
0xec: {  	[tilespmem:s17], [sflag:$0x1] =	stream.indirect.gather [hbm4b:s4+s15], $0x20, s15, s15, $0xb8;
	[tilespmem:$0x1F000] =	vst v63  }
0xed: {  	_ = 	snop  }
0xee: {  	[spmem:s2] =	stream.indirect.scatter.add.f32 [tilespmem:s14], [sflag:$0x2], $0x20, s13, s15, $0xb8;
	[tilespmem:$0x1F000] =	vst v63  }
0xef: {  	_ =	swait.ge [sflag:s12], $0x8000  }
0xf0: {  	[sflag:s12] =	ssyncset.done $0x0  }
0xf1: {  	[sflag:s12] =	ssyncadd.s32 $0xFFFF8000  }
0xf2: {  	_ =	swait.ge [sflag:s16], $0x8000  }
0xf3: {  	[sflag:s16] =	ssyncset.done $0x0  }
0xf4: {  	s26 =	simm.s32 $0x800;
	[sflag:s16] =	ssyncadd.s32 $0xFFFF8000  }
0xf5: {  	[tilespmem:s14], [sflag:$0x1] =	stream.indirect.gather [hbm4b:s4+s15], $0x20, s26, s15, $0xb8;
	[tilespmem:$0x1F000] =	vst v63  }
0xf6: {  	s29 =	simm.s32 $0x5400  }
0xf7: {  	[spmem:s2] =	stream.indirect.scatter.add.f32 [tilespmem:s17], [sflag:$0x2], $0x20, s29, s15, $0xb8;
	[tilespmem:$0x1F000] =	vst v63  }
0xf8: {  	_ =	swait.ge [sflag:s12], $0x8000  }
0xf9: {  	[sflag:s12] =	ssyncset.done $0x0  }
0xfa: {  	[sflag:s12] =	ssyncadd.s32 $0xFFFF8000  }
0xfb: {  	_ =	swait.ge [sflag:s16], $0x8000  }
0xfc: {  	[sflag:s16] =	ssyncset.done $0x0  }
0xfd: {  	s28 =	simm.s32 $0xC00;
	[sflag:s16] =	ssyncadd.s32 $0xFFFF8000  }
0xfe: {  	[tilespmem:s17], [sflag:$0x1] =	stream.indirect.gather [hbm4b:s4+s15], $0x20, s28, s15, $0xb8;
	[tilespmem:$0x1F000] =	vst v63  }
0xff: {  	s29 =	simm.s32 $0x5800  }
0x100: {  	[spmem:s2] =	stream.indirect.scatter.add.f32 [tilespmem:s14], [sflag:$0x2], $0x20, s29, s15, $0xb8;
	[tilespmem:$0x1F000] =	vst v63  }
0x101: {  	_ =	swait.ge [sflag:s12], $0x8000  }
0x102: {  	[sflag:s12] =	ssyncset.done $0x0  }
0x103: {  	[sflag:s12] =	ssyncadd.s32 $0xFFFF8000  }
0x104: {  	_ =	swait.ge [sflag:s16], $0x8000  }
0x105: {  	[sflag:s16] =	ssyncset.done $0x0  }
0x106: {  	s28 =	simm.s32 $0x1000;
	[sflag:s16] =	ssyncadd.s32 $0xFFFF8000  }
0x107: {  	[tilespmem:s14], [sflag:$0x1] =	stream.indirect.gather [hbm4b:s4+s15], $0x20, s28, s15, $0xb8;
	[tilespmem:$0x1F000] =	vst v63  }
0x108: {  	s29 =	simm.s32 $0x5C00  }
0x109: {  	[spmem:s2] =	stream.indirect.scatter.add.f32 [tilespmem:s17], [sflag:$0x2], $0x20, s29, s15, $0xb8;
	[tilespmem:$0x1F000] =	vst v63  }
0x10a: {  	_ =	swait.ge [sflag:s12], $0x8000  }
0x10b: {  	[sflag:s12] =	ssyncset.done $0x0  }
0x10c: {  	[sflag:s12] =	ssyncadd.s32 $0xFFFF8000  }
0x10d: {  	_ =	swait.ge [sflag:s16], $0x8000  }
0x10e: {  	[sflag:s16] =	ssyncset.done $0x0  }
0x10f: {  	s28 =	simm.s32 $0x1400;
	[sflag:s16] =	ssyncadd.s32 $0xFFFF8000  }
0x110: {  	[tilespmem:s17], [sflag:$0x1] =	stream.indirect.gather [hbm4b:s4+s15], $0x20, s28, s15, $0xb8;
	[tilespmem:$0x1F000] =	vst v63  }
0x111: {  	s29 =	simm.s32 $0x6000  }
0x112: {  	[spmem:s2] =	stream.indirect.scatter.add.f32 [tilespmem:s14], [sflag:$0x2], $0x20, s29, s15, $0xb8;
	[tilespmem:$0x1F000] =	vst v63  }
0x113: {  	_ =	swait.ge [sflag:s12], $0x8000  }
0x114: {  	[sflag:s12] =	ssyncset.done $0x0  }
0x115: {  	[sflag:s12] =	ssyncadd.s32 $0xFFFF8000  }
0x116: {  	_ =	swait.ge [sflag:s16], $0x8000  }
0x117: {  	[sflag:s16] =	ssyncset.done $0x0  }
0x118: {  	s28 =	simm.s32 $0x1800;
	[sflag:s16] =	ssyncadd.s32 $0xFFFF8000  }
0x119: {  	[tilespmem:s14], [sflag:$0x1] =	stream.indirect.gather [hbm4b:s4+s15], $0x20, s28, s15, $0xb8;
	[tilespmem:$0x1F000] =	vst v63  }
0x11a: {  	s29 =	simm.s32 $0x6400  }
0x11b: {  	[spmem:s2] =	stream.indirect.scatter.add.f32 [tilespmem:s17], [sflag:$0x2], $0x20, s29, s15, $0xb8;
	[tilespmem:$0x1F000] =	vst v63  }
0x11c: {  	_ =	swait.ge [sflag:s12], $0x8000  }
0x11d: {  	[sflag:s12] =	ssyncset.done $0x0  }
0x11e: {  	[sflag:s12] =	ssyncadd.s32 $0xFFFF8000  }
0x11f: {  	_ =	swait.ge [sflag:s16], $0x8000  }
0x120: {  	[sflag:s16] =	ssyncset.done $0x0  }
0x121: {  	s28 =	simm.s32 $0x1C00;
	[sflag:s16] =	ssyncadd.s32 $0xFFFF8000  }
0x122: {  	[tilespmem:s17], [sflag:$0x1] =	stream.indirect.gather [hbm4b:s4+s15], $0x20, s28, s15, $0xb8;
	[tilespmem:$0x1F000] =	vst v63  }
0x123: {  	s29 =	simm.s32 $0x6800  }
0x124: {  	[spmem:s2] =	stream.indirect.scatter.add.f32 [tilespmem:s14], [sflag:$0x2], $0x20, s29, s15, $0xb8;
	[tilespmem:$0x1F000] =	vst v63  }
0x125: {  	_ =	swait.ge [sflag:s12], $0x8000  }
0x126: {  	[sflag:s12] =	ssyncset.done $0x0  }
0x127: {  	[sflag:s12] =	ssyncadd.s32 $0xFFFF8000  }
0x128: {  	_ =	swait.ge [sflag:s16], $0x8000  }
0x129: {  	[sflag:s16] =	ssyncset.done $0x0  }
0x12a: {  	s28 =	simm.s32 $0x2000;
	[sflag:s16] =	ssyncadd.s32 $0xFFFF8000  }
0x12b: {  	[tilespmem:s14], [sflag:$0x1] =	stream.indirect.gather [hbm4b:s4+s15], $0x20, s28, s15, $0xb8;
	[tilespmem:$0x1F000] =	vst v63  }
0x12c: {  	s29 =	simm.s32 $0x6C00  }
0x12d: {  	[spmem:s2] =	stream.indirect.scatter.add.f32 [tilespmem:s17], [sflag:$0x2], $0x20, s29, s15, $0xb8;
	[tilespmem:$0x1F000] =	vst v63  }
0x12e: {  	_ =	swait.ge [sflag:s12], $0x8000  }
0x12f: {  	[sflag:s12] =	ssyncset.done $0x0  }
0x130: {  	[sflag:s12] =	ssyncadd.s32 $0xFFFF8000  }
0x131: {  	_ =	swait.ge [sflag:s16], $0x8000  }
0x132: {  	[sflag:s16] =	ssyncset.done $0x0  }
0x133: {  	s28 =	simm.s32 $0x2400;
	[sflag:s16] =	ssyncadd.s32 $0xFFFF8000  }
0x134: {  	[tilespmem:s17], [sflag:$0x1] =	stream.indirect.gather [hbm4b:s4+s15], $0x20, s28, s15, $0xb8;
	[tilespmem:$0x1F000] =	vst v63  }
0x135: {  	s29 =	simm.s32 $0x7000  }
0x136: {  	[spmem:s2] =	stream.indirect.scatter.add.f32 [tilespmem:s14], [sflag:$0x2], $0x20, s29, s15, $0xb8;
	[tilespmem:$0x1F000] =	vst v63  }
0x137: {  	_ =	swait.ge [sflag:s12], $0x8000  }
0x138: {  	[sflag:s12] =	ssyncset.done $0x0  }
0x139: {  	[sflag:s12] =	ssyncadd.s32 $0xFFFF8000  }
0x13a: {  	_ =	swait.ge [sflag:s16], $0x8000  }
0x13b: {  	[sflag:s16] =	ssyncset.done $0x0  }
0x13c: {  	s28 =	simm.s32 $0x2800;
	[sflag:s16] =	ssyncadd.s32 $0xFFFF8000  }
0x13d: {  	[tilespmem:s14], [sflag:$0x1] =	stream.indirect.gather [hbm4b:s4+s15], $0x20, s28, s15, $0xb8;
	[tilespmem:$0x1F000] =	vst v63  }
0x13e: {  	s29 =	simm.s32 $0x7400  }
0x13f: {  	[spmem:s2] =	stream.indirect.scatter.add.f32 [tilespmem:s17], [sflag:$0x2], $0x20, s29, s15, $0xb8;
	[tilespmem:$0x1F000] =	vst v63  }
0x140: {  	_ =	swait.ge [sflag:s12], $0x8000  }
0x141: {  	[sflag:s12] =	ssyncset.done $0x0  }
0x142: {  	[sflag:s12] =	ssyncadd.s32 $0xFFFF8000  }
0x143: {  	_ =	swait.ge [sflag:s16], $0x8000  }
0x144: {  	[sflag:s16] =	ssyncset.done $0x0  }
0x145: {  	s28 =	simm.s32 $0x2C00;
	[sflag:s16] =	ssyncadd.s32 $0xFFFF8000  }
0x146: {  	[tilespmem:s17], [sflag:$0x1] =	stream.indirect.gather [hbm4b:s4+s15], $0x20, s28, s15, $0xb8;
	[tilespmem:$0x1F000] =	vst v63  }
0x147: {  	s29 =	simm.s32 $0x7800  }
0x148: {  	[spmem:s2] =	stream.indirect.scatter.add.f32 [tilespmem:s14], [sflag:$0x2], $0x20, s29, s15, $0xb8;
	[tilespmem:$0x1F000] =	vst v63  }
0x149: {  	_ =	swait.ge [sflag:s12], $0x8000  }
0x14a: {  	[sflag:s12] =	ssyncset.done $0x0  }
0x14b: {  	[sflag:s12] =	ssyncadd.s32 $0xFFFF8000  }
0x14c: {  	_ =	swait.ge [sflag:s16], $0x8000  }
0x14d: {  	[sflag:s16] =	ssyncset.done $0x0  }
0x14e: {  	s28 =	simm.s32 $0x3000;
	[sflag:s16] =	ssyncadd.s32 $0xFFFF8000  }
0x14f: {  	[tilespmem:s14], [sflag:$0x1] =	stream.indirect.gather [hbm4b:s4+s15], $0x20, s28, s15, $0xb8;
	[tilespmem:$0x1F000] =	vst v63  }
0x150: {  	s29 =	simm.s32 $0x7C00  }
0x151: {  	[spmem:s2] =	stream.indirect.scatter.add.f32 [tilespmem:s17], [sflag:$0x2], $0x20, s29, s15, $0xb8;
	[tilespmem:$0x1F000] =	vst v63  }
0x152: {  	_ =	swait.ge [sflag:s12], $0x8000  }
0x153: {  	[sflag:s12] =	ssyncset.done $0x0  }
0x154: {  	[sflag:s12] =	ssyncadd.s32 $0xFFFF8000  }
0x155: {  	_ =	swait.ge [sflag:s16], $0x8000  }
0x156: {  	[sflag:s16] =	ssyncset.done $0x0  }
0x157: {  	s28 =	simm.s32 $0x3400;
	[sflag:s16] =	ssyncadd.s32 $0xFFFF8000  }
0x158: {  	[tilespmem:s17], [sflag:$0x1] =	stream.indirect.gather [hbm4b:s4+s15], $0x20, s28, s15, $0xb8;
	[tilespmem:$0x1F000] =	vst v63  }
0x159: {  	s29 =	simm.s32 $0x8000  }
0x15a: {  	[spmem:s2] =	stream.indirect.scatter.add.f32 [tilespmem:s14], [sflag:$0x2], $0x20, s29, s15, $0xb8;
	[tilespmem:$0x1F000] =	vst v63  }
0x15b: {  	_ =	swait.ge [sflag:s12], $0x8000  }
0x15c: {  	[sflag:s12] =	ssyncset.done $0x0  }
0x15d: {  	[sflag:s12] =	ssyncadd.s32 $0xFFFF8000  }
0x15e: {  	_ =	swait.ge [sflag:s16], $0x8000  }
0x15f: {  	[sflag:s16] =	ssyncset.done $0x0  }
0x160: {  	s28 =	simm.s32 $0x3800;
	[sflag:s16] =	ssyncadd.s32 $0xFFFF8000  }
0x161: {  	[tilespmem:s14], [sflag:$0x1] =	stream.indirect.gather [hbm4b:s4+s15], $0x20, s28, s15, $0xb8;
	[tilespmem:$0x1F000] =	vst v63  }
0x162: {  	s29 =	simm.s32 $0x8400  }
0x163: {  	[spmem:s2] =	stream.indirect.scatter.add.f32 [tilespmem:s17], [sflag:$0x2], $0x20, s29, s15, $0xb8;
	[tilespmem:$0x1F000] =	vst v63  }
0x164: {  	_ =	swait.ge [sflag:s12], $0x8000  }
0x165: {  	[sflag:s12] =	ssyncset.done $0x0  }
0x166: {  	[sflag:s12] =	ssyncadd.s32 $0xFFFF8000  }
0x167: {  	_ =	swait.ge [sflag:s16], $0x8000  }
0x168: {  	[sflag:s16] =	ssyncset.done $0x0  }
0x169: {  	[sflag:s16] =	ssyncadd.s32 $0xFFFF8000  }
0x16a: {  	[tilespmem:s17], [sflag:$0x1] =	stream.indirect.gather [hbm4b:s4+s15], $0x20, s30, s15, $0xb8;
	[tilespmem:$0x1F000] =	vst v63  }
0x16b: {  	_ = 	snop  }
0x16c: {  	[spmem:s2] =	stream.indirect.scatter.add.f32 [tilespmem:s14], [sflag:$0x2], $0x20, s31, s15, $0xb8;
	[tilespmem:$0x1F000] =	vst v63  }
0x16d: {  	_ =	swait.ge [sflag:s12], $0x8000  }
0x16e: {  	[sflag:s12] =	ssyncset.done $0x0  }
0x16f: {  	[sflag:s12] =	ssyncadd.s32 $0xFFFF8000  }
0x170: {  	_ =	swait.ge [sflag:s16], $0x8000  }
0x171: {  	[sflag:s16] =	ssyncset.done $0x0  }
0x172: {  	[sflag:s16] =	ssyncadd.s32 $0xFFFF8000  }
0x173: {  	[tilespmem:s14], [sflag:$0x1] =	stream.indirect.gather [hbm4b:s4+s15], $0x20, s0, s15, $0xb8;
	[tilespmem:$0x1F000] =	vst v63  }
0x174: {  	_ = 	snop  }
0x175: {  	[spmem:s2] =	stream.indirect.scatter.add.f32 [tilespmem:s17], [sflag:$0x2], $0x20, s1, s15, $0xb8;
	[tilespmem:$0x1F000] =	vst v63  }
0x176: {  	_ =	swait.ge [sflag:s12], $0x8000  }
0x177: {  	[sflag:s12] =	ssyncset.done $0x0  }
0x178: {  	[sflag:s12] =	ssyncadd.s32 $0xFFFF8000  }
0x179: {  	_ =	swait.ge [sflag:s16], $0x8000  }
0x17a: {  	[sflag:s16] =	ssyncset.done $0x0  }
0x17b: {  	[sflag:s16] =	ssyncadd.s32 $0xFFFF8000  }
0x17c: {  	[tilespmem:s17], [sflag:$0x1] =	stream.indirect.gather [hbm4b:s4+s15], $0x20, s18, s15, $0xb8;
	[tilespmem:$0x1F000] =	vst v63  }
0x17d: {  	_ = 	snop  }
0x17e: {  	[spmem:s2] =	stream.indirect.scatter.add.f32 [tilespmem:s14], [sflag:$0x2], $0x20, s19, s15, $0xb8;
	[tilespmem:$0x1F000] =	vst v63  }
0x17f: {  	_ =	swait.ge [sflag:s12], $0x8000  }
0x180: {  	[sflag:s12] =	ssyncset.done $0x0  }
0x181: {  	[sflag:s12] =	ssyncadd.s32 $0xFFFF8000  }
0x182: {  	_ =	swait.ge [sflag:s16], $0x8000  }
0x183: {  	[sflag:s16] =	ssyncset.done $0x0  }
0x184: {  	[sflag:s16] =	ssyncadd.s32 $0xFFFF8000  }
0x185: {  	[tilespmem:s14], [sflag:$0x1] =	stream.indirect.gather [hbm4b:s4+s15], $0x20, s20, s15, $0xb8;
	[tilespmem:$0x1F000] =	vst v63  }
0x186: {  	_ = 	snop  }
0x187: {  	[spmem:s2] =	stream.indirect.scatter.add.f32 [tilespmem:s17], [sflag:$0x2], $0x20, s21, s15, $0xb8;
	[tilespmem:$0x1F000] =	vst v63  }
0x188: {  	_ =	swait.ge [sflag:s12], $0x8000  }
0x189: {  	[sflag:s12] =	ssyncset.done $0x0  }
.Ltmp4:
0x18a: {  	[sflag:s12] =	ssyncadd.s32 $0xFFFF8000;
	(pc) =	sbr.rel .LBB2_6-.Ltmp4, $4  }
0x18b: {  	_ =	swait.ge [sflag:s16], $0x8000  }
0x18c: {  	[sflag:s16] =	ssyncset.done $0x0  }
0x18d: {  	[sflag:s16] =	ssyncadd.s32 $0xFFFF8000  }
0x18e: {  	[tilespmem:s17], [sflag:$0x1] =	stream.indirect.gather [hbm4b:s4+s15], $0x20, s22, s15, $0xb8;
	[tilespmem:$0x1F000] =	vst v63  }
.LBB2_7:
0x18f: {  	_ =	sfence.sel $0x180000  }
0x190: {  	[bflag:$0x0] =	sbarrier.arrive $0xFFFF  }
0x191: {  	_ =	strace $0x9000004A  }
0x192: {  	s0 =	stileid.u32;
	[bflag:$0x2] =	sbarrier.arrive $0xFFFF  }
0x193: {  	p0 =	sne.s32 s0, $0x0;
	s0 =	rddreg [dreg:$0x2]  }
0x194: {  	s0 =	sadd.s32 @!p0 $0x100000, s0  }
0x195: {  	[sflag:s0] =	ssyncadd.tile.s32 @!p0 $0x1;
	_ =	shalt  }
.Lfunc_end2:
_tile_overlayer_lowered:
.L_overlay_start_2:
0x196: {  	(tag) =	ssettag $0x2  }
0x197: {  	s0 =	rddreg [dreg:$0x0];
	s2 =	stileid.u32  }
0x198: {  	s1 =	rddreg [dreg:$0x1];
	p0 =	sne.s32 s2, $0x0  }
0x199: {  	s3 =	rddreg [dreg:$0x2];
	[bflag:$0x3] =	sbarrier.arrive $0xFFFF;
	s2 =	simm.s32 @!p0 $0x1C02  }
0x19a: {  	[timem:s3], [sflag:s2] =	dma.local @!p0 [hbm:s0], s1  }
0x19b: {  	s0 =	simm.s32 @!p0 $0x2  }
0x19c: {  	_ =	swait.ge @!p0 [sflag:s0], s1  }
0x19d: {  	s1 =	ssub.s32 @!p0 $0x0, s1;
	[sflag:s0] =	ssyncset.done @!p0 $0x0  }
0x19e: {  	[sflag:s0] =	ssyncadd.s32 @!p0 s1  }
0x19f: {  	[bflag:$0x3] =	sbarrier.arrive $0xFFFF  }
0x1a0: {  	_ =	shalt  }

// kernel: kernel.18.cloned.1.call-start
scs
__scs_entry_jumppad:
0x0: {  	(pc) =	sbr.rel $0x88, $3  }
0x1: {  	(tag) =	ssettag $0x0;
	lr =	simm.s32 $0x1  }
0x2: {  	[smem:$0x3F8E] =	sst lr;
	_ =	strace $0xD0000000  }
0x3: {  	_ = 	snop  }
0x4: {  	_ = 	snop  }
0x5: {  	_ = 	snop  }
0x6: {  	_ = 	snop  }
0x7: {  	_ = 	snop  }
__scs_overlays_trampoline_lowered:
0x8: {  	[smem:$0x3F9D] =	sst s0  }
0x9: {  	[smem:$0x3F9E] =	sst s1  }
0xa: {  	[smem:$0x3F9F] =	sst s2  }
0xb: {  	[smem:$0x3FA0] =	sst s3  }
0xc: {  	[smem:$0x3FA1] =	sst s4  }
0xd: {  	[smem:$0x3FA2] =	sst s5  }
0xe: {  	[smem:$0x3FA3] =	sst s6  }
0xf: {  	[smem:$0x3FA4] =	sst s7  }
0x10: {  	[smem:$0x3FA5] =	sst s8  }
0x11: {  	[smem:$0x3FA6] =	sst s9;
	s0 =	simm.s32 @!p0 $0x0  }
0x12: {  	s1 =	sld [smem:$0x3F8C];
	s0 =	simm.s32 @p0 $0x1  }
0x13: {  	[smem:$0x3FA7] =	sst s0;
	s0 =	simm.s32 @!p1 $0x0  }
0x14: {  	s2 =	sld [smem:$0x3F8B];
	s0 =	simm.s32 @p1 $0x1  }
0x15: {  	[smem:$0x3FA8] =	sst s0;
	s0 =	simm.s32 @!p2 $0x0  }
0x16: {  	s3 =	sld [smem:$0x3FDB];
	s0 =	simm.s32 @p2 $0x1  }
0x17: {  	s4 =	simm.s32 $0x1BF5;
	[smem:$0x3FAA] =	sst s0  }
0x18: {  	s0 =	sld [smem:$0x3F8D];
	_ =	swait.ge [sflag:s4], $0x0  }
0x19: {  	s7 =	sld [smem:$0x3F8E]  }
0x1a: {  	s8 =	sadd.s32 $0xFFFFE003, lr  }
0x1b: {  	s9 =	sadd.s32 $0xFFFFFEF7, lr;
	s5 =	simm.s32 $0xFFFFFFFF;
	p2 =	slt.u32 s8, $0xFFFFF086  }
0x1c: {  	p1 =	slt.u32 s9, $0xF7A;
	s5 =	simm.s32 @!p2 $0x0  }
0x1d: {  	s5 =	simm.s32 @p1 $0x1;
	p0 =	seq.s32 s7, s2  }
0x1e: {  	s7 =	smul.u32 @!p0 $0xF7A, s2;
	p2 =	seq.s32 @!p0 s5, $0x0  }
0x1f: {  	s9 =	smul.u32 $0xF7A, s1;
	s8 =	simm.s32 @!p0 $0x1BF5;
	p2 =	por !p2, p0  }
0x20: {  	[sflag:s8] =	ssyncset.s32 @!p0 $0xFFFFF086;
	s6 =	sadd.s32 @!p0 s3, s7;
	s7 =	simm.s32 @!p0 $0x108  }
0x21: {  	s3 =	sadd.s32 s3, s9;
	s6 =	sadd.s32 @!p0 $0x88, s6;
	s7 =	simm.s32 @p2 $0x1082  }
0x22: {  	[simem:s7], [sflag:s8] =	dma.local @!p0 [hbm:s6], $0xF7A  }
0x23: {  	s9 =	sor.u32 $0xD0000000, s2;
	s6 =	simm.s32 $0x108;
	_ =	swait.ge @!p0 [sflag:s8], $0x0  }
0x24: {  	s3 =	sadd.s32 $0x88, s3;
	s6 =	simm.s32 @!p1 $0x1082;
	[sflag:s4] =	ssyncset.s32 $0xFFFFF086  }
0x25: {  	[simem:s6], [sflag:s4] =	dma.local [hbm:s3], $0xF7A  }
0x26: {  	[smem:$0x3F8E] =	sst s1;
	(tag) =	ssettag s2;
	_ =	strace s9  }
0x27: {  	s1 =	sld [smem:$0x3F9E]  }
0x28: {  	s2 =	sld [smem:$0x3F9F]  }
0x29: {  	s4 =	sld [smem:$0x3FA1]  }
0x2a: {  	p0 =	seq.s32 s5, $0x0;
	s5 =	sld [smem:$0x3FA2]  }
0x2b: {  	s6 =	sld [smem:$0x3FA3]  }
0x2c: {  	s7 =	sld [smem:$0x3FA4]  }
0x2d: {  	s3 =	simm.s32 $0x108;
	s8 =	sld [smem:$0x3FA5]  }
0x2e: {  	s3 =	simm.s32 @!p0 $0x1082;
	s9 =	sld [smem:$0x3FA6]  }
0x2f: {  	lr =	sadd.s32 s0, s3;
	s0 =	sld [smem:$0x3F9D]  }
0x30: {  	s3 =	sld [smem:$0x3FA0]  }
0x31: {  	[smem:$0x3FA9] =	sst s10  }
0x32: {  	s10 =	sld [smem:$0x3FA7];
	_ =	sdelay $0x3  }
0x33: {  	p0 =	seq.s32 s10, $0x1;
	s10 =	sld [smem:$0x3FA9];
	_ =	sdelay $0x3  }
0x34: {  	[smem:$0x3FA9] =	sst s10  }
0x35: {  	s10 =	sld [smem:$0x3FA8];
	_ =	sdelay $0x3  }
0x36: {  	p1 =	seq.s32 s10, $0x1;
	s10 =	sld [smem:$0x3FA9];
	_ =	sdelay $0x3  }
0x37: {  	[smem:$0x3FA9] =	sst s10  }
0x38: {  	s10 =	sld [smem:$0x3FAA]  }
0x39: {  	_ = 	snop;
	(pc) =	sbr.ind lr, $3  }
0x3a: {  	_ = 	snop  }
0x3b: {  	_ = 	snop  }
0x3c: {  	p2 =	seq.s32 s10, $0x1;
	s10 =	sld [smem:$0x3FA9]  }
0x3d: {  	_ =	shalt  }
0x3e: {  	_ =	shalt  }
0x3f: {  	_ =	shalt  }
0x40: {  	_ =	shalt  }
0x41: {  	_ =	shalt  }
0x42: {  	_ =	shalt  }
0x43: {  	_ =	shalt  }
0x44: {  	_ =	shalt  }
0x45: {  	_ =	shalt  }
0x46: {  	_ =	shalt  }
0x47: {  	_ =	shalt  }
0x48: {  	_ =	shalt  }
0x49: {  	_ =	shalt  }
0x4a: {  	_ =	shalt  }
0x4b: {  	_ =	shalt  }
0x4c: {  	_ =	shalt  }
0x4d: {  	_ =	shalt  }
0x4e: {  	_ =	shalt  }
0x4f: {  	_ =	shalt  }
0x50: {  	_ =	shalt  }
0x51: {  	_ =	shalt  }
0x52: {  	_ =	shalt  }
0x53: {  	_ =	shalt  }
0x54: {  	_ =	shalt  }
0x55: {  	_ =	shalt  }
0x56: {  	_ =	shalt  }
0x57: {  	_ =	shalt  }
0x58: {  	_ =	shalt  }
0x59: {  	_ =	shalt  }
0x5a: {  	_ =	shalt  }
0x5b: {  	_ =	shalt  }
0x5c: {  	_ =	shalt  }
0x5d: {  	_ =	shalt  }
0x5e: {  	_ =	shalt  }
0x5f: {  	_ =	shalt  }
0x60: {  	_ =	shalt  }
0x61: {  	_ =	shalt  }
0x62: {  	_ =	shalt  }
0x63: {  	_ =	shalt  }
0x64: {  	_ =	shalt  }
0x65: {  	_ =	shalt  }
0x66: {  	_ =	shalt  }
0x67: {  	_ =	shalt  }
0x68: {  	_ =	shalt  }
0x69: {  	_ =	shalt  }
0x6a: {  	_ =	shalt  }
0x6b: {  	_ =	shalt  }
0x6c: {  	_ =	shalt  }
0x6d: {  	_ =	shalt  }
0x6e: {  	_ =	shalt  }
0x6f: {  	_ =	shalt  }
0x70: {  	_ =	shalt  }
0x71: {  	_ =	shalt  }
0x72: {  	_ =	shalt  }
0x73: {  	_ =	shalt  }
0x74: {  	_ =	shalt  }
0x75: {  	_ =	shalt  }
0x76: {  	_ =	shalt  }
0x77: {  	_ =	shalt  }
0x78: {  	_ =	shalt  }
0x79: {  	_ =	shalt  }
0x7a: {  	_ =	shalt  }
0x7b: {  	_ =	shalt  }
0x7c: {  	_ =	shalt  }
0x7d: {  	_ =	shalt  }
0x7e: {  	_ =	shalt  }
0x7f: {  	_ =	shalt  }
0x80: {  	_ =	shalt  }
0x81: {  	_ =	shalt  }
0x82: {  	_ =	shalt  }
0x83: {  	_ =	shalt  }
0x84: {  	_ =	shalt  }
0x85: {  	_ =	shalt  }
0x86: {  	_ =	shalt  }
0x87: {  	_ =	shalt  }
.Lfunc_end0:
.L_simem_size_0:
called_computation.2_lowered:
.L_overlay_start_0:
0x88: {  	s2 =	sld [smem:$0x3FD9]  }
0x89: {  	s3 =	sld [smem:$0x3FFE];
	_ =	sdelay $0x1  }
0x8a: {  	s1 =	srdreg.scid  }
0x8b: {  	s0 =	sand.u32 $0x1, s1  }
0x8c: {  	s16 =	sshll.u32 s0, $0xA;
	s2 =	sadd.s32 s3, s2  }
0x8d: {  	s2 =	sadd.s32 s2, s16  }
0x8e: {  	[smem:$0x3FB5] =	sst s2  }
0x8f: {  	_ = 	snop  }
0x90: {  	(tm) =	ssettm $0x1  }
0x91: {  	s17 =	sld [smem:$0x3FFB];
	_ =	sdelay $0x3  }
0x92: {  	_ =	strace s17  }
0x93: {  	s2 =	sld [smem:$0x3FFC];
	_ =	sdelay $0x3  }
0x94: {  	_ =	strace s2  }
0x95: {  	s2 =	sld [smem:$0x3FFD];
	_ =	sdelay $0x3  }
0x96: {  	_ =	strace s2  }
0x97: {  	_ =	strace $0x8FFFFFFF  }
0x98: {  	s18 =	sld [smem:$0x3FDB];
	_ =	sdelay $0x1  }
0x99: {  	s19 =	simm.s32 $_scs_section_size  }
0x9a: {  	s4 =	simm.s32 $_size__tile_overlayer_lowered;
	s5 =	simm.s32 $_tile_overlayer_lowered  }
0x9b: {  	s22 =	simm.s32 $0x1BFF;
	s21 =	sshll.u32 s5, $0x1;
	s2 =	sadd.s32 s19, s18  }
0x9c: {  	s6 =	simm.s32 $0x0;
	s20 =	sshll.u32 s4, $0x1;
	s4 =	sadd.s32 s21, s2  }
0x9d: {  	[timem:s6], [sflag:s22] =	dma.local [hbm:s4], s20  }
0x9e: {  	_ =	swait.ge [sflag:s22], s20  }
0x9f: {  	s3 =	ssub.s32 $0x0, s20;
	[sflag:s22] =	ssyncset.done $0x0  }
0xa0: {  	[sflag:s22] =	ssyncadd.s32 s3;
	_ =	sdelay $0x1  }
0xa1: {  	s23 =	simm.s32 $0x1B8B  }
0xa2: {  	_ =	swait.ge [sflag:s23], $0x1  }
0xa3: {  	[sflag:s23] =	ssyncset.done $0x0  }
0xa4: {  	s25 =	simm.s32 $0x1B8E;
	s24 =	sld [smem:$0x3FFE];
	[sflag:s23] =	ssyncadd.s32 $0xFFFFFFFF  }
0xa5: {  	s26 =	simm.s32 $execute0_lowered;
	[smem:$0x3FD2] =	sst s25  }
0xa6: {  	s4 =	sshll.u32 s26, $0x1;
	_ =	strace $0x8000004C;
	[dreg:$0x1] =	wrdreg $0xFFFFFFFF  }
0xa7: {  	s28 =	simm.s32 $_size_execute0_lowered;
	s2 =	sadd.s32 s2, s4;
	[dreg:$0x0] =	wrdreg $0x0  }
0xa8: {  	s4 =	sshll.u32 s28, $0x1;
	[dreg:$0x2] =	wrdreg s2  }
0xa9: {  	[dreg:$0x3] =	wrdreg s4  }
0xaa: {  	[dreg:$0x4] =	wrdreg $0xC0  }
0xab: {  	_ =	task [dreg:s6], $0x5FFFF  }
0xac: {  	[dreg:$0x1] =	wrdreg $0xFFFFFFFF  }
0xad: {  	[dreg:$0x0] =	wrdreg $0x60  }
0xae: {  	[dreg:$0x2] =	wrdreg s24  }
0xaf: {  	[dreg:$0x3] =	wrdreg $0x1A0000  }
0xb0: {  	[dreg:$0x4] =	wrdreg $0x9  }
0xb1: {  	_ =	task.clear_ibuf [dreg:s6], $0x5FFFF;
	_ =	strace $0x9000004C  }
0xb2: {  	s29 =	simm.s32 $0x9;
	_ =	strace $0x8000004E  }
0xb3: {  	_ =	swait.ge [sflag:s29], $0x1  }
0xb4: {  	[sflag:s29] =	ssyncadd.s32 $0xFFFFFFFF  }
0xb5: {  	_ =	strace $0x9000004E  }
0xb6: {  	_ =	sfence  }
0xb7: {  	s30 =	sld [smem:$0x0];
	_ =	sdelay $0x2  }
0xb8: {  	s31 =	sshll.u32 s1, $0xD;
	s1 =	sshrl.u32 s1, $0x2  }
0xb9: {  	s3 =	sand.u32 $0x4000, s31;
	s1 =	sadd.s32 s1, s30  }
0xba: {  	s0 =	sor.u32 s3, s0;
	s1 =	sshll.u32 s1, $0x11  }
0xbb: {  	s0 =	sor.u32 s1, s0  }
0xbc: {  	s0 =	sadd.s32 $0x8F2B, s0  }
0xbd: {  	[sflag:s0] =	ssyncadd.remote.s32 $0x1  }
0xbe: {  	_ =	sfence.sel $0xFFFF  }
0xbf: {  	[dreg:$0x0] =	wrdreg $0xFFFFFFFF;
	(pc) =	sbr.abs _section_cstart, $3  }
0xc0: {  	[dreg:$0x1] =	wrdreg $0xFFFFFFFF  }
0xc1: {  	_ =	task.clear_ibuf [dreg:s6], $0x2FFFF;
	_ =	strace $0x9FFFFFFF  }
0xc2: {  	(tm) =	ssettm $0x7FFFFFFF  }
0xc3: {  	_ =	shalt  }
tec
execute0_lowered:
.L_overlay_start_1:
0x0: {  	(tag) =	ssettag $0x1  }
0x1: {  	s0 =	rddreg [dreg:$0x0]  }
0x2: {  	s2 =	rddreg [dreg:$0x1];
	s3 =	simm.s32 $0x0;
	s18 =	stileid.u32  }
0x3: {  	s6 =	srdreg.scid;
	s13 =	simm.s32 $0x5000;
	s14 =	simm.s32 $0xA000  }
0x4: {  	s15 =	simm.s32 $0x400;
	s16 =	simm.s32 $0x1;
	s17 =	simm.s32 $0x12000  }
0x5: {  	s30 =	simm.s32 $0x3C00;
	s31 =	simm.s32 $0x8800;
	s19 =	simm.s32 $0x9000  }
0x6: {  	s20 =	simm.s32 $0x4800;
	s21 =	simm.s32 $0x9400;
	s22 =	simm.s32 $0x4C00  }
0x7: {  	s23 =	simm.s32 $0x9800;
	s24 =	simm.s32 $0x9C00;
	s25 =	simm.s32 $0x0  }
0x8: {  	[smem:$0x7FF] =	sst s3;
	s1 =	smul.u32 $0xA00, s18;
	s4 =	sadd.s32 $0x4A200, s0  }
0x9: {  	s5 =	sadd.s32 $0xF200, s0;
	s9 =	sand.u32 $0x1, s6;
	s10 =	smul.u32 $0x5000, s18  }
0xa: {  	p1 =	seq.s32 s18, $0xF;
	s18 =	simm.s32 $0x4400;
	_ =	strace $0x8000004D  }
0xb: {  	s6 =	ssub.s32 $0x2, s9;
	s11 =	smul.u32 $0x4E200, s9;
	p0 =	seq.s32 s9, $0x1  }
0xc: {  	s1 =	sadd.s32 s1, s0;
	s0 =	sadd.s32 $0x54000, s0;
	s7 =	sshrl.u32 s6, $0x1  }
.Ltmp0:
0xd: {  	s8 =	sadd.s32 s10, s2;
	s12 =	ssub.s32 s6, s7;
	(pc) =	sbr.rel .LBB2_1-.Ltmp0, $4  }
0xe: {  	s6 =	sadd.s32 $0x19000, s1;
	s28 =	sadd.s32 s10, s11;
	s29 =	sshrl.u32 s11, $0x3  }
0xf: {  	s7 =	sadd.s32 $0x5200, s1;
	s1 =	sshrl.u32 s28, $0x3;
	s10 =	sadd.s32 s0, s29  }
0x10: {  	s11 =	smax.u32 s12, $0x1;
	s12 =	simm.s32 $0x2;
	s9 =	sadd.s32 s0, s1  }
0x11: {  	v0 =	vimm.f32 $0.0e+00;
	s10 =	sadd.s32 $0x9600, s10;
	s0 =	simm.s32 $0x4000;
	s1 =	simm.s32 $0x8C00  }
.LBB2_5:
0x12: {  	[tilespmem:s14], [sflag:$0x1] =	stream.indirect.gather [hbm4b:s5+s15], $0x20, s3, s15, $0xb8;
	[tilespmem:$0x1F000] =	vst v63  }
0x13: {  	_ =	swait.ge [sflag:s16], $0x8000  }
0x14: {  	[sflag:s16] =	ssyncset.done $0x0  }
0x15: {  	[sflag:s16] =	ssyncadd.s32 $0xFFFF8000  }
0x16: {  	[tilespmem:s17], [sflag:$0x1] =	stream.indirect.gather [hbm4b:s5+s15], $0x20, s15, s15, $0xb8;
	[tilespmem:$0x1F000] =	vst v63  }
0x17: {  	_ = 	snop  }
0x18: {  	[spmem:s2] =	stream.indirect.scatter.add.f32 [tilespmem:s14], [sflag:$0x2], $0x20, s13, s15, $0xb8;
	[tilespmem:$0x1F000] =	vst v63  }
0x19: {  	_ =	swait.ge [sflag:s12], $0x8000  }
0x1a: {  	[sflag:s12] =	ssyncset.done $0x0  }
0x1b: {  	[sflag:s12] =	ssyncadd.s32 $0xFFFF8000  }
0x1c: {  	_ =	swait.ge [sflag:s16], $0x8000  }
0x1d: {  	[sflag:s16] =	ssyncset.done $0x0  }
0x1e: {  	s26 =	simm.s32 $0x800;
	[sflag:s16] =	ssyncadd.s32 $0xFFFF8000  }
0x1f: {  	[tilespmem:s14], [sflag:$0x1] =	stream.indirect.gather [hbm4b:s5+s15], $0x20, s26, s15, $0xb8;
	[tilespmem:$0x1F000] =	vst v63  }
0x20: {  	s29 =	simm.s32 $0x5400  }
0x21: {  	[spmem:s2] =	stream.indirect.scatter.add.f32 [tilespmem:s17], [sflag:$0x2], $0x20, s29, s15, $0xb8;
	[tilespmem:$0x1F000] =	vst v63  }
0x22: {  	_ =	swait.ge [sflag:s12], $0x8000  }
0x23: {  	[sflag:s12] =	ssyncset.done $0x0  }
0x24: {  	[sflag:s12] =	ssyncadd.s32 $0xFFFF8000  }
0x25: {  	_ =	swait.ge [sflag:s16], $0x8000  }
0x26: {  	[sflag:s16] =	ssyncset.done $0x0  }
0x27: {  	s28 =	simm.s32 $0xC00;
	[sflag:s16] =	ssyncadd.s32 $0xFFFF8000  }
0x28: {  	[tilespmem:s17], [sflag:$0x1] =	stream.indirect.gather [hbm4b:s5+s15], $0x20, s28, s15, $0xb8;
	[tilespmem:$0x1F000] =	vst v63  }
0x29: {  	s29 =	simm.s32 $0x5800  }
0x2a: {  	[spmem:s2] =	stream.indirect.scatter.add.f32 [tilespmem:s14], [sflag:$0x2], $0x20, s29, s15, $0xb8;
	[tilespmem:$0x1F000] =	vst v63  }
0x2b: {  	_ =	swait.ge [sflag:s12], $0x8000  }
0x2c: {  	[sflag:s12] =	ssyncset.done $0x0  }
0x2d: {  	[sflag:s12] =	ssyncadd.s32 $0xFFFF8000  }
0x2e: {  	_ =	swait.ge [sflag:s16], $0x8000  }
0x2f: {  	[sflag:s16] =	ssyncset.done $0x0  }
0x30: {  	s28 =	simm.s32 $0x1000;
	[sflag:s16] =	ssyncadd.s32 $0xFFFF8000  }
0x31: {  	[tilespmem:s14], [sflag:$0x1] =	stream.indirect.gather [hbm4b:s5+s15], $0x20, s28, s15, $0xb8;
	[tilespmem:$0x1F000] =	vst v63  }
0x32: {  	s29 =	simm.s32 $0x5C00  }
0x33: {  	[spmem:s2] =	stream.indirect.scatter.add.f32 [tilespmem:s17], [sflag:$0x2], $0x20, s29, s15, $0xb8;
	[tilespmem:$0x1F000] =	vst v63  }
0x34: {  	_ =	swait.ge [sflag:s12], $0x8000  }
0x35: {  	[sflag:s12] =	ssyncset.done $0x0  }
0x36: {  	[sflag:s12] =	ssyncadd.s32 $0xFFFF8000  }
0x37: {  	_ =	swait.ge [sflag:s16], $0x8000  }
0x38: {  	[sflag:s16] =	ssyncset.done $0x0  }
0x39: {  	s28 =	simm.s32 $0x1400;
	[sflag:s16] =	ssyncadd.s32 $0xFFFF8000  }
0x3a: {  	[tilespmem:s17], [sflag:$0x1] =	stream.indirect.gather [hbm4b:s5+s15], $0x20, s28, s15, $0xb8;
	[tilespmem:$0x1F000] =	vst v63  }
0x3b: {  	s29 =	simm.s32 $0x6000  }
0x3c: {  	[spmem:s2] =	stream.indirect.scatter.add.f32 [tilespmem:s14], [sflag:$0x2], $0x20, s29, s15, $0xb8;
	[tilespmem:$0x1F000] =	vst v63  }
0x3d: {  	_ =	swait.ge [sflag:s12], $0x8000  }
0x3e: {  	[sflag:s12] =	ssyncset.done $0x0  }
0x3f: {  	[sflag:s12] =	ssyncadd.s32 $0xFFFF8000  }
0x40: {  	_ =	swait.ge [sflag:s16], $0x8000  }
0x41: {  	[sflag:s16] =	ssyncset.done $0x0  }
0x42: {  	s28 =	simm.s32 $0x1800;
	[sflag:s16] =	ssyncadd.s32 $0xFFFF8000  }
0x43: {  	[tilespmem:s14], [sflag:$0x1] =	stream.indirect.gather [hbm4b:s5+s15], $0x20, s28, s15, $0xb8;
	[tilespmem:$0x1F000] =	vst v63  }
0x44: {  	s29 =	simm.s32 $0x6400  }
0x45: {  	[spmem:s2] =	stream.indirect.scatter.add.f32 [tilespmem:s17], [sflag:$0x2], $0x20, s29, s15, $0xb8;
	[tilespmem:$0x1F000] =	vst v63  }
0x46: {  	_ =	swait.ge [sflag:s12], $0x8000  }
0x47: {  	[sflag:s12] =	ssyncset.done $0x0  }
0x48: {  	[sflag:s12] =	ssyncadd.s32 $0xFFFF8000  }
0x49: {  	_ =	swait.ge [sflag:s16], $0x8000  }
0x4a: {  	[sflag:s16] =	ssyncset.done $0x0  }
0x4b: {  	s28 =	simm.s32 $0x1C00;
	[sflag:s16] =	ssyncadd.s32 $0xFFFF8000  }
0x4c: {  	[tilespmem:s17], [sflag:$0x1] =	stream.indirect.gather [hbm4b:s5+s15], $0x20, s28, s15, $0xb8;
	[tilespmem:$0x1F000] =	vst v63  }
0x4d: {  	s29 =	simm.s32 $0x6800  }
0x4e: {  	[spmem:s2] =	stream.indirect.scatter.add.f32 [tilespmem:s14], [sflag:$0x2], $0x20, s29, s15, $0xb8;
	[tilespmem:$0x1F000] =	vst v63  }
0x4f: {  	_ =	swait.ge [sflag:s12], $0x8000  }
0x50: {  	[sflag:s12] =	ssyncset.done $0x0  }
0x51: {  	[sflag:s12] =	ssyncadd.s32 $0xFFFF8000  }
0x52: {  	_ =	swait.ge [sflag:s16], $0x8000  }
0x53: {  	[sflag:s16] =	ssyncset.done $0x0  }
0x54: {  	s28 =	simm.s32 $0x2000;
	[sflag:s16] =	ssyncadd.s32 $0xFFFF8000  }
0x55: {  	[tilespmem:s14], [sflag:$0x1] =	stream.indirect.gather [hbm4b:s5+s15], $0x20, s28, s15, $0xb8;
	[tilespmem:$0x1F000] =	vst v63  }
0x56: {  	s29 =	simm.s32 $0x6C00  }
0x57: {  	[spmem:s2] =	stream.indirect.scatter.add.f32 [tilespmem:s17], [sflag:$0x2], $0x20, s29, s15, $0xb8;
	[tilespmem:$0x1F000] =	vst v63  }
0x58: {  	_ =	swait.ge [sflag:s12], $0x8000  }
0x59: {  	[sflag:s12] =	ssyncset.done $0x0  }
0x5a: {  	[sflag:s12] =	ssyncadd.s32 $0xFFFF8000  }
0x5b: {  	_ =	swait.ge [sflag:s16], $0x8000  }
0x5c: {  	[sflag:s16] =	ssyncset.done $0x0  }
0x5d: {  	s28 =	simm.s32 $0x2400;
	[sflag:s16] =	ssyncadd.s32 $0xFFFF8000  }
0x5e: {  	[tilespmem:s17], [sflag:$0x1] =	stream.indirect.gather [hbm4b:s5+s15], $0x20, s28, s15, $0xb8;
	[tilespmem:$0x1F000] =	vst v63  }
0x5f: {  	s29 =	simm.s32 $0x7000  }
0x60: {  	[spmem:s2] =	stream.indirect.scatter.add.f32 [tilespmem:s14], [sflag:$0x2], $0x20, s29, s15, $0xb8;
	[tilespmem:$0x1F000] =	vst v63  }
0x61: {  	_ =	swait.ge [sflag:s12], $0x8000  }
0x62: {  	[sflag:s12] =	ssyncset.done $0x0  }
0x63: {  	[sflag:s12] =	ssyncadd.s32 $0xFFFF8000  }
0x64: {  	_ =	swait.ge [sflag:s16], $0x8000  }
0x65: {  	[sflag:s16] =	ssyncset.done $0x0  }
0x66: {  	s28 =	simm.s32 $0x2800;
	[sflag:s16] =	ssyncadd.s32 $0xFFFF8000  }
0x67: {  	[tilespmem:s14], [sflag:$0x1] =	stream.indirect.gather [hbm4b:s5+s15], $0x20, s28, s15, $0xb8;
	[tilespmem:$0x1F000] =	vst v63  }
0x68: {  	s29 =	simm.s32 $0x7400  }
0x69: {  	[spmem:s2] =	stream.indirect.scatter.add.f32 [tilespmem:s17], [sflag:$0x2], $0x20, s29, s15, $0xb8;
	[tilespmem:$0x1F000] =	vst v63  }
0x6a: {  	_ =	swait.ge [sflag:s12], $0x8000  }
0x6b: {  	[sflag:s12] =	ssyncset.done $0x0  }
0x6c: {  	[sflag:s12] =	ssyncadd.s32 $0xFFFF8000  }
0x6d: {  	_ =	swait.ge [sflag:s16], $0x8000  }
0x6e: {  	[sflag:s16] =	ssyncset.done $0x0  }
0x6f: {  	s28 =	simm.s32 $0x2C00;
	[sflag:s16] =	ssyncadd.s32 $0xFFFF8000  }
0x70: {  	[tilespmem:s17], [sflag:$0x1] =	stream.indirect.gather [hbm4b:s5+s15], $0x20, s28, s15, $0xb8;
	[tilespmem:$0x1F000] =	vst v63  }
0x71: {  	s29 =	simm.s32 $0x7800  }
0x72: {  	[spmem:s2] =	stream.indirect.scatter.add.f32 [tilespmem:s14], [sflag:$0x2], $0x20, s29, s15, $0xb8;
	[tilespmem:$0x1F000] =	vst v63  }
0x73: {  	_ =	swait.ge [sflag:s12], $0x8000  }
0x74: {  	[sflag:s12] =	ssyncset.done $0x0  }
0x75: {  	[sflag:s12] =	ssyncadd.s32 $0xFFFF8000  }
0x76: {  	_ =	swait.ge [sflag:s16], $0x8000  }
0x77: {  	[sflag:s16] =	ssyncset.done $0x0  }
0x78: {  	s28 =	simm.s32 $0x3000;
	[sflag:s16] =	ssyncadd.s32 $0xFFFF8000  }
0x79: {  	[tilespmem:s14], [sflag:$0x1] =	stream.indirect.gather [hbm4b:s5+s15], $0x20, s28, s15, $0xb8;
	[tilespmem:$0x1F000] =	vst v63  }
0x7a: {  	s29 =	simm.s32 $0x7C00  }
0x7b: {  	[spmem:s2] =	stream.indirect.scatter.add.f32 [tilespmem:s17], [sflag:$0x2], $0x20, s29, s15, $0xb8;
	[tilespmem:$0x1F000] =	vst v63  }
0x7c: {  	_ =	swait.ge [sflag:s12], $0x8000  }
0x7d: {  	[sflag:s12] =	ssyncset.done $0x0  }
0x7e: {  	[sflag:s12] =	ssyncadd.s32 $0xFFFF8000  }
0x7f: {  	_ =	swait.ge [sflag:s16], $0x8000  }
0x80: {  	[sflag:s16] =	ssyncset.done $0x0  }
0x81: {  	s28 =	simm.s32 $0x3400;
	[sflag:s16] =	ssyncadd.s32 $0xFFFF8000  }
0x82: {  	[tilespmem:s17], [sflag:$0x1] =	stream.indirect.gather [hbm4b:s5+s15], $0x20, s28, s15, $0xb8;
	[tilespmem:$0x1F000] =	vst v63  }
0x83: {  	s29 =	simm.s32 $0x8000  }
0x84: {  	[spmem:s2] =	stream.indirect.scatter.add.f32 [tilespmem:s14], [sflag:$0x2], $0x20, s29, s15, $0xb8;
	[tilespmem:$0x1F000] =	vst v63  }
0x85: {  	_ =	swait.ge [sflag:s12], $0x8000  }
0x86: {  	[sflag:s12] =	ssyncset.done $0x0  }
0x87: {  	[sflag:s12] =	ssyncadd.s32 $0xFFFF8000  }
0x88: {  	_ =	swait.ge [sflag:s16], $0x8000  }
0x89: {  	[sflag:s16] =	ssyncset.done $0x0  }
0x8a: {  	s28 =	simm.s32 $0x3800;
	[sflag:s16] =	ssyncadd.s32 $0xFFFF8000  }
0x8b: {  	[tilespmem:s14], [sflag:$0x1] =	stream.indirect.gather [hbm4b:s5+s15], $0x20, s28, s15, $0xb8;
	[tilespmem:$0x1F000] =	vst v63  }
0x8c: {  	s29 =	simm.s32 $0x8400  }
0x8d: {  	[spmem:s2] =	stream.indirect.scatter.add.f32 [tilespmem:s17], [sflag:$0x2], $0x20, s29, s15, $0xb8;
	[tilespmem:$0x1F000] =	vst v63  }
0x8e: {  	_ =	swait.ge [sflag:s12], $0x8000  }
0x8f: {  	[sflag:s12] =	ssyncset.done $0x0  }
0x90: {  	[sflag:s12] =	ssyncadd.s32 $0xFFFF8000  }
0x91: {  	_ =	swait.ge [sflag:s16], $0x8000  }
0x92: {  	[sflag:s16] =	ssyncset.done $0x0  }
0x93: {  	[sflag:s16] =	ssyncadd.s32 $0xFFFF8000  }
0x94: {  	[tilespmem:s17], [sflag:$0x1] =	stream.indirect.gather [hbm4b:s5+s15], $0x20, s30, s15, $0xb8;
	[tilespmem:$0x1F000] =	vst v63  }
0x95: {  	_ = 	snop  }
0x96: {  	[spmem:s2] =	stream.indirect.scatter.add.f32 [tilespmem:s14], [sflag:$0x2], $0x20, s31, s15, $0xb8;
	[tilespmem:$0x1F000] =	vst v63  }
0x97: {  	_ =	swait.ge [sflag:s12], $0x8000  }
0x98: {  	[sflag:s12] =	ssyncset.done $0x0  }
0x99: {  	[sflag:s12] =	ssyncadd.s32 $0xFFFF8000  }
0x9a: {  	_ =	swait.ge [sflag:s16], $0x8000  }
0x9b: {  	[sflag:s16] =	ssyncset.done $0x0  }
0x9c: {  	[sflag:s16] =	ssyncadd.s32 $0xFFFF8000  }
0x9d: {  	[tilespmem:s14], [sflag:$0x1] =	stream.indirect.gather [hbm4b:s5+s15], $0x20, s0, s15, $0xb8;
	[tilespmem:$0x1F000] =	vst v63  }
0x9e: {  	_ = 	snop  }
0x9f: {  	[spmem:s2] =	stream.indirect.scatter.add.f32 [tilespmem:s17], [sflag:$0x2], $0x20, s1, s15, $0xb8;
	[tilespmem:$0x1F000] =	vst v63  }
0xa0: {  	_ =	swait.ge [sflag:s12], $0x8000  }
0xa1: {  	[sflag:s12] =	ssyncset.done $0x0  }
0xa2: {  	[sflag:s12] =	ssyncadd.s32 $0xFFFF8000  }
0xa3: {  	_ =	swait.ge [sflag:s16], $0x8000  }
0xa4: {  	[sflag:s16] =	ssyncset.done $0x0  }
0xa5: {  	[sflag:s16] =	ssyncadd.s32 $0xFFFF8000  }
0xa6: {  	[tilespmem:s17], [sflag:$0x1] =	stream.indirect.gather [hbm4b:s5+s15], $0x20, s18, s15, $0xb8;
	[tilespmem:$0x1F000] =	vst v63  }
0xa7: {  	_ = 	snop  }
0xa8: {  	[spmem:s2] =	stream.indirect.scatter.add.f32 [tilespmem:s14], [sflag:$0x2], $0x20, s19, s15, $0xb8;
	[tilespmem:$0x1F000] =	vst v63  }
0xa9: {  	_ =	swait.ge [sflag:s12], $0x8000  }
0xaa: {  	[sflag:s12] =	ssyncset.done $0x0  }
0xab: {  	[sflag:s12] =	ssyncadd.s32 $0xFFFF8000  }
0xac: {  	_ =	swait.ge [sflag:s16], $0x8000  }
0xad: {  	[sflag:s16] =	ssyncset.done $0x0  }
0xae: {  	[sflag:s16] =	ssyncadd.s32 $0xFFFF8000  }
0xaf: {  	[tilespmem:s14], [sflag:$0x1] =	stream.indirect.gather [hbm4b:s5+s15], $0x20, s20, s15, $0xb8;
	[tilespmem:$0x1F000] =	vst v63  }
0xb0: {  	_ = 	snop  }
0xb1: {  	[spmem:s2] =	stream.indirect.scatter.add.f32 [tilespmem:s17], [sflag:$0x2], $0x20, s21, s15, $0xb8;
	[tilespmem:$0x1F000] =	vst v63  }
0xb2: {  	_ =	swait.ge [sflag:s12], $0x8000  }
0xb3: {  	[sflag:s12] =	ssyncset.done $0x0  }
0xb4: {  	[sflag:s12] =	ssyncadd.s32 $0xFFFF8000  }
0xb5: {  	_ =	swait.ge [sflag:s16], $0x8000  }
0xb6: {  	[sflag:s16] =	ssyncset.done $0x0  }
0xb7: {  	[sflag:s16] =	ssyncadd.s32 $0xFFFF8000  }
0xb8: {  	[tilespmem:s17], [sflag:$0x1] =	stream.indirect.gather [hbm4b:s5+s15], $0x20, s22, s15, $0xb8;
	[tilespmem:$0x1F000] =	vst v63  }
.LBB2_6:
0xb9: {  	[spmem:s2] =	stream.indirect.scatter.add.f32 [tilespmem:s14], [sflag:$0x2], $0x20, s23, s15, $0xb8;
	[tilespmem:$0x1F000] =	vst v63  }
0xba: {  	_ =	swait.ge [sflag:s12], $0x8000  }
0xbb: {  	[sflag:s12] =	ssyncset.done $0x0  }
0xbc: {  	[sflag:s12] =	ssyncadd.s32 $0xFFFF8000  }
0xbd: {  	_ =	swait.ge [sflag:s16], $0x8000  }
0xbe: {  	[sflag:s16] =	ssyncset.done $0x0  }
0xbf: {  	[sflag:s16] =	ssyncadd.s32 $0xFFFF8000  }
0xc0: {  	[spmem:s2] =	stream.indirect.scatter.add.f32 [tilespmem:s17], [sflag:$0x2], $0x20, s24, s15, $0xb8;
	[tilespmem:$0x1F000] =	vst v63  }
0xc1: {  	_ =	swait.ge [sflag:s12], $0x8000  }
0xc2: {  	[sflag:s12] =	ssyncset.done $0x0  }
0xc3: {  	[sflag:s12] =	ssyncadd.s32 $0xFFFF8000  }
0xc4: {  	s26 =	simm.s32 @p1 $0xA000;
	s28 =	simm.s32 @p1 $0x2;
	[bflag:$0x0] =	sbarrier.arrive $0xFFFF  }
0xc5: {  	[tilespmem:s26], [sflag:$0x2] =	stream.linear.gather @p1 [spmem:s8], $0x3200, $0x38;
	[tilespmem:$0x1F000] =	vst v63  }
0xc6: {  	_ =	swait.ge @p1 [sflag:s28], $0x3200  }
0xc7: {  	[sflag:s28] =	ssyncset.done @p1 $0x0  }
0xc8: {  	s29 =	simm.s32 @p1 $0x0;
	[sflag:s28] =	ssyncadd.s32 @p1 $0xFFFFCE00  }
0xc9: {  	[hbm4b:s10+s29] =	stream.linear.scatter @p1 [tilespmem:s26], [sflag:$0x2], $0x3200, $0x38;
	[tilespmem:$0x1F000] =	vst v63  }
0xca: {  	_ =	swait.ge @p1 [sflag:s28], $0x3200  }
0xcb: {  	[sflag:s28] =	ssyncset.done @p1 $0x0  }
0xcc: {  	s26 =	simm.s32 @!p1 $0xA000;
	[sflag:s28] =	ssyncadd.s32 @p1 $0xFFFFCE00;
	s28 =	simm.s32 @!p1 $0x2  }
0xcd: {  	[tilespmem:s26], [sflag:$0x2] =	stream.linear.gather @!p1 [spmem:s8], $0x5000, $0x38;
	[tilespmem:$0x1F000] =	vst v63  }
0xce: {  	s25 =	sadd.s32 $0x1, s25;
	_ =	swait.ge @!p1 [sflag:s28], $0x5000  }
0xcf: {  	p2 =	sne.s32 s25, s11;
	[sflag:s28] =	ssyncset.done @!p1 $0x0  }
.Ltmp1:
0xd0: {  	s29 =	simm.s32 @!p1 $0x0;
	[sflag:s28] =	ssyncadd.s32 @!p1 $0xFFFFB000;
	(pc) =	sbr.rel @!p2 .LBB2_7-.Ltmp1, $4  }
0xd1: {  	[hbm4b:s9+s29] =	stream.linear.scatter @!p1 [tilespmem:s26], [sflag:$0x2], $0x5000, $0x38;
	[tilespmem:$0x1F000] =	vst v63  }
0xd2: {  	_ =	swait.ge @!p1 [sflag:s28], $0x5000  }
0xd3: {  	[sflag:s28] =	ssyncset.done @!p1 $0x0  }
0xd4: {  	[sflag:s28] =	ssyncadd.s32 @!p1 $0xFFFFB000  }
.LBB2_1:
0xd5: {  	[tilespmem:s3], [sflag:$0x2] =	stream.linear.gather [hbm4b:s6+s3], $0x5000, $0x38;
	[tilespmem:$0x1F000] =	vst v63  }
0xd6: {  	_ =	swait.ge [sflag:s12], $0x5000  }
0xd7: {  	[sflag:s12] =	ssyncset.done $0x0  }
0xd8: {  	[sflag:s12] =	ssyncadd.s32 $0xFFFFB000  }
0xd9: {  	[tilespmem:s13], [sflag:$0x2] =	stream.linear.gather [hbm4b:s7+s3], $0x5000, $0x38;
	[tilespmem:$0x1F000] =	vst v63  }
0xda: {  	_ =	swait.ge [sflag:s12], $0x5000  }
0xdb: {  	[sflag:s12] =	ssyncset.done $0x0  }
0xdc: {  	s26 =	simm.s32 $0x80;
	s28 =	simm.s32 $0x0;
	[sflag:s12] =	ssyncadd.s32 $0xFFFFB000  }
.LBB2_2:
0xdd: {  	p2 =	sne.s32 s26, $0x13F80;
	[tilespmem:s28+$0xA000] =	vst v0;
	s29 =	smov.u32 s26;
	s26 =	sadd.s32 $0x80, s26  }
.Ltmp2:
0xde: {  	[tilespmem:s28+$0xA010] =	vst v0;
	(pc) =	sbr.rel @p2 .LBB2_2-.Ltmp2, $2  }
0xdf: {  	_ =	sdelay $0x2  }
0xe0: {  	s28 =	sshra.s32 s29, $0x2  }
0xe1: {  	[tilespmem:s28+$0xA000] =	vst v0  }
0xe2: {  	[tilespmem:s28+$0xA010] =	vst v0  }
0xe3: {  	[spmem:s8] =	stream.linear.scatter [tilespmem:s14], [sflag:$0x2], $0x5000, $0x38;
	[tilespmem:$0x1F000] =	vst v63  }
.Ltmp3:
0xe4: {  	_ =	swait.ge [sflag:s12], $0x5000;
	(pc) =	sbr.rel @p0 .LBB2_5-.Ltmp3, $3  }
0xe5: {  	[sflag:s12] =	ssyncset.done $0x0  }
0xe6: {  	[sflag:s12] =	ssyncadd.s32 $0xFFFFB000  }
0xe7: {  	[bflag:$0x0] =	sbarrier.arrive $0xFFFF;
	_ =	sdelay $0x1  }
0xe8: {  	[tilespmem:s14], [sflag:$0x1] =	stream.indirect.gather [hbm4b:s4+s15], $0x20, s3, s15, $0xb8;
	[tilespmem:$0x1F000] =	vst v63  }
0xe9: {  	_ =	swait.ge [sflag:s16], $0x8000  }
0xea: {  	[sflag:s16] =	ssyncset.done $0x0  }
0xeb: {  	[sflag:s16] =	ssyncadd.s32 $0xFFFF8000  }
0xec: {  	[tilespmem:s17], [sflag:$0x1] =	stream.indirect.gather [hbm4b:s4+s15], $0x20, s15, s15, $0xb8;
	[tilespmem:$0x1F000] =	vst v63  }
0xed: {  	_ = 	snop  }
0xee: {  	[spmem:s2] =	stream.indirect.scatter.add.f32 [tilespmem:s14], [sflag:$0x2], $0x20, s13, s15, $0xb8;
	[tilespmem:$0x1F000] =	vst v63  }
0xef: {  	_ =	swait.ge [sflag:s12], $0x8000  }
0xf0: {  	[sflag:s12] =	ssyncset.done $0x0  }
0xf1: {  	[sflag:s12] =	ssyncadd.s32 $0xFFFF8000  }
0xf2: {  	_ =	swait.ge [sflag:s16], $0x8000  }
0xf3: {  	[sflag:s16] =	ssyncset.done $0x0  }
0xf4: {  	s26 =	simm.s32 $0x800;
	[sflag:s16] =	ssyncadd.s32 $0xFFFF8000  }
0xf5: {  	[tilespmem:s14], [sflag:$0x1] =	stream.indirect.gather [hbm4b:s4+s15], $0x20, s26, s15, $0xb8;
	[tilespmem:$0x1F000] =	vst v63  }
0xf6: {  	s29 =	simm.s32 $0x5400  }
0xf7: {  	[spmem:s2] =	stream.indirect.scatter.add.f32 [tilespmem:s17], [sflag:$0x2], $0x20, s29, s15, $0xb8;
	[tilespmem:$0x1F000] =	vst v63  }
0xf8: {  	_ =	swait.ge [sflag:s12], $0x8000  }
0xf9: {  	[sflag:s12] =	ssyncset.done $0x0  }
0xfa: {  	[sflag:s12] =	ssyncadd.s32 $0xFFFF8000  }
0xfb: {  	_ =	swait.ge [sflag:s16], $0x8000  }
0xfc: {  	[sflag:s16] =	ssyncset.done $0x0  }
0xfd: {  	s28 =	simm.s32 $0xC00;
	[sflag:s16] =	ssyncadd.s32 $0xFFFF8000  }
0xfe: {  	[tilespmem:s17], [sflag:$0x1] =	stream.indirect.gather [hbm4b:s4+s15], $0x20, s28, s15, $0xb8;
	[tilespmem:$0x1F000] =	vst v63  }
0xff: {  	s29 =	simm.s32 $0x5800  }
0x100: {  	[spmem:s2] =	stream.indirect.scatter.add.f32 [tilespmem:s14], [sflag:$0x2], $0x20, s29, s15, $0xb8;
	[tilespmem:$0x1F000] =	vst v63  }
0x101: {  	_ =	swait.ge [sflag:s12], $0x8000  }
0x102: {  	[sflag:s12] =	ssyncset.done $0x0  }
0x103: {  	[sflag:s12] =	ssyncadd.s32 $0xFFFF8000  }
0x104: {  	_ =	swait.ge [sflag:s16], $0x8000  }
0x105: {  	[sflag:s16] =	ssyncset.done $0x0  }
0x106: {  	s28 =	simm.s32 $0x1000;
	[sflag:s16] =	ssyncadd.s32 $0xFFFF8000  }
0x107: {  	[tilespmem:s14], [sflag:$0x1] =	stream.indirect.gather [hbm4b:s4+s15], $0x20, s28, s15, $0xb8;
	[tilespmem:$0x1F000] =	vst v63  }
0x108: {  	s29 =	simm.s32 $0x5C00  }
0x109: {  	[spmem:s2] =	stream.indirect.scatter.add.f32 [tilespmem:s17], [sflag:$0x2], $0x20, s29, s15, $0xb8;
	[tilespmem:$0x1F000] =	vst v63  }
0x10a: {  	_ =	swait.ge [sflag:s12], $0x8000  }
0x10b: {  	[sflag:s12] =	ssyncset.done $0x0  }
0x10c: {  	[sflag:s12] =	ssyncadd.s32 $0xFFFF8000  }
0x10d: {  	_ =	swait.ge [sflag:s16], $0x8000  }
0x10e: {  	[sflag:s16] =	ssyncset.done $0x0  }
0x10f: {  	s28 =	simm.s32 $0x1400;
	[sflag:s16] =	ssyncadd.s32 $0xFFFF8000  }
0x110: {  	[tilespmem:s17], [sflag:$0x1] =	stream.indirect.gather [hbm4b:s4+s15], $0x20, s28, s15, $0xb8;
	[tilespmem:$0x1F000] =	vst v63  }
0x111: {  	s29 =	simm.s32 $0x6000  }
0x112: {  	[spmem:s2] =	stream.indirect.scatter.add.f32 [tilespmem:s14], [sflag:$0x2], $0x20, s29, s15, $0xb8;
	[tilespmem:$0x1F000] =	vst v63  }
0x113: {  	_ =	swait.ge [sflag:s12], $0x8000  }
0x114: {  	[sflag:s12] =	ssyncset.done $0x0  }
0x115: {  	[sflag:s12] =	ssyncadd.s32 $0xFFFF8000  }
0x116: {  	_ =	swait.ge [sflag:s16], $0x8000  }
0x117: {  	[sflag:s16] =	ssyncset.done $0x0  }
0x118: {  	s28 =	simm.s32 $0x1800;
	[sflag:s16] =	ssyncadd.s32 $0xFFFF8000  }
0x119: {  	[tilespmem:s14], [sflag:$0x1] =	stream.indirect.gather [hbm4b:s4+s15], $0x20, s28, s15, $0xb8;
	[tilespmem:$0x1F000] =	vst v63  }
0x11a: {  	s29 =	simm.s32 $0x6400  }
0x11b: {  	[spmem:s2] =	stream.indirect.scatter.add.f32 [tilespmem:s17], [sflag:$0x2], $0x20, s29, s15, $0xb8;
	[tilespmem:$0x1F000] =	vst v63  }
0x11c: {  	_ =	swait.ge [sflag:s12], $0x8000  }
0x11d: {  	[sflag:s12] =	ssyncset.done $0x0  }
0x11e: {  	[sflag:s12] =	ssyncadd.s32 $0xFFFF8000  }
0x11f: {  	_ =	swait.ge [sflag:s16], $0x8000  }
0x120: {  	[sflag:s16] =	ssyncset.done $0x0  }
0x121: {  	s28 =	simm.s32 $0x1C00;
	[sflag:s16] =	ssyncadd.s32 $0xFFFF8000  }
0x122: {  	[tilespmem:s17], [sflag:$0x1] =	stream.indirect.gather [hbm4b:s4+s15], $0x20, s28, s15, $0xb8;
	[tilespmem:$0x1F000] =	vst v63  }
0x123: {  	s29 =	simm.s32 $0x6800  }
0x124: {  	[spmem:s2] =	stream.indirect.scatter.add.f32 [tilespmem:s14], [sflag:$0x2], $0x20, s29, s15, $0xb8;
	[tilespmem:$0x1F000] =	vst v63  }
0x125: {  	_ =	swait.ge [sflag:s12], $0x8000  }
0x126: {  	[sflag:s12] =	ssyncset.done $0x0  }
0x127: {  	[sflag:s12] =	ssyncadd.s32 $0xFFFF8000  }
0x128: {  	_ =	swait.ge [sflag:s16], $0x8000  }
0x129: {  	[sflag:s16] =	ssyncset.done $0x0  }
0x12a: {  	s28 =	simm.s32 $0x2000;
	[sflag:s16] =	ssyncadd.s32 $0xFFFF8000  }
0x12b: {  	[tilespmem:s14], [sflag:$0x1] =	stream.indirect.gather [hbm4b:s4+s15], $0x20, s28, s15, $0xb8;
	[tilespmem:$0x1F000] =	vst v63  }
0x12c: {  	s29 =	simm.s32 $0x6C00  }
0x12d: {  	[spmem:s2] =	stream.indirect.scatter.add.f32 [tilespmem:s17], [sflag:$0x2], $0x20, s29, s15, $0xb8;
	[tilespmem:$0x1F000] =	vst v63  }
0x12e: {  	_ =	swait.ge [sflag:s12], $0x8000  }
0x12f: {  	[sflag:s12] =	ssyncset.done $0x0  }
0x130: {  	[sflag:s12] =	ssyncadd.s32 $0xFFFF8000  }
0x131: {  	_ =	swait.ge [sflag:s16], $0x8000  }
0x132: {  	[sflag:s16] =	ssyncset.done $0x0  }
0x133: {  	s28 =	simm.s32 $0x2400;
	[sflag:s16] =	ssyncadd.s32 $0xFFFF8000  }
0x134: {  	[tilespmem:s17], [sflag:$0x1] =	stream.indirect.gather [hbm4b:s4+s15], $0x20, s28, s15, $0xb8;
	[tilespmem:$0x1F000] =	vst v63  }
0x135: {  	s29 =	simm.s32 $0x7000  }
0x136: {  	[spmem:s2] =	stream.indirect.scatter.add.f32 [tilespmem:s14], [sflag:$0x2], $0x20, s29, s15, $0xb8;
	[tilespmem:$0x1F000] =	vst v63  }
0x137: {  	_ =	swait.ge [sflag:s12], $0x8000  }
0x138: {  	[sflag:s12] =	ssyncset.done $0x0  }
0x139: {  	[sflag:s12] =	ssyncadd.s32 $0xFFFF8000  }
0x13a: {  	_ =	swait.ge [sflag:s16], $0x8000  }
0x13b: {  	[sflag:s16] =	ssyncset.done $0x0  }
0x13c: {  	s28 =	simm.s32 $0x2800;
	[sflag:s16] =	ssyncadd.s32 $0xFFFF8000  }
0x13d: {  	[tilespmem:s14], [sflag:$0x1] =	stream.indirect.gather [hbm4b:s4+s15], $0x20, s28, s15, $0xb8;
	[tilespmem:$0x1F000] =	vst v63  }
0x13e: {  	s29 =	simm.s32 $0x7400  }
0x13f: {  	[spmem:s2] =	stream.indirect.scatter.add.f32 [tilespmem:s17], [sflag:$0x2], $0x20, s29, s15, $0xb8;
	[tilespmem:$0x1F000] =	vst v63  }
0x140: {  	_ =	swait.ge [sflag:s12], $0x8000  }
0x141: {  	[sflag:s12] =	ssyncset.done $0x0  }
0x142: {  	[sflag:s12] =	ssyncadd.s32 $0xFFFF8000  }
0x143: {  	_ =	swait.ge [sflag:s16], $0x8000  }
0x144: {  	[sflag:s16] =	ssyncset.done $0x0  }
0x145: {  	s28 =	simm.s32 $0x2C00;
	[sflag:s16] =	ssyncadd.s32 $0xFFFF8000  }
0x146: {  	[tilespmem:s17], [sflag:$0x1] =	stream.indirect.gather [hbm4b:s4+s15], $0x20, s28, s15, $0xb8;
	[tilespmem:$0x1F000] =	vst v63  }
0x147: {  	s29 =	simm.s32 $0x7800  }
0x148: {  	[spmem:s2] =	stream.indirect.scatter.add.f32 [tilespmem:s14], [sflag:$0x2], $0x20, s29, s15, $0xb8;
	[tilespmem:$0x1F000] =	vst v63  }
0x149: {  	_ =	swait.ge [sflag:s12], $0x8000  }
0x14a: {  	[sflag:s12] =	ssyncset.done $0x0  }
0x14b: {  	[sflag:s12] =	ssyncadd.s32 $0xFFFF8000  }
0x14c: {  	_ =	swait.ge [sflag:s16], $0x8000  }
0x14d: {  	[sflag:s16] =	ssyncset.done $0x0  }
0x14e: {  	s28 =	simm.s32 $0x3000;
	[sflag:s16] =	ssyncadd.s32 $0xFFFF8000  }
0x14f: {  	[tilespmem:s14], [sflag:$0x1] =	stream.indirect.gather [hbm4b:s4+s15], $0x20, s28, s15, $0xb8;
	[tilespmem:$0x1F000] =	vst v63  }
0x150: {  	s29 =	simm.s32 $0x7C00  }
0x151: {  	[spmem:s2] =	stream.indirect.scatter.add.f32 [tilespmem:s17], [sflag:$0x2], $0x20, s29, s15, $0xb8;
	[tilespmem:$0x1F000] =	vst v63  }
0x152: {  	_ =	swait.ge [sflag:s12], $0x8000  }
0x153: {  	[sflag:s12] =	ssyncset.done $0x0  }
0x154: {  	[sflag:s12] =	ssyncadd.s32 $0xFFFF8000  }
0x155: {  	_ =	swait.ge [sflag:s16], $0x8000  }
0x156: {  	[sflag:s16] =	ssyncset.done $0x0  }
0x157: {  	s28 =	simm.s32 $0x3400;
	[sflag:s16] =	ssyncadd.s32 $0xFFFF8000  }
0x158: {  	[tilespmem:s17], [sflag:$0x1] =	stream.indirect.gather [hbm4b:s4+s15], $0x20, s28, s15, $0xb8;
	[tilespmem:$0x1F000] =	vst v63  }
0x159: {  	s29 =	simm.s32 $0x8000  }
0x15a: {  	[spmem:s2] =	stream.indirect.scatter.add.f32 [tilespmem:s14], [sflag:$0x2], $0x20, s29, s15, $0xb8;
	[tilespmem:$0x1F000] =	vst v63  }
0x15b: {  	_ =	swait.ge [sflag:s12], $0x8000  }
0x15c: {  	[sflag:s12] =	ssyncset.done $0x0  }
0x15d: {  	[sflag:s12] =	ssyncadd.s32 $0xFFFF8000  }
0x15e: {  	_ =	swait.ge [sflag:s16], $0x8000  }
0x15f: {  	[sflag:s16] =	ssyncset.done $0x0  }
0x160: {  	s28 =	simm.s32 $0x3800;
	[sflag:s16] =	ssyncadd.s32 $0xFFFF8000  }
0x161: {  	[tilespmem:s14], [sflag:$0x1] =	stream.indirect.gather [hbm4b:s4+s15], $0x20, s28, s15, $0xb8;
	[tilespmem:$0x1F000] =	vst v63  }
0x162: {  	s29 =	simm.s32 $0x8400  }
0x163: {  	[spmem:s2] =	stream.indirect.scatter.add.f32 [tilespmem:s17], [sflag:$0x2], $0x20, s29, s15, $0xb8;
	[tilespmem:$0x1F000] =	vst v63  }
0x164: {  	_ =	swait.ge [sflag:s12], $0x8000  }
0x165: {  	[sflag:s12] =	ssyncset.done $0x0  }
0x166: {  	[sflag:s12] =	ssyncadd.s32 $0xFFFF8000  }
0x167: {  	_ =	swait.ge [sflag:s16], $0x8000  }
0x168: {  	[sflag:s16] =	ssyncset.done $0x0  }
0x169: {  	[sflag:s16] =	ssyncadd.s32 $0xFFFF8000  }
0x16a: {  	[tilespmem:s17], [sflag:$0x1] =	stream.indirect.gather [hbm4b:s4+s15], $0x20, s30, s15, $0xb8;
	[tilespmem:$0x1F000] =	vst v63  }
0x16b: {  	_ = 	snop  }
0x16c: {  	[spmem:s2] =	stream.indirect.scatter.add.f32 [tilespmem:s14], [sflag:$0x2], $0x20, s31, s15, $0xb8;
	[tilespmem:$0x1F000] =	vst v63  }
0x16d: {  	_ =	swait.ge [sflag:s12], $0x8000  }
0x16e: {  	[sflag:s12] =	ssyncset.done $0x0  }
0x16f: {  	[sflag:s12] =	ssyncadd.s32 $0xFFFF8000  }
0x170: {  	_ =	swait.ge [sflag:s16], $0x8000  }
0x171: {  	[sflag:s16] =	ssyncset.done $0x0  }
0x172: {  	[sflag:s16] =	ssyncadd.s32 $0xFFFF8000  }
0x173: {  	[tilespmem:s14], [sflag:$0x1] =	stream.indirect.gather [hbm4b:s4+s15], $0x20, s0, s15, $0xb8;
	[tilespmem:$0x1F000] =	vst v63  }
0x174: {  	_ = 	snop  }
0x175: {  	[spmem:s2] =	stream.indirect.scatter.add.f32 [tilespmem:s17], [sflag:$0x2], $0x20, s1, s15, $0xb8;
	[tilespmem:$0x1F000] =	vst v63  }
0x176: {  	_ =	swait.ge [sflag:s12], $0x8000  }
0x177: {  	[sflag:s12] =	ssyncset.done $0x0  }
0x178: {  	[sflag:s12] =	ssyncadd.s32 $0xFFFF8000  }
0x179: {  	_ =	swait.ge [sflag:s16], $0x8000  }
0x17a: {  	[sflag:s16] =	ssyncset.done $0x0  }
0x17b: {  	[sflag:s16] =	ssyncadd.s32 $0xFFFF8000  }
0x17c: {  	[tilespmem:s17], [sflag:$0x1] =	stream.indirect.gather [hbm4b:s4+s15], $0x20, s18, s15, $0xb8;
	[tilespmem:$0x1F000] =	vst v63  }
0x17d: {  	_ = 	snop  }
0x17e: {  	[spmem:s2] =	stream.indirect.scatter.add.f32 [tilespmem:s14], [sflag:$0x2], $0x20, s19, s15, $0xb8;
	[tilespmem:$0x1F000] =	vst v63  }
0x17f: {  	_ =	swait.ge [sflag:s12], $0x8000  }
0x180: {  	[sflag:s12] =	ssyncset.done $0x0  }
0x181: {  	[sflag:s12] =	ssyncadd.s32 $0xFFFF8000  }
0x182: {  	_ =	swait.ge [sflag:s16], $0x8000  }
0x183: {  	[sflag:s16] =	ssyncset.done $0x0  }
0x184: {  	[sflag:s16] =	ssyncadd.s32 $0xFFFF8000  }
0x185: {  	[tilespmem:s14], [sflag:$0x1] =	stream.indirect.gather [hbm4b:s4+s15], $0x20, s20, s15, $0xb8;
	[tilespmem:$0x1F000] =	vst v63  }
0x186: {  	_ = 	snop  }
0x187: {  	[spmem:s2] =	stream.indirect.scatter.add.f32 [tilespmem:s17], [sflag:$0x2], $0x20, s21, s15, $0xb8;
	[tilespmem:$0x1F000] =	vst v63  }
0x188: {  	_ =	swait.ge [sflag:s12], $0x8000  }
0x189: {  	[sflag:s12] =	ssyncset.done $0x0  }
.Ltmp4:
0x18a: {  	[sflag:s12] =	ssyncadd.s32 $0xFFFF8000;
	(pc) =	sbr.rel .LBB2_6-.Ltmp4, $4  }
0x18b: {  	_ =	swait.ge [sflag:s16], $0x8000  }
0x18c: {  	[sflag:s16] =	ssyncset.done $0x0  }
0x18d: {  	[sflag:s16] =	ssyncadd.s32 $0xFFFF8000  }
0x18e: {  	[tilespmem:s17], [sflag:$0x1] =	stream.indirect.gather [hbm4b:s4+s15], $0x20, s22, s15, $0xb8;
	[tilespmem:$0x1F000] =	vst v63  }
.LBB2_7:
0x18f: {  	_ =	sfence.sel $0x180000  }
0x190: {  	[bflag:$0x0] =	sbarrier.arrive $0xFFFF  }
0x191: {  	_ =	strace $0x9000004D  }
0x192: {  	s0 =	stileid.u32;
	[bflag:$0x2] =	sbarrier.arrive $0xFFFF  }
0x193: {  	p0 =	sne.s32 s0, $0x0;
	s0 =	rddreg [dreg:$0x2]  }
0x194: {  	s0 =	sadd.s32 @!p0 $0x100000, s0  }
0x195: {  	[sflag:s0] =	ssyncadd.tile.s32 @!p0 $0x1;
	_ =	shalt  }
.Lfunc_end2:
_tile_overlayer_lowered:
.L_overlay_start_2:
0x196: {  	(tag) =	ssettag $0x2  }
0x197: {  	s0 =	rddreg [dreg:$0x0];
	s2 =	stileid.u32  }
0x198: {  	s1 =	rddreg [dreg:$0x1];
	p0 =	sne.s32 s2, $0x0  }
0x199: {  	s3 =	rddreg [dreg:$0x2];
	[bflag:$0x3] =	sbarrier.arrive $0xFFFF;
	s2 =	simm.s32 @!p0 $0x1C02  }
0x19a: {  	[timem:s3], [sflag:s2] =	dma.local @!p0 [hbm:s0], s1  }
0x19b: {  	s0 =	simm.s32 @!p0 $0x2  }
0x19c: {  	_ =	swait.ge @!p0 [sflag:s0], s1  }
0x19d: {  	s1 =	ssub.s32 @!p0 $0x0, s1;
	[sflag:s0] =	ssyncset.done @!p0 $0x0  }
0x19e: {  	[sflag:s0] =	ssyncadd.s32 @!p0 s1  }
0x19f: {  	[bflag:$0x3] =	sbarrier.arrive $0xFFFF  }
0x1a0: {  	_ =	shalt  }

// kernel: kernel.21.cloned.1.call-start
scs
__scs_entry_jumppad:
0x0: {  	(pc) =	sbr.rel $0x88, $3  }
0x1: {  	(tag) =	ssettag $0x0;
	lr =	simm.s32 $0x1  }
0x2: {  	[smem:$0x3F8E] =	sst lr;
	_ =	strace $0xD0000000  }
0x3: {  	_ = 	snop  }
0x4: {  	_ = 	snop  }
0x5: {  	_ = 	snop  }
0x6: {  	_ = 	snop  }
0x7: {  	_ = 	snop  }
__scs_overlays_trampoline_lowered:
0x8: {  	[smem:$0x3F9D] =	sst s0  }
0x9: {  	[smem:$0x3F9E] =	sst s1  }
0xa: {  	[smem:$0x3F9F] =	sst s2  }
0xb: {  	[smem:$0x3FA0] =	sst s3  }
0xc: {  	[smem:$0x3FA1] =	sst s4  }
0xd: {  	[smem:$0x3FA2] =	sst s5  }
0xe: {  	[smem:$0x3FA3] =	sst s6  }
0xf: {  	[smem:$0x3FA4] =	sst s7  }
0x10: {  	[smem:$0x3FA5] =	sst s8  }
0x11: {  	[smem:$0x3FA6] =	sst s9;
	s0 =	simm.s32 @!p0 $0x0  }
0x12: {  	s1 =	sld [smem:$0x3F8C];
	s0 =	simm.s32 @p0 $0x1  }
0x13: {  	[smem:$0x3FA7] =	sst s0;
	s0 =	simm.s32 @!p1 $0x0  }
0x14: {  	s2 =	sld [smem:$0x3F8B];
	s0 =	simm.s32 @p1 $0x1  }
0x15: {  	[smem:$0x3FA8] =	sst s0;
	s0 =	simm.s32 @!p2 $0x0  }
0x16: {  	s3 =	sld [smem:$0x3FDB];
	s0 =	simm.s32 @p2 $0x1  }
0x17: {  	s4 =	simm.s32 $0x1BF5;
	[smem:$0x3FAA] =	sst s0  }
0x18: {  	s0 =	sld [smem:$0x3F8D];
	_ =	swait.ge [sflag:s4], $0x0  }
0x19: {  	s7 =	sld [smem:$0x3F8E]  }
0x1a: {  	s8 =	sadd.s32 $0xFFFFE003, lr  }
0x1b: {  	s9 =	sadd.s32 $0xFFFFFEF7, lr;
	s5 =	simm.s32 $0xFFFFFFFF;
	p2 =	slt.u32 s8, $0xFFFFF086  }
0x1c: {  	p1 =	slt.u32 s9, $0xF7A;
	s5 =	simm.s32 @!p2 $0x0  }
0x1d: {  	s5 =	simm.s32 @p1 $0x1;
	p0 =	seq.s32 s7, s2  }
0x1e: {  	s7 =	smul.u32 @!p0 $0xF7A, s2;
	p2 =	seq.s32 @!p0 s5, $0x0  }
0x1f: {  	s9 =	smul.u32 $0xF7A, s1;
	s8 =	simm.s32 @!p0 $0x1BF5;
	p2 =	por !p2, p0  }
0x20: {  	[sflag:s8] =	ssyncset.s32 @!p0 $0xFFFFF086;
	s6 =	sadd.s32 @!p0 s3, s7;
	s7 =	simm.s32 @!p0 $0x108  }
0x21: {  	s3 =	sadd.s32 s3, s9;
	s6 =	sadd.s32 @!p0 $0x88, s6;
	s7 =	simm.s32 @p2 $0x1082  }
0x22: {  	[simem:s7], [sflag:s8] =	dma.local @!p0 [hbm:s6], $0xF7A  }
0x23: {  	s9 =	sor.u32 $0xD0000000, s2;
	s6 =	simm.s32 $0x108;
	_ =	swait.ge @!p0 [sflag:s8], $0x0  }
0x24: {  	s3 =	sadd.s32 $0x88, s3;
	s6 =	simm.s32 @!p1 $0x1082;
	[sflag:s4] =	ssyncset.s32 $0xFFFFF086  }
0x25: {  	[simem:s6], [sflag:s4] =	dma.local [hbm:s3], $0xF7A  }
0x26: {  	[smem:$0x3F8E] =	sst s1;
	(tag) =	ssettag s2;
	_ =	strace s9  }
0x27: {  	s1 =	sld [smem:$0x3F9E]  }
0x28: {  	s2 =	sld [smem:$0x3F9F]  }
0x29: {  	s4 =	sld [smem:$0x3FA1]  }
0x2a: {  	p0 =	seq.s32 s5, $0x0;
	s5 =	sld [smem:$0x3FA2]  }
0x2b: {  	s6 =	sld [smem:$0x3FA3]  }
0x2c: {  	s7 =	sld [smem:$0x3FA4]  }
0x2d: {  	s3 =	simm.s32 $0x108;
	s8 =	sld [smem:$0x3FA5]  }
0x2e: {  	s3 =	simm.s32 @!p0 $0x1082;
	s9 =	sld [smem:$0x3FA6]  }
0x2f: {  	lr =	sadd.s32 s0, s3;
	s0 =	sld [smem:$0x3F9D]  }
0x30: {  	s3 =	sld [smem:$0x3FA0]  }
0x31: {  	[smem:$0x3FA9] =	sst s10  }
0x32: {  	s10 =	sld [smem:$0x3FA7];
	_ =	sdelay $0x3  }
0x33: {  	p0 =	seq.s32 s10, $0x1;
	s10 =	sld [smem:$0x3FA9];
	_ =	sdelay $0x3  }
0x34: {  	[smem:$0x3FA9] =	sst s10  }
0x35: {  	s10 =	sld [smem:$0x3FA8];
	_ =	sdelay $0x3  }
0x36: {  	p1 =	seq.s32 s10, $0x1;
	s10 =	sld [smem:$0x3FA9];
	_ =	sdelay $0x3  }
0x37: {  	[smem:$0x3FA9] =	sst s10  }
0x38: {  	s10 =	sld [smem:$0x3FAA]  }
0x39: {  	_ = 	snop;
	(pc) =	sbr.ind lr, $3  }
0x3a: {  	_ = 	snop  }
0x3b: {  	_ = 	snop  }
0x3c: {  	p2 =	seq.s32 s10, $0x1;
	s10 =	sld [smem:$0x3FA9]  }
0x3d: {  	_ =	shalt  }
0x3e: {  	_ =	shalt  }
0x3f: {  	_ =	shalt  }
0x40: {  	_ =	shalt  }
0x41: {  	_ =	shalt  }
0x42: {  	_ =	shalt  }
0x43: {  	_ =	shalt  }
0x44: {  	_ =	shalt  }
0x45: {  	_ =	shalt  }
0x46: {  	_ =	shalt  }
0x47: {  	_ =	shalt  }
0x48: {  	_ =	shalt  }
0x49: {  	_ =	shalt  }
0x4a: {  	_ =	shalt  }
0x4b: {  	_ =	shalt  }
0x4c: {  	_ =	shalt  }
0x4d: {  	_ =	shalt  }
0x4e: {  	_ =	shalt  }
0x4f: {  	_ =	shalt  }
0x50: {  	_ =	shalt  }
0x51: {  	_ =	shalt  }
0x52: {  	_ =	shalt  }
0x53: {  	_ =	shalt  }
0x54: {  	_ =	shalt  }
0x55: {  	_ =	shalt  }
0x56: {  	_ =	shalt  }
0x57: {  	_ =	shalt  }
0x58: {  	_ =	shalt  }
0x59: {  	_ =	shalt  }
0x5a: {  	_ =	shalt  }
0x5b: {  	_ =	shalt  }
0x5c: {  	_ =	shalt  }
0x5d: {  	_ =	shalt  }
0x5e: {  	_ =	shalt  }
0x5f: {  	_ =	shalt  }
0x60: {  	_ =	shalt  }
0x61: {  	_ =	shalt  }
0x62: {  	_ =	shalt  }
0x63: {  	_ =	shalt  }
0x64: {  	_ =	shalt  }
0x65: {  	_ =	shalt  }
0x66: {  	_ =	shalt  }
0x67: {  	_ =	shalt  }
0x68: {  	_ =	shalt  }
0x69: {  	_ =	shalt  }
0x6a: {  	_ =	shalt  }
0x6b: {  	_ =	shalt  }
0x6c: {  	_ =	shalt  }
0x6d: {  	_ =	shalt  }
0x6e: {  	_ =	shalt  }
0x6f: {  	_ =	shalt  }
0x70: {  	_ =	shalt  }
0x71: {  	_ =	shalt  }
0x72: {  	_ =	shalt  }
0x73: {  	_ =	shalt  }
0x74: {  	_ =	shalt  }
0x75: {  	_ =	shalt  }
0x76: {  	_ =	shalt  }
0x77: {  	_ =	shalt  }
0x78: {  	_ =	shalt  }
0x79: {  	_ =	shalt  }
0x7a: {  	_ =	shalt  }
0x7b: {  	_ =	shalt  }
0x7c: {  	_ =	shalt  }
0x7d: {  	_ =	shalt  }
0x7e: {  	_ =	shalt  }
0x7f: {  	_ =	shalt  }
0x80: {  	_ =	shalt  }
0x81: {  	_ =	shalt  }
0x82: {  	_ =	shalt  }
0x83: {  	_ =	shalt  }
0x84: {  	_ =	shalt  }
0x85: {  	_ =	shalt  }
0x86: {  	_ =	shalt  }
0x87: {  	_ =	shalt  }
.Lfunc_end0:
.L_simem_size_0:
called_computation.3_lowered:
.L_overlay_start_0:
0x88: {  	s2 =	sld [smem:$0x3FD9]  }
0x89: {  	s3 =	sld [smem:$0x3FFE];
	_ =	sdelay $0x1  }
0x8a: {  	s1 =	srdreg.scid  }
0x8b: {  	s0 =	sand.u32 $0x1, s1  }
0x8c: {  	s16 =	sshll.u32 s0, $0xA;
	s2 =	sadd.s32 s3, s2  }
0x8d: {  	s2 =	sadd.s32 s2, s16  }
0x8e: {  	[smem:$0x3FB5] =	sst s2  }
0x8f: {  	_ = 	snop  }
0x90: {  	(tm) =	ssettm $0x1  }
0x91: {  	s17 =	sld [smem:$0x3FFB];
	_ =	sdelay $0x3  }
0x92: {  	_ =	strace s17  }
0x93: {  	s2 =	sld [smem:$0x3FFC];
	_ =	sdelay $0x3  }
0x94: {  	_ =	strace s2  }
0x95: {  	s2 =	sld [smem:$0x3FFD];
	_ =	sdelay $0x3  }
0x96: {  	_ =	strace s2  }
0x97: {  	_ =	strace $0x8FFFFFFF  }
0x98: {  	s18 =	sld [smem:$0x3FDB];
	_ =	sdelay $0x1  }
0x99: {  	s19 =	simm.s32 $_scs_section_size  }
0x9a: {  	s4 =	simm.s32 $_size__tile_overlayer_lowered;
	s5 =	simm.s32 $_tile_overlayer_lowered  }
0x9b: {  	s22 =	simm.s32 $0x1BFF;
	s21 =	sshll.u32 s5, $0x1;
	s2 =	sadd.s32 s19, s18  }
0x9c: {  	s6 =	simm.s32 $0x0;
	s20 =	sshll.u32 s4, $0x1;
	s4 =	sadd.s32 s21, s2  }
0x9d: {  	[timem:s6], [sflag:s22] =	dma.local [hbm:s4], s20  }
0x9e: {  	_ =	swait.ge [sflag:s22], s20  }
0x9f: {  	s3 =	ssub.s32 $0x0, s20;
	[sflag:s22] =	ssyncset.done $0x0  }
0xa0: {  	[sflag:s22] =	ssyncadd.s32 s3;
	_ =	sdelay $0x1  }
0xa1: {  	s23 =	simm.s32 $0x1B8B  }
0xa2: {  	_ =	swait.ge [sflag:s23], $0x1  }
0xa3: {  	[sflag:s23] =	ssyncset.done $0x0  }
0xa4: {  	s25 =	simm.s32 $0x1B8E;
	s24 =	sld [smem:$0x3FFE];
	[sflag:s23] =	ssyncadd.s32 $0xFFFFFFFF  }
0xa5: {  	s26 =	simm.s32 $execute0_lowered;
	[smem:$0x3FD2] =	sst s25  }
0xa6: {  	s4 =	sshll.u32 s26, $0x1;
	_ =	strace $0x8000004F;
	[dreg:$0x1] =	wrdreg $0xFFFFFFFF  }
0xa7: {  	s28 =	simm.s32 $_size_execute0_lowered;
	s2 =	sadd.s32 s2, s4;
	[dreg:$0x0] =	wrdreg $0x0  }
0xa8: {  	s4 =	sshll.u32 s28, $0x1;
	[dreg:$0x2] =	wrdreg s2  }
0xa9: {  	[dreg:$0x3] =	wrdreg s4  }
0xaa: {  	[dreg:$0x4] =	wrdreg $0xC0  }
0xab: {  	_ =	task [dreg:s6], $0x5FFFF  }
0xac: {  	[dreg:$0x1] =	wrdreg $0xFFFFFFFF  }
0xad: {  	[dreg:$0x0] =	wrdreg $0x60  }
0xae: {  	[dreg:$0x2] =	wrdreg s24  }
0xaf: {  	[dreg:$0x3] =	wrdreg $0x1A0000  }
0xb0: {  	[dreg:$0x4] =	wrdreg $0x9  }
0xb1: {  	_ =	task.clear_ibuf [dreg:s6], $0x5FFFF;
	_ =	strace $0x9000004F  }
0xb2: {  	s29 =	simm.s32 $0x9;
	_ =	strace $0x80000051  }
0xb3: {  	_ =	swait.ge [sflag:s29], $0x1  }
0xb4: {  	[sflag:s29] =	ssyncadd.s32 $0xFFFFFFFF  }
0xb5: {  	_ =	strace $0x90000051  }
0xb6: {  	_ =	sfence  }
0xb7: {  	s30 =	sld [smem:$0x0];
	_ =	sdelay $0x2  }
0xb8: {  	s31 =	sshll.u32 s1, $0xD;
	s1 =	sshrl.u32 s1, $0x2  }
0xb9: {  	s3 =	sand.u32 $0x4000, s31;
	s1 =	sadd.s32 s1, s30  }
0xba: {  	s0 =	sor.u32 s3, s0;
	s1 =	sshll.u32 s1, $0x11  }
0xbb: {  	s0 =	sor.u32 s1, s0  }
0xbc: {  	s0 =	sadd.s32 $0x8F2B, s0  }
0xbd: {  	[sflag:s0] =	ssyncadd.remote.s32 $0x1  }
0xbe: {  	_ =	sfence.sel $0xFFFF  }
0xbf: {  	[dreg:$0x0] =	wrdreg $0xFFFFFFFF;
	(pc) =	sbr.abs _section_cstart, $3  }
0xc0: {  	[dreg:$0x1] =	wrdreg $0xFFFFFFFF  }
0xc1: {  	_ =	task.clear_ibuf [dreg:s6], $0x2FFFF;
	_ =	strace $0x9FFFFFFF  }
0xc2: {  	(tm) =	ssettm $0x7FFFFFFF  }
0xc3: {  	_ =	shalt  }
tec
execute0_lowered:
.L_overlay_start_1:
0x0: {  	(tag) =	ssettag $0x1  }
0x1: {  	s0 =	rddreg [dreg:$0x0]  }
0x2: {  	s2 =	rddreg [dreg:$0x1];
	s3 =	simm.s32 $0x0;
	s18 =	stileid.u32  }
0x3: {  	s6 =	srdreg.scid;
	s13 =	simm.s32 $0x5000;
	s14 =	simm.s32 $0xA000  }
0x4: {  	s15 =	simm.s32 $0x400;
	s16 =	simm.s32 $0x1;
	s17 =	simm.s32 $0x12000  }
0x5: {  	s30 =	simm.s32 $0x3C00;
	s31 =	simm.s32 $0x8800;
	s19 =	simm.s32 $0x9000  }
0x6: {  	s20 =	simm.s32 $0x4800;
	s21 =	simm.s32 $0x9400;
	s22 =	simm.s32 $0x4C00  }
0x7: {  	s23 =	simm.s32 $0x9800;
	s24 =	simm.s32 $0x9C00;
	s25 =	simm.s32 $0x0  }
0x8: {  	[smem:$0x7FF] =	sst s3;
	s1 =	smul.u32 $0xA00, s18;
	s4 =	sadd.s32 $0x4A200, s0  }
0x9: {  	s5 =	sadd.s32 $0xF200, s0;
	s9 =	sand.u32 $0x1, s6;
	s10 =	smul.u32 $0x5000, s18  }
0xa: {  	p1 =	seq.s32 s18, $0xF;
	s18 =	simm.s32 $0x4400;
	_ =	strace $0x80000050  }
0xb: {  	s6 =	ssub.s32 $0x2, s9;
	s11 =	smul.u32 $0x4E200, s9;
	p0 =	seq.s32 s9, $0x1  }
0xc: {  	s1 =	sadd.s32 s1, s0;
	s0 =	sadd.s32 $0x54000, s0;
	s7 =	sshrl.u32 s6, $0x1  }
.Ltmp0:
0xd: {  	s8 =	sadd.s32 s10, s2;
	s12 =	ssub.s32 s6, s7;
	(pc) =	sbr.rel .LBB2_1-.Ltmp0, $4  }
0xe: {  	s6 =	sadd.s32 $0x19000, s1;
	s28 =	sadd.s32 s10, s11;
	s29 =	sshrl.u32 s11, $0x3  }
0xf: {  	s7 =	sadd.s32 $0x5200, s1;
	s1 =	sshrl.u32 s28, $0x3;
	s10 =	sadd.s32 s0, s29  }
0x10: {  	s11 =	smax.u32 s12, $0x1;
	s12 =	simm.s32 $0x2;
	s9 =	sadd.s32 s0, s1  }
0x11: {  	v0 =	vimm.f32 $0.0e+00;
	s10 =	sadd.s32 $0x9600, s10;
	s0 =	simm.s32 $0x4000;
	s1 =	simm.s32 $0x8C00  }
.LBB2_5:
0x12: {  	[tilespmem:s14], [sflag:$0x1] =	stream.indirect.gather [hbm4b:s5+s15], $0x20, s3, s15, $0xb8;
	[tilespmem:$0x1F000] =	vst v63  }
0x13: {  	_ =	swait.ge [sflag:s16], $0x8000  }
0x14: {  	[sflag:s16] =	ssyncset.done $0x0  }
0x15: {  	[sflag:s16] =	ssyncadd.s32 $0xFFFF8000  }
0x16: {  	[tilespmem:s17], [sflag:$0x1] =	stream.indirect.gather [hbm4b:s5+s15], $0x20, s15, s15, $0xb8;
	[tilespmem:$0x1F000] =	vst v63  }
0x17: {  	_ = 	snop  }
0x18: {  	[spmem:s2] =	stream.indirect.scatter.add.f32 [tilespmem:s14], [sflag:$0x2], $0x20, s13, s15, $0xb8;
	[tilespmem:$0x1F000] =	vst v63  }
0x19: {  	_ =	swait.ge [sflag:s12], $0x8000  }
0x1a: {  	[sflag:s12] =	ssyncset.done $0x0  }
0x1b: {  	[sflag:s12] =	ssyncadd.s32 $0xFFFF8000  }
0x1c: {  	_ =	swait.ge [sflag:s16], $0x8000  }
0x1d: {  	[sflag:s16] =	ssyncset.done $0x0  }
0x1e: {  	s26 =	simm.s32 $0x800;
	[sflag:s16] =	ssyncadd.s32 $0xFFFF8000  }
0x1f: {  	[tilespmem:s14], [sflag:$0x1] =	stream.indirect.gather [hbm4b:s5+s15], $0x20, s26, s15, $0xb8;
	[tilespmem:$0x1F000] =	vst v63  }
0x20: {  	s29 =	simm.s32 $0x5400  }
0x21: {  	[spmem:s2] =	stream.indirect.scatter.add.f32 [tilespmem:s17], [sflag:$0x2], $0x20, s29, s15, $0xb8;
	[tilespmem:$0x1F000] =	vst v63  }
0x22: {  	_ =	swait.ge [sflag:s12], $0x8000  }
0x23: {  	[sflag:s12] =	ssyncset.done $0x0  }
0x24: {  	[sflag:s12] =	ssyncadd.s32 $0xFFFF8000  }
0x25: {  	_ =	swait.ge [sflag:s16], $0x8000  }
0x26: {  	[sflag:s16] =	ssyncset.done $0x0  }
0x27: {  	s28 =	simm.s32 $0xC00;
	[sflag:s16] =	ssyncadd.s32 $0xFFFF8000  }
0x28: {  	[tilespmem:s17], [sflag:$0x1] =	stream.indirect.gather [hbm4b:s5+s15], $0x20, s28, s15, $0xb8;
	[tilespmem:$0x1F000] =	vst v63  }
0x29: {  	s29 =	simm.s32 $0x5800  }
0x2a: {  	[spmem:s2] =	stream.indirect.scatter.add.f32 [tilespmem:s14], [sflag:$0x2], $0x20, s29, s15, $0xb8;
	[tilespmem:$0x1F000] =	vst v63  }
0x2b: {  	_ =	swait.ge [sflag:s12], $0x8000  }
0x2c: {  	[sflag:s12] =	ssyncset.done $0x0  }
0x2d: {  	[sflag:s12] =	ssyncadd.s32 $0xFFFF8000  }
0x2e: {  	_ =	swait.ge [sflag:s16], $0x8000  }
0x2f: {  	[sflag:s16] =	ssyncset.done $0x0  }
0x30: {  	s28 =	simm.s32 $0x1000;
	[sflag:s16] =	ssyncadd.s32 $0xFFFF8000  }
0x31: {  	[tilespmem:s14], [sflag:$0x1] =	stream.indirect.gather [hbm4b:s5+s15], $0x20, s28, s15, $0xb8;
	[tilespmem:$0x1F000] =	vst v63  }
0x32: {  	s29 =	simm.s32 $0x5C00  }
0x33: {  	[spmem:s2] =	stream.indirect.scatter.add.f32 [tilespmem:s17], [sflag:$0x2], $0x20, s29, s15, $0xb8;
	[tilespmem:$0x1F000] =	vst v63  }
0x34: {  	_ =	swait.ge [sflag:s12], $0x8000  }
0x35: {  	[sflag:s12] =	ssyncset.done $0x0  }
0x36: {  	[sflag:s12] =	ssyncadd.s32 $0xFFFF8000  }
0x37: {  	_ =	swait.ge [sflag:s16], $0x8000  }
0x38: {  	[sflag:s16] =	ssyncset.done $0x0  }
0x39: {  	s28 =	simm.s32 $0x1400;
	[sflag:s16] =	ssyncadd.s32 $0xFFFF8000  }
0x3a: {  	[tilespmem:s17], [sflag:$0x1] =	stream.indirect.gather [hbm4b:s5+s15], $0x20, s28, s15, $0xb8;
	[tilespmem:$0x1F000] =	vst v63  }
0x3b: {  	s29 =	simm.s32 $0x6000  }
0x3c: {  	[spmem:s2] =	stream.indirect.scatter.add.f32 [tilespmem:s14], [sflag:$0x2], $0x20, s29, s15, $0xb8;
	[tilespmem:$0x1F000] =	vst v63  }
0x3d: {  	_ =	swait.ge [sflag:s12], $0x8000  }
0x3e: {  	[sflag:s12] =	ssyncset.done $0x0  }
0x3f: {  	[sflag:s12] =	ssyncadd.s32 $0xFFFF8000  }
0x40: {  	_ =	swait.ge [sflag:s16], $0x8000  }
0x41: {  	[sflag:s16] =	ssyncset.done $0x0  }
0x42: {  	s28 =	simm.s32 $0x1800;
	[sflag:s16] =	ssyncadd.s32 $0xFFFF8000  }
0x43: {  	[tilespmem:s14], [sflag:$0x1] =	stream.indirect.gather [hbm4b:s5+s15], $0x20, s28, s15, $0xb8;
	[tilespmem:$0x1F000] =	vst v63  }
0x44: {  	s29 =	simm.s32 $0x6400  }
0x45: {  	[spmem:s2] =	stream.indirect.scatter.add.f32 [tilespmem:s17], [sflag:$0x2], $0x20, s29, s15, $0xb8;
	[tilespmem:$0x1F000] =	vst v63  }
0x46: {  	_ =	swait.ge [sflag:s12], $0x8000  }
0x47: {  	[sflag:s12] =	ssyncset.done $0x0  }
0x48: {  	[sflag:s12] =	ssyncadd.s32 $0xFFFF8000  }
0x49: {  	_ =	swait.ge [sflag:s16], $0x8000  }
0x4a: {  	[sflag:s16] =	ssyncset.done $0x0  }
0x4b: {  	s28 =	simm.s32 $0x1C00;
	[sflag:s16] =	ssyncadd.s32 $0xFFFF8000  }
0x4c: {  	[tilespmem:s17], [sflag:$0x1] =	stream.indirect.gather [hbm4b:s5+s15], $0x20, s28, s15, $0xb8;
	[tilespmem:$0x1F000] =	vst v63  }
0x4d: {  	s29 =	simm.s32 $0x6800  }
0x4e: {  	[spmem:s2] =	stream.indirect.scatter.add.f32 [tilespmem:s14], [sflag:$0x2], $0x20, s29, s15, $0xb8;
	[tilespmem:$0x1F000] =	vst v63  }
0x4f: {  	_ =	swait.ge [sflag:s12], $0x8000  }
0x50: {  	[sflag:s12] =	ssyncset.done $0x0  }
0x51: {  	[sflag:s12] =	ssyncadd.s32 $0xFFFF8000  }
0x52: {  	_ =	swait.ge [sflag:s16], $0x8000  }
0x53: {  	[sflag:s16] =	ssyncset.done $0x0  }
0x54: {  	s28 =	simm.s32 $0x2000;
	[sflag:s16] =	ssyncadd.s32 $0xFFFF8000  }
0x55: {  	[tilespmem:s14], [sflag:$0x1] =	stream.indirect.gather [hbm4b:s5+s15], $0x20, s28, s15, $0xb8;
	[tilespmem:$0x1F000] =	vst v63  }
0x56: {  	s29 =	simm.s32 $0x6C00  }
0x57: {  	[spmem:s2] =	stream.indirect.scatter.add.f32 [tilespmem:s17], [sflag:$0x2], $0x20, s29, s15, $0xb8;
	[tilespmem:$0x1F000] =	vst v63  }
0x58: {  	_ =	swait.ge [sflag:s12], $0x8000  }
0x59: {  	[sflag:s12] =	ssyncset.done $0x0  }
0x5a: {  	[sflag:s12] =	ssyncadd.s32 $0xFFFF8000  }
0x5b: {  	_ =	swait.ge [sflag:s16], $0x8000  }
0x5c: {  	[sflag:s16] =	ssyncset.done $0x0  }
0x5d: {  	s28 =	simm.s32 $0x2400;
	[sflag:s16] =	ssyncadd.s32 $0xFFFF8000  }
0x5e: {  	[tilespmem:s17], [sflag:$0x1] =	stream.indirect.gather [hbm4b:s5+s15], $0x20, s28, s15, $0xb8;
	[tilespmem:$0x1F000] =	vst v63  }
0x5f: {  	s29 =	simm.s32 $0x7000  }
0x60: {  	[spmem:s2] =	stream.indirect.scatter.add.f32 [tilespmem:s14], [sflag:$0x2], $0x20, s29, s15, $0xb8;
	[tilespmem:$0x1F000] =	vst v63  }
0x61: {  	_ =	swait.ge [sflag:s12], $0x8000  }
0x62: {  	[sflag:s12] =	ssyncset.done $0x0  }
0x63: {  	[sflag:s12] =	ssyncadd.s32 $0xFFFF8000  }
0x64: {  	_ =	swait.ge [sflag:s16], $0x8000  }
0x65: {  	[sflag:s16] =	ssyncset.done $0x0  }
0x66: {  	s28 =	simm.s32 $0x2800;
	[sflag:s16] =	ssyncadd.s32 $0xFFFF8000  }
0x67: {  	[tilespmem:s14], [sflag:$0x1] =	stream.indirect.gather [hbm4b:s5+s15], $0x20, s28, s15, $0xb8;
	[tilespmem:$0x1F000] =	vst v63  }
0x68: {  	s29 =	simm.s32 $0x7400  }
0x69: {  	[spmem:s2] =	stream.indirect.scatter.add.f32 [tilespmem:s17], [sflag:$0x2], $0x20, s29, s15, $0xb8;
	[tilespmem:$0x1F000] =	vst v63  }
0x6a: {  	_ =	swait.ge [sflag:s12], $0x8000  }
0x6b: {  	[sflag:s12] =	ssyncset.done $0x0  }
0x6c: {  	[sflag:s12] =	ssyncadd.s32 $0xFFFF8000  }
0x6d: {  	_ =	swait.ge [sflag:s16], $0x8000  }
0x6e: {  	[sflag:s16] =	ssyncset.done $0x0  }
0x6f: {  	s28 =	simm.s32 $0x2C00;
	[sflag:s16] =	ssyncadd.s32 $0xFFFF8000  }
0x70: {  	[tilespmem:s17], [sflag:$0x1] =	stream.indirect.gather [hbm4b:s5+s15], $0x20, s28, s15, $0xb8;
	[tilespmem:$0x1F000] =	vst v63  }
0x71: {  	s29 =	simm.s32 $0x7800  }
0x72: {  	[spmem:s2] =	stream.indirect.scatter.add.f32 [tilespmem:s14], [sflag:$0x2], $0x20, s29, s15, $0xb8;
	[tilespmem:$0x1F000] =	vst v63  }
0x73: {  	_ =	swait.ge [sflag:s12], $0x8000  }
0x74: {  	[sflag:s12] =	ssyncset.done $0x0  }
0x75: {  	[sflag:s12] =	ssyncadd.s32 $0xFFFF8000  }
0x76: {  	_ =	swait.ge [sflag:s16], $0x8000  }
0x77: {  	[sflag:s16] =	ssyncset.done $0x0  }
0x78: {  	s28 =	simm.s32 $0x3000;
	[sflag:s16] =	ssyncadd.s32 $0xFFFF8000  }
0x79: {  	[tilespmem:s14], [sflag:$0x1] =	stream.indirect.gather [hbm4b:s5+s15], $0x20, s28, s15, $0xb8;
	[tilespmem:$0x1F000] =	vst v63  }
0x7a: {  	s29 =	simm.s32 $0x7C00  }
0x7b: {  	[spmem:s2] =	stream.indirect.scatter.add.f32 [tilespmem:s17], [sflag:$0x2], $0x20, s29, s15, $0xb8;
	[tilespmem:$0x1F000] =	vst v63  }
0x7c: {  	_ =	swait.ge [sflag:s12], $0x8000  }
0x7d: {  	[sflag:s12] =	ssyncset.done $0x0  }
0x7e: {  	[sflag:s12] =	ssyncadd.s32 $0xFFFF8000  }
0x7f: {  	_ =	swait.ge [sflag:s16], $0x8000  }
0x80: {  	[sflag:s16] =	ssyncset.done $0x0  }
0x81: {  	s28 =	simm.s32 $0x3400;
	[sflag:s16] =	ssyncadd.s32 $0xFFFF8000  }
0x82: {  	[tilespmem:s17], [sflag:$0x1] =	stream.indirect.gather [hbm4b:s5+s15], $0x20, s28, s15, $0xb8;
	[tilespmem:$0x1F000] =	vst v63  }
0x83: {  	s29 =	simm.s32 $0x8000  }
0x84: {  	[spmem:s2] =	stream.indirect.scatter.add.f32 [tilespmem:s14], [sflag:$0x2], $0x20, s29, s15, $0xb8;
	[tilespmem:$0x1F000] =	vst v63  }
0x85: {  	_ =	swait.ge [sflag:s12], $0x8000  }
0x86: {  	[sflag:s12] =	ssyncset.done $0x0  }
0x87: {  	[sflag:s12] =	ssyncadd.s32 $0xFFFF8000  }
0x88: {  	_ =	swait.ge [sflag:s16], $0x8000  }
0x89: {  	[sflag:s16] =	ssyncset.done $0x0  }
0x8a: {  	s28 =	simm.s32 $0x3800;
	[sflag:s16] =	ssyncadd.s32 $0xFFFF8000  }
0x8b: {  	[tilespmem:s14], [sflag:$0x1] =	stream.indirect.gather [hbm4b:s5+s15], $0x20, s28, s15, $0xb8;
	[tilespmem:$0x1F000] =	vst v63  }
0x8c: {  	s29 =	simm.s32 $0x8400  }
0x8d: {  	[spmem:s2] =	stream.indirect.scatter.add.f32 [tilespmem:s17], [sflag:$0x2], $0x20, s29, s15, $0xb8;
	[tilespmem:$0x1F000] =	vst v63  }
0x8e: {  	_ =	swait.ge [sflag:s12], $0x8000  }
0x8f: {  	[sflag:s12] =	ssyncset.done $0x0  }
0x90: {  	[sflag:s12] =	ssyncadd.s32 $0xFFFF8000  }
0x91: {  	_ =	swait.ge [sflag:s16], $0x8000  }
0x92: {  	[sflag:s16] =	ssyncset.done $0x0  }
0x93: {  	[sflag:s16] =	ssyncadd.s32 $0xFFFF8000  }
0x94: {  	[tilespmem:s17], [sflag:$0x1] =	stream.indirect.gather [hbm4b:s5+s15], $0x20, s30, s15, $0xb8;
	[tilespmem:$0x1F000] =	vst v63  }
0x95: {  	_ = 	snop  }
0x96: {  	[spmem:s2] =	stream.indirect.scatter.add.f32 [tilespmem:s14], [sflag:$0x2], $0x20, s31, s15, $0xb8;
	[tilespmem:$0x1F000] =	vst v63  }
0x97: {  	_ =	swait.ge [sflag:s12], $0x8000  }
0x98: {  	[sflag:s12] =	ssyncset.done $0x0  }
0x99: {  	[sflag:s12] =	ssyncadd.s32 $0xFFFF8000  }
0x9a: {  	_ =	swait.ge [sflag:s16], $0x8000  }
0x9b: {  	[sflag:s16] =	ssyncset.done $0x0  }
0x9c: {  	[sflag:s16] =	ssyncadd.s32 $0xFFFF8000  }
0x9d: {  	[tilespmem:s14], [sflag:$0x1] =	stream.indirect.gather [hbm4b:s5+s15], $0x20, s0, s15, $0xb8;
	[tilespmem:$0x1F000] =	vst v63  }
0x9e: {  	_ = 	snop  }
0x9f: {  	[spmem:s2] =	stream.indirect.scatter.add.f32 [tilespmem:s17], [sflag:$0x2], $0x20, s1, s15, $0xb8;
	[tilespmem:$0x1F000] =	vst v63  }
0xa0: {  	_ =	swait.ge [sflag:s12], $0x8000  }
0xa1: {  	[sflag:s12] =	ssyncset.done $0x0  }
0xa2: {  	[sflag:s12] =	ssyncadd.s32 $0xFFFF8000  }
0xa3: {  	_ =	swait.ge [sflag:s16], $0x8000  }
0xa4: {  	[sflag:s16] =	ssyncset.done $0x0  }
0xa5: {  	[sflag:s16] =	ssyncadd.s32 $0xFFFF8000  }
0xa6: {  	[tilespmem:s17], [sflag:$0x1] =	stream.indirect.gather [hbm4b:s5+s15], $0x20, s18, s15, $0xb8;
	[tilespmem:$0x1F000] =	vst v63  }
0xa7: {  	_ = 	snop  }
0xa8: {  	[spmem:s2] =	stream.indirect.scatter.add.f32 [tilespmem:s14], [sflag:$0x2], $0x20, s19, s15, $0xb8;
	[tilespmem:$0x1F000] =	vst v63  }
0xa9: {  	_ =	swait.ge [sflag:s12], $0x8000  }
0xaa: {  	[sflag:s12] =	ssyncset.done $0x0  }
0xab: {  	[sflag:s12] =	ssyncadd.s32 $0xFFFF8000  }
0xac: {  	_ =	swait.ge [sflag:s16], $0x8000  }
0xad: {  	[sflag:s16] =	ssyncset.done $0x0  }
0xae: {  	[sflag:s16] =	ssyncadd.s32 $0xFFFF8000  }
0xaf: {  	[tilespmem:s14], [sflag:$0x1] =	stream.indirect.gather [hbm4b:s5+s15], $0x20, s20, s15, $0xb8;
	[tilespmem:$0x1F000] =	vst v63  }
0xb0: {  	_ = 	snop  }
0xb1: {  	[spmem:s2] =	stream.indirect.scatter.add.f32 [tilespmem:s17], [sflag:$0x2], $0x20, s21, s15, $0xb8;
	[tilespmem:$0x1F000] =	vst v63  }
0xb2: {  	_ =	swait.ge [sflag:s12], $0x8000  }
0xb3: {  	[sflag:s12] =	ssyncset.done $0x0  }
0xb4: {  	[sflag:s12] =	ssyncadd.s32 $0xFFFF8000  }
0xb5: {  	_ =	swait.ge [sflag:s16], $0x8000  }
0xb6: {  	[sflag:s16] =	ssyncset.done $0x0  }
0xb7: {  	[sflag:s16] =	ssyncadd.s32 $0xFFFF8000  }
0xb8: {  	[tilespmem:s17], [sflag:$0x1] =	stream.indirect.gather [hbm4b:s5+s15], $0x20, s22, s15, $0xb8;
	[tilespmem:$0x1F000] =	vst v63  }
.LBB2_6:
0xb9: {  	[spmem:s2] =	stream.indirect.scatter.add.f32 [tilespmem:s14], [sflag:$0x2], $0x20, s23, s15, $0xb8;
	[tilespmem:$0x1F000] =	vst v63  }
0xba: {  	_ =	swait.ge [sflag:s12], $0x8000  }
0xbb: {  	[sflag:s12] =	ssyncset.done $0x0  }
0xbc: {  	[sflag:s12] =	ssyncadd.s32 $0xFFFF8000  }
0xbd: {  	_ =	swait.ge [sflag:s16], $0x8000  }
0xbe: {  	[sflag:s16] =	ssyncset.done $0x0  }
0xbf: {  	[sflag:s16] =	ssyncadd.s32 $0xFFFF8000  }
0xc0: {  	[spmem:s2] =	stream.indirect.scatter.add.f32 [tilespmem:s17], [sflag:$0x2], $0x20, s24, s15, $0xb8;
	[tilespmem:$0x1F000] =	vst v63  }
0xc1: {  	_ =	swait.ge [sflag:s12], $0x8000  }
0xc2: {  	[sflag:s12] =	ssyncset.done $0x0  }
0xc3: {  	[sflag:s12] =	ssyncadd.s32 $0xFFFF8000  }
0xc4: {  	s26 =	simm.s32 @p1 $0xA000;
	s28 =	simm.s32 @p1 $0x2;
	[bflag:$0x0] =	sbarrier.arrive $0xFFFF  }
0xc5: {  	[tilespmem:s26], [sflag:$0x2] =	stream.linear.gather @p1 [spmem:s8], $0x3200, $0x38;
	[tilespmem:$0x1F000] =	vst v63  }
0xc6: {  	_ =	swait.ge @p1 [sflag:s28], $0x3200  }
0xc7: {  	[sflag:s28] =	ssyncset.done @p1 $0x0  }
0xc8: {  	s29 =	simm.s32 @p1 $0x0;
	[sflag:s28] =	ssyncadd.s32 @p1 $0xFFFFCE00  }
0xc9: {  	[hbm4b:s10+s29] =	stream.linear.scatter @p1 [tilespmem:s26], [sflag:$0x2], $0x3200, $0x38;
	[tilespmem:$0x1F000] =	vst v63  }
0xca: {  	_ =	swait.ge @p1 [sflag:s28], $0x3200  }
0xcb: {  	[sflag:s28] =	ssyncset.done @p1 $0x0  }
0xcc: {  	s26 =	simm.s32 @!p1 $0xA000;
	[sflag:s28] =	ssyncadd.s32 @p1 $0xFFFFCE00;
	s28 =	simm.s32 @!p1 $0x2  }
0xcd: {  	[tilespmem:s26], [sflag:$0x2] =	stream.linear.gather @!p1 [spmem:s8], $0x5000, $0x38;
	[tilespmem:$0x1F000] =	vst v63  }
0xce: {  	s25 =	sadd.s32 $0x1, s25;
	_ =	swait.ge @!p1 [sflag:s28], $0x5000  }
0xcf: {  	p2 =	sne.s32 s25, s11;
	[sflag:s28] =	ssyncset.done @!p1 $0x0  }
.Ltmp1:
0xd0: {  	s29 =	simm.s32 @!p1 $0x0;
	[sflag:s28] =	ssyncadd.s32 @!p1 $0xFFFFB000;
	(pc) =	sbr.rel @!p2 .LBB2_7-.Ltmp1, $4  }
0xd1: {  	[hbm4b:s9+s29] =	stream.linear.scatter @!p1 [tilespmem:s26], [sflag:$0x2], $0x5000, $0x38;
	[tilespmem:$0x1F000] =	vst v63  }
0xd2: {  	_ =	swait.ge @!p1 [sflag:s28], $0x5000  }
0xd3: {  	[sflag:s28] =	ssyncset.done @!p1 $0x0  }
0xd4: {  	[sflag:s28] =	ssyncadd.s32 @!p1 $0xFFFFB000  }
.LBB2_1:
0xd5: {  	[tilespmem:s3], [sflag:$0x2] =	stream.linear.gather [hbm4b:s6+s3], $0x5000, $0x38;
	[tilespmem:$0x1F000] =	vst v63  }
0xd6: {  	_ =	swait.ge [sflag:s12], $0x5000  }
0xd7: {  	[sflag:s12] =	ssyncset.done $0x0  }
0xd8: {  	[sflag:s12] =	ssyncadd.s32 $0xFFFFB000  }
0xd9: {  	[tilespmem:s13], [sflag:$0x2] =	stream.linear.gather [hbm4b:s7+s3], $0x5000, $0x38;
	[tilespmem:$0x1F000] =	vst v63  }
0xda: {  	_ =	swait.ge [sflag:s12], $0x5000  }
0xdb: {  	[sflag:s12] =	ssyncset.done $0x0  }
0xdc: {  	s26 =	simm.s32 $0x80;
	s28 =	simm.s32 $0x0;
	[sflag:s12] =	ssyncadd.s32 $0xFFFFB000  }
.LBB2_2:
0xdd: {  	p2 =	sne.s32 s26, $0x13F80;
	[tilespmem:s28+$0xA000] =	vst v0;
	s29 =	smov.u32 s26;
	s26 =	sadd.s32 $0x80, s26  }
.Ltmp2:
0xde: {  	[tilespmem:s28+$0xA010] =	vst v0;
	(pc) =	sbr.rel @p2 .LBB2_2-.Ltmp2, $2  }
0xdf: {  	_ =	sdelay $0x2  }
0xe0: {  	s28 =	sshra.s32 s29, $0x2  }
0xe1: {  	[tilespmem:s28+$0xA000] =	vst v0  }
0xe2: {  	[tilespmem:s28+$0xA010] =	vst v0  }
0xe3: {  	[spmem:s8] =	stream.linear.scatter [tilespmem:s14], [sflag:$0x2], $0x5000, $0x38;
	[tilespmem:$0x1F000] =	vst v63  }
.Ltmp3:
0xe4: {  	_ =	swait.ge [sflag:s12], $0x5000;
	(pc) =	sbr.rel @p0 .LBB2_5-.Ltmp3, $3  }
0xe5: {  	[sflag:s12] =	ssyncset.done $0x0  }
0xe6: {  	[sflag:s12] =	ssyncadd.s32 $0xFFFFB000  }
0xe7: {  	[bflag:$0x0] =	sbarrier.arrive $0xFFFF;
	_ =	sdelay $0x1  }
0xe8: {  	[tilespmem:s14], [sflag:$0x1] =	stream.indirect.gather [hbm4b:s4+s15], $0x20, s3, s15, $0xb8;
	[tilespmem:$0x1F000] =	vst v63  }
0xe9: {  	_ =	swait.ge [sflag:s16], $0x8000  }
0xea: {  	[sflag:s16] =	ssyncset.done $0x0  }
0xeb: {  	[sflag:s16] =	ssyncadd.s32 $0xFFFF8000  }
0xec: {  	[tilespmem:s17], [sflag:$0x1] =	stream.indirect.gather [hbm4b:s4+s15], $0x20, s15, s15, $0xb8;
	[tilespmem:$0x1F000] =	vst v63  }
0xed: {  	_ = 	snop  }
0xee: {  	[spmem:s2] =	stream.indirect.scatter.add.f32 [tilespmem:s14], [sflag:$0x2], $0x20, s13, s15, $0xb8;
	[tilespmem:$0x1F000] =	vst v63  }
0xef: {  	_ =	swait.ge [sflag:s12], $0x8000  }
0xf0: {  	[sflag:s12] =	ssyncset.done $0x0  }
0xf1: {  	[sflag:s12] =	ssyncadd.s32 $0xFFFF8000  }
0xf2: {  	_ =	swait.ge [sflag:s16], $0x8000  }
0xf3: {  	[sflag:s16] =	ssyncset.done $0x0  }
0xf4: {  	s26 =	simm.s32 $0x800;
	[sflag:s16] =	ssyncadd.s32 $0xFFFF8000  }
0xf5: {  	[tilespmem:s14], [sflag:$0x1] =	stream.indirect.gather [hbm4b:s4+s15], $0x20, s26, s15, $0xb8;
	[tilespmem:$0x1F000] =	vst v63  }
0xf6: {  	s29 =	simm.s32 $0x5400  }
0xf7: {  	[spmem:s2] =	stream.indirect.scatter.add.f32 [tilespmem:s17], [sflag:$0x2], $0x20, s29, s15, $0xb8;
	[tilespmem:$0x1F000] =	vst v63  }
0xf8: {  	_ =	swait.ge [sflag:s12], $0x8000  }
0xf9: {  	[sflag:s12] =	ssyncset.done $0x0  }
0xfa: {  	[sflag:s12] =	ssyncadd.s32 $0xFFFF8000  }
0xfb: {  	_ =	swait.ge [sflag:s16], $0x8000  }
0xfc: {  	[sflag:s16] =	ssyncset.done $0x0  }
0xfd: {  	s28 =	simm.s32 $0xC00;
	[sflag:s16] =	ssyncadd.s32 $0xFFFF8000  }
0xfe: {  	[tilespmem:s17], [sflag:$0x1] =	stream.indirect.gather [hbm4b:s4+s15], $0x20, s28, s15, $0xb8;
	[tilespmem:$0x1F000] =	vst v63  }
0xff: {  	s29 =	simm.s32 $0x5800  }
0x100: {  	[spmem:s2] =	stream.indirect.scatter.add.f32 [tilespmem:s14], [sflag:$0x2], $0x20, s29, s15, $0xb8;
	[tilespmem:$0x1F000] =	vst v63  }
0x101: {  	_ =	swait.ge [sflag:s12], $0x8000  }
0x102: {  	[sflag:s12] =	ssyncset.done $0x0  }
0x103: {  	[sflag:s12] =	ssyncadd.s32 $0xFFFF8000  }
0x104: {  	_ =	swait.ge [sflag:s16], $0x8000  }
0x105: {  	[sflag:s16] =	ssyncset.done $0x0  }
0x106: {  	s28 =	simm.s32 $0x1000;
	[sflag:s16] =	ssyncadd.s32 $0xFFFF8000  }
0x107: {  	[tilespmem:s14], [sflag:$0x1] =	stream.indirect.gather [hbm4b:s4+s15], $0x20, s28, s15, $0xb8;
	[tilespmem:$0x1F000] =	vst v63  }
0x108: {  	s29 =	simm.s32 $0x5C00  }
0x109: {  	[spmem:s2] =	stream.indirect.scatter.add.f32 [tilespmem:s17], [sflag:$0x2], $0x20, s29, s15, $0xb8;
	[tilespmem:$0x1F000] =	vst v63  }
0x10a: {  	_ =	swait.ge [sflag:s12], $0x8000  }
0x10b: {  	[sflag:s12] =	ssyncset.done $0x0  }
0x10c: {  	[sflag:s12] =	ssyncadd.s32 $0xFFFF8000  }
0x10d: {  	_ =	swait.ge [sflag:s16], $0x8000  }
0x10e: {  	[sflag:s16] =	ssyncset.done $0x0  }
0x10f: {  	s28 =	simm.s32 $0x1400;
	[sflag:s16] =	ssyncadd.s32 $0xFFFF8000  }
0x110: {  	[tilespmem:s17], [sflag:$0x1] =	stream.indirect.gather [hbm4b:s4+s15], $0x20, s28, s15, $0xb8;
	[tilespmem:$0x1F000] =	vst v63  }
0x111: {  	s29 =	simm.s32 $0x6000  }
0x112: {  	[spmem:s2] =	stream.indirect.scatter.add.f32 [tilespmem:s14], [sflag:$0x2], $0x20, s29, s15, $0xb8;
	[tilespmem:$0x1F000] =	vst v63  }
0x113: {  	_ =	swait.ge [sflag:s12], $0x8000  }
0x114: {  	[sflag:s12] =	ssyncset.done $0x0  }
0x115: {  	[sflag:s12] =	ssyncadd.s32 $0xFFFF8000  }
0x116: {  	_ =	swait.ge [sflag:s16], $0x8000  }
0x117: {  	[sflag:s16] =	ssyncset.done $0x0  }
0x118: {  	s28 =	simm.s32 $0x1800;
	[sflag:s16] =	ssyncadd.s32 $0xFFFF8000  }
0x119: {  	[tilespmem:s14], [sflag:$0x1] =	stream.indirect.gather [hbm4b:s4+s15], $0x20, s28, s15, $0xb8;
	[tilespmem:$0x1F000] =	vst v63  }
0x11a: {  	s29 =	simm.s32 $0x6400  }
0x11b: {  	[spmem:s2] =	stream.indirect.scatter.add.f32 [tilespmem:s17], [sflag:$0x2], $0x20, s29, s15, $0xb8;
	[tilespmem:$0x1F000] =	vst v63  }
0x11c: {  	_ =	swait.ge [sflag:s12], $0x8000  }
0x11d: {  	[sflag:s12] =	ssyncset.done $0x0  }
0x11e: {  	[sflag:s12] =	ssyncadd.s32 $0xFFFF8000  }
0x11f: {  	_ =	swait.ge [sflag:s16], $0x8000  }
0x120: {  	[sflag:s16] =	ssyncset.done $0x0  }
0x121: {  	s28 =	simm.s32 $0x1C00;
	[sflag:s16] =	ssyncadd.s32 $0xFFFF8000  }
0x122: {  	[tilespmem:s17], [sflag:$0x1] =	stream.indirect.gather [hbm4b:s4+s15], $0x20, s28, s15, $0xb8;
	[tilespmem:$0x1F000] =	vst v63  }
0x123: {  	s29 =	simm.s32 $0x6800  }
0x124: {  	[spmem:s2] =	stream.indirect.scatter.add.f32 [tilespmem:s14], [sflag:$0x2], $0x20, s29, s15, $0xb8;
	[tilespmem:$0x1F000] =	vst v63  }
0x125: {  	_ =	swait.ge [sflag:s12], $0x8000  }
0x126: {  	[sflag:s12] =	ssyncset.done $0x0  }
0x127: {  	[sflag:s12] =	ssyncadd.s32 $0xFFFF8000  }
0x128: {  	_ =	swait.ge [sflag:s16], $0x8000  }
0x129: {  	[sflag:s16] =	ssyncset.done $0x0  }
0x12a: {  	s28 =	simm.s32 $0x2000;
	[sflag:s16] =	ssyncadd.s32 $0xFFFF8000  }
0x12b: {  	[tilespmem:s14], [sflag:$0x1] =	stream.indirect.gather [hbm4b:s4+s15], $0x20, s28, s15, $0xb8;
	[tilespmem:$0x1F000] =	vst v63  }
0x12c: {  	s29 =	simm.s32 $0x6C00  }
0x12d: {  	[spmem:s2] =	stream.indirect.scatter.add.f32 [tilespmem:s17], [sflag:$0x2], $0x20, s29, s15, $0xb8;
	[tilespmem:$0x1F000] =	vst v63  }
0x12e: {  	_ =	swait.ge [sflag:s12], $0x8000  }
0x12f: {  	[sflag:s12] =	ssyncset.done $0x0  }
0x130: {  	[sflag:s12] =	ssyncadd.s32 $0xFFFF8000  }
0x131: {  	_ =	swait.ge [sflag:s16], $0x8000  }
0x132: {  	[sflag:s16] =	ssyncset.done $0x0  }
0x133: {  	s28 =	simm.s32 $0x2400;
	[sflag:s16] =	ssyncadd.s32 $0xFFFF8000  }
0x134: {  	[tilespmem:s17], [sflag:$0x1] =	stream.indirect.gather [hbm4b:s4+s15], $0x20, s28, s15, $0xb8;
	[tilespmem:$0x1F000] =	vst v63  }
0x135: {  	s29 =	simm.s32 $0x7000  }
0x136: {  	[spmem:s2] =	stream.indirect.scatter.add.f32 [tilespmem:s14], [sflag:$0x2], $0x20, s29, s15, $0xb8;
	[tilespmem:$0x1F000] =	vst v63  }
0x137: {  	_ =	swait.ge [sflag:s12], $0x8000  }
0x138: {  	[sflag:s12] =	ssyncset.done $0x0  }
0x139: {  	[sflag:s12] =	ssyncadd.s32 $0xFFFF8000  }
0x13a: {  	_ =	swait.ge [sflag:s16], $0x8000  }
0x13b: {  	[sflag:s16] =	ssyncset.done $0x0  }
0x13c: {  	s28 =	simm.s32 $0x2800;
	[sflag:s16] =	ssyncadd.s32 $0xFFFF8000  }
0x13d: {  	[tilespmem:s14], [sflag:$0x1] =	stream.indirect.gather [hbm4b:s4+s15], $0x20, s28, s15, $0xb8;
	[tilespmem:$0x1F000] =	vst v63  }
0x13e: {  	s29 =	simm.s32 $0x7400  }
0x13f: {  	[spmem:s2] =	stream.indirect.scatter.add.f32 [tilespmem:s17], [sflag:$0x2], $0x20, s29, s15, $0xb8;
	[tilespmem:$0x1F000] =	vst v63  }
0x140: {  	_ =	swait.ge [sflag:s12], $0x8000  }
0x141: {  	[sflag:s12] =	ssyncset.done $0x0  }
0x142: {  	[sflag:s12] =	ssyncadd.s32 $0xFFFF8000  }
0x143: {  	_ =	swait.ge [sflag:s16], $0x8000  }
0x144: {  	[sflag:s16] =	ssyncset.done $0x0  }
0x145: {  	s28 =	simm.s32 $0x2C00;
	[sflag:s16] =	ssyncadd.s32 $0xFFFF8000  }
0x146: {  	[tilespmem:s17], [sflag:$0x1] =	stream.indirect.gather [hbm4b:s4+s15], $0x20, s28, s15, $0xb8;
	[tilespmem:$0x1F000] =	vst v63  }
0x147: {  	s29 =	simm.s32 $0x7800  }
0x148: {  	[spmem:s2] =	stream.indirect.scatter.add.f32 [tilespmem:s14], [sflag:$0x2], $0x20, s29, s15, $0xb8;
	[tilespmem:$0x1F000] =	vst v63  }
0x149: {  	_ =	swait.ge [sflag:s12], $0x8000  }
0x14a: {  	[sflag:s12] =	ssyncset.done $0x0  }
0x14b: {  	[sflag:s12] =	ssyncadd.s32 $0xFFFF8000  }
0x14c: {  	_ =	swait.ge [sflag:s16], $0x8000  }
0x14d: {  	[sflag:s16] =	ssyncset.done $0x0  }
0x14e: {  	s28 =	simm.s32 $0x3000;
	[sflag:s16] =	ssyncadd.s32 $0xFFFF8000  }
0x14f: {  	[tilespmem:s14], [sflag:$0x1] =	stream.indirect.gather [hbm4b:s4+s15], $0x20, s28, s15, $0xb8;
	[tilespmem:$0x1F000] =	vst v63  }
0x150: {  	s29 =	simm.s32 $0x7C00  }
0x151: {  	[spmem:s2] =	stream.indirect.scatter.add.f32 [tilespmem:s17], [sflag:$0x2], $0x20, s29, s15, $0xb8;
	[tilespmem:$0x1F000] =	vst v63  }
0x152: {  	_ =	swait.ge [sflag:s12], $0x8000  }
0x153: {  	[sflag:s12] =	ssyncset.done $0x0  }
0x154: {  	[sflag:s12] =	ssyncadd.s32 $0xFFFF8000  }
0x155: {  	_ =	swait.ge [sflag:s16], $0x8000  }
0x156: {  	[sflag:s16] =	ssyncset.done $0x0  }
0x157: {  	s28 =	simm.s32 $0x3400;
	[sflag:s16] =	ssyncadd.s32 $0xFFFF8000  }
0x158: {  	[tilespmem:s17], [sflag:$0x1] =	stream.indirect.gather [hbm4b:s4+s15], $0x20, s28, s15, $0xb8;
	[tilespmem:$0x1F000] =	vst v63  }
0x159: {  	s29 =	simm.s32 $0x8000  }
0x15a: {  	[spmem:s2] =	stream.indirect.scatter.add.f32 [tilespmem:s14], [sflag:$0x2], $0x20, s29, s15, $0xb8;
	[tilespmem:$0x1F000] =	vst v63  }
0x15b: {  	_ =	swait.ge [sflag:s12], $0x8000  }
0x15c: {  	[sflag:s12] =	ssyncset.done $0x0  }
0x15d: {  	[sflag:s12] =	ssyncadd.s32 $0xFFFF8000  }
0x15e: {  	_ =	swait.ge [sflag:s16], $0x8000  }
0x15f: {  	[sflag:s16] =	ssyncset.done $0x0  }
0x160: {  	s28 =	simm.s32 $0x3800;
	[sflag:s16] =	ssyncadd.s32 $0xFFFF8000  }
0x161: {  	[tilespmem:s14], [sflag:$0x1] =	stream.indirect.gather [hbm4b:s4+s15], $0x20, s28, s15, $0xb8;
	[tilespmem:$0x1F000] =	vst v63  }
0x162: {  	s29 =	simm.s32 $0x8400  }
0x163: {  	[spmem:s2] =	stream.indirect.scatter.add.f32 [tilespmem:s17], [sflag:$0x2], $0x20, s29, s15, $0xb8;
	[tilespmem:$0x1F000] =	vst v63  }
0x164: {  	_ =	swait.ge [sflag:s12], $0x8000  }
0x165: {  	[sflag:s12] =	ssyncset.done $0x0  }
0x166: {  	[sflag:s12] =	ssyncadd.s32 $0xFFFF8000  }
0x167: {  	_ =	swait.ge [sflag:s16], $0x8000  }
0x168: {  	[sflag:s16] =	ssyncset.done $0x0  }
0x169: {  	[sflag:s16] =	ssyncadd.s32 $0xFFFF8000  }
0x16a: {  	[tilespmem:s17], [sflag:$0x1] =	stream.indirect.gather [hbm4b:s4+s15], $0x20, s30, s15, $0xb8;
	[tilespmem:$0x1F000] =	vst v63  }
0x16b: {  	_ = 	snop  }
0x16c: {  	[spmem:s2] =	stream.indirect.scatter.add.f32 [tilespmem:s14], [sflag:$0x2], $0x20, s31, s15, $0xb8;
	[tilespmem:$0x1F000] =	vst v63  }
0x16d: {  	_ =	swait.ge [sflag:s12], $0x8000  }
0x16e: {  	[sflag:s12] =	ssyncset.done $0x0  }
0x16f: {  	[sflag:s12] =	ssyncadd.s32 $0xFFFF8000  }
0x170: {  	_ =	swait.ge [sflag:s16], $0x8000  }
0x171: {  	[sflag:s16] =	ssyncset.done $0x0  }
0x172: {  	[sflag:s16] =	ssyncadd.s32 $0xFFFF8000  }
0x173: {  	[tilespmem:s14], [sflag:$0x1] =	stream.indirect.gather [hbm4b:s4+s15], $0x20, s0, s15, $0xb8;
	[tilespmem:$0x1F000] =	vst v63  }
0x174: {  	_ = 	snop  }
0x175: {  	[spmem:s2] =	stream.indirect.scatter.add.f32 [tilespmem:s17], [sflag:$0x2], $0x20, s1, s15, $0xb8;
	[tilespmem:$0x1F000] =	vst v63  }
0x176: {  	_ =	swait.ge [sflag:s12], $0x8000  }
0x177: {  	[sflag:s12] =	ssyncset.done $0x0  }
0x178: {  	[sflag:s12] =	ssyncadd.s32 $0xFFFF8000  }
0x179: {  	_ =	swait.ge [sflag:s16], $0x8000  }
0x17a: {  	[sflag:s16] =	ssyncset.done $0x0  }
0x17b: {  	[sflag:s16] =	ssyncadd.s32 $0xFFFF8000  }
0x17c: {  	[tilespmem:s17], [sflag:$0x1] =	stream.indirect.gather [hbm4b:s4+s15], $0x20, s18, s15, $0xb8;
	[tilespmem:$0x1F000] =	vst v63  }
0x17d: {  	_ = 	snop  }
0x17e: {  	[spmem:s2] =	stream.indirect.scatter.add.f32 [tilespmem:s14], [sflag:$0x2], $0x20, s19, s15, $0xb8;
	[tilespmem:$0x1F000] =	vst v63  }
0x17f: {  	_ =	swait.ge [sflag:s12], $0x8000  }
0x180: {  	[sflag:s12] =	ssyncset.done $0x0  }
0x181: {  	[sflag:s12] =	ssyncadd.s32 $0xFFFF8000  }
0x182: {  	_ =	swait.ge [sflag:s16], $0x8000  }
0x183: {  	[sflag:s16] =	ssyncset.done $0x0  }
0x184: {  	[sflag:s16] =	ssyncadd.s32 $0xFFFF8000  }
0x185: {  	[tilespmem:s14], [sflag:$0x1] =	stream.indirect.gather [hbm4b:s4+s15], $0x20, s20, s15, $0xb8;
	[tilespmem:$0x1F000] =	vst v63  }
0x186: {  	_ = 	snop  }
0x187: {  	[spmem:s2] =	stream.indirect.scatter.add.f32 [tilespmem:s17], [sflag:$0x2], $0x20, s21, s15, $0xb8;
	[tilespmem:$0x1F000] =	vst v63  }
0x188: {  	_ =	swait.ge [sflag:s12], $0x8000  }
0x189: {  	[sflag:s12] =	ssyncset.done $0x0  }
.Ltmp4:
0x18a: {  	[sflag:s12] =	ssyncadd.s32 $0xFFFF8000;
	(pc) =	sbr.rel .LBB2_6-.Ltmp4, $4  }
0x18b: {  	_ =	swait.ge [sflag:s16], $0x8000  }
0x18c: {  	[sflag:s16] =	ssyncset.done $0x0  }
0x18d: {  	[sflag:s16] =	ssyncadd.s32 $0xFFFF8000  }
0x18e: {  	[tilespmem:s17], [sflag:$0x1] =	stream.indirect.gather [hbm4b:s4+s15], $0x20, s22, s15, $0xb8;
	[tilespmem:$0x1F000] =	vst v63  }
.LBB2_7:
0x18f: {  	_ =	sfence.sel $0x180000  }
0x190: {  	[bflag:$0x0] =	sbarrier.arrive $0xFFFF  }
0x191: {  	_ =	strace $0x90000050  }
0x192: {  	s0 =	stileid.u32;
	[bflag:$0x2] =	sbarrier.arrive $0xFFFF  }
0x193: {  	p0 =	sne.s32 s0, $0x0;
	s0 =	rddreg [dreg:$0x2]  }
0x194: {  	s0 =	sadd.s32 @!p0 $0x100000, s0  }
0x195: {  	[sflag:s0] =	ssyncadd.tile.s32 @!p0 $0x1;
	_ =	shalt  }
.Lfunc_end2:
_tile_overlayer_lowered:
.L_overlay_start_2:
0x196: {  	(tag) =	ssettag $0x2  }
0x197: {  	s0 =	rddreg [dreg:$0x0];
	s2 =	stileid.u32  }
0x198: {  	s1 =	rddreg [dreg:$0x1];
	p0 =	sne.s32 s2, $0x0  }
0x199: {  	s3 =	rddreg [dreg:$0x2];
	[bflag:$0x3] =	sbarrier.arrive $0xFFFF;
	s2 =	simm.s32 @!p0 $0x1C02  }
0x19a: {  	[timem:s3], [sflag:s2] =	dma.local @!p0 [hbm:s0], s1  }
0x19b: {  	s0 =	simm.s32 @!p0 $0x2  }
0x19c: {  	_ =	swait.ge @!p0 [sflag:s0], s1  }
0x19d: {  	s1 =	ssub.s32 @!p0 $0x0, s1;
	[sflag:s0] =	ssyncset.done @!p0 $0x0  }
0x19e: {  	[sflag:s0] =	ssyncadd.s32 @!p0 s1  }
0x19f: {  	[bflag:$0x3] =	sbarrier.arrive $0xFFFF  }
0x1a0: {  	_ =	shalt  }

// kernel: kernel.24.cloned.1.call-start
scs
__scs_entry_jumppad:
0x0: {  	(pc) =	sbr.rel $0x88, $3  }
0x1: {  	(tag) =	ssettag $0x0;
	lr =	simm.s32 $0x1  }
0x2: {  	[smem:$0x3F8E] =	sst lr;
	_ =	strace $0xD0000000  }
0x3: {  	_ = 	snop  }
0x4: {  	_ = 	snop  }
0x5: {  	_ = 	snop  }
0x6: {  	_ = 	snop  }
0x7: {  	_ = 	snop  }
__scs_overlays_trampoline_lowered:
0x8: {  	[smem:$0x3F9D] =	sst s0  }
0x9: {  	[smem:$0x3F9E] =	sst s1  }
0xa: {  	[smem:$0x3F9F] =	sst s2  }
0xb: {  	[smem:$0x3FA0] =	sst s3  }
0xc: {  	[smem:$0x3FA1] =	sst s4  }
0xd: {  	[smem:$0x3FA2] =	sst s5  }
0xe: {  	[smem:$0x3FA3] =	sst s6  }
0xf: {  	[smem:$0x3FA4] =	sst s7  }
0x10: {  	[smem:$0x3FA5] =	sst s8  }
0x11: {  	[smem:$0x3FA6] =	sst s9;
	s0 =	simm.s32 @!p0 $0x0  }
0x12: {  	s1 =	sld [smem:$0x3F8C];
	s0 =	simm.s32 @p0 $0x1  }
0x13: {  	[smem:$0x3FA7] =	sst s0;
	s0 =	simm.s32 @!p1 $0x0  }
0x14: {  	s2 =	sld [smem:$0x3F8B];
	s0 =	simm.s32 @p1 $0x1  }
0x15: {  	[smem:$0x3FA8] =	sst s0;
	s0 =	simm.s32 @!p2 $0x0  }
0x16: {  	s3 =	sld [smem:$0x3FDB];
	s0 =	simm.s32 @p2 $0x1  }
0x17: {  	s4 =	simm.s32 $0x1BF5;
	[smem:$0x3FAA] =	sst s0  }
0x18: {  	s0 =	sld [smem:$0x3F8D];
	_ =	swait.ge [sflag:s4], $0x0  }
0x19: {  	s7 =	sld [smem:$0x3F8E]  }
0x1a: {  	s8 =	sadd.s32 $0xFFFFE003, lr  }
0x1b: {  	s9 =	sadd.s32 $0xFFFFFEF7, lr;
	s5 =	simm.s32 $0xFFFFFFFF;
	p2 =	slt.u32 s8, $0xFFFFF086  }
0x1c: {  	p1 =	slt.u32 s9, $0xF7A;
	s5 =	simm.s32 @!p2 $0x0  }
0x1d: {  	s5 =	simm.s32 @p1 $0x1;
	p0 =	seq.s32 s7, s2  }
0x1e: {  	s7 =	smul.u32 @!p0 $0xF7A, s2;
	p2 =	seq.s32 @!p0 s5, $0x0  }
0x1f: {  	s9 =	smul.u32 $0xF7A, s1;
	s8 =	simm.s32 @!p0 $0x1BF5;
	p2 =	por !p2, p0  }
0x20: {  	[sflag:s8] =	ssyncset.s32 @!p0 $0xFFFFF086;
	s6 =	sadd.s32 @!p0 s3, s7;
	s7 =	simm.s32 @!p0 $0x108  }
0x21: {  	s3 =	sadd.s32 s3, s9;
	s6 =	sadd.s32 @!p0 $0x88, s6;
	s7 =	simm.s32 @p2 $0x1082  }
0x22: {  	[simem:s7], [sflag:s8] =	dma.local @!p0 [hbm:s6], $0xF7A  }
0x23: {  	s9 =	sor.u32 $0xD0000000, s2;
	s6 =	simm.s32 $0x108;
	_ =	swait.ge @!p0 [sflag:s8], $0x0  }
0x24: {  	s3 =	sadd.s32 $0x88, s3;
	s6 =	simm.s32 @!p1 $0x1082;
	[sflag:s4] =	ssyncset.s32 $0xFFFFF086  }
0x25: {  	[simem:s6], [sflag:s4] =	dma.local [hbm:s3], $0xF7A  }
0x26: {  	[smem:$0x3F8E] =	sst s1;
	(tag) =	ssettag s2;
	_ =	strace s9  }
0x27: {  	s1 =	sld [smem:$0x3F9E]  }
0x28: {  	s2 =	sld [smem:$0x3F9F]  }
0x29: {  	s4 =	sld [smem:$0x3FA1]  }
0x2a: {  	p0 =	seq.s32 s5, $0x0;
	s5 =	sld [smem:$0x3FA2]  }
0x2b: {  	s6 =	sld [smem:$0x3FA3]  }
0x2c: {  	s7 =	sld [smem:$0x3FA4]  }
0x2d: {  	s3 =	simm.s32 $0x108;
	s8 =	sld [smem:$0x3FA5]  }
0x2e: {  	s3 =	simm.s32 @!p0 $0x1082;
	s9 =	sld [smem:$0x3FA6]  }
0x2f: {  	lr =	sadd.s32 s0, s3;
	s0 =	sld [smem:$0x3F9D]  }
0x30: {  	s3 =	sld [smem:$0x3FA0]  }
0x31: {  	[smem:$0x3FA9] =	sst s10  }
0x32: {  	s10 =	sld [smem:$0x3FA7];
	_ =	sdelay $0x3  }
0x33: {  	p0 =	seq.s32 s10, $0x1;
	s10 =	sld [smem:$0x3FA9];
	_ =	sdelay $0x3  }
0x34: {  	[smem:$0x3FA9] =	sst s10  }
0x35: {  	s10 =	sld [smem:$0x3FA8];
	_ =	sdelay $0x3  }
0x36: {  	p1 =	seq.s32 s10, $0x1;
	s10 =	sld [smem:$0x3FA9];
	_ =	sdelay $0x3  }
0x37: {  	[smem:$0x3FA9] =	sst s10  }
0x38: {  	s10 =	sld [smem:$0x3FAA]  }
0x39: {  	_ = 	snop;
	(pc) =	sbr.ind lr, $3  }
0x3a: {  	_ = 	snop  }
0x3b: {  	_ = 	snop  }
0x3c: {  	p2 =	seq.s32 s10, $0x1;
	s10 =	sld [smem:$0x3FA9]  }
0x3d: {  	_ =	shalt  }
0x3e: {  	_ =	shalt  }
0x3f: {  	_ =	shalt  }
0x40: {  	_ =	shalt  }
0x41: {  	_ =	shalt  }
0x42: {  	_ =	shalt  }
0x43: {  	_ =	shalt  }
0x44: {  	_ =	shalt  }
0x45: {  	_ =	shalt  }
0x46: {  	_ =	shalt  }
0x47: {  	_ =	shalt  }
0x48: {  	_ =	shalt  }
0x49: {  	_ =	shalt  }
0x4a: {  	_ =	shalt  }
0x4b: {  	_ =	shalt  }
0x4c: {  	_ =	shalt  }
0x4d: {  	_ =	shalt  }
0x4e: {  	_ =	shalt  }
0x4f: {  	_ =	shalt  }
0x50: {  	_ =	shalt  }
0x51: {  	_ =	shalt  }
0x52: {  	_ =	shalt  }
0x53: {  	_ =	shalt  }
0x54: {  	_ =	shalt  }
0x55: {  	_ =	shalt  }
0x56: {  	_ =	shalt  }
0x57: {  	_ =	shalt  }
0x58: {  	_ =	shalt  }
0x59: {  	_ =	shalt  }
0x5a: {  	_ =	shalt  }
0x5b: {  	_ =	shalt  }
0x5c: {  	_ =	shalt  }
0x5d: {  	_ =	shalt  }
0x5e: {  	_ =	shalt  }
0x5f: {  	_ =	shalt  }
0x60: {  	_ =	shalt  }
0x61: {  	_ =	shalt  }
0x62: {  	_ =	shalt  }
0x63: {  	_ =	shalt  }
0x64: {  	_ =	shalt  }
0x65: {  	_ =	shalt  }
0x66: {  	_ =	shalt  }
0x67: {  	_ =	shalt  }
0x68: {  	_ =	shalt  }
0x69: {  	_ =	shalt  }
0x6a: {  	_ =	shalt  }
0x6b: {  	_ =	shalt  }
0x6c: {  	_ =	shalt  }
0x6d: {  	_ =	shalt  }
0x6e: {  	_ =	shalt  }
0x6f: {  	_ =	shalt  }
0x70: {  	_ =	shalt  }
0x71: {  	_ =	shalt  }
0x72: {  	_ =	shalt  }
0x73: {  	_ =	shalt  }
0x74: {  	_ =	shalt  }
0x75: {  	_ =	shalt  }
0x76: {  	_ =	shalt  }
0x77: {  	_ =	shalt  }
0x78: {  	_ =	shalt  }
0x79: {  	_ =	shalt  }
0x7a: {  	_ =	shalt  }
0x7b: {  	_ =	shalt  }
0x7c: {  	_ =	shalt  }
0x7d: {  	_ =	shalt  }
0x7e: {  	_ =	shalt  }
0x7f: {  	_ =	shalt  }
0x80: {  	_ =	shalt  }
0x81: {  	_ =	shalt  }
0x82: {  	_ =	shalt  }
0x83: {  	_ =	shalt  }
0x84: {  	_ =	shalt  }
0x85: {  	_ =	shalt  }
0x86: {  	_ =	shalt  }
0x87: {  	_ =	shalt  }
.Lfunc_end0:
.L_simem_size_0:
called_computation.4_lowered:
.L_overlay_start_0:
0x88: {  	s2 =	sld [smem:$0x3FD9]  }
0x89: {  	s3 =	sld [smem:$0x3FFE];
	_ =	sdelay $0x1  }
0x8a: {  	s1 =	srdreg.scid  }
0x8b: {  	s0 =	sand.u32 $0x1, s1  }
0x8c: {  	s16 =	sshll.u32 s0, $0xA;
	s2 =	sadd.s32 s3, s2  }
0x8d: {  	s2 =	sadd.s32 s2, s16  }
0x8e: {  	[smem:$0x3FB5] =	sst s2  }
0x8f: {  	_ = 	snop  }
0x90: {  	(tm) =	ssettm $0x1  }
0x91: {  	s17 =	sld [smem:$0x3FFB];
	_ =	sdelay $0x3  }
0x92: {  	_ =	strace s17  }
0x93: {  	s2 =	sld [smem:$0x3FFC];
	_ =	sdelay $0x3  }
0x94: {  	_ =	strace s2  }
0x95: {  	s2 =	sld [smem:$0x3FFD];
	_ =	sdelay $0x3  }
0x96: {  	_ =	strace s2  }
0x97: {  	_ =	strace $0x8FFFFFFF  }
0x98: {  	s18 =	sld [smem:$0x3FDB];
	_ =	sdelay $0x1  }
0x99: {  	s19 =	simm.s32 $_scs_section_size  }
0x9a: {  	s4 =	simm.s32 $_size__tile_overlayer_lowered;
	s5 =	simm.s32 $_tile_overlayer_lowered  }
0x9b: {  	s22 =	simm.s32 $0x1BFF;
	s21 =	sshll.u32 s5, $0x1;
	s2 =	sadd.s32 s19, s18  }
0x9c: {  	s6 =	simm.s32 $0x0;
	s20 =	sshll.u32 s4, $0x1;
	s4 =	sadd.s32 s21, s2  }
0x9d: {  	[timem:s6], [sflag:s22] =	dma.local [hbm:s4], s20  }
0x9e: {  	_ =	swait.ge [sflag:s22], s20  }
0x9f: {  	s3 =	ssub.s32 $0x0, s20;
	[sflag:s22] =	ssyncset.done $0x0  }
0xa0: {  	[sflag:s22] =	ssyncadd.s32 s3;
	_ =	sdelay $0x1  }
0xa1: {  	s23 =	simm.s32 $0x1B8B  }
0xa2: {  	_ =	swait.ge [sflag:s23], $0x1  }
0xa3: {  	[sflag:s23] =	ssyncset.done $0x0  }
0xa4: {  	s25 =	simm.s32 $0x1B8E;
	s24 =	sld [smem:$0x3FFE];
	[sflag:s23] =	ssyncadd.s32 $0xFFFFFFFF  }
0xa5: {  	s26 =	simm.s32 $execute0_lowered;
	[smem:$0x3FD2] =	sst s25  }
0xa6: {  	s4 =	sshll.u32 s26, $0x1;
	_ =	strace $0x80000052;
	[dreg:$0x1] =	wrdreg $0xFFFFFFFF  }
0xa7: {  	s28 =	simm.s32 $_size_execute0_lowered;
	s2 =	sadd.s32 s2, s4;
	[dreg:$0x0] =	wrdreg $0x0  }
0xa8: {  	s4 =	sshll.u32 s28, $0x1;
	[dreg:$0x2] =	wrdreg s2  }
0xa9: {  	[dreg:$0x3] =	wrdreg s4  }
0xaa: {  	[dreg:$0x4] =	wrdreg $0xC0  }
0xab: {  	_ =	task [dreg:s6], $0x5FFFF  }
0xac: {  	[dreg:$0x1] =	wrdreg $0xFFFFFFFF  }
0xad: {  	[dreg:$0x0] =	wrdreg $0x60  }
0xae: {  	[dreg:$0x2] =	wrdreg s24  }
0xaf: {  	[dreg:$0x3] =	wrdreg $0x1A0000  }
0xb0: {  	[dreg:$0x4] =	wrdreg $0x9  }
0xb1: {  	_ =	task.clear_ibuf [dreg:s6], $0x5FFFF;
	_ =	strace $0x90000052  }
0xb2: {  	s29 =	simm.s32 $0x9;
	_ =	strace $0x80000054  }
0xb3: {  	_ =	swait.ge [sflag:s29], $0x1  }
0xb4: {  	[sflag:s29] =	ssyncadd.s32 $0xFFFFFFFF  }
0xb5: {  	_ =	strace $0x90000054  }
0xb6: {  	_ =	sfence  }
0xb7: {  	s30 =	sld [smem:$0x0];
	_ =	sdelay $0x2  }
0xb8: {  	s31 =	sshll.u32 s1, $0xD;
	s1 =	sshrl.u32 s1, $0x2  }
0xb9: {  	s3 =	sand.u32 $0x4000, s31;
	s1 =	sadd.s32 s1, s30  }
0xba: {  	s0 =	sor.u32 s3, s0;
	s1 =	sshll.u32 s1, $0x11  }
0xbb: {  	s0 =	sor.u32 s1, s0  }
0xbc: {  	s0 =	sadd.s32 $0x8F2B, s0  }
0xbd: {  	[sflag:s0] =	ssyncadd.remote.s32 $0x1  }
0xbe: {  	_ =	sfence.sel $0xFFFF  }
0xbf: {  	[dreg:$0x0] =	wrdreg $0xFFFFFFFF;
	(pc) =	sbr.abs _section_cstart, $3  }
0xc0: {  	[dreg:$0x1] =	wrdreg $0xFFFFFFFF  }
0xc1: {  	_ =	task.clear_ibuf [dreg:s6], $0x2FFFF;
	_ =	strace $0x9FFFFFFF  }
0xc2: {  	(tm) =	ssettm $0x7FFFFFFF  }
0xc3: {  	_ =	shalt  }
tec
execute0_lowered:
.L_overlay_start_1:
0x0: {  	(tag) =	ssettag $0x1  }
0x1: {  	s0 =	rddreg [dreg:$0x0]  }
0x2: {  	s2 =	rddreg [dreg:$0x1];
	s3 =	simm.s32 $0x0;
	s18 =	stileid.u32  }
0x3: {  	s6 =	srdreg.scid;
	s13 =	simm.s32 $0x5000;
	s14 =	simm.s32 $0xA000  }
0x4: {  	s15 =	simm.s32 $0x400;
	s16 =	simm.s32 $0x1;
	s17 =	simm.s32 $0x12000  }
0x5: {  	s30 =	simm.s32 $0x3C00;
	s31 =	simm.s32 $0x8800;
	s19 =	simm.s32 $0x9000  }
0x6: {  	s20 =	simm.s32 $0x4800;
	s21 =	simm.s32 $0x9400;
	s22 =	simm.s32 $0x4C00  }
0x7: {  	s23 =	simm.s32 $0x9800;
	s24 =	simm.s32 $0x9C00;
	s25 =	simm.s32 $0x0  }
0x8: {  	[smem:$0x7FF] =	sst s3;
	s1 =	smul.u32 $0xA00, s18;
	s4 =	sadd.s32 $0x23000, s0  }
0x9: {  	s5 =	sadd.s32 $0xF200, s0;
	s9 =	sand.u32 $0x1, s6;
	s10 =	smul.u32 $0x5000, s18  }
0xa: {  	p1 =	seq.s32 s18, $0xF;
	s18 =	simm.s32 $0x4400;
	_ =	strace $0x80000053  }
0xb: {  	s6 =	ssub.s32 $0x2, s9;
	s11 =	smul.u32 $0x4E200, s9;
	p0 =	seq.s32 s9, $0x1  }
0xc: {  	s1 =	sadd.s32 s1, s0;
	s0 =	sadd.s32 $0x2CE00, s0;
	s7 =	sshrl.u32 s6, $0x1  }
.Ltmp0:
0xd: {  	s8 =	sadd.s32 s10, s2;
	s12 =	ssub.s32 s6, s7;
	(pc) =	sbr.rel .LBB2_1-.Ltmp0, $4  }
0xe: {  	s6 =	sadd.s32 $0x19000, s1;
	s28 =	sadd.s32 s10, s11;
	s29 =	sshrl.u32 s11, $0x3  }
0xf: {  	s7 =	sadd.s32 $0x5200, s1;
	s1 =	sshrl.u32 s28, $0x3;
	s10 =	sadd.s32 s0, s29  }
0x10: {  	s11 =	smax.u32 s12, $0x1;
	s12 =	simm.s32 $0x2;
	s9 =	sadd.s32 s0, s1  }
0x11: {  	v0 =	vimm.f32 $0.0e+00;
	s10 =	sadd.s32 $0x9600, s10;
	s0 =	simm.s32 $0x4000;
	s1 =	simm.s32 $0x8C00  }
.LBB2_5:
0x12: {  	[tilespmem:s14], [sflag:$0x1] =	stream.indirect.gather [hbm4b:s5+s15], $0x20, s3, s15, $0xb8;
	[tilespmem:$0x1F000] =	vst v63  }
0x13: {  	_ =	swait.ge [sflag:s16], $0x8000  }
0x14: {  	[sflag:s16] =	ssyncset.done $0x0  }
0x15: {  	[sflag:s16] =	ssyncadd.s32 $0xFFFF8000  }
0x16: {  	[tilespmem:s17], [sflag:$0x1] =	stream.indirect.gather [hbm4b:s5+s15], $0x20, s15, s15, $0xb8;
	[tilespmem:$0x1F000] =	vst v63  }
0x17: {  	_ = 	snop  }
0x18: {  	[spmem:s2] =	stream.indirect.scatter.add.f32 [tilespmem:s14], [sflag:$0x2], $0x20, s13, s15, $0xb8;
	[tilespmem:$0x1F000] =	vst v63  }
0x19: {  	_ =	swait.ge [sflag:s12], $0x8000  }
0x1a: {  	[sflag:s12] =	ssyncset.done $0x0  }
0x1b: {  	[sflag:s12] =	ssyncadd.s32 $0xFFFF8000  }
0x1c: {  	_ =	swait.ge [sflag:s16], $0x8000  }
0x1d: {  	[sflag:s16] =	ssyncset.done $0x0  }
0x1e: {  	s26 =	simm.s32 $0x800;
	[sflag:s16] =	ssyncadd.s32 $0xFFFF8000  }
0x1f: {  	[tilespmem:s14], [sflag:$0x1] =	stream.indirect.gather [hbm4b:s5+s15], $0x20, s26, s15, $0xb8;
	[tilespmem:$0x1F000] =	vst v63  }
0x20: {  	s29 =	simm.s32 $0x5400  }
0x21: {  	[spmem:s2] =	stream.indirect.scatter.add.f32 [tilespmem:s17], [sflag:$0x2], $0x20, s29, s15, $0xb8;
	[tilespmem:$0x1F000] =	vst v63  }
0x22: {  	_ =	swait.ge [sflag:s12], $0x8000  }
0x23: {  	[sflag:s12] =	ssyncset.done $0x0  }
0x24: {  	[sflag:s12] =	ssyncadd.s32 $0xFFFF8000  }
0x25: {  	_ =	swait.ge [sflag:s16], $0x8000  }
0x26: {  	[sflag:s16] =	ssyncset.done $0x0  }
0x27: {  	s28 =	simm.s32 $0xC00;
	[sflag:s16] =	ssyncadd.s32 $0xFFFF8000  }
0x28: {  	[tilespmem:s17], [sflag:$0x1] =	stream.indirect.gather [hbm4b:s5+s15], $0x20, s28, s15, $0xb8;
	[tilespmem:$0x1F000] =	vst v63  }
0x29: {  	s29 =	simm.s32 $0x5800  }
0x2a: {  	[spmem:s2] =	stream.indirect.scatter.add.f32 [tilespmem:s14], [sflag:$0x2], $0x20, s29, s15, $0xb8;
	[tilespmem:$0x1F000] =	vst v63  }
0x2b: {  	_ =	swait.ge [sflag:s12], $0x8000  }
0x2c: {  	[sflag:s12] =	ssyncset.done $0x0  }
0x2d: {  	[sflag:s12] =	ssyncadd.s32 $0xFFFF8000  }
0x2e: {  	_ =	swait.ge [sflag:s16], $0x8000  }
0x2f: {  	[sflag:s16] =	ssyncset.done $0x0  }
0x30: {  	s28 =	simm.s32 $0x1000;
	[sflag:s16] =	ssyncadd.s32 $0xFFFF8000  }
0x31: {  	[tilespmem:s14], [sflag:$0x1] =	stream.indirect.gather [hbm4b:s5+s15], $0x20, s28, s15, $0xb8;
	[tilespmem:$0x1F000] =	vst v63  }
0x32: {  	s29 =	simm.s32 $0x5C00  }
0x33: {  	[spmem:s2] =	stream.indirect.scatter.add.f32 [tilespmem:s17], [sflag:$0x2], $0x20, s29, s15, $0xb8;
	[tilespmem:$0x1F000] =	vst v63  }
0x34: {  	_ =	swait.ge [sflag:s12], $0x8000  }
0x35: {  	[sflag:s12] =	ssyncset.done $0x0  }
0x36: {  	[sflag:s12] =	ssyncadd.s32 $0xFFFF8000  }
0x37: {  	_ =	swait.ge [sflag:s16], $0x8000  }
0x38: {  	[sflag:s16] =	ssyncset.done $0x0  }
0x39: {  	s28 =	simm.s32 $0x1400;
	[sflag:s16] =	ssyncadd.s32 $0xFFFF8000  }
0x3a: {  	[tilespmem:s17], [sflag:$0x1] =	stream.indirect.gather [hbm4b:s5+s15], $0x20, s28, s15, $0xb8;
	[tilespmem:$0x1F000] =	vst v63  }
0x3b: {  	s29 =	simm.s32 $0x6000  }
0x3c: {  	[spmem:s2] =	stream.indirect.scatter.add.f32 [tilespmem:s14], [sflag:$0x2], $0x20, s29, s15, $0xb8;
	[tilespmem:$0x1F000] =	vst v63  }
0x3d: {  	_ =	swait.ge [sflag:s12], $0x8000  }
0x3e: {  	[sflag:s12] =	ssyncset.done $0x0  }
0x3f: {  	[sflag:s12] =	ssyncadd.s32 $0xFFFF8000  }
0x40: {  	_ =	swait.ge [sflag:s16], $0x8000  }
0x41: {  	[sflag:s16] =	ssyncset.done $0x0  }
0x42: {  	s28 =	simm.s32 $0x1800;
	[sflag:s16] =	ssyncadd.s32 $0xFFFF8000  }
0x43: {  	[tilespmem:s14], [sflag:$0x1] =	stream.indirect.gather [hbm4b:s5+s15], $0x20, s28, s15, $0xb8;
	[tilespmem:$0x1F000] =	vst v63  }
0x44: {  	s29 =	simm.s32 $0x6400  }
0x45: {  	[spmem:s2] =	stream.indirect.scatter.add.f32 [tilespmem:s17], [sflag:$0x2], $0x20, s29, s15, $0xb8;
	[tilespmem:$0x1F000] =	vst v63  }
0x46: {  	_ =	swait.ge [sflag:s12], $0x8000  }
0x47: {  	[sflag:s12] =	ssyncset.done $0x0  }
0x48: {  	[sflag:s12] =	ssyncadd.s32 $0xFFFF8000  }
0x49: {  	_ =	swait.ge [sflag:s16], $0x8000  }
0x4a: {  	[sflag:s16] =	ssyncset.done $0x0  }
0x4b: {  	s28 =	simm.s32 $0x1C00;
	[sflag:s16] =	ssyncadd.s32 $0xFFFF8000  }
0x4c: {  	[tilespmem:s17], [sflag:$0x1] =	stream.indirect.gather [hbm4b:s5+s15], $0x20, s28, s15, $0xb8;
	[tilespmem:$0x1F000] =	vst v63  }
0x4d: {  	s29 =	simm.s32 $0x6800  }
0x4e: {  	[spmem:s2] =	stream.indirect.scatter.add.f32 [tilespmem:s14], [sflag:$0x2], $0x20, s29, s15, $0xb8;
	[tilespmem:$0x1F000] =	vst v63  }
0x4f: {  	_ =	swait.ge [sflag:s12], $0x8000  }
0x50: {  	[sflag:s12] =	ssyncset.done $0x0  }
0x51: {  	[sflag:s12] =	ssyncadd.s32 $0xFFFF8000  }
0x52: {  	_ =	swait.ge [sflag:s16], $0x8000  }
0x53: {  	[sflag:s16] =	ssyncset.done $0x0  }
0x54: {  	s28 =	simm.s32 $0x2000;
	[sflag:s16] =	ssyncadd.s32 $0xFFFF8000  }
0x55: {  	[tilespmem:s14], [sflag:$0x1] =	stream.indirect.gather [hbm4b:s5+s15], $0x20, s28, s15, $0xb8;
	[tilespmem:$0x1F000] =	vst v63  }
0x56: {  	s29 =	simm.s32 $0x6C00  }
0x57: {  	[spmem:s2] =	stream.indirect.scatter.add.f32 [tilespmem:s17], [sflag:$0x2], $0x20, s29, s15, $0xb8;
	[tilespmem:$0x1F000] =	vst v63  }
0x58: {  	_ =	swait.ge [sflag:s12], $0x8000  }
0x59: {  	[sflag:s12] =	ssyncset.done $0x0  }
0x5a: {  	[sflag:s12] =	ssyncadd.s32 $0xFFFF8000  }
0x5b: {  	_ =	swait.ge [sflag:s16], $0x8000  }
0x5c: {  	[sflag:s16] =	ssyncset.done $0x0  }
0x5d: {  	s28 =	simm.s32 $0x2400;
	[sflag:s16] =	ssyncadd.s32 $0xFFFF8000  }
0x5e: {  	[tilespmem:s17], [sflag:$0x1] =	stream.indirect.gather [hbm4b:s5+s15], $0x20, s28, s15, $0xb8;
	[tilespmem:$0x1F000] =	vst v63  }
0x5f: {  	s29 =	simm.s32 $0x7000  }
0x60: {  	[spmem:s2] =	stream.indirect.scatter.add.f32 [tilespmem:s14], [sflag:$0x2], $0x20, s29, s15, $0xb8;
	[tilespmem:$0x1F000] =	vst v63  }
0x61: {  	_ =	swait.ge [sflag:s12], $0x8000  }
0x62: {  	[sflag:s12] =	ssyncset.done $0x0  }
0x63: {  	[sflag:s12] =	ssyncadd.s32 $0xFFFF8000  }
0x64: {  	_ =	swait.ge [sflag:s16], $0x8000  }
0x65: {  	[sflag:s16] =	ssyncset.done $0x0  }
0x66: {  	s28 =	simm.s32 $0x2800;
	[sflag:s16] =	ssyncadd.s32 $0xFFFF8000  }
0x67: {  	[tilespmem:s14], [sflag:$0x1] =	stream.indirect.gather [hbm4b:s5+s15], $0x20, s28, s15, $0xb8;
	[tilespmem:$0x1F000] =	vst v63  }
0x68: {  	s29 =	simm.s32 $0x7400  }
0x69: {  	[spmem:s2] =	stream.indirect.scatter.add.f32 [tilespmem:s17], [sflag:$0x2], $0x20, s29, s15, $0xb8;
	[tilespmem:$0x1F000] =	vst v63  }
0x6a: {  	_ =	swait.ge [sflag:s12], $0x8000  }
0x6b: {  	[sflag:s12] =	ssyncset.done $0x0  }
0x6c: {  	[sflag:s12] =	ssyncadd.s32 $0xFFFF8000  }
0x6d: {  	_ =	swait.ge [sflag:s16], $0x8000  }
0x6e: {  	[sflag:s16] =	ssyncset.done $0x0  }
0x6f: {  	s28 =	simm.s32 $0x2C00;
	[sflag:s16] =	ssyncadd.s32 $0xFFFF8000  }
0x70: {  	[tilespmem:s17], [sflag:$0x1] =	stream.indirect.gather [hbm4b:s5+s15], $0x20, s28, s15, $0xb8;
	[tilespmem:$0x1F000] =	vst v63  }
0x71: {  	s29 =	simm.s32 $0x7800  }
0x72: {  	[spmem:s2] =	stream.indirect.scatter.add.f32 [tilespmem:s14], [sflag:$0x2], $0x20, s29, s15, $0xb8;
	[tilespmem:$0x1F000] =	vst v63  }
0x73: {  	_ =	swait.ge [sflag:s12], $0x8000  }
0x74: {  	[sflag:s12] =	ssyncset.done $0x0  }
0x75: {  	[sflag:s12] =	ssyncadd.s32 $0xFFFF8000  }
0x76: {  	_ =	swait.ge [sflag:s16], $0x8000  }
0x77: {  	[sflag:s16] =	ssyncset.done $0x0  }
0x78: {  	s28 =	simm.s32 $0x3000;
	[sflag:s16] =	ssyncadd.s32 $0xFFFF8000  }
0x79: {  	[tilespmem:s14], [sflag:$0x1] =	stream.indirect.gather [hbm4b:s5+s15], $0x20, s28, s15, $0xb8;
	[tilespmem:$0x1F000] =	vst v63  }
0x7a: {  	s29 =	simm.s32 $0x7C00  }
0x7b: {  	[spmem:s2] =	stream.indirect.scatter.add.f32 [tilespmem:s17], [sflag:$0x2], $0x20, s29, s15, $0xb8;
	[tilespmem:$0x1F000] =	vst v63  }
0x7c: {  	_ =	swait.ge [sflag:s12], $0x8000  }
0x7d: {  	[sflag:s12] =	ssyncset.done $0x0  }
0x7e: {  	[sflag:s12] =	ssyncadd.s32 $0xFFFF8000  }
0x7f: {  	_ =	swait.ge [sflag:s16], $0x8000  }
0x80: {  	[sflag:s16] =	ssyncset.done $0x0  }
0x81: {  	s28 =	simm.s32 $0x3400;
	[sflag:s16] =	ssyncadd.s32 $0xFFFF8000  }
0x82: {  	[tilespmem:s17], [sflag:$0x1] =	stream.indirect.gather [hbm4b:s5+s15], $0x20, s28, s15, $0xb8;
	[tilespmem:$0x1F000] =	vst v63  }
0x83: {  	s29 =	simm.s32 $0x8000  }
0x84: {  	[spmem:s2] =	stream.indirect.scatter.add.f32 [tilespmem:s14], [sflag:$0x2], $0x20, s29, s15, $0xb8;
	[tilespmem:$0x1F000] =	vst v63  }
0x85: {  	_ =	swait.ge [sflag:s12], $0x8000  }
0x86: {  	[sflag:s12] =	ssyncset.done $0x0  }
0x87: {  	[sflag:s12] =	ssyncadd.s32 $0xFFFF8000  }
0x88: {  	_ =	swait.ge [sflag:s16], $0x8000  }
0x89: {  	[sflag:s16] =	ssyncset.done $0x0  }
0x8a: {  	s28 =	simm.s32 $0x3800;
	[sflag:s16] =	ssyncadd.s32 $0xFFFF8000  }
0x8b: {  	[tilespmem:s14], [sflag:$0x1] =	stream.indirect.gather [hbm4b:s5+s15], $0x20, s28, s15, $0xb8;
	[tilespmem:$0x1F000] =	vst v63  }
0x8c: {  	s29 =	simm.s32 $0x8400  }
0x8d: {  	[spmem:s2] =	stream.indirect.scatter.add.f32 [tilespmem:s17], [sflag:$0x2], $0x20, s29, s15, $0xb8;
	[tilespmem:$0x1F000] =	vst v63  }
0x8e: {  	_ =	swait.ge [sflag:s12], $0x8000  }
0x8f: {  	[sflag:s12] =	ssyncset.done $0x0  }
0x90: {  	[sflag:s12] =	ssyncadd.s32 $0xFFFF8000  }
0x91: {  	_ =	swait.ge [sflag:s16], $0x8000  }
0x92: {  	[sflag:s16] =	ssyncset.done $0x0  }
0x93: {  	[sflag:s16] =	ssyncadd.s32 $0xFFFF8000  }
0x94: {  	[tilespmem:s17], [sflag:$0x1] =	stream.indirect.gather [hbm4b:s5+s15], $0x20, s30, s15, $0xb8;
	[tilespmem:$0x1F000] =	vst v63  }
0x95: {  	_ = 	snop  }
0x96: {  	[spmem:s2] =	stream.indirect.scatter.add.f32 [tilespmem:s14], [sflag:$0x2], $0x20, s31, s15, $0xb8;
	[tilespmem:$0x1F000] =	vst v63  }
0x97: {  	_ =	swait.ge [sflag:s12], $0x8000  }
0x98: {  	[sflag:s12] =	ssyncset.done $0x0  }
0x99: {  	[sflag:s12] =	ssyncadd.s32 $0xFFFF8000  }
0x9a: {  	_ =	swait.ge [sflag:s16], $0x8000  }
0x9b: {  	[sflag:s16] =	ssyncset.done $0x0  }
0x9c: {  	[sflag:s16] =	ssyncadd.s32 $0xFFFF8000  }
0x9d: {  	[tilespmem:s14], [sflag:$0x1] =	stream.indirect.gather [hbm4b:s5+s15], $0x20, s0, s15, $0xb8;
	[tilespmem:$0x1F000] =	vst v63  }
0x9e: {  	_ = 	snop  }
0x9f: {  	[spmem:s2] =	stream.indirect.scatter.add.f32 [tilespmem:s17], [sflag:$0x2], $0x20, s1, s15, $0xb8;
	[tilespmem:$0x1F000] =	vst v63  }
0xa0: {  	_ =	swait.ge [sflag:s12], $0x8000  }
0xa1: {  	[sflag:s12] =	ssyncset.done $0x0  }
0xa2: {  	[sflag:s12] =	ssyncadd.s32 $0xFFFF8000  }
0xa3: {  	_ =	swait.ge [sflag:s16], $0x8000  }
0xa4: {  	[sflag:s16] =	ssyncset.done $0x0  }
0xa5: {  	[sflag:s16] =	ssyncadd.s32 $0xFFFF8000  }
0xa6: {  	[tilespmem:s17], [sflag:$0x1] =	stream.indirect.gather [hbm4b:s5+s15], $0x20, s18, s15, $0xb8;
	[tilespmem:$0x1F000] =	vst v63  }
0xa7: {  	_ = 	snop  }
0xa8: {  	[spmem:s2] =	stream.indirect.scatter.add.f32 [tilespmem:s14], [sflag:$0x2], $0x20, s19, s15, $0xb8;
	[tilespmem:$0x1F000] =	vst v63  }
0xa9: {  	_ =	swait.ge [sflag:s12], $0x8000  }
0xaa: {  	[sflag:s12] =	ssyncset.done $0x0  }
0xab: {  	[sflag:s12] =	ssyncadd.s32 $0xFFFF8000  }
0xac: {  	_ =	swait.ge [sflag:s16], $0x8000  }
0xad: {  	[sflag:s16] =	ssyncset.done $0x0  }
0xae: {  	[sflag:s16] =	ssyncadd.s32 $0xFFFF8000  }
0xaf: {  	[tilespmem:s14], [sflag:$0x1] =	stream.indirect.gather [hbm4b:s5+s15], $0x20, s20, s15, $0xb8;
	[tilespmem:$0x1F000] =	vst v63  }
0xb0: {  	_ = 	snop  }
0xb1: {  	[spmem:s2] =	stream.indirect.scatter.add.f32 [tilespmem:s17], [sflag:$0x2], $0x20, s21, s15, $0xb8;
	[tilespmem:$0x1F000] =	vst v63  }
0xb2: {  	_ =	swait.ge [sflag:s12], $0x8000  }
0xb3: {  	[sflag:s12] =	ssyncset.done $0x0  }
0xb4: {  	[sflag:s12] =	ssyncadd.s32 $0xFFFF8000  }
0xb5: {  	_ =	swait.ge [sflag:s16], $0x8000  }
0xb6: {  	[sflag:s16] =	ssyncset.done $0x0  }
0xb7: {  	[sflag:s16] =	ssyncadd.s32 $0xFFFF8000  }
0xb8: {  	[tilespmem:s17], [sflag:$0x1] =	stream.indirect.gather [hbm4b:s5+s15], $0x20, s22, s15, $0xb8;
	[tilespmem:$0x1F000] =	vst v63  }
.LBB2_6:
0xb9: {  	[spmem:s2] =	stream.indirect.scatter.add.f32 [tilespmem:s14], [sflag:$0x2], $0x20, s23, s15, $0xb8;
	[tilespmem:$0x1F000] =	vst v63  }
0xba: {  	_ =	swait.ge [sflag:s12], $0x8000  }
0xbb: {  	[sflag:s12] =	ssyncset.done $0x0  }
0xbc: {  	[sflag:s12] =	ssyncadd.s32 $0xFFFF8000  }
0xbd: {  	_ =	swait.ge [sflag:s16], $0x8000  }
0xbe: {  	[sflag:s16] =	ssyncset.done $0x0  }
0xbf: {  	[sflag:s16] =	ssyncadd.s32 $0xFFFF8000  }
0xc0: {  	[spmem:s2] =	stream.indirect.scatter.add.f32 [tilespmem:s17], [sflag:$0x2], $0x20, s24, s15, $0xb8;
	[tilespmem:$0x1F000] =	vst v63  }
0xc1: {  	_ =	swait.ge [sflag:s12], $0x8000  }
0xc2: {  	[sflag:s12] =	ssyncset.done $0x0  }
0xc3: {  	[sflag:s12] =	ssyncadd.s32 $0xFFFF8000  }
0xc4: {  	s26 =	simm.s32 @p1 $0xA000;
	s28 =	simm.s32 @p1 $0x2;
	[bflag:$0x0] =	sbarrier.arrive $0xFFFF  }
0xc5: {  	[tilespmem:s26], [sflag:$0x2] =	stream.linear.gather @p1 [spmem:s8], $0x3200, $0x38;
	[tilespmem:$0x1F000] =	vst v63  }
0xc6: {  	_ =	swait.ge @p1 [sflag:s28], $0x3200  }
0xc7: {  	[sflag:s28] =	ssyncset.done @p1 $0x0  }
0xc8: {  	s29 =	simm.s32 @p1 $0x0;
	[sflag:s28] =	ssyncadd.s32 @p1 $0xFFFFCE00  }
0xc9: {  	[hbm4b:s10+s29] =	stream.linear.scatter @p1 [tilespmem:s26], [sflag:$0x2], $0x3200, $0x38;
	[tilespmem:$0x1F000] =	vst v63  }
0xca: {  	_ =	swait.ge @p1 [sflag:s28], $0x3200  }
0xcb: {  	[sflag:s28] =	ssyncset.done @p1 $0x0  }
0xcc: {  	s26 =	simm.s32 @!p1 $0xA000;
	[sflag:s28] =	ssyncadd.s32 @p1 $0xFFFFCE00;
	s28 =	simm.s32 @!p1 $0x2  }
0xcd: {  	[tilespmem:s26], [sflag:$0x2] =	stream.linear.gather @!p1 [spmem:s8], $0x5000, $0x38;
	[tilespmem:$0x1F000] =	vst v63  }
0xce: {  	s25 =	sadd.s32 $0x1, s25;
	_ =	swait.ge @!p1 [sflag:s28], $0x5000  }
0xcf: {  	p2 =	sne.s32 s25, s11;
	[sflag:s28] =	ssyncset.done @!p1 $0x0  }
.Ltmp1:
0xd0: {  	s29 =	simm.s32 @!p1 $0x0;
	[sflag:s28] =	ssyncadd.s32 @!p1 $0xFFFFB000;
	(pc) =	sbr.rel @!p2 .LBB2_7-.Ltmp1, $4  }
0xd1: {  	[hbm4b:s9+s29] =	stream.linear.scatter @!p1 [tilespmem:s26], [sflag:$0x2], $0x5000, $0x38;
	[tilespmem:$0x1F000] =	vst v63  }
0xd2: {  	_ =	swait.ge @!p1 [sflag:s28], $0x5000  }
0xd3: {  	[sflag:s28] =	ssyncset.done @!p1 $0x0  }
0xd4: {  	[sflag:s28] =	ssyncadd.s32 @!p1 $0xFFFFB000  }
.LBB2_1:
0xd5: {  	[tilespmem:s3], [sflag:$0x2] =	stream.linear.gather [hbm4b:s6+s3], $0x5000, $0x38;
	[tilespmem:$0x1F000] =	vst v63  }
0xd6: {  	_ =	swait.ge [sflag:s12], $0x5000  }
0xd7: {  	[sflag:s12] =	ssyncset.done $0x0  }
0xd8: {  	[sflag:s12] =	ssyncadd.s32 $0xFFFFB000  }
0xd9: {  	[tilespmem:s13], [sflag:$0x2] =	stream.linear.gather [hbm4b:s7+s3], $0x5000, $0x38;
	[tilespmem:$0x1F000] =	vst v63  }
0xda: {  	_ =	swait.ge [sflag:s12], $0x5000  }
0xdb: {  	[sflag:s12] =	ssyncset.done $0x0  }
0xdc: {  	s26 =	simm.s32 $0x80;
	s28 =	simm.s32 $0x0;
	[sflag:s12] =	ssyncadd.s32 $0xFFFFB000  }
.LBB2_2:
0xdd: {  	p2 =	sne.s32 s26, $0x13F80;
	[tilespmem:s28+$0xA000] =	vst v0;
	s29 =	smov.u32 s26;
	s26 =	sadd.s32 $0x80, s26  }
.Ltmp2:
0xde: {  	[tilespmem:s28+$0xA010] =	vst v0;
	(pc) =	sbr.rel @p2 .LBB2_2-.Ltmp2, $2  }
0xdf: {  	_ =	sdelay $0x2  }
0xe0: {  	s28 =	sshra.s32 s29, $0x2  }
0xe1: {  	[tilespmem:s28+$0xA000] =	vst v0  }
0xe2: {  	[tilespmem:s28+$0xA010] =	vst v0  }
0xe3: {  	[spmem:s8] =	stream.linear.scatter [tilespmem:s14], [sflag:$0x2], $0x5000, $0x38;
	[tilespmem:$0x1F000] =	vst v63  }
.Ltmp3:
0xe4: {  	_ =	swait.ge [sflag:s12], $0x5000;
	(pc) =	sbr.rel @p0 .LBB2_5-.Ltmp3, $3  }
0xe5: {  	[sflag:s12] =	ssyncset.done $0x0  }
0xe6: {  	[sflag:s12] =	ssyncadd.s32 $0xFFFFB000  }
0xe7: {  	[bflag:$0x0] =	sbarrier.arrive $0xFFFF;
	_ =	sdelay $0x1  }
0xe8: {  	[tilespmem:s14], [sflag:$0x1] =	stream.indirect.gather [hbm4b:s4+s15], $0x20, s3, s15, $0xb8;
	[tilespmem:$0x1F000] =	vst v63  }
0xe9: {  	_ =	swait.ge [sflag:s16], $0x8000  }
0xea: {  	[sflag:s16] =	ssyncset.done $0x0  }
0xeb: {  	[sflag:s16] =	ssyncadd.s32 $0xFFFF8000  }
0xec: {  	[tilespmem:s17], [sflag:$0x1] =	stream.indirect.gather [hbm4b:s4+s15], $0x20, s15, s15, $0xb8;
	[tilespmem:$0x1F000] =	vst v63  }
0xed: {  	_ = 	snop  }
0xee: {  	[spmem:s2] =	stream.indirect.scatter.add.f32 [tilespmem:s14], [sflag:$0x2], $0x20, s13, s15, $0xb8;
	[tilespmem:$0x1F000] =	vst v63  }
0xef: {  	_ =	swait.ge [sflag:s12], $0x8000  }
0xf0: {  	[sflag:s12] =	ssyncset.done $0x0  }
0xf1: {  	[sflag:s12] =	ssyncadd.s32 $0xFFFF8000  }
0xf2: {  	_ =	swait.ge [sflag:s16], $0x8000  }
0xf3: {  	[sflag:s16] =	ssyncset.done $0x0  }
0xf4: {  	s26 =	simm.s32 $0x800;
	[sflag:s16] =	ssyncadd.s32 $0xFFFF8000  }
0xf5: {  	[tilespmem:s14], [sflag:$0x1] =	stream.indirect.gather [hbm4b:s4+s15], $0x20, s26, s15, $0xb8;
	[tilespmem:$0x1F000] =	vst v63  }
0xf6: {  	s29 =	simm.s32 $0x5400  }
0xf7: {  	[spmem:s2] =	stream.indirect.scatter.add.f32 [tilespmem:s17], [sflag:$0x2], $0x20, s29, s15, $0xb8;
	[tilespmem:$0x1F000] =	vst v63  }
0xf8: {  	_ =	swait.ge [sflag:s12], $0x8000  }
0xf9: {  	[sflag:s12] =	ssyncset.done $0x0  }
0xfa: {  	[sflag:s12] =	ssyncadd.s32 $0xFFFF8000  }
0xfb: {  	_ =	swait.ge [sflag:s16], $0x8000  }
0xfc: {  	[sflag:s16] =	ssyncset.done $0x0  }
0xfd: {  	s28 =	simm.s32 $0xC00;
	[sflag:s16] =	ssyncadd.s32 $0xFFFF8000  }
0xfe: {  	[tilespmem:s17], [sflag:$0x1] =	stream.indirect.gather [hbm4b:s4+s15], $0x20, s28, s15, $0xb8;
	[tilespmem:$0x1F000] =	vst v63  }
0xff: {  	s29 =	simm.s32 $0x5800  }
0x100: {  	[spmem:s2] =	stream.indirect.scatter.add.f32 [tilespmem:s14], [sflag:$0x2], $0x20, s29, s15, $0xb8;
	[tilespmem:$0x1F000] =	vst v63  }
0x101: {  	_ =	swait.ge [sflag:s12], $0x8000  }
0x102: {  	[sflag:s12] =	ssyncset.done $0x0  }
0x103: {  	[sflag:s12] =	ssyncadd.s32 $0xFFFF8000  }
0x104: {  	_ =	swait.ge [sflag:s16], $0x8000  }
0x105: {  	[sflag:s16] =	ssyncset.done $0x0  }
0x106: {  	s28 =	simm.s32 $0x1000;
	[sflag:s16] =	ssyncadd.s32 $0xFFFF8000  }
0x107: {  	[tilespmem:s14], [sflag:$0x1] =	stream.indirect.gather [hbm4b:s4+s15], $0x20, s28, s15, $0xb8;
	[tilespmem:$0x1F000] =	vst v63  }
0x108: {  	s29 =	simm.s32 $0x5C00  }
0x109: {  	[spmem:s2] =	stream.indirect.scatter.add.f32 [tilespmem:s17], [sflag:$0x2], $0x20, s29, s15, $0xb8;
	[tilespmem:$0x1F000] =	vst v63  }
0x10a: {  	_ =	swait.ge [sflag:s12], $0x8000  }
0x10b: {  	[sflag:s12] =	ssyncset.done $0x0  }
0x10c: {  	[sflag:s12] =	ssyncadd.s32 $0xFFFF8000  }
0x10d: {  	_ =	swait.ge [sflag:s16], $0x8000  }
0x10e: {  	[sflag:s16] =	ssyncset.done $0x0  }
0x10f: {  	s28 =	simm.s32 $0x1400;
	[sflag:s16] =	ssyncadd.s32 $0xFFFF8000  }
0x110: {  	[tilespmem:s17], [sflag:$0x1] =	stream.indirect.gather [hbm4b:s4+s15], $0x20, s28, s15, $0xb8;
	[tilespmem:$0x1F000] =	vst v63  }
0x111: {  	s29 =	simm.s32 $0x6000  }
0x112: {  	[spmem:s2] =	stream.indirect.scatter.add.f32 [tilespmem:s14], [sflag:$0x2], $0x20, s29, s15, $0xb8;
	[tilespmem:$0x1F000] =	vst v63  }
0x113: {  	_ =	swait.ge [sflag:s12], $0x8000  }
0x114: {  	[sflag:s12] =	ssyncset.done $0x0  }
0x115: {  	[sflag:s12] =	ssyncadd.s32 $0xFFFF8000  }
0x116: {  	_ =	swait.ge [sflag:s16], $0x8000  }
0x117: {  	[sflag:s16] =	ssyncset.done $0x0  }
0x118: {  	s28 =	simm.s32 $0x1800;
	[sflag:s16] =	ssyncadd.s32 $0xFFFF8000  }
0x119: {  	[tilespmem:s14], [sflag:$0x1] =	stream.indirect.gather [hbm4b:s4+s15], $0x20, s28, s15, $0xb8;
	[tilespmem:$0x1F000] =	vst v63  }
0x11a: {  	s29 =	simm.s32 $0x6400  }
0x11b: {  	[spmem:s2] =	stream.indirect.scatter.add.f32 [tilespmem:s17], [sflag:$0x2], $0x20, s29, s15, $0xb8;
	[tilespmem:$0x1F000] =	vst v63  }
0x11c: {  	_ =	swait.ge [sflag:s12], $0x8000  }
0x11d: {  	[sflag:s12] =	ssyncset.done $0x0  }
0x11e: {  	[sflag:s12] =	ssyncadd.s32 $0xFFFF8000  }
0x11f: {  	_ =	swait.ge [sflag:s16], $0x8000  }
0x120: {  	[sflag:s16] =	ssyncset.done $0x0  }
0x121: {  	s28 =	simm.s32 $0x1C00;
	[sflag:s16] =	ssyncadd.s32 $0xFFFF8000  }
0x122: {  	[tilespmem:s17], [sflag:$0x1] =	stream.indirect.gather [hbm4b:s4+s15], $0x20, s28, s15, $0xb8;
	[tilespmem:$0x1F000] =	vst v63  }
0x123: {  	s29 =	simm.s32 $0x6800  }
0x124: {  	[spmem:s2] =	stream.indirect.scatter.add.f32 [tilespmem:s14], [sflag:$0x2], $0x20, s29, s15, $0xb8;
	[tilespmem:$0x1F000] =	vst v63  }
0x125: {  	_ =	swait.ge [sflag:s12], $0x8000  }
0x126: {  	[sflag:s12] =	ssyncset.done $0x0  }
0x127: {  	[sflag:s12] =	ssyncadd.s32 $0xFFFF8000  }
0x128: {  	_ =	swait.ge [sflag:s16], $0x8000  }
0x129: {  	[sflag:s16] =	ssyncset.done $0x0  }
0x12a: {  	s28 =	simm.s32 $0x2000;
	[sflag:s16] =	ssyncadd.s32 $0xFFFF8000  }
0x12b: {  	[tilespmem:s14], [sflag:$0x1] =	stream.indirect.gather [hbm4b:s4+s15], $0x20, s28, s15, $0xb8;
	[tilespmem:$0x1F000] =	vst v63  }
0x12c: {  	s29 =	simm.s32 $0x6C00  }
0x12d: {  	[spmem:s2] =	stream.indirect.scatter.add.f32 [tilespmem:s17], [sflag:$0x2], $0x20, s29, s15, $0xb8;
	[tilespmem:$0x1F000] =	vst v63  }
0x12e: {  	_ =	swait.ge [sflag:s12], $0x8000  }
0x12f: {  	[sflag:s12] =	ssyncset.done $0x0  }
0x130: {  	[sflag:s12] =	ssyncadd.s32 $0xFFFF8000  }
0x131: {  	_ =	swait.ge [sflag:s16], $0x8000  }
0x132: {  	[sflag:s16] =	ssyncset.done $0x0  }
0x133: {  	s28 =	simm.s32 $0x2400;
	[sflag:s16] =	ssyncadd.s32 $0xFFFF8000  }
0x134: {  	[tilespmem:s17], [sflag:$0x1] =	stream.indirect.gather [hbm4b:s4+s15], $0x20, s28, s15, $0xb8;
	[tilespmem:$0x1F000] =	vst v63  }
0x135: {  	s29 =	simm.s32 $0x7000  }
0x136: {  	[spmem:s2] =	stream.indirect.scatter.add.f32 [tilespmem:s14], [sflag:$0x2], $0x20, s29, s15, $0xb8;
	[tilespmem:$0x1F000] =	vst v63  }
0x137: {  	_ =	swait.ge [sflag:s12], $0x8000  }
0x138: {  	[sflag:s12] =	ssyncset.done $0x0  }
0x139: {  	[sflag:s12] =	ssyncadd.s32 $0xFFFF8000  }
0x13a: {  	_ =	swait.ge [sflag:s16], $0x8000  }
0x13b: {  	[sflag:s16] =	ssyncset.done $0x0  }
0x13c: {  	s28 =	simm.s32 $0x2800;
	[sflag:s16] =	ssyncadd.s32 $0xFFFF8000  }
0x13d: {  	[tilespmem:s14], [sflag:$0x1] =	stream.indirect.gather [hbm4b:s4+s15], $0x20, s28, s15, $0xb8;
	[tilespmem:$0x1F000] =	vst v63  }
0x13e: {  	s29 =	simm.s32 $0x7400  }
0x13f: {  	[spmem:s2] =	stream.indirect.scatter.add.f32 [tilespmem:s17], [sflag:$0x2], $0x20, s29, s15, $0xb8;
	[tilespmem:$0x1F000] =	vst v63  }
0x140: {  	_ =	swait.ge [sflag:s12], $0x8000  }
0x141: {  	[sflag:s12] =	ssyncset.done $0x0  }
0x142: {  	[sflag:s12] =	ssyncadd.s32 $0xFFFF8000  }
0x143: {  	_ =	swait.ge [sflag:s16], $0x8000  }
0x144: {  	[sflag:s16] =	ssyncset.done $0x0  }
0x145: {  	s28 =	simm.s32 $0x2C00;
	[sflag:s16] =	ssyncadd.s32 $0xFFFF8000  }
0x146: {  	[tilespmem:s17], [sflag:$0x1] =	stream.indirect.gather [hbm4b:s4+s15], $0x20, s28, s15, $0xb8;
	[tilespmem:$0x1F000] =	vst v63  }
0x147: {  	s29 =	simm.s32 $0x7800  }
0x148: {  	[spmem:s2] =	stream.indirect.scatter.add.f32 [tilespmem:s14], [sflag:$0x2], $0x20, s29, s15, $0xb8;
	[tilespmem:$0x1F000] =	vst v63  }
0x149: {  	_ =	swait.ge [sflag:s12], $0x8000  }
0x14a: {  	[sflag:s12] =	ssyncset.done $0x0  }
0x14b: {  	[sflag:s12] =	ssyncadd.s32 $0xFFFF8000  }
0x14c: {  	_ =	swait.ge [sflag:s16], $0x8000  }
0x14d: {  	[sflag:s16] =	ssyncset.done $0x0  }
0x14e: {  	s28 =	simm.s32 $0x3000;
	[sflag:s16] =	ssyncadd.s32 $0xFFFF8000  }
0x14f: {  	[tilespmem:s14], [sflag:$0x1] =	stream.indirect.gather [hbm4b:s4+s15], $0x20, s28, s15, $0xb8;
	[tilespmem:$0x1F000] =	vst v63  }
0x150: {  	s29 =	simm.s32 $0x7C00  }
0x151: {  	[spmem:s2] =	stream.indirect.scatter.add.f32 [tilespmem:s17], [sflag:$0x2], $0x20, s29, s15, $0xb8;
	[tilespmem:$0x1F000] =	vst v63  }
0x152: {  	_ =	swait.ge [sflag:s12], $0x8000  }
0x153: {  	[sflag:s12] =	ssyncset.done $0x0  }
0x154: {  	[sflag:s12] =	ssyncadd.s32 $0xFFFF8000  }
0x155: {  	_ =	swait.ge [sflag:s16], $0x8000  }
0x156: {  	[sflag:s16] =	ssyncset.done $0x0  }
0x157: {  	s28 =	simm.s32 $0x3400;
	[sflag:s16] =	ssyncadd.s32 $0xFFFF8000  }
0x158: {  	[tilespmem:s17], [sflag:$0x1] =	stream.indirect.gather [hbm4b:s4+s15], $0x20, s28, s15, $0xb8;
	[tilespmem:$0x1F000] =	vst v63  }
0x159: {  	s29 =	simm.s32 $0x8000  }
0x15a: {  	[spmem:s2] =	stream.indirect.scatter.add.f32 [tilespmem:s14], [sflag:$0x2], $0x20, s29, s15, $0xb8;
	[tilespmem:$0x1F000] =	vst v63  }
0x15b: {  	_ =	swait.ge [sflag:s12], $0x8000  }
0x15c: {  	[sflag:s12] =	ssyncset.done $0x0  }
0x15d: {  	[sflag:s12] =	ssyncadd.s32 $0xFFFF8000  }
0x15e: {  	_ =	swait.ge [sflag:s16], $0x8000  }
0x15f: {  	[sflag:s16] =	ssyncset.done $0x0  }
0x160: {  	s28 =	simm.s32 $0x3800;
	[sflag:s16] =	ssyncadd.s32 $0xFFFF8000  }
0x161: {  	[tilespmem:s14], [sflag:$0x1] =	stream.indirect.gather [hbm4b:s4+s15], $0x20, s28, s15, $0xb8;
	[tilespmem:$0x1F000] =	vst v63  }
0x162: {  	s29 =	simm.s32 $0x8400  }
0x163: {  	[spmem:s2] =	stream.indirect.scatter.add.f32 [tilespmem:s17], [sflag:$0x2], $0x20, s29, s15, $0xb8;
	[tilespmem:$0x1F000] =	vst v63  }
0x164: {  	_ =	swait.ge [sflag:s12], $0x8000  }
0x165: {  	[sflag:s12] =	ssyncset.done $0x0  }
0x166: {  	[sflag:s12] =	ssyncadd.s32 $0xFFFF8000  }
0x167: {  	_ =	swait.ge [sflag:s16], $0x8000  }
0x168: {  	[sflag:s16] =	ssyncset.done $0x0  }
0x169: {  	[sflag:s16] =	ssyncadd.s32 $0xFFFF8000  }
0x16a: {  	[tilespmem:s17], [sflag:$0x1] =	stream.indirect.gather [hbm4b:s4+s15], $0x20, s30, s15, $0xb8;
	[tilespmem:$0x1F000] =	vst v63  }
0x16b: {  	_ = 	snop  }
0x16c: {  	[spmem:s2] =	stream.indirect.scatter.add.f32 [tilespmem:s14], [sflag:$0x2], $0x20, s31, s15, $0xb8;
	[tilespmem:$0x1F000] =	vst v63  }
0x16d: {  	_ =	swait.ge [sflag:s12], $0x8000  }
0x16e: {  	[sflag:s12] =	ssyncset.done $0x0  }
0x16f: {  	[sflag:s12] =	ssyncadd.s32 $0xFFFF8000  }
0x170: {  	_ =	swait.ge [sflag:s16], $0x8000  }
0x171: {  	[sflag:s16] =	ssyncset.done $0x0  }
0x172: {  	[sflag:s16] =	ssyncadd.s32 $0xFFFF8000  }
0x173: {  	[tilespmem:s14], [sflag:$0x1] =	stream.indirect.gather [hbm4b:s4+s15], $0x20, s0, s15, $0xb8;
	[tilespmem:$0x1F000] =	vst v63  }
0x174: {  	_ = 	snop  }
0x175: {  	[spmem:s2] =	stream.indirect.scatter.add.f32 [tilespmem:s17], [sflag:$0x2], $0x20, s1, s15, $0xb8;
	[tilespmem:$0x1F000] =	vst v63  }
0x176: {  	_ =	swait.ge [sflag:s12], $0x8000  }
0x177: {  	[sflag:s12] =	ssyncset.done $0x0  }
0x178: {  	[sflag:s12] =	ssyncadd.s32 $0xFFFF8000  }
0x179: {  	_ =	swait.ge [sflag:s16], $0x8000  }
0x17a: {  	[sflag:s16] =	ssyncset.done $0x0  }
0x17b: {  	[sflag:s16] =	ssyncadd.s32 $0xFFFF8000  }
0x17c: {  	[tilespmem:s17], [sflag:$0x1] =	stream.indirect.gather [hbm4b:s4+s15], $0x20, s18, s15, $0xb8;
	[tilespmem:$0x1F000] =	vst v63  }
0x17d: {  	_ = 	snop  }
0x17e: {  	[spmem:s2] =	stream.indirect.scatter.add.f32 [tilespmem:s14], [sflag:$0x2], $0x20, s19, s15, $0xb8;
	[tilespmem:$0x1F000] =	vst v63  }
0x17f: {  	_ =	swait.ge [sflag:s12], $0x8000  }
0x180: {  	[sflag:s12] =	ssyncset.done $0x0  }
0x181: {  	[sflag:s12] =	ssyncadd.s32 $0xFFFF8000  }
0x182: {  	_ =	swait.ge [sflag:s16], $0x8000  }
0x183: {  	[sflag:s16] =	ssyncset.done $0x0  }
0x184: {  	[sflag:s16] =	ssyncadd.s32 $0xFFFF8000  }
0x185: {  	[tilespmem:s14], [sflag:$0x1] =	stream.indirect.gather [hbm4b:s4+s15], $0x20, s20, s15, $0xb8;
	[tilespmem:$0x1F000] =	vst v63  }
0x186: {  	_ = 	snop  }
0x187: {  	[spmem:s2] =	stream.indirect.scatter.add.f32 [tilespmem:s17], [sflag:$0x2], $0x20, s21, s15, $0xb8;
	[tilespmem:$0x1F000] =	vst v63  }
0x188: {  	_ =	swait.ge [sflag:s12], $0x8000  }
0x189: {  	[sflag:s12] =	ssyncset.done $0x0  }
.Ltmp4:
0x18a: {  	[sflag:s12] =	ssyncadd.s32 $0xFFFF8000;
	(pc) =	sbr.rel .LBB2_6-.Ltmp4, $4  }
0x18b: {  	_ =	swait.ge [sflag:s16], $0x8000  }
0x18c: {  	[sflag:s16] =	ssyncset.done $0x0  }
0x18d: {  	[sflag:s16] =	ssyncadd.s32 $0xFFFF8000  }
0x18e: {  	[tilespmem:s17], [sflag:$0x1] =	stream.indirect.gather [hbm4b:s4+s15], $0x20, s22, s15, $0xb8;
	[tilespmem:$0x1F000] =	vst v63  }
.LBB2_7:
0x18f: {  	_ =	sfence.sel $0x180000  }
0x190: {  	[bflag:$0x0] =	sbarrier.arrive $0xFFFF  }
0x191: {  	_ =	strace $0x90000053  }
0x192: {  	s0 =	stileid.u32;
	[bflag:$0x2] =	sbarrier.arrive $0xFFFF  }
0x193: {  	p0 =	sne.s32 s0, $0x0;
	s0 =	rddreg [dreg:$0x2]  }
0x194: {  	s0 =	sadd.s32 @!p0 $0x100000, s0  }
0x195: {  	[sflag:s0] =	ssyncadd.tile.s32 @!p0 $0x1;
	_ =	shalt  }
.Lfunc_end2:
_tile_overlayer_lowered:
.L_overlay_start_2:
0x196: {  	(tag) =	ssettag $0x2  }
0x197: {  	s0 =	rddreg [dreg:$0x0];
	s2 =	stileid.u32  }
0x198: {  	s1 =	rddreg [dreg:$0x1];
	p0 =	sne.s32 s2, $0x0  }
0x199: {  	s3 =	rddreg [dreg:$0x2];
	[bflag:$0x3] =	sbarrier.arrive $0xFFFF;
	s2 =	simm.s32 @!p0 $0x1C02  }
0x19a: {  	[timem:s3], [sflag:s2] =	dma.local @!p0 [hbm:s0], s1  }
0x19b: {  	s0 =	simm.s32 @!p0 $0x2  }
0x19c: {  	_ =	swait.ge @!p0 [sflag:s0], s1  }
0x19d: {  	s1 =	ssub.s32 @!p0 $0x0, s1;
	[sflag:s0] =	ssyncset.done @!p0 $0x0  }
0x19e: {  	[sflag:s0] =	ssyncadd.s32 @!p0 s1  }
0x19f: {  	[bflag:$0x3] =	sbarrier.arrive $0xFFFF  }
0x1a0: {  	_ =	shalt  }

</sc_bundles>
